<compile_context>
chip_gen: v7x
topology: tpu7x:2x2x1
jax: 0.10.2.dev20260603
libtpu: 0.0.44.dev20260713+nightly
codegen_flags: <defaults>
</compile_context>

<pallas_src>
import functools

import jax
import jax.numpy as jnp
from jax import lax
from jax.experimental import pallas as pl
from jax.experimental.pallas import tpu as pltpu
from jax.experimental.pallas import tpu_sc as plsc

N = 10000
E = 320000
F_IN = 128
HID = 64
NCLS = 16

NC = 2
NS = 16
NW = NC * NS
EPW = E // NW
CHUNK = 80
NCH = EPW // CHUNK
RPT = N // NS


NBUF = 8
GLA = 3


SRING = 5
SLA = 4


def _prop_body(F, spmem_feat, stream_src, nbuf, gla, src_hbm, dst_hbm, ea_hbm, feat_hbm,
               zero_hbm, out_hbm, src_v, dst_all, ea_all, ring, acc, *rest):
    if spmem_feat:
        feat_s = rest[0]
        rest = rest[1:]
    else:
        feat_s = feat_hbm
    if stream_src:
        sem_g, sem_s, sem_i = rest
    else:
        sem_g, sem_s = rest
    cid = lax.axis_index("c")
    sid = lax.axis_index("s")
    wid = sid * NC + cid

    pltpu.sync_copy(zero_hbm.at[pl.ds(sid * RPT, RPT)],
                    acc.at[pl.ds(sid * RPT, RPT)])
    if spmem_feat:
        pltpu.sync_copy(feat_hbm.at[pl.ds(sid * RPT, RPT)],
                        feat_s.at[pl.ds(sid * RPT, RPT)])
    if not stream_src:
        pltpu.sync_copy(src_hbm.at[pl.ds(wid * NCH, NCH)], src_v)
    pltpu.sync_copy(dst_hbm.at[wid], dst_all)
    pltpu.sync_copy(ea_hbm.at[wid], ea_all)
    plsc.subcore_barrier()

    def src_slot(j):
        return src_v.at[j % SRING] if stream_src else src_v.at[j]

    def load_src(j):
        pltpu.async_copy(src_hbm.at[wid * NCH + j], src_v.at[j % SRING],
                         sem_i.at[j % SRING])

    def wait_src(j):
        pltpu.make_async_copy(src_hbm.at[wid * NCH + j], src_v.at[j % SRING],
                              sem_i.at[j % SRING]).wait()

    def gather(j):
        b = j % nbuf
        pltpu.async_copy(feat_s.at[src_slot(j)], ring.at[b], sem_g.at[b])

    def wait_gather(j):
        b = j % nbuf
        pltpu.make_async_copy(feat_s.at[src_slot(j)], ring.at[b],
                              sem_g.at[b]).wait()

    def scatter(j):
        b = j % nbuf
        pltpu.async_copy(ring.at[b], acc.at[dst_all.at[j]], sem_s.at[b],
                         add=True)

    def wait_scatter(j):
        b = j % nbuf
        pltpu.make_async_copy(ring.at[b], acc.at[dst_all.at[j]],
                              sem_s.at[b]).wait()

    if stream_src:
        for j in range(SLA):
            load_src(j)
    for j in range(gla):
        if stream_src:
            wait_src(j)
        gather(j)

    def chunk_body(j, carry):
        @pl.when(j >= nbuf - gla)
        def _():
            wait_scatter(j - (nbuf - gla))

        @pl.when(j + gla < NCH)
        def _():
            if stream_src:
                wait_src(j + gla)
            gather(j + gla)

        if stream_src:
            @pl.when(j + SLA < NCH)
            def _():
                load_src(j + SLA)

        wait_gather(j)
        b = j % nbuf

        def group_body(g, c2):
            eav = ea_all[j, pl.ds(g * 16, 16)]
            for e16 in range(16):
                sv = jnp.full((16,), eav[e16], jnp.float32)
                e = g * 16 + e16
                for fb in range(F // 16):
                    sl = pl.ds(fb * 16, 16)
                    ring[b, e, sl] = ring[b, e, sl] * sv
            return c2

        lax.fori_loop(0, CHUNK // 16, group_body, 0)
        scatter(j)
        return carry

    lax.fori_loop(0, NCH, chunk_body, 0)

    def drain_body(j, carry):
        wait_scatter(j)
        return carry

    lax.fori_loop(NCH - (nbuf - gla), NCH, drain_body, 0)
    plsc.subcore_barrier()
    pltpu.sync_copy(acc.at[pl.ds(sid * RPT, RPT)],
                    out_hbm.at[cid, pl.ds(sid * RPT, RPT)])


def _make_prop(F, spmem_feat=False, stream_src=False, nbuf=NBUF, gla=GLA):
    mesh = plsc.VectorSubcoreMesh(core_axis_name="c", subcore_axis_name="s")
    scratch = [
        pltpu.VMEM((SRING, CHUNK) if stream_src else (NCH, CHUNK),
                   jnp.int32),
        pltpu.VMEM((NCH, CHUNK), jnp.int32),
        pltpu.VMEM((NCH, CHUNK), jnp.float32),
        pltpu.VMEM((nbuf, CHUNK, F), jnp.float32),
        pltpu.VMEM_SHARED((N, F), jnp.float32),
    ]
    if spmem_feat:
        scratch.append(pltpu.VMEM_SHARED((N, F), jnp.float32))
    scratch += [pltpu.SemaphoreType.DMA((nbuf,)),
                pltpu.SemaphoreType.DMA((nbuf,))]
    if stream_src:
        scratch.append(pltpu.SemaphoreType.DMA((SRING,)))
    return functools.partial(
        pl.kernel,
        out_type=jax.ShapeDtypeStruct((NC, N, F), jnp.float32),
        mesh=mesh,
        scratch_types=scratch,
        compiler_params=pltpu.CompilerParams(use_tc_tiling_on_sc=False),
    )(functools.partial(_prop_body, F, spmem_feat, stream_src, nbuf, gla))


def _deg_body(dst_hbm, ea_hbm, zero_hbm, out_hbm, dst_all, ea_all, rows_v,
              acc, sem):
    cid = lax.axis_index("c")
    sid = lax.axis_index("s")
    wid = sid * NC + cid

    pltpu.sync_copy(zero_hbm.at[pl.ds(sid * RPT, RPT)],
                    acc.at[pl.ds(sid * RPT, RPT)])
    pltpu.sync_copy(dst_hbm.at[wid], dst_all)
    pltpu.sync_copy(ea_hbm.at[wid], ea_all)
    plsc.subcore_barrier()

    def scatter(j):
        b = j % NBUF
        pltpu.async_copy(rows_v.at[b], acc.at[dst_all.at[j]], sem.at[b],
                         add=True)

    def wait_scatter(j):
        b = j % NBUF
        pltpu.make_async_copy(rows_v.at[b], acc.at[dst_all.at[j]],
                              sem.at[b]).wait()

    def chunk_body(j, carry):
        @pl.when(j >= NBUF)
        def _():
            wait_scatter(j - NBUF)

        b = j % NBUF

        def group_body(g, c2):
            eav = ea_all[j, pl.ds(g * 16, 16)]
            for e16 in range(16):
                rows_v[b, g * 16 + e16, :] = jnp.full((16,), eav[e16],
                                                      jnp.float32)
            return c2

        lax.fori_loop(0, CHUNK // 16, group_body, 0)
        scatter(j)
        return carry

    lax.fori_loop(0, NCH, chunk_body, 0)

    def drain_body(j, carry):
        wait_scatter(j)
        return carry

    lax.fori_loop(NCH - NBUF, NCH, drain_body, 0)
    plsc.subcore_barrier()

    pltpu.sync_copy(acc.at[pl.ds(sid * RPT, RPT)],
                    out_hbm.at[cid, pl.ds(sid * RPT, RPT)])


_deg_kernel = functools.partial(
    pl.kernel,
    out_type=jax.ShapeDtypeStruct((NC, N, 16), jnp.float32),
    mesh=plsc.VectorSubcoreMesh(core_axis_name="c", subcore_axis_name="s"),
    scratch_types=[
        pltpu.VMEM((NCH, CHUNK), jnp.int32),
        pltpu.VMEM((NCH, CHUNK), jnp.float32),
        pltpu.VMEM((NBUF, CHUNK, 16), jnp.float32),
        pltpu.VMEM_SHARED((N, 16), jnp.float32),
        pltpu.SemaphoreType.DMA((NBUF,)),
    ],
    compiler_params=pltpu.CompilerParams(use_tc_tiling_on_sc=False),
)(_deg_body)


def _tc0_body(x_ref, w1_ref, r1_ref, xw_ref, root1_ref):
    xw_ref[...] = jnp.dot(x_ref[...], w1_ref[...],
                          preferred_element_type=jnp.float32)
    root1_ref[...] = jnp.dot(x_ref[...], r1_ref[...],
                             preferred_element_type=jnp.float32)


def _tc1_body(degp_ref, xw_ref, dis_ref, feat1_ref):
    deg = (degp_ref[0] + degp_ref[1])[:, 0:1]
    dis = jnp.where(deg > 0, lax.rsqrt(jnp.maximum(deg, 1e-12)), 0.0)
    dis_ref[...] = dis
    feat1_ref[...] = xw_ref[...] * dis


def _tc2_body(t1p_ref, dis_ref, root1_ref, b1_ref, w2_ref, r2_ref,
              feat2_ref, root2_ref):
    dis = dis_ref[...]
    agg = (t1p_ref[0] + t1p_ref[1]) * dis
    h = jax.nn.relu(agg + root1_ref[...] + b1_ref[...])
    feat2_ref[...] = jnp.dot(h, w2_ref[...],
                             preferred_element_type=jnp.float32) * dis
    root2_ref[...] = jnp.dot(h, r2_ref[...],
                             preferred_element_type=jnp.float32)


def _tc3_body(t2p_ref, dis_ref, root2_ref, b2_ref, out_ref):
    agg = (t2p_ref[0] + t2p_ref[1]) * dis_ref[...]
    o = jax.nn.relu(agg + root2_ref[...] + b2_ref[...])
    m = jnp.max(o, axis=1, keepdims=True)
    z = o - m
    out_ref[...] = z - jnp.log(jnp.sum(jnp.exp(z), axis=1, keepdims=True))


def kernel(x, edge_index, edge_attr, init_w1, root_w1, bias1,
           init_w2, root_w2, bias2):
    src2 = edge_index[0].reshape(NW * NCH, CHUNK)
    dst = edge_index[1].reshape(NW, NCH, CHUNK)
    ea = edge_attr.reshape(NW, NCH, CHUNK)
    w1, r1, b1 = init_w1[0], root_w1[0], bias1[0].reshape(1, HID)
    w2, r2, b2 = init_w2[0], root_w2[0], bias2[0].reshape(1, NCLS)
    zeros64 = jnp.zeros((N, HID), jnp.float32)
    zeros16 = jnp.zeros((N, NCLS), jnp.float32)

    degp = _deg_kernel(dst, ea, zeros16)

    xw, root1 = pl.pallas_call(
        _tc0_body,
        out_shape=(jax.ShapeDtypeStruct((N, HID), jnp.float32),
                   jax.ShapeDtypeStruct((N, HID), jnp.float32)),
    )(x, w1, r1)

    dis, feat1 = pl.pallas_call(
        _tc1_body,
        out_shape=(jax.ShapeDtypeStruct((N, 1), jnp.float32),
                   jax.ShapeDtypeStruct((N, HID), jnp.float32)),
    )(degp, xw)

    t1p = _make_prop(HID)(src2, dst, ea, feat1, zeros64)

    feat2, root2 = pl.pallas_call(
        _tc2_body,
        out_shape=(jax.ShapeDtypeStruct((N, NCLS), jnp.float32),
                   jax.ShapeDtypeStruct((N, NCLS), jnp.float32)),
    )(t1p, dis, root1, b1, w2, r2)

    t2p = _make_prop(NCLS, spmem_feat=True)(src2, dst, ea, feat2, zeros16)

    out = pl.pallas_call(
        _tc3_body,
        out_shape=jax.ShapeDtypeStruct((N, NCLS), jnp.float32),
    )(t2p, dis, root2, b2)
    return out

# --- scband reference (transcript-rebuilt; emitter-appended) ---
"""Pipeline reference for scband-arma-27419071218302 (READ-ONLY COPY).

The authoritative reference and input builder live on the scoring server;
editing this copy changes nothing except your own understanding.
"""

import jax, jax.numpy as jnp
import numpy as np

N = 10000
E = 320000
F_IN = 128
HID = 64
NCLS = 16
K = 1  # stacks


def setup_inputs(seed: int = 0) -> dict:
    key = jax.random.key(seed)
    ks = jax.random.split(key, 9)
    x = jax.random.normal(ks[0], (N, F_IN), dtype=jnp.float32)
    edge_index = jax.random.randint(ks[1], (2, E), 0, N, dtype=jnp.int32)
    edge_attr = jax.random.uniform(ks[2], (E,), dtype=jnp.float32)
    # ARMAConv params, layer 1: 128 -> 64, K=1, T=1, shared_weights=False
    init_w1 = jax.random.normal(ks[3], (K, F_IN, HID), dtype=jnp.float32) * 0.05
    root_w1 = jax.random.normal(ks[4], (K, F_IN, HID), dtype=jnp.float32) * 0.05
    bias1 = jnp.zeros((K, HID), dtype=jnp.float32)
    # ARMAConv params, layer 2: 64 -> 16
    init_w2 = jax.random.normal(ks[5], (K, HID, NCLS), dtype=jnp.float32) * 0.05
    root_w2 = jax.random.normal(ks[6], (K, HID, NCLS), dtype=jnp.float32) * 0.05
    bias2 = jnp.zeros((K, NCLS), dtype=jnp.float32)
    return {"x": x, "edge_index": edge_index, "edge_attr": edge_attr,
            "init_w1": init_w1, "root_w1": root_w1, "bias1": bias1,
            "init_w2": init_w2, "root_w2": root_w2, "bias2": bias2}


def gcn_norm(edge_index, edge_weight, num_nodes):
    # PyG gcn_norm with add_self_loops=False
    row, col = edge_index[0], edge_index[1]
    deg = jnp.zeros((num_nodes,), dtype=edge_weight.dtype).at[col].add(edge_weight)
    deg_inv_sqrt = jnp.where(deg > 0, jax.lax.rsqrt(jnp.maximum(deg, 1e-12)), 0.0)
    return deg_inv_sqrt[row] * edge_weight * deg_inv_sqrt[col]


def arma_conv(x, edge_index, norm, init_w, root_w, bias):
    # ARMAConv with num_layers=1: out = act( A_hat @ (x @ W_init) + x @ W_root + b ).mean(stacks)
    out = jnp.einsum('nf,kfo->kno', x, init_w)  # [K, N, F_out]
    row, col = edge_index[0], edge_index[1]
    msg = jnp.take(out, row, axis=1) * norm[None, :, None]
    agg = jnp.zeros_like(out).at[:, col, :].add(msg)
    root = jnp.einsum('nf,kfo->kno', x, root_w)
    out = agg + root + bias[:, None, :]
    out = jax.nn.relu(out)  # ARMAConv default act
    return out.mean(axis=0)


def reference(x, edge_index, edge_attr, init_w1, root_w1, bias1, init_w2, root_w2, bias2):
    norm = gcn_norm(edge_index, edge_attr, x.shape[0])
    h = arma_conv(x, edge_index, norm, init_w1, root_w1, bias1)
    h = jax.nn.relu(h)  # model act_fn; dropout p=0.0 is identity
    h = arma_conv(h, edge_index, norm, init_w2, root_w2, bias2)
    return jax.nn.log_softmax(h, axis=1)

if __name__ == "__main__":
    import jax
    _d = setup_inputs()
    print(jax.jit(kernel)(*tuple(_d.values())))

</pallas_src>

<mosaic_0001>
#map = affine_map<(d0, d1) -> (0, 0)>
#map1 = affine_map<(d0, d1) -> (0, 0, 0)>
module attributes {stable_mosaic.version = 14 : i64} {
  func.func @_prop_body(%arg0: i32, %arg1: i32, %arg2: memref<4000x80xi32, #tpu.memory_space<hbm>>, %arg3: memref<32x125x80xi32, #tpu.memory_space<hbm>>, %arg4: memref<32x125x80xf32, #tpu.memory_space<hbm>>, %arg5: memref<10000x64xf32, #tpu.memory_space<hbm>>, %arg6: memref<10000x64xf32, #tpu.memory_space<hbm>>, %arg7: memref<2x10000x64xf32, #tpu.memory_space<hbm>>, %arg8: memref<125x80xi32, #tpu.memory_space<vmem>>, %arg9: memref<125x80xi32, #tpu.memory_space<vmem>>, %arg10: memref<125x80xf32, #tpu.memory_space<vmem>>, %arg11: memref<8x80x64xf32, #tpu.memory_space<vmem>>, %arg12: memref<10000x64xf32, #tpu.memory_space<vmem_shared>>, %arg13: memref<8x!tpu.dma_semaphore, #tpu.memory_space<semaphore_mem>>, %arg14: memref<8x!tpu.dma_semaphore, #tpu.memory_space<semaphore_mem>>) attributes {dimension_semantics = [#tpu.dimension_semantics<core_parallel>, #tpu.dimension_semantics<subcore_parallel>], iteration_bounds = array<i64: 2, 16>, scalar_prefetch = 0 : i64, scratch_operands = 7 : i64, tpu.core_type = #tpu.core_type<sc_vector_subcore>, window_params = [{transform_indices = #map}, {transform_indices = #map1}, {transform_indices = #map1}, {transform_indices = #map}, {transform_indices = #map}, {transform_indices = #map1}]} {
    %mul3A = arith.constant 2 : i32
    %mul3A_0 = arith.muli %arg1, %mul3A : i32
    %add3A = arith.addi %mul3A_0, %arg0 : i32
    %mul3A_1 = arith.constant 625 : i32
    %mul3A_2 = arith.muli %arg1, %mul3A_1 : i32
    %mul3A_3 = arith.constant 625 : i32
    %mul3A_4 = arith.muli %arg1, %mul3A_3 : i32
    "tpu.region"() ({
      %run_scoped3A = tpu.sem_alloc : memref<!tpu.dma_semaphore, #tpu.memory_space<semaphore_mem>>
      %dma_start3A_67 = arith.constant 0 : i32
      %dma_start3A_68 = tpu.memref_slice %arg12[%mul3A_4, %dma_start3A_67] : memref<10000x64xf32, #tpu.memory_space<vmem_shared>> -> memref<625x64xf32, #tpu.memory_space<vmem_shared>>
      %dma_start3A_69 = arith.constant 0 : i32
      %dma_start3A_70 = tpu.memref_slice %arg6[%mul3A_2, %dma_start3A_69] : memref<10000x64xf32, #tpu.memory_space<hbm>> -> memref<625x64xf32, #tpu.memory_space<hbm>>
      tpu.enqueue_dma source(%dma_start3A_70 : memref<625x64xf32, #tpu.memory_space<hbm>>) target(%dma_start3A_68 : memref<625x64xf32, #tpu.memory_space<vmem_shared>>) target_semaphore(%run_scoped3A : memref<!tpu.dma_semaphore, #tpu.memory_space<semaphore_mem>>)
      %dma_wait3A = arith.constant 0 : i32
      %dma_wait3A_71 = tpu.memref_slice %arg12[%mul3A_4, %dma_wait3A] : memref<10000x64xf32, #tpu.memory_space<vmem_shared>> -> memref<625x64xf32, #tpu.memory_space<vmem_shared>>
      %dma_wait3A_72 = arith.constant 0 : i32
      %dma_wait3A_73 = tpu.memref_slice %arg6[%mul3A_2, %dma_wait3A_72] : memref<10000x64xf32, #tpu.memory_space<hbm>> -> memref<625x64xf32, #tpu.memory_space<hbm>>
      tpu.wait_dma2 semaphore(%run_scoped3A : memref<!tpu.dma_semaphore, #tpu.memory_space<semaphore_mem>>) src(%dma_wait3A_73 : memref<625x64xf32, #tpu.memory_space<hbm>>) dst(%dma_wait3A_71 : memref<625x64xf32, #tpu.memory_space<vmem_shared>>)
      tpu.yield
    }) : () -> ()
    %mul3A_5 = arith.constant 125 : i32
    %mul3A_6 = arith.muli %add3A, %mul3A_5 : i32
    "tpu.region"() ({
      %run_scoped3A = tpu.sem_alloc : memref<!tpu.dma_semaphore, #tpu.memory_space<semaphore_mem>>
      %dma_start3A_67 = arith.constant 0 : i32
      %dma_start3A_68 = tpu.memref_slice %arg2[%mul3A_6, %dma_start3A_67] : memref<4000x80xi32, #tpu.memory_space<hbm>> -> memref<125x80xi32, #tpu.memory_space<hbm>>
      %dma_start3A_69 = arith.constant 0 : i32
      %dma_start3A_70 = tpu.memref_slice %arg2[%mul3A_6, %dma_start3A_69] : memref<4000x80xi32, #tpu.memory_space<hbm>> -> memref<125x80xi32, #tpu.memory_space<hbm>>
      tpu.enqueue_dma source(%dma_start3A_70 : memref<125x80xi32, #tpu.memory_space<hbm>>) target(%arg8 : memref<125x80xi32, #tpu.memory_space<vmem>>) target_semaphore(%run_scoped3A : memref<!tpu.dma_semaphore, #tpu.memory_space<semaphore_mem>>)
      %dma_wait3A = arith.constant 0 : i32
      %dma_wait3A_71 = tpu.memref_slice %arg2[%mul3A_6, %dma_wait3A] : memref<4000x80xi32, #tpu.memory_space<hbm>> -> memref<125x80xi32, #tpu.memory_space<hbm>>
      %dma_wait3A_72 = arith.constant 0 : i32
      %dma_wait3A_73 = tpu.memref_slice %arg2[%mul3A_6, %dma_wait3A_72] : memref<4000x80xi32, #tpu.memory_space<hbm>> -> memref<125x80xi32, #tpu.memory_space<hbm>>
      tpu.wait_dma2 semaphore(%run_scoped3A : memref<!tpu.dma_semaphore, #tpu.memory_space<semaphore_mem>>) src(%dma_wait3A_73 : memref<125x80xi32, #tpu.memory_space<hbm>>) dst(%arg8 : memref<125x80xi32, #tpu.memory_space<vmem>>)
      tpu.yield
    }) : () -> ()
    "tpu.region"() ({
      %run_scoped3A = tpu.sem_alloc : memref<!tpu.dma_semaphore, #tpu.memory_space<semaphore_mem>>
      %dma_start3A_67 = arith.constant 0 : i32
      %dma_start3A_68 = arith.constant 0 : i32
      %dma_start3A_69 = tpu.memref_slice %arg3[%add3A, %dma_start3A_67, %dma_start3A_68] : memref<32x125x80xi32, #tpu.memory_space<hbm>> -> memref<1x125x80xi32, #tpu.memory_space<hbm>>
      %dma_start3A_70 = tpu.memref_squeeze %dma_start3A_69 : memref<1x125x80xi32, #tpu.memory_space<hbm>> -> memref<125x80xi32, #tpu.memory_space<hbm>>
      %dma_start3A_71 = arith.constant 0 : i32
      %dma_start3A_72 = arith.constant 0 : i32
      %dma_start3A_73 = tpu.memref_slice %arg3[%add3A, %dma_start3A_71, %dma_start3A_72] : memref<32x125x80xi32, #tpu.memory_space<hbm>> -> memref<1x125x80xi32, #tpu.memory_space<hbm>>
      %dma_start3A_74 = tpu.memref_squeeze %dma_start3A_73 : memref<1x125x80xi32, #tpu.memory_space<hbm>> -> memref<125x80xi32, #tpu.memory_space<hbm>>
      tpu.enqueue_dma source(%dma_start3A_74 : memref<125x80xi32, #tpu.memory_space<hbm>>) target(%arg9 : memref<125x80xi32, #tpu.memory_space<vmem>>) target_semaphore(%run_scoped3A : memref<!tpu.dma_semaphore, #tpu.memory_space<semaphore_mem>>)
      %dma_wait3A = arith.constant 0 : i32
      %dma_wait3A_75 = arith.constant 0 : i32
      %dma_wait3A_76 = tpu.memref_slice %arg3[%add3A, %dma_wait3A, %dma_wait3A_75] : memref<32x125x80xi32, #tpu.memory_space<hbm>> -> memref<1x125x80xi32, #tpu.memory_space<hbm>>
      %dma_wait3A_77 = tpu.memref_squeeze %dma_wait3A_76 : memref<1x125x80xi32, #tpu.memory_space<hbm>> -> memref<125x80xi32, #tpu.memory_space<hbm>>
      %dma_wait3A_78 = arith.constant 0 : i32
      %dma_wait3A_79 = arith.constant 0 : i32
      %dma_wait3A_80 = tpu.memref_slice %arg3[%add3A, %dma_wait3A_78, %dma_wait3A_79] : memref<32x125x80xi32, #tpu.memory_space<hbm>> -> memref<1x125x80xi32, #tpu.memory_space<hbm>>
      %dma_wait3A_81 = tpu.memref_squeeze %dma_wait3A_80 : memref<1x125x80xi32, #tpu.memory_space<hbm>> -> memref<125x80xi32, #tpu.memory_space<hbm>>
      tpu.wait_dma2 semaphore(%run_scoped3A : memref<!tpu.dma_semaphore, #tpu.memory_space<semaphore_mem>>) src(%dma_wait3A_81 : memref<125x80xi32, #tpu.memory_space<hbm>>) dst(%arg9 : memref<125x80xi32, #tpu.memory_space<vmem>>)
      tpu.yield
    }) : () -> ()
    "tpu.region"() ({
      %run_scoped3A = tpu.sem_alloc : memref<!tpu.dma_semaphore, #tpu.memory_space<semaphore_mem>>
      %dma_start3A_67 = arith.constant 0 : i32
      %dma_start3A_68 = arith.constant 0 : i32
      %dma_start3A_69 = tpu.memref_slice %arg4[%add3A, %dma_start3A_67, %dma_start3A_68] : memref<32x125x80xf32, #tpu.memory_space<hbm>> -> memref<1x125x80xf32, #tpu.memory_space<hbm>>
      %dma_start3A_70 = tpu.memref_squeeze %dma_start3A_69 : memref<1x125x80xf32, #tpu.memory_space<hbm>> -> memref<125x80xf32, #tpu.memory_space<hbm>>
      %dma_start3A_71 = arith.constant 0 : i32
      %dma_start3A_72 = arith.constant 0 : i32
      %dma_start3A_73 = tpu.memref_slice %arg4[%add3A, %dma_start3A_71, %dma_start3A_72] : memref<32x125x80xf32, #tpu.memory_space<hbm>> -> memref<1x125x80xf32, #tpu.memory_space<hbm>>
      %dma_start3A_74 = tpu.memref_squeeze %dma_start3A_73 : memref<1x125x80xf32, #tpu.memory_space<hbm>> -> memref<125x80xf32, #tpu.memory_space<hbm>>
      tpu.enqueue_dma source(%dma_start3A_74 : memref<125x80xf32, #tpu.memory_space<hbm>>) target(%arg10 : memref<125x80xf32, #tpu.memory_space<vmem>>) target_semaphore(%run_scoped3A : memref<!tpu.dma_semaphore, #tpu.memory_space<semaphore_mem>>)
      %dma_wait3A = arith.constant 0 : i32
      %dma_wait3A_75 = arith.constant 0 : i32
      %dma_wait3A_76 = tpu.memref_slice %arg4[%add3A, %dma_wait3A, %dma_wait3A_75] : memref<32x125x80xf32, #tpu.memory_space<hbm>> -> memref<1x125x80xf32, #tpu.memory_space<hbm>>
      %dma_wait3A_77 = tpu.memref_squeeze %dma_wait3A_76 : memref<1x125x80xf32, #tpu.memory_space<hbm>> -> memref<125x80xf32, #tpu.memory_space<hbm>>
      %dma_wait3A_78 = arith.constant 0 : i32
      %dma_wait3A_79 = arith.constant 0 : i32
      %dma_wait3A_80 = tpu.memref_slice %arg4[%add3A, %dma_wait3A_78, %dma_wait3A_79] : memref<32x125x80xf32, #tpu.memory_space<hbm>> -> memref<1x125x80xf32, #tpu.memory_space<hbm>>
      %dma_wait3A_81 = tpu.memref_squeeze %dma_wait3A_80 : memref<1x125x80xf32, #tpu.memory_space<hbm>> -> memref<125x80xf32, #tpu.memory_space<hbm>>
      tpu.wait_dma2 semaphore(%run_scoped3A : memref<!tpu.dma_semaphore, #tpu.memory_space<semaphore_mem>>) src(%dma_wait3A_81 : memref<125x80xf32, #tpu.memory_space<hbm>>) dst(%arg10 : memref<125x80xf32, #tpu.memory_space<vmem>>)
      tpu.yield
    }) : () -> ()
    %barrier3A = arith.constant 0 : index
    tpu.barrier barrier_id(%barrier3A)
    %dma_start3A = arith.constant 0 : i32
    %dma_start3A_7 = arith.constant 0 : i32
    %dma_start3A_8 = arith.constant 0 : i32
    %dma_start3A_9 = arith.constant 0 : i32
    %dma_start3A_10 = arith.constant 0 : i32
    %dma_start3A_11 = tpu.memref_slice %arg11[%dma_start3A_7, %dma_start3A_9, %dma_start3A_10] : memref<8x80x64xf32, #tpu.memory_space<vmem>> -> memref<1x80x64xf32, #tpu.memory_space<vmem>>
    %dma_start3A_12 = tpu.memref_squeeze %dma_start3A_11 : memref<1x80x64xf32, #tpu.memory_space<vmem>> -> memref<80x64xf32, #tpu.memory_space<vmem>>
    %dma_start3A_13 = arith.constant 0 : i32
    %dma_start3A_14 = tpu.memref_slice %arg8[%dma_start3A, %dma_start3A_13] : memref<125x80xi32, #tpu.memory_space<vmem>> -> memref<1x80xi32, #tpu.memory_space<vmem>>
    %dma_start3A_15 = tpu.memref_squeeze %dma_start3A_14 : memref<1x80xi32, #tpu.memory_space<vmem>> -> memref<80xi32, #tpu.memory_space<vmem>>
    %dma_start3A_16 = arith.constant 0 : i32
    %dma_start3A_17 = arith.constant 0 : i32
    %dma_start3A_18 = tpu.memref_slice %arg5[%dma_start3A_16, %dma_start3A_17] : memref<10000x64xf32, #tpu.memory_space<hbm>> -> memref<10000x64xf32, #tpu.memory_space<hbm>>
    %dma_start3A_19 = tpu.memref_slice %arg13[%dma_start3A_8] : memref<8x!tpu.dma_semaphore, #tpu.memory_space<semaphore_mem>> -> memref<1x!tpu.dma_semaphore, #tpu.memory_space<semaphore_mem>>
    %dma_start3A_20 = tpu.memref_squeeze %dma_start3A_19 : memref<1x!tpu.dma_semaphore, #tpu.memory_space<semaphore_mem>> -> memref<!tpu.dma_semaphore, #tpu.memory_space<semaphore_mem>>
    tpu.enqueue_indirect_dma source(%dma_start3A_18 : memref<10000x64xf32, #tpu.memory_space<hbm>>) target(%dma_start3A_12 : memref<80x64xf32, #tpu.memory_space<vmem>>) offsets(%dma_start3A_15 : memref<80xi32, #tpu.memory_space<vmem>>) semaphore(%dma_start3A_20 : memref<!tpu.dma_semaphore, #tpu.memory_space<semaphore_mem>>)
    %dma_start3A_21 = arith.constant 1 : i32
    %dma_start3A_22 = arith.constant 1 : i32
    %dma_start3A_23 = arith.constant 1 : i32
    %dma_start3A_24 = arith.constant 0 : i32
    %dma_start3A_25 = arith.constant 0 : i32
    %dma_start3A_26 = tpu.memref_slice %arg11[%dma_start3A_22, %dma_start3A_24, %dma_start3A_25] : memref<8x80x64xf32, #tpu.memory_space<vmem>> -> memref<1x80x64xf32, #tpu.memory_space<vmem>>
    %dma_start3A_27 = tpu.memref_squeeze %dma_start3A_26 : memref<1x80x64xf32, #tpu.memory_space<vmem>> -> memref<80x64xf32, #tpu.memory_space<vmem>>
    %dma_start3A_28 = arith.constant 0 : i32
    %dma_start3A_29 = tpu.memref_slice %arg8[%dma_start3A_21, %dma_start3A_28] : memref<125x80xi32, #tpu.memory_space<vmem>> -> memref<1x80xi32, #tpu.memory_space<vmem>>
    %dma_start3A_30 = tpu.memref_squeeze %dma_start3A_29 : memref<1x80xi32, #tpu.memory_space<vmem>> -> memref<80xi32, #tpu.memory_space<vmem>>
    %dma_start3A_31 = arith.constant 0 : i32
    %dma_start3A_32 = arith.constant 0 : i32
    %dma_start3A_33 = tpu.memref_slice %arg5[%dma_start3A_31, %dma_start3A_32] : memref<10000x64xf32, #tpu.memory_space<hbm>> -> memref<10000x64xf32, #tpu.memory_space<hbm>>
    %dma_start3A_34 = tpu.memref_slice %arg13[%dma_start3A_23] : memref<8x!tpu.dma_semaphore, #tpu.memory_space<semaphore_mem>> -> memref<1x!tpu.dma_semaphore, #tpu.memory_space<semaphore_mem>>
    %dma_start3A_35 = tpu.memref_squeeze %dma_start3A_34 : memref<1x!tpu.dma_semaphore, #tpu.memory_space<semaphore_mem>> -> memref<!tpu.dma_semaphore, #tpu.memory_space<semaphore_mem>>
    tpu.enqueue_indirect_dma source(%dma_start3A_33 : memref<10000x64xf32, #tpu.memory_space<hbm>>) target(%dma_start3A_27 : memref<80x64xf32, #tpu.memory_space<vmem>>) offsets(%dma_start3A_30 : memref<80xi32, #tpu.memory_space<vmem>>) semaphore(%dma_start3A_35 : memref<!tpu.dma_semaphore, #tpu.memory_space<semaphore_mem>>)
    %dma_start3A_36 = arith.constant 2 : i32
    %dma_start3A_37 = arith.constant 2 : i32
    %dma_start3A_38 = arith.constant 2 : i32
    %dma_start3A_39 = arith.constant 0 : i32
    %dma_start3A_40 = arith.constant 0 : i32
    %dma_start3A_41 = tpu.memref_slice %arg11[%dma_start3A_37, %dma_start3A_39, %dma_start3A_40] : memref<8x80x64xf32, #tpu.memory_space<vmem>> -> memref<1x80x64xf32, #tpu.memory_space<vmem>>
    %dma_start3A_42 = tpu.memref_squeeze %dma_start3A_41 : memref<1x80x64xf32, #tpu.memory_space<vmem>> -> memref<80x64xf32, #tpu.memory_space<vmem>>
    %dma_start3A_43 = arith.constant 0 : i32
    %dma_start3A_44 = tpu.memref_slice %arg8[%dma_start3A_36, %dma_start3A_43] : memref<125x80xi32, #tpu.memory_space<vmem>> -> memref<1x80xi32, #tpu.memory_space<vmem>>
    %dma_start3A_45 = tpu.memref_squeeze %dma_start3A_44 : memref<1x80xi32, #tpu.memory_space<vmem>> -> memref<80xi32, #tpu.memory_space<vmem>>
    %dma_start3A_46 = arith.constant 0 : i32
    %dma_start3A_47 = arith.constant 0 : i32
    %dma_start3A_48 = tpu.memref_slice %arg5[%dma_start3A_46, %dma_start3A_47] : memref<10000x64xf32, #tpu.memory_space<hbm>> -> memref<10000x64xf32, #tpu.memory_space<hbm>>
    %dma_start3A_49 = tpu.memref_slice %arg13[%dma_start3A_38] : memref<8x!tpu.dma_semaphore, #tpu.memory_space<semaphore_mem>> -> memref<1x!tpu.dma_semaphore, #tpu.memory_space<semaphore_mem>>
    %dma_start3A_50 = tpu.memref_squeeze %dma_start3A_49 : memref<1x!tpu.dma_semaphore, #tpu.memory_space<semaphore_mem>> -> memref<!tpu.dma_semaphore, #tpu.memory_space<semaphore_mem>>
    tpu.enqueue_indirect_dma source(%dma_start3A_48 : memref<10000x64xf32, #tpu.memory_space<hbm>>) target(%dma_start3A_42 : memref<80x64xf32, #tpu.memory_space<vmem>>) offsets(%dma_start3A_45 : memref<80xi32, #tpu.memory_space<vmem>>) semaphore(%dma_start3A_50 : memref<!tpu.dma_semaphore, #tpu.memory_space<semaphore_mem>>)
    %scan3A = arith.constant 0 : i32
    %scan3A_51 = arith.constant 0 : i32
    %scan3A_52 = arith.constant 125 : i32
    %scan3A_53 = arith.addi %scan3A_51, %scan3A_52 : i32
    %scan3A_54 = arith.constant 1 : i32
    scf.for %scan3A_67 = %scan3A_51 to %scan3A_53 step %scan3A_54  : i32 {
      %ge3A = arith.constant 5 : i32
      %ge3A_68 = arith.cmpi sge, %scan3A_67, %ge3A : i32
      %convert_element_type3A = arith.extui %ge3A_68 : i1 to i32
      %cond3A = arith.constant 0 : i32
      %cond3A_69 = arith.cmpi ne, %convert_element_type3A, %cond3A : i32
      scf.if %cond3A_69 {
        %sub3A = arith.constant 5 : i32
        %sub3A_147 = arith.subi %scan3A_67, %sub3A : i32
        %jit3A_148 = arith.constant 8 : i32
        %eq3A_149 = arith.constant 0 : i32
        %eq3A_150 = arith.cmpi eq, %jit3A_148, %eq3A_149 : i32
        %jit3A_151 = arith.constant 1 : i32
        %select_n3A_152 = arith.select %eq3A_150, %jit3A_151, %jit3A_148 : i32
        %rem3A_153 = arith.remsi %sub3A_147, %select_n3A_152 : i32
        %ne3A_154 = arith.constant 0 : i32
        %ne3A_155 = arith.cmpi ne, %rem3A_153, %ne3A_154 : i32
        %lt3A_156 = arith.constant 0 : i32
        %lt3A_157 = arith.cmpi slt, %rem3A_153, %lt3A_156 : i32
        %lt3A_158 = arith.constant 0 : i32
        %lt3A_159 = arith.cmpi slt, %select_n3A_152, %lt3A_158 : i32
        %ne3A_160 = arith.xori %lt3A_157, %lt3A_159 : i1
        %and3A_161 = arith.andi %ne3A_160, %ne3A_155 : i1
        %add3A_162 = arith.addi %rem3A_153, %select_n3A_152 : i32
        %select_n3A_163 = arith.select %and3A_161, %add3A_162, %rem3A_153 : i32
        %dma_wait3A_164 = arith.constant 0 : i32
        %dma_wait3A_165 = arith.constant 0 : i32
        %dma_wait3A_166 = tpu.memref_slice %arg11[%select_n3A_163, %dma_wait3A_164, %dma_wait3A_165] : memref<8x80x64xf32, #tpu.memory_space<vmem>> -> memref<1x80x64xf32, #tpu.memory_space<vmem>>
        %dma_wait3A_167 = tpu.memref_squeeze %dma_wait3A_166 : memref<1x80x64xf32, #tpu.memory_space<vmem>> -> memref<80x64xf32, #tpu.memory_space<vmem>>
        %dma_wait3A_168 = arith.constant 0 : i32
        %dma_wait3A_169 = tpu.memref_slice %arg9[%sub3A_147, %dma_wait3A_168] : memref<125x80xi32, #tpu.memory_space<vmem>> -> memref<1x80xi32, #tpu.memory_space<vmem>>
        %dma_wait3A_170 = tpu.memref_squeeze %dma_wait3A_169 : memref<1x80xi32, #tpu.memory_space<vmem>> -> memref<80xi32, #tpu.memory_space<vmem>>
        %dma_wait3A_171 = arith.constant 0 : i32
        %dma_wait3A_172 = arith.constant 0 : i32
        %dma_wait3A_173 = tpu.memref_slice %arg12[%dma_wait3A_171, %dma_wait3A_172] : memref<10000x64xf32, #tpu.memory_space<vmem_shared>> -> memref<10000x64xf32, #tpu.memory_space<vmem_shared>>
        %dma_wait3A_174 = tpu.memref_slice %arg14[%select_n3A_163] : memref<8x!tpu.dma_semaphore, #tpu.memory_space<semaphore_mem>> -> memref<1x!tpu.dma_semaphore, #tpu.memory_space<semaphore_mem>>
        %dma_wait3A_175 = tpu.memref_squeeze %dma_wait3A_174 : memref<1x!tpu.dma_semaphore, #tpu.memory_space<semaphore_mem>> -> memref<!tpu.dma_semaphore, #tpu.memory_space<semaphore_mem>>
        tpu.wait_indirect_dma semaphore(%dma_wait3A_175 : memref<!tpu.dma_semaphore, #tpu.memory_space<semaphore_mem>>) src(%dma_wait3A_167 : memref<80x64xf32, #tpu.memory_space<vmem>>) dst(%dma_wait3A_173 : memref<10000x64xf32, #tpu.memory_space<vmem_shared>>)
      } else {
      }
      %add3A_70 = arith.constant 3 : i32
      %add3A_71 = arith.addi %scan3A_67, %add3A_70 : i32
      %lt3A = arith.constant 125 : i32
      %lt3A_72 = arith.cmpi slt, %add3A_71, %lt3A : i32
      %convert_element_type3A_73 = arith.extui %lt3A_72 : i1 to i32
      %cond3A_74 = arith.constant 0 : i32
      %cond3A_75 = arith.cmpi ne, %convert_element_type3A_73, %cond3A_74 : i32
      scf.if %cond3A_75 {
        %add3A_147 = arith.constant 3 : i32
        %add3A_148 = arith.addi %scan3A_67, %add3A_147 : i32
        %jit3A_149 = arith.constant 8 : i32
        %eq3A_150 = arith.constant 0 : i32
        %eq3A_151 = arith.cmpi eq, %jit3A_149, %eq3A_150 : i32
        %jit3A_152 = arith.constant 1 : i32
        %select_n3A_153 = arith.select %eq3A_151, %jit3A_152, %jit3A_149 : i32
        %rem3A_154 = arith.remsi %add3A_148, %select_n3A_153 : i32
        %ne3A_155 = arith.constant 0 : i32
        %ne3A_156 = arith.cmpi ne, %rem3A_154, %ne3A_155 : i32
        %lt3A_157 = arith.constant 0 : i32
        %lt3A_158 = arith.cmpi slt, %rem3A_154, %lt3A_157 : i32
        %lt3A_159 = arith.constant 0 : i32
        %lt3A_160 = arith.cmpi slt, %select_n3A_153, %lt3A_159 : i32
        %ne3A_161 = arith.xori %lt3A_158, %lt3A_160 : i1
        %and3A_162 = arith.andi %ne3A_161, %ne3A_156 : i1
        %add3A_163 = arith.addi %rem3A_154, %select_n3A_153 : i32
        %select_n3A_164 = arith.select %and3A_162, %add3A_163, %rem3A_154 : i32
        %dma_start3A_165 = arith.constant 0 : i32
        %dma_start3A_166 = arith.constant 0 : i32
        %dma_start3A_167 = tpu.memref_slice %arg11[%select_n3A_164, %dma_start3A_165, %dma_start3A_166] : memref<8x80x64xf32, #tpu.memory_space<vmem>> -> memref<1x80x64xf32, #tpu.memory_space<vmem>>
        %dma_start3A_168 = tpu.memref_squeeze %dma_start3A_167 : memref<1x80x64xf32, #tpu.memory_space<vmem>> -> memref<80x64xf32, #tpu.memory_space<vmem>>
        %dma_start3A_169 = arith.constant 0 : i32
        %dma_start3A_170 = tpu.memref_slice %arg8[%add3A_148, %dma_start3A_169] : memref<125x80xi32, #tpu.memory_space<vmem>> -> memref<1x80xi32, #tpu.memory_space<vmem>>
        %dma_start3A_171 = tpu.memref_squeeze %dma_start3A_170 : memref<1x80xi32, #tpu.memory_space<vmem>> -> memref<80xi32, #tpu.memory_space<vmem>>
        %dma_start3A_172 = arith.constant 0 : i32
        %dma_start3A_173 = arith.constant 0 : i32
        %dma_start3A_174 = tpu.memref_slice %arg5[%dma_start3A_172, %dma_start3A_173] : memref<10000x64xf32, #tpu.memory_space<hbm>> -> memref<10000x64xf32, #tpu.memory_space<hbm>>
        %dma_start3A_175 = tpu.memref_slice %arg13[%select_n3A_164] : memref<8x!tpu.dma_semaphore, #tpu.memory_space<semaphore_mem>> -> memref<1x!tpu.dma_semaphore, #tpu.memory_space<semaphore_mem>>
        %dma_start3A_176 = tpu.memref_squeeze %dma_start3A_175 : memref<1x!tpu.dma_semaphore, #tpu.memory_space<semaphore_mem>> -> memref<!tpu.dma_semaphore, #tpu.memory_space<semaphore_mem>>
        tpu.enqueue_indirect_dma source(%dma_start3A_174 : memref<10000x64xf32, #tpu.memory_space<hbm>>) target(%dma_start3A_168 : memref<80x64xf32, #tpu.memory_space<vmem>>) offsets(%dma_start3A_171 : memref<80xi32, #tpu.memory_space<vmem>>) semaphore(%dma_start3A_176 : memref<!tpu.dma_semaphore, #tpu.memory_space<semaphore_mem>>)
      } else {
      }
      %jit3A = arith.constant 8 : i32
      %eq3A = arith.constant 0 : i32
      %eq3A_76 = arith.cmpi eq, %jit3A, %eq3A : i32
      %jit3A_77 = arith.constant 1 : i32
      %select_n3A = arith.select %eq3A_76, %jit3A_77, %jit3A : i32
      %rem3A = arith.remsi %scan3A_67, %select_n3A : i32
      %ne3A = arith.constant 0 : i32
      %ne3A_78 = arith.cmpi ne, %rem3A, %ne3A : i32
      %lt3A_79 = arith.constant 0 : i32
      %lt3A_80 = arith.cmpi slt, %rem3A, %lt3A_79 : i32
      %lt3A_81 = arith.constant 0 : i32
      %lt3A_82 = arith.cmpi slt, %select_n3A, %lt3A_81 : i32
      %ne3A_83 = arith.xori %lt3A_80, %lt3A_82 : i1
      %and3A = arith.andi %ne3A_83, %ne3A_78 : i1
      %add3A_84 = arith.addi %rem3A, %select_n3A : i32
      %select_n3A_85 = arith.select %and3A, %add3A_84, %rem3A : i32
      %dma_wait3A = arith.constant 0 : i32
      %dma_wait3A_86 = arith.constant 0 : i32
      %dma_wait3A_87 = tpu.memref_slice %arg11[%select_n3A_85, %dma_wait3A, %dma_wait3A_86] : memref<8x80x64xf32, #tpu.memory_space<vmem>> -> memref<1x80x64xf32, #tpu.memory_space<vmem>>
      %dma_wait3A_88 = tpu.memref_squeeze %dma_wait3A_87 : memref<1x80x64xf32, #tpu.memory_space<vmem>> -> memref<80x64xf32, #tpu.memory_space<vmem>>
      %dma_wait3A_89 = arith.constant 0 : i32
      %dma_wait3A_90 = tpu.memref_slice %arg8[%scan3A_67, %dma_wait3A_89] : memref<125x80xi32, #tpu.memory_space<vmem>> -> memref<1x80xi32, #tpu.memory_space<vmem>>
      %dma_wait3A_91 = tpu.memref_squeeze %dma_wait3A_90 : memref<1x80xi32, #tpu.memory_space<vmem>> -> memref<80xi32, #tpu.memory_space<vmem>>
      %dma_wait3A_92 = arith.constant 0 : i32
      %dma_wait3A_93 = arith.constant 0 : i32
      %dma_wait3A_94 = tpu.memref_slice %arg5[%dma_wait3A_92, %dma_wait3A_93] : memref<10000x64xf32, #tpu.memory_space<hbm>> -> memref<10000x64xf32, #tpu.memory_space<hbm>>
      %dma_wait3A_95 = tpu.memref_slice %arg13[%select_n3A_85] : memref<8x!tpu.dma_semaphore, #tpu.memory_space<semaphore_mem>> -> memref<1x!tpu.dma_semaphore, #tpu.memory_space<semaphore_mem>>
      %dma_wait3A_96 = tpu.memref_squeeze %dma_wait3A_95 : memref<1x!tpu.dma_semaphore, #tpu.memory_space<semaphore_mem>> -> memref<!tpu.dma_semaphore, #tpu.memory_space<semaphore_mem>>
      tpu.wait_indirect_dma semaphore(%dma_wait3A_96 : memref<!tpu.dma_semaphore, #tpu.memory_space<semaphore_mem>>) src(%dma_wait3A_94 : memref<10000x64xf32, #tpu.memory_space<hbm>>) dst(%dma_wait3A_88 : memref<80x64xf32, #tpu.memory_space<vmem>>)
      %jit3A_97 = arith.constant 8 : i32
      %eq3A_98 = arith.constant 0 : i32
      %eq3A_99 = arith.cmpi eq, %jit3A_97, %eq3A_98 : i32
      %jit3A_100 = arith.constant 1 : i32
      %select_n3A_101 = arith.select %eq3A_99, %jit3A_100, %jit3A_97 : i32
      %rem3A_102 = arith.remsi %scan3A_67, %select_n3A_101 : i32
      %ne3A_103 = arith.constant 0 : i32
      %ne3A_104 = arith.cmpi ne, %rem3A_102, %ne3A_103 : i32
      %lt3A_105 = arith.constant 0 : i32
      %lt3A_106 = arith.cmpi slt, %rem3A_102, %lt3A_105 : i32
      %lt3A_107 = arith.constant 0 : i32
      %lt3A_108 = arith.cmpi slt, %select_n3A_101, %lt3A_107 : i32
      %ne3A_109 = arith.xori %lt3A_106, %lt3A_108 : i1
      %and3A_110 = arith.andi %ne3A_109, %ne3A_104 : i1
      %add3A_111 = arith.addi %rem3A_102, %select_n3A_101 : i32
      %select_n3A_112 = arith.select %and3A_110, %add3A_111, %rem3A_102 : i32
      %scan3A_113 = arith.constant 0 : i32
      %scan3A_114 = arith.constant 0 : i32
      %scan3A_115 = arith.constant 5 : i32
      %scan3A_116 = arith.addi %scan3A_114, %scan3A_115 : i32
      %scan3A_117 = arith.constant 1 : i32
      scf.for %scan3A_147 = %scan3A_114 to %scan3A_116 step %scan3A_117  : i32 {
        %mul3A_148 = arith.constant 16 : i32
        %mul3A_149 = arith.muli %scan3A_147, %mul3A_148 : i32
        %get3A = arith.index_cast %scan3A_67 : i32 to index
        %get3A_150 = arith.index_cast %mul3A_149 : i32 to index
        %get3A_151 = tpu.vector_load %arg10[%get3A, %get3A_150] {strides = array<i32>} : memref<125x80xf32, #tpu.memory_space<vmem>>, vector<1x16xf32>,
        %get3A_152 = vector.shape_cast %get3A_151 : vector<1x16xf32> to vector<16xf32>
        %slice3A = vector.extract_strided_slice %get3A_152 {offsets = [0], sizes = [1], strides = [1]} : vector<16xf32> to vector<1xf32>
        %squeeze3A = vector.extract %slice3A[0] : f32 from vector<1xf32>
        %broadcast_in_dim3A = vector.broadcast %squeeze3A : f32 to vector<16xf32>
        %mul3A_153 = arith.constant 16 : i32
        %mul3A_154 = arith.muli %scan3A_147, %mul3A_153 : i32
        %add3A_155 = arith.constant 0 : i32
        %add3A_156 = arith.addi %mul3A_154, %add3A_155 : i32
        %get3A_157 = arith.index_cast %select_n3A_112 : i32 to index
        %get3A_158 = arith.index_cast %add3A_156 : i32 to index
        %get3A_159 = arith.constant 0 : index
        %get3A_160 = tpu.vector_load %arg11[%get3A_157, %get3A_158, %get3A_159] {strides = array<i32>} : memref<8x80x64xf32, #tpu.memory_space<vmem>>, vector<1x1x16xf32>,
        %get3A_161 = vector.shape_cast %get3A_160 : vector<1x1x16xf32> to vector<16xf32>
        %mul3A_162 = arith.mulf %get3A_161, %broadcast_in_dim3A : vector<16xf32>
        %swap3A = arith.index_cast %select_n3A_112 : i32 to index
        %swap3A_163 = arith.index_cast %add3A_156 : i32 to index
        %swap3A_164 = arith.constant 0 : index
        %swap3A_165 = tpu.vector_load %arg11[%swap3A, %swap3A_163, %swap3A_164] {strides = array<i32>} : memref<8x80x64xf32, #tpu.memory_space<vmem>>, vector<1x1x16xf32>,
        %swap3A_166 = vector.shape_cast %swap3A_165 : vector<1x1x16xf32> to vector<16xf32>
        %swap3A_167 = vector.shape_cast %mul3A_162 : vector<16xf32> to vector<1x1x16xf32>
        tpu.vector_store %arg11[%swap3A, %swap3A_163, %swap3A_164], %swap3A_167 {strides = array<i32>} : memref<8x80x64xf32, #tpu.memory_space<vmem>>, vector<1x1x16xf32>,
        %get3A_168 = arith.index_cast %select_n3A_112 : i32 to index
        %get3A_169 = arith.index_cast %add3A_156 : i32 to index
        %get3A_170 = arith.constant 16 : index
        %get3A_171 = tpu.vector_load %arg11[%get3A_168, %get3A_169, %get3A_170] {strides = array<i32>} : memref<8x80x64xf32, #tpu.memory_space<vmem>>, vector<1x1x16xf32>,
        %get3A_172 = vector.shape_cast %get3A_171 : vector<1x1x16xf32> to vector<16xf32>
        %mul3A_173 = arith.mulf %get3A_172, %broadcast_in_dim3A : vector<16xf32>
        %swap3A_174 = arith.index_cast %select_n3A_112 : i32 to index
        %swap3A_175 = arith.index_cast %add3A_156 : i32 to index
        %swap3A_176 = arith.constant 16 : index
        %swap3A_177 = tpu.vector_load %arg11[%swap3A_174, %swap3A_175, %swap3A_176] {strides = array<i32>} : memref<8x80x64xf32, #tpu.memory_space<vmem>>, vector<1x1x16xf32>,
        %swap3A_178 = vector.shape_cast %swap3A_177 : vector<1x1x16xf32> to vector<16xf32>
        %swap3A_179 = vector.shape_cast %mul3A_173 : vector<16xf32> to vector<1x1x16xf32>
        tpu.vector_store %arg11[%swap3A_174, %swap3A_175, %swap3A_176], %swap3A_179 {strides = array<i32>} : memref<8x80x64xf32, #tpu.memory_space<vmem>>, vector<1x1x16xf32>,
        %get3A_180 = arith.index_cast %select_n3A_112 : i32 to index
        %get3A_181 = arith.index_cast %add3A_156 : i32 to index
        %get3A_182 = arith.constant 32 : index
        %get3A_183 = tpu.vector_load %arg11[%get3A_180, %get3A_181, %get3A_182] {strides = array<i32>} : memref<8x80x64xf32, #tpu.memory_space<vmem>>, vector<1x1x16xf32>,
        %get3A_184 = vector.shape_cast %get3A_183 : vector<1x1x16xf32> to vector<16xf32>
        %mul3A_185 = arith.mulf %get3A_184, %broadcast_in_dim3A : vector<16xf32>
        %swap3A_186 = arith.index_cast %select_n3A_112 : i32 to index
        %swap3A_187 = arith.index_cast %add3A_156 : i32 to index
        %swap3A_188 = arith.constant 32 : index
        %swap3A_189 = tpu.vector_load %arg11[%swap3A_186, %swap3A_187, %swap3A_188] {strides = array<i32>} : memref<8x80x64xf32, #tpu.memory_space<vmem>>, vector<1x1x16xf32>,
        %swap3A_190 = vector.shape_cast %swap3A_189 : vector<1x1x16xf32> to vector<16xf32>
        %swap3A_191 = vector.shape_cast %mul3A_185 : vector<16xf32> to vector<1x1x16xf32>
        tpu.vector_store %arg11[%swap3A_186, %swap3A_187, %swap3A_188], %swap3A_191 {strides = array<i32>} : memref<8x80x64xf32, #tpu.memory_space<vmem>>, vector<1x1x16xf32>,
        %get3A_192 = arith.index_cast %select_n3A_112 : i32 to index
        %get3A_193 = arith.index_cast %add3A_156 : i32 to index
        %get3A_194 = arith.constant 48 : index
        %get3A_195 = tpu.vector_load %arg11[%get3A_192, %get3A_193, %get3A_194] {strides = array<i32>} : memref<8x80x64xf32, #tpu.memory_space<vmem>>, vector<1x1x16xf32>,
        %get3A_196 = vector.shape_cast %get3A_195 : vector<1x1x16xf32> to vector<16xf32>
        %mul3A_197 = arith.mulf %get3A_196, %broadcast_in_dim3A : vector<16xf32>
        %swap3A_198 = arith.index_cast %select_n3A_112 : i32 to index
        %swap3A_199 = arith.index_cast %add3A_156 : i32 to index
        %swap3A_200 = arith.constant 48 : index
        %swap3A_201 = tpu.vector_load %arg11[%swap3A_198, %swap3A_199, %swap3A_200] {strides = array<i32>} : memref<8x80x64xf32, #tpu.memory_space<vmem>>, vector<1x1x16xf32>,
        %swap3A_202 = vector.shape_cast %swap3A_201 : vector<1x1x16xf32> to vector<16xf32>
        %swap3A_203 = vector.shape_cast %mul3A_197 : vector<16xf32> to vector<1x1x16xf32>
        tpu.vector_store %arg11[%swap3A_198, %swap3A_199, %swap3A_200], %swap3A_203 {strides = array<i32>} : memref<8x80x64xf32, #tpu.memory_space<vmem>>, vector<1x1x16xf32>,
        %slice3A_204 = vector.extract_strided_slice %get3A_152 {offsets = [1], sizes = [1], strides = [1]} : vector<16xf32> to vector<1xf32>
        %squeeze3A_205 = vector.extract %slice3A_204[0] : f32 from vector<1xf32>
        %broadcast_in_dim3A_206 = vector.broadcast %squeeze3A_205 : f32 to vector<16xf32>
        %mul3A_207 = arith.constant 16 : i32
        %mul3A_208 = arith.muli %scan3A_147, %mul3A_207 : i32
        %add3A_209 = arith.constant 1 : i32
        %add3A_210 = arith.addi %mul3A_208, %add3A_209 : i32
        %get3A_211 = arith.index_cast %select_n3A_112 : i32 to index
        %get3A_212 = arith.index_cast %add3A_210 : i32 to index
        %get3A_213 = arith.constant 0 : index
        %get3A_214 = tpu.vector_load %arg11[%get3A_211, %get3A_212, %get3A_213] {strides = array<i32>} : memref<8x80x64xf32, #tpu.memory_space<vmem>>, vector<1x1x16xf32>,
        %get3A_215 = vector.shape_cast %get3A_214 : vector<1x1x16xf32> to vector<16xf32>
        %mul3A_216 = arith.mulf %get3A_215, %broadcast_in_dim3A_206 : vector<16xf32>
        %swap3A_217 = arith.index_cast %select_n3A_112 : i32 to index
        %swap3A_218 = arith.index_cast %add3A_210 : i32 to index
        %swap3A_219 = arith.constant 0 : index
        %swap3A_220 = tpu.vector_load %arg11[%swap3A_217, %swap3A_218, %swap3A_219] {strides = array<i32>} : memref<8x80x64xf32, #tpu.memory_space<vmem>>, vector<1x1x16xf32>,
        %swap3A_221 = vector.shape_cast %swap3A_220 : vector<1x1x16xf32> to vector<16xf32>
        %swap3A_222 = vector.shape_cast %mul3A_216 : vector<16xf32> to vector<1x1x16xf32>
        tpu.vector_store %arg11[%swap3A_217, %swap3A_218, %swap3A_219], %swap3A_222 {strides = array<i32>} : memref<8x80x64xf32, #tpu.memory_space<vmem>>, vector<1x1x16xf32>,
        %get3A_223 = arith.index_cast %select_n3A_112 : i32 to index
        %get3A_224 = arith.index_cast %add3A_210 : i32 to index
        %get3A_225 = arith.constant 16 : index
        %get3A_226 = tpu.vector_load %arg11[%get3A_223, %get3A_224, %get3A_225] {strides = array<i32>} : memref<8x80x64xf32, #tpu.memory_space<vmem>>, vector<1x1x16xf32>,
        %get3A_227 = vector.shape_cast %get3A_226 : vector<1x1x16xf32> to vector<16xf32>
        %mul3A_228 = arith.mulf %get3A_227, %broadcast_in_dim3A_206 : vector<16xf32>
        %swap3A_229 = arith.index_cast %select_n3A_112 : i32 to index
        %swap3A_230 = arith.index_cast %add3A_210 : i32 to index
        %swap3A_231 = arith.constant 16 : index
        %swap3A_232 = tpu.vector_load %arg11[%swap3A_229, %swap3A_230, %swap3A_231] {strides = array<i32>} : memref<8x80x64xf32, #tpu.memory_space<vmem>>, vector<1x1x16xf32>,
        %swap3A_233 = vector.shape_cast %swap3A_232 : vector<1x1x16xf32> to vector<16xf32>
        %swap3A_234 = vector.shape_cast %mul3A_228 : vector<16xf32> to vector<1x1x16xf32>
        tpu.vector_store %arg11[%swap3A_229, %swap3A_230, %swap3A_231], %swap3A_234 {strides = array<i32>} : memref<8x80x64xf32, #tpu.memory_space<vmem>>, vector<1x1x16xf32>,
        %get3A_235 = arith.index_cast %select_n3A_112 : i32 to index
        %get3A_236 = arith.index_cast %add3A_210 : i32 to index
        %get3A_237 = arith.constant 32 : index
        %get3A_238 = tpu.vector_load %arg11[%get3A_235, %get3A_236, %get3A_237] {strides = array<i32>} : memref<8x80x64xf32, #tpu.memory_space<vmem>>, vector<1x1x16xf32>,
        %get3A_239 = vector.shape_cast %get3A_238 : vector<1x1x16xf32> to vector<16xf32>
        %mul3A_240 = arith.mulf %get3A_239, %broadcast_in_dim3A_206 : vector<16xf32>
        %swap3A_241 = arith.index_cast %select_n3A_112 : i32 to index
        %swap3A_242 = arith.index_cast %add3A_210 : i32 to index
        %swap3A_243 = arith.constant 32 : index
        %swap3A_244 = tpu.vector_load %arg11[%swap3A_241, %swap3A_242, %swap3A_243] {strides = array<i32>} : memref<8x80x64xf32, #tpu.memory_space<vmem>>, vector<1x1x16xf32>,
        %swap3A_245 = vector.shape_cast %swap3A_244 : vector<1x1x16xf32> to vector<16xf32>
        %swap3A_246 = vector.shape_cast %mul3A_240 : vector<16xf32> to vector<1x1x16xf32>
        tpu.vector_store %arg11[%swap3A_241, %swap3A_242, %swap3A_243], %swap3A_246 {strides = array<i32>} : memref<8x80x64xf32, #tpu.memory_space<vmem>>, vector<1x1x16xf32>,
        %get3A_247 = arith.index_cast %select_n3A_112 : i32 to index
        %get3A_248 = arith.index_cast %add3A_210 : i32 to index
        %get3A_249 = arith.constant 48 : index
        %get3A_250 = tpu.vector_load %arg11[%get3A_247, %get3A_248, %get3A_249] {strides = array<i32>} : memref<8x80x64xf32, #tpu.memory_space<vmem>>, vector<1x1x16xf32>,
        %get3A_251 = vector.shape_cast %get3A_250 : vector<1x1x16xf32> to vector<16xf32>
        %mul3A_252 = arith.mulf %get3A_251, %broadcast_in_dim3A_206 : vector<16xf32>
        %swap3A_253 = arith.index_cast %select_n3A_112 : i32 to index
        %swap3A_254 = arith.index_cast %add3A_210 : i32 to index
        %swap3A_255 = arith.constant 48 : index
        %swap3A_256 = tpu.vector_load %arg11[%swap3A_253, %swap3A_254, %swap3A_255] {strides = array<i32>} : memref<8x80x64xf32, #tpu.memory_space<vmem>>, vector<1x1x16xf32>,
        %swap3A_257 = vector.shape_cast %swap3A_256 : vector<1x1x16xf32> to vector<16xf32>
        %swap3A_258 = vector.shape_cast %mul3A_252 : vector<16xf32> to vector<1x1x16xf32>
        tpu.vector_store %arg11[%swap3A_253, %swap3A_254, %swap3A_255], %swap3A_258 {strides = array<i32>} : memref<8x80x64xf32, #tpu.memory_space<vmem>>, vector<1x1x16xf32>,
        %slice3A_259 = vector.extract_strided_slice %get3A_152 {offsets = [2], sizes = [1], strides = [1]} : vector<16xf32> to vector<1xf32>
        %squeeze3A_260 = vector.extract %slice3A_259[0] : f32 from vector<1xf32>
        %broadcast_in_dim3A_261 = vector.broadcast %squeeze3A_260 : f32 to vector<16xf32>
        %mul3A_262 = arith.constant 16 : i32
        %mul3A_263 = arith.muli %scan3A_147, %mul3A_262 : i32
        %add3A_264 = arith.constant 2 : i32
        %add3A_265 = arith.addi %mul3A_263, %add3A_264 : i32
        %get3A_266 = arith.index_cast %select_n3A_112 : i32 to index
        %get3A_267 = arith.index_cast %add3A_265 : i32 to index
        %get3A_268 = arith.constant 0 : index
        %get3A_269 = tpu.vector_load %arg11[%get3A_266, %get3A_267, %get3A_268] {strides = array<i32>} : memref<8x80x64xf32, #tpu.memory_space<vmem>>, vector<1x1x16xf32>,
        %get3A_270 = vector.shape_cast %get3A_269 : vector<1x1x16xf32> to vector<16xf32>
        %mul3A_271 = arith.mulf %get3A_270, %broadcast_in_dim3A_261 : vector<16xf32>
        %swap3A_272 = arith.index_cast %select_n3A_112 : i32 to index
        %swap3A_273 = arith.index_cast %add3A_265 : i32 to index
        %swap3A_274 = arith.constant 0 : index
        %swap3A_275 = tpu.vector_load %arg11[%swap3A_272, %swap3A_273, %swap3A_274] {strides = array<i32>} : memref<8x80x64xf32, #tpu.memory_space<vmem>>, vector<1x1x16xf32>,
        %swap3A_276 = vector.shape_cast %swap3A_275 : vector<1x1x16xf32> to vector<16xf32>
        %swap3A_277 = vector.shape_cast %mul3A_271 : vector<16xf32> to vector<1x1x16xf32>
        tpu.vector_store %arg11[%swap3A_272, %swap3A_273, %swap3A_274], %swap3A_277 {strides = array<i32>} : memref<8x80x64xf32, #tpu.memory_space<vmem>>, vector<1x1x16xf32>,
        %get3A_278 = arith.index_cast %select_n3A_112 : i32 to index
        %get3A_279 = arith.index_cast %add3A_265 : i32 to index
        %get3A_280 = arith.constant 16 : index
        %get3A_281 = tpu.vector_load %arg11[%get3A_278, %get3A_279, %get3A_280] {strides = array<i32>} : memref<8x80x64xf32, #tpu.memory_space<vmem>>, vector<1x1x16xf32>,
        %get3A_282 = vector.shape_cast %get3A_281 : vector<1x1x16xf32> to vector<16xf32>
        %mul3A_283 = arith.mulf %get3A_282, %broadcast_in_dim3A_261 : vector<16xf32>
        %swap3A_284 = arith.index_cast %select_n3A_112 : i32 to index
        %swap3A_285 = arith.index_cast %add3A_265 : i32 to index
        %swap3A_286 = arith.constant 16 : index
        %swap3A_287 = tpu.vector_load %arg11[%swap3A_284, %swap3A_285, %swap3A_286] {strides = array<i32>} : memref<8x80x64xf32, #tpu.memory_space<vmem>>, vector<1x1x16xf32>,
        %swap3A_288 = vector.shape_cast %swap3A_287 : vector<1x1x16xf32> to vector<16xf32>
        %swap3A_289 = vector.shape_cast %mul3A_283 : vector<16xf32> to vector<1x1x16xf32>
        tpu.vector_store %arg11[%swap3A_284, %swap3A_285, %swap3A_286], %swap3A_289 {strides = array<i32>} : memref<8x80x64xf32, #tpu.memory_space<vmem>>, vector<1x1x16xf32>,
        %get3A_290 = arith.index_cast %select_n3A_112 : i32 to index
        %get3A_291 = arith.index_cast %add3A_265 : i32 to index
        %get3A_292 = arith.constant 32 : index
        %get3A_293 = tpu.vector_load %arg11[%get3A_290, %get3A_291, %get3A_292] {strides = array<i32>} : memref<8x80x64xf32, #tpu.memory_space<vmem>>, vector<1x1x16xf32>,
        %get3A_294 = vector.shape_cast %get3A_293 : vector<1x1x16xf32> to vector<16xf32>
        %mul3A_295 = arith.mulf %get3A_294, %broadcast_in_dim3A_261 : vector<16xf32>
        %swap3A_296 = arith.index_cast %select_n3A_112 : i32 to index
        %swap3A_297 = arith.index_cast %add3A_265 : i32 to index
        %swap3A_298 = arith.constant 32 : index
        %swap3A_299 = tpu.vector_load %arg11[%swap3A_296, %swap3A_297, %swap3A_298] {strides = array<i32>} : memref<8x80x64xf32, #tpu.memory_space<vmem>>, vector<1x1x16xf32>,
        %swap3A_300 = vector.shape_cast %swap3A_299 : vector<1x1x16xf32> to vector<16xf32>
        %swap3A_301 = vector.shape_cast %mul3A_295 : vector<16xf32> to vector<1x1x16xf32>
        tpu.vector_store %arg11[%swap3A_296, %swap3A_297, %swap3A_298], %swap3A_301 {strides = array<i32>} : memref<8x80x64xf32, #tpu.memory_space<vmem>>, vector<1x1x16xf32>,
        %get3A_302 = arith.index_cast %select_n3A_112 : i32 to index
        %get3A_303 = arith.index_cast %add3A_265 : i32 to index
        %get3A_304 = arith.constant 48 : index
        %get3A_305 = tpu.vector_load %arg11[%get3A_302, %get3A_303, %get3A_304] {strides = array<i32>} : memref<8x80x64xf32, #tpu.memory_space<vmem>>, vector<1x1x16xf32>,
        %get3A_306 = vector.shape_cast %get3A_305 : vector<1x1x16xf32> to vector<16xf32>
        %mul3A_307 = arith.mulf %get3A_306, %broadcast_in_dim3A_261 : vector<16xf32>
        %swap3A_308 = arith.index_cast %select_n3A_112 : i32 to index
        %swap3A_309 = arith.index_cast %add3A_265 : i32 to index
        %swap3A_310 = arith.constant 48 : index
        %swap3A_311 = tpu.vector_load %arg11[%swap3A_308, %swap3A_309, %swap3A_310] {strides = array<i32>} : memref<8x80x64xf32, #tpu.memory_space<vmem>>, vector<1x1x16xf32>,
        %swap3A_312 = vector.shape_cast %swap3A_311 : vector<1x1x16xf32> to vector<16xf32>
        %swap3A_313 = vector.shape_cast %mul3A_307 : vector<16xf32> to vector<1x1x16xf32>
        tpu.vector_store %arg11[%swap3A_308, %swap3A_309, %swap3A_310], %swap3A_313 {strides = array<i32>} : memref<8x80x64xf32, #tpu.memory_space<vmem>>, vector<1x1x16xf32>,
        %slice3A_314 = vector.extract_strided_slice %get3A_152 {offsets = [3], sizes = [1], strides = [1]} : vector<16xf32> to vector<1xf32>
        %squeeze3A_315 = vector.extract %slice3A_314[0] : f32 from vector<1xf32>
        %broadcast_in_dim3A_316 = vector.broadcast %squeeze3A_315 : f32 to vector<16xf32>
        %mul3A_317 = arith.constant 16 : i32
        %mul3A_318 = arith.muli %scan3A_147, %mul3A_317 : i32
        %add3A_319 = arith.constant 3 : i32
        %add3A_320 = arith.addi %mul3A_318, %add3A_319 : i32
        %get3A_321 = arith.index_cast %select_n3A_112 : i32 to index
        %get3A_322 = arith.index_cast %add3A_320 : i32 to index
        %get3A_323 = arith.constant 0 : index
        %get3A_324 = tpu.vector_load %arg11[%get3A_321, %get3A_322, %get3A_323] {strides = array<i32>} : memref<8x80x64xf32, #tpu.memory_space<vmem>>, vector<1x1x16xf32>,
        %get3A_325 = vector.shape_cast %get3A_324 : vector<1x1x16xf32> to vector<16xf32>
        %mul3A_326 = arith.mulf %get3A_325, %broadcast_in_dim3A_316 : vector<16xf32>
        %swap3A_327 = arith.index_cast %select_n3A_112 : i32 to index
        %swap3A_328 = arith.index_cast %add3A_320 : i32 to index
        %swap3A_329 = arith.constant 0 : index
        %swap3A_330 = tpu.vector_load %arg11[%swap3A_327, %swap3A_328, %swap3A_329] {strides = array<i32>} : memref<8x80x64xf32, #tpu.memory_space<vmem>>, vector<1x1x16xf32>,
        %swap3A_331 = vector.shape_cast %swap3A_330 : vector<1x1x16xf32> to vector<16xf32>
        %swap3A_332 = vector.shape_cast %mul3A_326 : vector<16xf32> to vector<1x1x16xf32>
        tpu.vector_store %arg11[%swap3A_327, %swap3A_328, %swap3A_329], %swap3A_332 {strides = array<i32>} : memref<8x80x64xf32, #tpu.memory_space<vmem>>, vector<1x1x16xf32>,
        %get3A_333 = arith.index_cast %select_n3A_112 : i32 to index
        %get3A_334 = arith.index_cast %add3A_320 : i32 to index
        %get3A_335 = arith.constant 16 : index
        %get3A_336 = tpu.vector_load %arg11[%get3A_333, %get3A_334, %get3A_335] {strides = array<i32>} : memref<8x80x64xf32, #tpu.memory_space<vmem>>, vector<1x1x16xf32>,
        %get3A_337 = vector.shape_cast %get3A_336 : vector<1x1x16xf32> to vector<16xf32>
        %mul3A_338 = arith.mulf %get3A_337, %broadcast_in_dim3A_316 : vector<16xf32>
        %swap3A_339 = arith.index_cast %select_n3A_112 : i32 to index
        %swap3A_340 = arith.index_cast %add3A_320 : i32 to index
        %swap3A_341 = arith.constant 16 : index
        %swap3A_342 = tpu.vector_load %arg11[%swap3A_339, %swap3A_340, %swap3A_341] {strides = array<i32>} : memref<8x80x64xf32, #tpu.memory_space<vmem>>, vector<1x1x16xf32>,
        %swap3A_343 = vector.shape_cast %swap3A_342 : vector<1x1x16xf32> to vector<16xf32>
        %swap3A_344 = vector.shape_cast %mul3A_338 : vector<16xf32> to vector<1x1x16xf32>
        tpu.vector_store %arg11[%swap3A_339, %swap3A_340, %swap3A_341], %swap3A_344 {strides = array<i32>} : memref<8x80x64xf32, #tpu.memory_space<vmem>>, vector<1x1x16xf32>,
        %get3A_345 = arith.index_cast %select_n3A_112 : i32 to index
        %get3A_346 = arith.index_cast %add3A_320 : i32 to index
        %get3A_347 = arith.constant 32 : index
        %get3A_348 = tpu.vector_load %arg11[%get3A_345, %get3A_346, %get3A_347] {strides = array<i32>} : memref<8x80x64xf32, #tpu.memory_space<vmem>>, vector<1x1x16xf32>,
        %get3A_349 = vector.shape_cast %get3A_348 : vector<1x1x16xf32> to vector<16xf32>
        %mul3A_350 = arith.mulf %get3A_349, %broadcast_in_dim3A_316 : vector<16xf32>
        %swap3A_351 = arith.index_cast %select_n3A_112 : i32 to index
        %swap3A_352 = arith.index_cast %add3A_320 : i32 to index
        %swap3A_353 = arith.constant 32 : index
        %swap3A_354 = tpu.vector_load %arg11[%swap3A_351, %swap3A_352, %swap3A_353] {strides = array<i32>} : memref<8x80x64xf32, #tpu.memory_space<vmem>>, vector<1x1x16xf32>,
        %swap3A_355 = vector.shape_cast %swap3A_354 : vector<1x1x16xf32> to vector<16xf32>
        %swap3A_356 = vector.shape_cast %mul3A_350 : vector<16xf32> to vector<1x1x16xf32>
        tpu.vector_store %arg11[%swap3A_351, %swap3A_352, %swap3A_353], %swap3A_356 {strides = array<i32>} : memref<8x80x64xf32, #tpu.memory_space<vmem>>, vector<1x1x16xf32>,
        %get3A_357 = arith.index_cast %select_n3A_112 : i32 to index
        %get3A_358 = arith.index_cast %add3A_320 : i32 to index
        %get3A_359 = arith.constant 48 : index
        %get3A_360 = tpu.vector_load %arg11[%get3A_357, %get3A_358, %get3A_359] {strides = array<i32>} : memref<8x80x64xf32, #tpu.memory_space<vmem>>, vector<1x1x16xf32>,
        %get3A_361 = vector.shape_cast %get3A_360 : vector<1x1x16xf32> to vector<16xf32>
        %mul3A_362 = arith.mulf %get3A_361, %broadcast_in_dim3A_316 : vector<16xf32>
        %swap3A_363 = arith.index_cast %select_n3A_112 : i32 to index
        %swap3A_364 = arith.index_cast %add3A_320 : i32 to index
        %swap3A_365 = arith.constant 48 : index
        %swap3A_366 = tpu.vector_load %arg11[%swap3A_363, %swap3A_364, %swap3A_365] {strides = array<i32>} : memref<8x80x64xf32, #tpu.memory_space<vmem>>, vector<1x1x16xf32>,
        %swap3A_367 = vector.shape_cast %swap3A_366 : vector<1x1x16xf32> to vector<16xf32>
        %swap3A_368 = vector.shape_cast %mul3A_362 : vector<16xf32> to vector<1x1x16xf32>
        tpu.vector_store %arg11[%swap3A_363, %swap3A_364, %swap3A_365], %swap3A_368 {strides = array<i32>} : memref<8x80x64xf32, #tpu.memory_space<vmem>>, vector<1x1x16xf32>,
        %slice3A_369 = vector.extract_strided_slice %get3A_152 {offsets = [4], sizes = [1], strides = [1]} : vector<16xf32> to vector<1xf32>
        %squeeze3A_370 = vector.extract %slice3A_369[0] : f32 from vector<1xf32>
        %broadcast_in_dim3A_371 = vector.broadcast %squeeze3A_370 : f32 to vector<16xf32>
        %mul3A_372 = arith.constant 16 : i32
        %mul3A_373 = arith.muli %scan3A_147, %mul3A_372 : i32
        %add3A_374 = arith.constant 4 : i32
        %add3A_375 = arith.addi %mul3A_373, %add3A_374 : i32
        %get3A_376 = arith.index_cast %select_n3A_112 : i32 to index
        %get3A_377 = arith.index_cast %add3A_375 : i32 to index
        %get3A_378 = arith.constant 0 : index
        %get3A_379 = tpu.vector_load %arg11[%get3A_376, %get3A_377, %get3A_378] {strides = array<i32>} : memref<8x80x64xf32, #tpu.memory_space<vmem>>, vector<1x1x16xf32>,
        %get3A_380 = vector.shape_cast %get3A_379 : vector<1x1x16xf32> to vector<16xf32>
        %mul3A_381 = arith.mulf %get3A_380, %broadcast_in_dim3A_371 : vector<16xf32>
        %swap3A_382 = arith.index_cast %select_n3A_112 : i32 to index
        %swap3A_383 = arith.index_cast %add3A_375 : i32 to index
        %swap3A_384 = arith.constant 0 : index
        %swap3A_385 = tpu.vector_load %arg11[%swap3A_382, %swap3A_383, %swap3A_384] {strides = array<i32>} : memref<8x80x64xf32, #tpu.memory_space<vmem>>, vector<1x1x16xf32>,
        %swap3A_386 = vector.shape_cast %swap3A_385 : vector<1x1x16xf32> to vector<16xf32>
        %swap3A_387 = vector.shape_cast %mul3A_381 : vector<16xf32> to vector<1x1x16xf32>
        tpu.vector_store %arg11[%swap3A_382, %swap3A_383, %swap3A_384], %swap3A_387 {strides = array<i32>} : memref<8x80x64xf32, #tpu.memory_space<vmem>>, vector<1x1x16xf32>,
        %get3A_388 = arith.index_cast %select_n3A_112 : i32 to index
        %get3A_389 = arith.index_cast %add3A_375 : i32 to index
        %get3A_390 = arith.constant 16 : index
        %get3A_391 = tpu.vector_load %arg11[%get3A_388, %get3A_389, %get3A_390] {strides = array<i32>} : memref<8x80x64xf32, #tpu.memory_space<vmem>>, vector<1x1x16xf32>,
        %get3A_392 = vector.shape_cast %get3A_391 : vector<1x1x16xf32> to vector<16xf32>
        %mul3A_393 = arith.mulf %get3A_392, %broadcast_in_dim3A_371 : vector<16xf32>
        %swap3A_394 = arith.index_cast %select_n3A_112 : i32 to index
        %swap3A_395 = arith.index_cast %add3A_375 : i32 to index
        %swap3A_396 = arith.constant 16 : index
        %swap3A_397 = tpu.vector_load %arg11[%swap3A_394, %swap3A_395, %swap3A_396] {strides = array<i32>} : memref<8x80x64xf32, #tpu.memory_space<vmem>>, vector<1x1x16xf32>,
        %swap3A_398 = vector.shape_cast %swap3A_397 : vector<1x1x16xf32> to vector<16xf32>
        %swap3A_399 = vector.shape_cast %mul3A_393 : vector<16xf32> to vector<1x1x16xf32>
        tpu.vector_store %arg11[%swap3A_394, %swap3A_395, %swap3A_396], %swap3A_399 {strides = array<i32>} : memref<8x80x64xf32, #tpu.memory_space<vmem>>, vector<1x1x16xf32>,
        %get3A_400 = arith.index_cast %select_n3A_112 : i32 to index
        %get3A_401 = arith.index_cast %add3A_375 : i32 to index
        %get3A_402 = arith.constant 32 : index
        %get3A_403 = tpu.vector_load %arg11[%get3A_400, %get3A_401, %get3A_402] {strides = array<i32>} : memref<8x80x64xf32, #tpu.memory_space<vmem>>, vector<1x1x16xf32>,
        %get3A_404 = vector.shape_cast %get3A_403 : vector<1x1x16xf32> to vector<16xf32>
        %mul3A_405 = arith.mulf %get3A_404, %broadcast_in_dim3A_371 : vector<16xf32>
        %swap3A_406 = arith.index_cast %select_n3A_112 : i32 to index
        %swap3A_407 = arith.index_cast %add3A_375 : i32 to index
        %swap3A_408 = arith.constant 32 : index
        %swap3A_409 = tpu.vector_load %arg11[%swap3A_406, %swap3A_407, %swap3A_408] {strides = array<i32>} : memref<8x80x64xf32, #tpu.memory_space<vmem>>, vector<1x1x16xf32>,
        %swap3A_410 = vector.shape_cast %swap3A_409 : vector<1x1x16xf32> to vector<16xf32>
        %swap3A_411 = vector.shape_cast %mul3A_405 : vector<16xf32> to vector<1x1x16xf32>
        tpu.vector_store %arg11[%swap3A_406, %swap3A_407, %swap3A_408], %swap3A_411 {strides = array<i32>} : memref<8x80x64xf32, #tpu.memory_space<vmem>>, vector<1x1x16xf32>,
        %get3A_412 = arith.index_cast %select_n3A_112 : i32 to index
        %get3A_413 = arith.index_cast %add3A_375 : i32 to index
        %get3A_414 = arith.constant 48 : index
        %get3A_415 = tpu.vector_load %arg11[%get3A_412, %get3A_413, %get3A_414] {strides = array<i32>} : memref<8x80x64xf32, #tpu.memory_space<vmem>>, vector<1x1x16xf32>,
        %get3A_416 = vector.shape_cast %get3A_415 : vector<1x1x16xf32> to vector<16xf32>
        %mul3A_417 = arith.mulf %get3A_416, %broadcast_in_dim3A_371 : vector<16xf32>
        %swap3A_418 = arith.index_cast %select_n3A_112 : i32 to index
        %swap3A_419 = arith.index_cast %add3A_375 : i32 to index
        %swap3A_420 = arith.constant 48 : index
        %swap3A_421 = tpu.vector_load %arg11[%swap3A_418, %swap3A_419, %swap3A_420] {strides = array<i32>} : memref<8x80x64xf32, #tpu.memory_space<vmem>>, vector<1x1x16xf32>,
        %swap3A_422 = vector.shape_cast %swap3A_421 : vector<1x1x16xf32> to vector<16xf32>
        %swap3A_423 = vector.shape_cast %mul3A_417 : vector<16xf32> to vector<1x1x16xf32>
        tpu.vector_store %arg11[%swap3A_418, %swap3A_419, %swap3A_420], %swap3A_423 {strides = array<i32>} : memref<8x80x64xf32, #tpu.memory_space<vmem>>, vector<1x1x16xf32>,
        %slice3A_424 = vector.extract_strided_slice %get3A_152 {offsets = [5], sizes = [1], strides = [1]} : vector<16xf32> to vector<1xf32>
        %squeeze3A_425 = vector.extract %slice3A_424[0] : f32 from vector<1xf32>
        %broadcast_in_dim3A_426 = vector.broadcast %squeeze3A_425 : f32 to vector<16xf32>
        %mul3A_427 = arith.constant 16 : i32
        %mul3A_428 = arith.muli %scan3A_147, %mul3A_427 : i32
        %add3A_429 = arith.constant 5 : i32
        %add3A_430 = arith.addi %mul3A_428, %add3A_429 : i32
        %get3A_431 = arith.index_cast %select_n3A_112 : i32 to index
        %get3A_432 = arith.index_cast %add3A_430 : i32 to index
        %get3A_433 = arith.constant 0 : index
        %get3A_434 = tpu.vector_load %arg11[%get3A_431, %get3A_432, %get3A_433] {strides = array<i32>} : memref<8x80x64xf32, #tpu.memory_space<vmem>>, vector<1x1x16xf32>,
        %get3A_435 = vector.shape_cast %get3A_434 : vector<1x1x16xf32> to vector<16xf32>
        %mul3A_436 = arith.mulf %get3A_435, %broadcast_in_dim3A_426 : vector<16xf32>
        %swap3A_437 = arith.index_cast %select_n3A_112 : i32 to index
        %swap3A_438 = arith.index_cast %add3A_430 : i32 to index
        %swap3A_439 = arith.constant 0 : index
        %swap3A_440 = tpu.vector_load %arg11[%swap3A_437, %swap3A_438, %swap3A_439] {strides = array<i32>} : memref<8x80x64xf32, #tpu.memory_space<vmem>>, vector<1x1x16xf32>,
        %swap3A_441 = vector.shape_cast %swap3A_440 : vector<1x1x16xf32> to vector<16xf32>
        %swap3A_442 = vector.shape_cast %mul3A_436 : vector<16xf32> to vector<1x1x16xf32>
        tpu.vector_store %arg11[%swap3A_437, %swap3A_438, %swap3A_439], %swap3A_442 {strides = array<i32>} : memref<8x80x64xf32, #tpu.memory_space<vmem>>, vector<1x1x16xf32>,
        %get3A_443 = arith.index_cast %select_n3A_112 : i32 to index
        %get3A_444 = arith.index_cast %add3A_430 : i32 to index
        %get3A_445 = arith.constant 16 : index
        %get3A_446 = tpu.vector_load %arg11[%get3A_443, %get3A_444, %get3A_445] {strides = array<i32>} : memref<8x80x64xf32, #tpu.memory_space<vmem>>, vector<1x1x16xf32>,
        %get3A_447 = vector.shape_cast %get3A_446 : vector<1x1x16xf32> to vector<16xf32>
        %mul3A_448 = arith.mulf %get3A_447, %broadcast_in_dim3A_426 : vector<16xf32>
        %swap3A_449 = arith.index_cast %select_n3A_112 : i32 to index
        %swap3A_450 = arith.index_cast %add3A_430 : i32 to index
        %swap3A_451 = arith.constant 16 : index
        %swap3A_452 = tpu.vector_load %arg11[%swap3A_449, %swap3A_450, %swap3A_451] {strides = array<i32>} : memref<8x80x64xf32, #tpu.memory_space<vmem>>, vector<1x1x16xf32>,
        %swap3A_453 = vector.shape_cast %swap3A_452 : vector<1x1x16xf32> to vector<16xf32>
        %swap3A_454 = vector.shape_cast %mul3A_448 : vector<16xf32> to vector<1x1x16xf32>
        tpu.vector_store %arg11[%swap3A_449, %swap3A_450, %swap3A_451], %swap3A_454 {strides = array<i32>} : memref<8x80x64xf32, #tpu.memory_space<vmem>>, vector<1x1x16xf32>,
        %get3A_455 = arith.index_cast %select_n3A_112 : i32 to index
        %get3A_456 = arith.index_cast %add3A_430 : i32 to index
        %get3A_457 = arith.constant 32 : index
        %get3A_458 = tpu.vector_load %arg11[%get3A_455, %get3A_456, %get3A_457] {strides = array<i32>} : memref<8x80x64xf32, #tpu.memory_space<vmem>>, vector<1x1x16xf32>,
        %get3A_459 = vector.shape_cast %get3A_458 : vector<1x1x16xf32> to vector<16xf32>
        %mul3A_460 = arith.mulf %get3A_459, %broadcast_in_dim3A_426 : vector<16xf32>
        %swap3A_461 = arith.index_cast %select_n3A_112 : i32 to index
        %swap3A_462 = arith.index_cast %add3A_430 : i32 to index
        %swap3A_463 = arith.constant 32 : index
        %swap3A_464 = tpu.vector_load %arg11[%swap3A_461, %swap3A_462, %swap3A_463] {strides = array<i32>} : memref<8x80x64xf32, #tpu.memory_space<vmem>>, vector<1x1x16xf32>,
        %swap3A_465 = vector.shape_cast %swap3A_464 : vector<1x1x16xf32> to vector<16xf32>
        %swap3A_466 = vector.shape_cast %mul3A_460 : vector<16xf32> to vector<1x1x16xf32>
        tpu.vector_store %arg11[%swap3A_461, %swap3A_462, %swap3A_463], %swap3A_466 {strides = array<i32>} : memref<8x80x64xf32, #tpu.memory_space<vmem>>, vector<1x1x16xf32>,
        %get3A_467 = arith.index_cast %select_n3A_112 : i32 to index
        %get3A_468 = arith.index_cast %add3A_430 : i32 to index
        %get3A_469 = arith.constant 48 : index
        %get3A_470 = tpu.vector_load %arg11[%get3A_467, %get3A_468, %get3A_469] {strides = array<i32>} : memref<8x80x64xf32, #tpu.memory_space<vmem>>, vector<1x1x16xf32>,
        %get3A_471 = vector.shape_cast %get3A_470 : vector<1x1x16xf32> to vector<16xf32>
        %mul3A_472 = arith.mulf %get3A_471, %broadcast_in_dim3A_426 : vector<16xf32>
        %swap3A_473 = arith.index_cast %select_n3A_112 : i32 to index
        %swap3A_474 = arith.index_cast %add3A_430 : i32 to index
        %swap3A_475 = arith.constant 48 : index
        %swap3A_476 = tpu.vector_load %arg11[%swap3A_473, %swap3A_474, %swap3A_475] {strides = array<i32>} : memref<8x80x64xf32, #tpu.memory_space<vmem>>, vector<1x1x16xf32>,
        %swap3A_477 = vector.shape_cast %swap3A_476 : vector<1x1x16xf32> to vector<16xf32>
        %swap3A_478 = vector.shape_cast %mul3A_472 : vector<16xf32> to vector<1x1x16xf32>
        tpu.vector_store %arg11[%swap3A_473, %swap3A_474, %swap3A_475], %swap3A_478 {strides = array<i32>} : memref<8x80x64xf32, #tpu.memory_space<vmem>>, vector<1x1x16xf32>,
        %slice3A_479 = vector.extract_strided_slice %get3A_152 {offsets = [6], sizes = [1], strides = [1]} : vector<16xf32> to vector<1xf32>
        %squeeze3A_480 = vector.extract %slice3A_479[0] : f32 from vector<1xf32>
        %broadcast_in_dim3A_481 = vector.broadcast %squeeze3A_480 : f32 to vector<16xf32>
        %mul3A_482 = arith.constant 16 : i32
        %mul3A_483 = arith.muli %scan3A_147, %mul3A_482 : i32
        %add3A_484 = arith.constant 6 : i32
        %add3A_485 = arith.addi %mul3A_483, %add3A_484 : i32
        %get3A_486 = arith.index_cast %select_n3A_112 : i32 to index
        %get3A_487 = arith.index_cast %add3A_485 : i32 to index
        %get3A_488 = arith.constant 0 : index
        %get3A_489 = tpu.vector_load %arg11[%get3A_486, %get3A_487, %get3A_488] {strides = array<i32>} : memref<8x80x64xf32, #tpu.memory_space<vmem>>, vector<1x1x16xf32>,
        %get3A_490 = vector.shape_cast %get3A_489 : vector<1x1x16xf32> to vector<16xf32>
        %mul3A_491 = arith.mulf %get3A_490, %broadcast_in_dim3A_481 : vector<16xf32>
        %swap3A_492 = arith.index_cast %select_n3A_112 : i32 to index
        %swap3A_493 = arith.index_cast %add3A_485 : i32 to index
        %swap3A_494 = arith.constant 0 : index
        %swap3A_495 = tpu.vector_load %arg11[%swap3A_492, %swap3A_493, %swap3A_494] {strides = array<i32>} : memref<8x80x64xf32, #tpu.memory_space<vmem>>, vector<1x1x16xf32>,
        %swap3A_496 = vector.shape_cast %swap3A_495 : vector<1x1x16xf32> to vector<16xf32>
        %swap3A_497 = vector.shape_cast %mul3A_491 : vector<16xf32> to vector<1x1x16xf32>
        tpu.vector_store %arg11[%swap3A_492, %swap3A_493, %swap3A_494], %swap3A_497 {strides = array<i32>} : memref<8x80x64xf32, #tpu.memory_space<vmem>>, vector<1x1x16xf32>,
        %get3A_498 = arith.index_cast %select_n3A_112 : i32 to index
        %get3A_499 = arith.index_cast %add3A_485 : i32 to index
        %get3A_500 = arith.constant 16 : index
        %get3A_501 = tpu.vector_load %arg11[%get3A_498, %get3A_499, %get3A_500] {strides = array<i32>} : memref<8x80x64xf32, #tpu.memory_space<vmem>>, vector<1x1x16xf32>,
        %get3A_502 = vector.shape_cast %get3A_501 : vector<1x1x16xf32> to vector<16xf32>
        %mul3A_503 = arith.mulf %get3A_502, %broadcast_in_dim3A_481 : vector<16xf32>
        %swap3A_504 = arith.index_cast %select_n3A_112 : i32 to index
        %swap3A_505 = arith.index_cast %add3A_485 : i32 to index
        %swap3A_506 = arith.constant 16 : index
        %swap3A_507 = tpu.vector_load %arg11[%swap3A_504, %swap3A_505, %swap3A_506] {strides = array<i32>} : memref<8x80x64xf32, #tpu.memory_space<vmem>>, vector<1x1x16xf32>,
        %swap3A_508 = vector.shape_cast %swap3A_507 : vector<1x1x16xf32> to vector<16xf32>
        %swap3A_509 = vector.shape_cast %mul3A_503 : vector<16xf32> to vector<1x1x16xf32>
        tpu.vector_store %arg11[%swap3A_504, %swap3A_505, %swap3A_506], %swap3A_509 {strides = array<i32>} : memref<8x80x64xf32, #tpu.memory_space<vmem>>, vector<1x1x16xf32>,
        %get3A_510 = arith.index_cast %select_n3A_112 : i32 to index
        %get3A_511 = arith.index_cast %add3A_485 : i32 to index
        %get3A_512 = arith.constant 32 : index
        %get3A_513 = tpu.vector_load %arg11[%get3A_510, %get3A_511, %get3A_512] {strides = array<i32>} : memref<8x80x64xf32, #tpu.memory_space<vmem>>, vector<1x1x16xf32>,
        %get3A_514 = vector.shape_cast %get3A_513 : vector<1x1x16xf32> to vector<16xf32>
        %mul3A_515 = arith.mulf %get3A_514, %broadcast_in_dim3A_481 : vector<16xf32>
        %swap3A_516 = arith.index_cast %select_n3A_112 : i32 to index
        %swap3A_517 = arith.index_cast %add3A_485 : i32 to index
        %swap3A_518 = arith.constant 32 : index
        %swap3A_519 = tpu.vector_load %arg11[%swap3A_516, %swap3A_517, %swap3A_518] {strides = array<i32>} : memref<8x80x64xf32, #tpu.memory_space<vmem>>, vector<1x1x16xf32>,
        %swap3A_520 = vector.shape_cast %swap3A_519 : vector<1x1x16xf32> to vector<16xf32>
        %swap3A_521 = vector.shape_cast %mul3A_515 : vector<16xf32> to vector<1x1x16xf32>
        tpu.vector_store %arg11[%swap3A_516, %swap3A_517, %swap3A_518], %swap3A_521 {strides = array<i32>} : memref<8x80x64xf32, #tpu.memory_space<vmem>>, vector<1x1x16xf32>,
        %get3A_522 = arith.index_cast %select_n3A_112 : i32 to index
        %get3A_523 = arith.index_cast %add3A_485 : i32 to index
        %get3A_524 = arith.constant 48 : index
        %get3A_525 = tpu.vector_load %arg11[%get3A_522, %get3A_523, %get3A_524] {strides = array<i32>} : memref<8x80x64xf32, #tpu.memory_space<vmem>>, vector<1x1x16xf32>,
        %get3A_526 = vector.shape_cast %get3A_525 : vector<1x1x16xf32> to vector<16xf32>
        %mul3A_527 = arith.mulf %get3A_526, %broadcast_in_dim3A_481 : vector<16xf32>
        %swap3A_528 = arith.index_cast %select_n3A_112 : i32 to index
        %swap3A_529 = arith.index_cast %add3A_485 : i32 to index
        %swap3A_530 = arith.constant 48 : index
        %swap3A_531 = tpu.vector_load %arg11[%swap3A_528, %swap3A_529, %swap3A_530] {strides = array<i32>} : memref<8x80x64xf32, #tpu.memory_space<vmem>>, vector<1x1x16xf32>,
        %swap3A_532 = vector.shape_cast %swap3A_531 : vector<1x1x16xf32> to vector<16xf32>
        %swap3A_533 = vector.shape_cast %mul3A_527 : vector<16xf32> to vector<1x1x16xf32>
        tpu.vector_store %arg11[%swap3A_528, %swap3A_529, %swap3A_530], %swap3A_533 {strides = array<i32>} : memref<8x80x64xf32, #tpu.memory_space<vmem>>, vector<1x1x16xf32>,
        %slice3A_534 = vector.extract_strided_slice %get3A_152 {offsets = [7], sizes = [1], strides = [1]} : vector<16xf32> to vector<1xf32>
        %squeeze3A_535 = vector.extract %slice3A_534[0] : f32 from vector<1xf32>
        %broadcast_in_dim3A_536 = vector.broadcast %squeeze3A_535 : f32 to vector<16xf32>
        %mul3A_537 = arith.constant 16 : i32
        %mul3A_538 = arith.muli %scan3A_147, %mul3A_537 : i32
        %add3A_539 = arith.constant 7 : i32
        %add3A_540 = arith.addi %mul3A_538, %add3A_539 : i32
        %get3A_541 = arith.index_cast %select_n3A_112 : i32 to index
        %get3A_542 = arith.index_cast %add3A_540 : i32 to index
        %get3A_543 = arith.constant 0 : index
        %get3A_544 = tpu.vector_load %arg11[%get3A_541, %get3A_542, %get3A_543] {strides = array<i32>} : memref<8x80x64xf32, #tpu.memory_space<vmem>>, vector<1x1x16xf32>,
        %get3A_545 = vector.shape_cast %get3A_544 : vector<1x1x16xf32> to vector<16xf32>
        %mul3A_546 = arith.mulf %get3A_545, %broadcast_in_dim3A_536 : vector<16xf32>
        %swap3A_547 = arith.index_cast %select_n3A_112 : i32 to index
        %swap3A_548 = arith.index_cast %add3A_540 : i32 to index
        %swap3A_549 = arith.constant 0 : index
        %swap3A_550 = tpu.vector_load %arg11[%swap3A_547, %swap3A_548, %swap3A_549] {strides = array<i32>} : memref<8x80x64xf32, #tpu.memory_space<vmem>>, vector<1x1x16xf32>,
        %swap3A_551 = vector.shape_cast %swap3A_550 : vector<1x1x16xf32> to vector<16xf32>
        %swap3A_552 = vector.shape_cast %mul3A_546 : vector<16xf32> to vector<1x1x16xf32>
        tpu.vector_store %arg11[%swap3A_547, %swap3A_548, %swap3A_549], %swap3A_552 {strides = array<i32>} : memref<8x80x64xf32, #tpu.memory_space<vmem>>, vector<1x1x16xf32>,
        %get3A_553 = arith.index_cast %select_n3A_112 : i32 to index
        %get3A_554 = arith.index_cast %add3A_540 : i32 to index
        %get3A_555 = arith.constant 16 : index
        %get3A_556 = tpu.vector_load %arg11[%get3A_553, %get3A_554, %get3A_555] {strides = array<i32>} : memref<8x80x64xf32, #tpu.memory_space<vmem>>, vector<1x1x16xf32>,
        %get3A_557 = vector.shape_cast %get3A_556 : vector<1x1x16xf32> to vector<16xf32>
        %mul3A_558 = arith.mulf %get3A_557, %broadcast_in_dim3A_536 : vector<16xf32>
        %swap3A_559 = arith.index_cast %select_n3A_112 : i32 to index
        %swap3A_560 = arith.index_cast %add3A_540 : i32 to index
        %swap3A_561 = arith.constant 16 : index
        %swap3A_562 = tpu.vector_load %arg11[%swap3A_559, %swap3A_560, %swap3A_561] {strides = array<i32>} : memref<8x80x64xf32, #tpu.memory_space<vmem>>, vector<1x1x16xf32>,
        %swap3A_563 = vector.shape_cast %swap3A_562 : vector<1x1x16xf32> to vector<16xf32>
        %swap3A_564 = vector.shape_cast %mul3A_558 : vector<16xf32> to vector<1x1x16xf32>
        tpu.vector_store %arg11[%swap3A_559, %swap3A_560, %swap3A_561], %swap3A_564 {strides = array<i32>} : memref<8x80x64xf32, #tpu.memory_space<vmem>>, vector<1x1x16xf32>,
        %get3A_565 = arith.index_cast %select_n3A_112 : i32 to index
        %get3A_566 = arith.index_cast %add3A_540 : i32 to index
        %get3A_567 = arith.constant 32 : index
        %get3A_568 = tpu.vector_load %arg11[%get3A_565, %get3A_566, %get3A_567] {strides = array<i32>} : memref<8x80x64xf32, #tpu.memory_space<vmem>>, vector<1x1x16xf32>,
        %get3A_569 = vector.shape_cast %get3A_568 : vector<1x1x16xf32> to vector<16xf32>
        %mul3A_570 = arith.mulf %get3A_569, %broadcast_in_dim3A_536 : vector<16xf32>
        %swap3A_571 = arith.index_cast %select_n3A_112 : i32 to index
        %swap3A_572 = arith.index_cast %add3A_540 : i32 to index
        %swap3A_573 = arith.constant 32 : index
        %swap3A_574 = tpu.vector_load %arg11[%swap3A_571, %swap3A_572, %swap3A_573] {strides = array<i32>} : memref<8x80x64xf32, #tpu.memory_space<vmem>>, vector<1x1x16xf32>,
        %swap3A_575 = vector.shape_cast %swap3A_574 : vector<1x1x16xf32> to vector<16xf32>
        %swap3A_576 = vector.shape_cast %mul3A_570 : vector<16xf32> to vector<1x1x16xf32>
        tpu.vector_store %arg11[%swap3A_571, %swap3A_572, %swap3A_573], %swap3A_576 {strides = array<i32>} : memref<8x80x64xf32, #tpu.memory_space<vmem>>, vector<1x1x16xf32>,
        %get3A_577 = arith.index_cast %select_n3A_112 : i32 to index
        %get3A_578 = arith.index_cast %add3A_540 : i32 to index
        %get3A_579 = arith.constant 48 : index
        %get3A_580 = tpu.vector_load %arg11[%get3A_577, %get3A_578, %get3A_579] {strides = array<i32>} : memref<8x80x64xf32, #tpu.memory_space<vmem>>, vector<1x1x16xf32>,
        %get3A_581 = vector.shape_cast %get3A_580 : vector<1x1x16xf32> to vector<16xf32>
        %mul3A_582 = arith.mulf %get3A_581, %broadcast_in_dim3A_536 : vector<16xf32>
        %swap3A_583 = arith.index_cast %select_n3A_112 : i32 to index
        %swap3A_584 = arith.index_cast %add3A_540 : i32 to index
        %swap3A_585 = arith.constant 48 : index
        %swap3A_586 = tpu.vector_load %arg11[%swap3A_583, %swap3A_584, %swap3A_585] {strides = array<i32>} : memref<8x80x64xf32, #tpu.memory_space<vmem>>, vector<1x1x16xf32>,
        %swap3A_587 = vector.shape_cast %swap3A_586 : vector<1x1x16xf32> to vector<16xf32>
        %swap3A_588 = vector.shape_cast %mul3A_582 : vector<16xf32> to vector<1x1x16xf32>
        tpu.vector_store %arg11[%swap3A_583, %swap3A_584, %swap3A_585], %swap3A_588 {strides = array<i32>} : memref<8x80x64xf32, #tpu.memory_space<vmem>>, vector<1x1x16xf32>,
        %slice3A_589 = vector.extract_strided_slice %get3A_152 {offsets = [8], sizes = [1], strides = [1]} : vector<16xf32> to vector<1xf32>
        %squeeze3A_590 = vector.extract %slice3A_589[0] : f32 from vector<1xf32>
        %broadcast_in_dim3A_591 = vector.broadcast %squeeze3A_590 : f32 to vector<16xf32>
        %mul3A_592 = arith.constant 16 : i32
        %mul3A_593 = arith.muli %scan3A_147, %mul3A_592 : i32
        %add3A_594 = arith.constant 8 : i32
        %add3A_595 = arith.addi %mul3A_593, %add3A_594 : i32
        %get3A_596 = arith.index_cast %select_n3A_112 : i32 to index
        %get3A_597 = arith.index_cast %add3A_595 : i32 to index
        %get3A_598 = arith.constant 0 : index
        %get3A_599 = tpu.vector_load %arg11[%get3A_596, %get3A_597, %get3A_598] {strides = array<i32>} : memref<8x80x64xf32, #tpu.memory_space<vmem>>, vector<1x1x16xf32>,
        %get3A_600 = vector.shape_cast %get3A_599 : vector<1x1x16xf32> to vector<16xf32>
        %mul3A_601 = arith.mulf %get3A_600, %broadcast_in_dim3A_591 : vector<16xf32>
        %swap3A_602 = arith.index_cast %select_n3A_112 : i32 to index
        %swap3A_603 = arith.index_cast %add3A_595 : i32 to index
        %swap3A_604 = arith.constant 0 : index
        %swap3A_605 = tpu.vector_load %arg11[%swap3A_602, %swap3A_603, %swap3A_604] {strides = array<i32>} : memref<8x80x64xf32, #tpu.memory_space<vmem>>, vector<1x1x16xf32>,
        %swap3A_606 = vector.shape_cast %swap3A_605 : vector<1x1x16xf32> to vector<16xf32>
        %swap3A_607 = vector.shape_cast %mul3A_601 : vector<16xf32> to vector<1x1x16xf32>
        tpu.vector_store %arg11[%swap3A_602, %swap3A_603, %swap3A_604], %swap3A_607 {strides = array<i32>} : memref<8x80x64xf32, #tpu.memory_space<vmem>>, vector<1x1x16xf32>,
        %get3A_608 = arith.index_cast %select_n3A_112 : i32 to index
        %get3A_609 = arith.index_cast %add3A_595 : i32 to index
        %get3A_610 = arith.constant 16 : index
        %get3A_611 = tpu.vector_load %arg11[%get3A_608, %get3A_609, %get3A_610] {strides = array<i32>} : memref<8x80x64xf32, #tpu.memory_space<vmem>>, vector<1x1x16xf32>,
        %get3A_612 = vector.shape_cast %get3A_611 : vector<1x1x16xf32> to vector<16xf32>
        %mul3A_613 = arith.mulf %get3A_612, %broadcast_in_dim3A_591 : vector<16xf32>
        %swap3A_614 = arith.index_cast %select_n3A_112 : i32 to index
        %swap3A_615 = arith.index_cast %add3A_595 : i32 to index
        %swap3A_616 = arith.constant 16 : index
        %swap3A_617 = tpu.vector_load %arg11[%swap3A_614, %swap3A_615, %swap3A_616] {strides = array<i32>} : memref<8x80x64xf32, #tpu.memory_space<vmem>>, vector<1x1x16xf32>,
        %swap3A_618 = vector.shape_cast %swap3A_617 : vector<1x1x16xf32> to vector<16xf32>
        %swap3A_619 = vector.shape_cast %mul3A_613 : vector<16xf32> to vector<1x1x16xf32>
        tpu.vector_store %arg11[%swap3A_614, %swap3A_615, %swap3A_616], %swap3A_619 {strides = array<i32>} : memref<8x80x64xf32, #tpu.memory_space<vmem>>, vector<1x1x16xf32>,
        %get3A_620 = arith.index_cast %select_n3A_112 : i32 to index
        %get3A_621 = arith.index_cast %add3A_595 : i32 to index
        %get3A_622 = arith.constant 32 : index
        %get3A_623 = tpu.vector_load %arg11[%get3A_620, %get3A_621, %get3A_622] {strides = array<i32>} : memref<8x80x64xf32, #tpu.memory_space<vmem>>, vector<1x1x16xf32>,
        %get3A_624 = vector.shape_cast %get3A_623 : vector<1x1x16xf32> to vector<16xf32>
        %mul3A_625 = arith.mulf %get3A_624, %broadcast_in_dim3A_591 : vector<16xf32>
        %swap3A_626 = arith.index_cast %select_n3A_112 : i32 to index
        %swap3A_627 = arith.index_cast %add3A_595 : i32 to index
        %swap3A_628 = arith.constant 32 : index
        %swap3A_629 = tpu.vector_load %arg11[%swap3A_626, %swap3A_627, %swap3A_628] {strides = array<i32>} : memref<8x80x64xf32, #tpu.memory_space<vmem>>, vector<1x1x16xf32>,
        %swap3A_630 = vector.shape_cast %swap3A_629 : vector<1x1x16xf32> to vector<16xf32>
        %swap3A_631 = vector.shape_cast %mul3A_625 : vector<16xf32> to vector<1x1x16xf32>
        tpu.vector_store %arg11[%swap3A_626, %swap3A_627, %swap3A_628], %swap3A_631 {strides = array<i32>} : memref<8x80x64xf32, #tpu.memory_space<vmem>>, vector<1x1x16xf32>,
        %get3A_632 = arith.index_cast %select_n3A_112 : i32 to index
        %get3A_633 = arith.index_cast %add3A_595 : i32 to index
        %get3A_634 = arith.constant 48 : index
        %get3A_635 = tpu.vector_load %arg11[%get3A_632, %get3A_633, %get3A_634] {strides = array<i32>} : memref<8x80x64xf32, #tpu.memory_space<vmem>>, vector<1x1x16xf32>,
        %get3A_636 = vector.shape_cast %get3A_635 : vector<1x1x16xf32> to vector<16xf32>
        %mul3A_637 = arith.mulf %get3A_636, %broadcast_in_dim3A_591 : vector<16xf32>
        %swap3A_638 = arith.index_cast %select_n3A_112 : i32 to index
        %swap3A_639 = arith.index_cast %add3A_595 : i32 to index
        %swap3A_640 = arith.constant 48 : index
        %swap3A_641 = tpu.vector_load %arg11[%swap3A_638, %swap3A_639, %swap3A_640] {strides = array<i32>} : memref<8x80x64xf32, #tpu.memory_space<vmem>>, vector<1x1x16xf32>,
        %swap3A_642 = vector.shape_cast %swap3A_641 : vector<1x1x16xf32> to vector<16xf32>
        %swap3A_643 = vector.shape_cast %mul3A_637 : vector<16xf32> to vector<1x1x16xf32>
        tpu.vector_store %arg11[%swap3A_638, %swap3A_639, %swap3A_640], %swap3A_643 {strides = array<i32>} : memref<8x80x64xf32, #tpu.memory_space<vmem>>, vector<1x1x16xf32>,
        %slice3A_644 = vector.extract_strided_slice %get3A_152 {offsets = [9], sizes = [1], strides = [1]} : vector<16xf32> to vector<1xf32>
        %squeeze3A_645 = vector.extract %slice3A_644[0] : f32 from vector<1xf32>
        %broadcast_in_dim3A_646 = vector.broadcast %squeeze3A_645 : f32 to vector<16xf32>
        %mul3A_647 = arith.constant 16 : i32
        %mul3A_648 = arith.muli %scan3A_147, %mul3A_647 : i32
        %add3A_649 = arith.constant 9 : i32
        %add3A_650 = arith.addi %mul3A_648, %add3A_649 : i32
        %get3A_651 = arith.index_cast %select_n3A_112 : i32 to index
        %get3A_652 = arith.index_cast %add3A_650 : i32 to index
        %get3A_653 = arith.constant 0 : index
        %get3A_654 = tpu.vector_load %arg11[%get3A_651, %get3A_652, %get3A_653] {strides = array<i32>} : memref<8x80x64xf32, #tpu.memory_space<vmem>>, vector<1x1x16xf32>,
        %get3A_655 = vector.shape_cast %get3A_654 : vector<1x1x16xf32> to vector<16xf32>
        %mul3A_656 = arith.mulf %get3A_655, %broadcast_in_dim3A_646 : vector<16xf32>
        %swap3A_657 = arith.index_cast %select_n3A_112 : i32 to index
        %swap3A_658 = arith.index_cast %add3A_650 : i32 to index
        %swap3A_659 = arith.constant 0 : index
        %swap3A_660 = tpu.vector_load %arg11[%swap3A_657, %swap3A_658, %swap3A_659] {strides = array<i32>} : memref<8x80x64xf32, #tpu.memory_space<vmem>>, vector<1x1x16xf32>,
        %swap3A_661 = vector.shape_cast %swap3A_660 : vector<1x1x16xf32> to vector<16xf32>
        %swap3A_662 = vector.shape_cast %mul3A_656 : vector<16xf32> to vector<1x1x16xf32>
        tpu.vector_store %arg11[%swap3A_657, %swap3A_658, %swap3A_659], %swap3A_662 {strides = array<i32>} : memref<8x80x64xf32, #tpu.memory_space<vmem>>, vector<1x1x16xf32>,
        %get3A_663 = arith.index_cast %select_n3A_112 : i32 to index
        %get3A_664 = arith.index_cast %add3A_650 : i32 to index
        %get3A_665 = arith.constant 16 : index
        %get3A_666 = tpu.vector_load %arg11[%get3A_663, %get3A_664, %get3A_665] {strides = array<i32>} : memref<8x80x64xf32, #tpu.memory_space<vmem>>, vector<1x1x16xf32>,
        %get3A_667 = vector.shape_cast %get3A_666 : vector<1x1x16xf32> to vector<16xf32>
        %mul3A_668 = arith.mulf %get3A_667, %broadcast_in_dim3A_646 : vector<16xf32>
        %swap3A_669 = arith.index_cast %select_n3A_112 : i32 to index
        %swap3A_670 = arith.index_cast %add3A_650 : i32 to index
        %swap3A_671 = arith.constant 16 : index
        %swap3A_672 = tpu.vector_load %arg11[%swap3A_669, %swap3A_670, %swap3A_671] {strides = array<i32>} : memref<8x80x64xf32, #tpu.memory_space<vmem>>, vector<1x1x16xf32>,
        %swap3A_673 = vector.shape_cast %swap3A_672 : vector<1x1x16xf32> to vector<16xf32>
        %swap3A_674 = vector.shape_cast %mul3A_668 : vector<16xf32> to vector<1x1x16xf32>
        tpu.vector_store %arg11[%swap3A_669, %swap3A_670, %swap3A_671], %swap3A_674 {strides = array<i32>} : memref<8x80x64xf32, #tpu.memory_space<vmem>>, vector<1x1x16xf32>,
        %get3A_675 = arith.index_cast %select_n3A_112 : i32 to index
        %get3A_676 = arith.index_cast %add3A_650 : i32 to index
        %get3A_677 = arith.constant 32 : index
        %get3A_678 = tpu.vector_load %arg11[%get3A_675, %get3A_676, %get3A_677] {strides = array<i32>} : memref<8x80x64xf32, #tpu.memory_space<vmem>>, vector<1x1x16xf32>,
        %get3A_679 = vector.shape_cast %get3A_678 : vector<1x1x16xf32> to vector<16xf32>
        %mul3A_680 = arith.mulf %get3A_679, %broadcast_in_dim3A_646 : vector<16xf32>
        %swap3A_681 = arith.index_cast %select_n3A_112 : i32 to index
        %swap3A_682 = arith.index_cast %add3A_650 : i32 to index
        %swap3A_683 = arith.constant 32 : index
        %swap3A_684 = tpu.vector_load %arg11[%swap3A_681, %swap3A_682, %swap3A_683] {strides = array<i32>} : memref<8x80x64xf32, #tpu.memory_space<vmem>>, vector<1x1x16xf32>,
        %swap3A_685 = vector.shape_cast %swap3A_684 : vector<1x1x16xf32> to vector<16xf32>
        %swap3A_686 = vector.shape_cast %mul3A_680 : vector<16xf32> to vector<1x1x16xf32>
        tpu.vector_store %arg11[%swap3A_681, %swap3A_682, %swap3A_683], %swap3A_686 {strides = array<i32>} : memref<8x80x64xf32, #tpu.memory_space<vmem>>, vector<1x1x16xf32>,
        %get3A_687 = arith.index_cast %select_n3A_112 : i32 to index
        %get3A_688 = arith.index_cast %add3A_650 : i32 to index
        %get3A_689 = arith.constant 48 : index
        %get3A_690 = tpu.vector_load %arg11[%get3A_687, %get3A_688, %get3A_689] {strides = array<i32>} : memref<8x80x64xf32, #tpu.memory_space<vmem>>, vector<1x1x16xf32>,
        %get3A_691 = vector.shape_cast %get3A_690 : vector<1x1x16xf32> to vector<16xf32>
        %mul3A_692 = arith.mulf %get3A_691, %broadcast_in_dim3A_646 : vector<16xf32>
        %swap3A_693 = arith.index_cast %select_n3A_112 : i32 to index
        %swap3A_694 = arith.index_cast %add3A_650 : i32 to index
        %swap3A_695 = arith.constant 48 : index
        %swap3A_696 = tpu.vector_load %arg11[%swap3A_693, %swap3A_694, %swap3A_695] {strides = array<i32>} : memref<8x80x64xf32, #tpu.memory_space<vmem>>, vector<1x1x16xf32>,
        %swap3A_697 = vector.shape_cast %swap3A_696 : vector<1x1x16xf32> to vector<16xf32>
        %swap3A_698 = vector.shape_cast %mul3A_692 : vector<16xf32> to vector<1x1x16xf32>
        tpu.vector_store %arg11[%swap3A_693, %swap3A_694, %swap3A_695], %swap3A_698 {strides = array<i32>} : memref<8x80x64xf32, #tpu.memory_space<vmem>>, vector<1x1x16xf32>,
        %slice3A_699 = vector.extract_strided_slice %get3A_152 {offsets = [10], sizes = [1], strides = [1]} : vector<16xf32> to vector<1xf32>
        %squeeze3A_700 = vector.extract %slice3A_699[0] : f32 from vector<1xf32>
        %broadcast_in_dim3A_701 = vector.broadcast %squeeze3A_700 : f32 to vector<16xf32>
        %mul3A_702 = arith.constant 16 : i32
        %mul3A_703 = arith.muli %scan3A_147, %mul3A_702 : i32
        %add3A_704 = arith.constant 10 : i32
        %add3A_705 = arith.addi %mul3A_703, %add3A_704 : i32
        %get3A_706 = arith.index_cast %select_n3A_112 : i32 to index
        %get3A_707 = arith.index_cast %add3A_705 : i32 to index
        %get3A_708 = arith.constant 0 : index
        %get3A_709 = tpu.vector_load %arg11[%get3A_706, %get3A_707, %get3A_708] {strides = array<i32>} : memref<8x80x64xf32, #tpu.memory_space<vmem>>, vector<1x1x16xf32>,
        %get3A_710 = vector.shape_cast %get3A_709 : vector<1x1x16xf32> to vector<16xf32>
        %mul3A_711 = arith.mulf %get3A_710, %broadcast_in_dim3A_701 : vector<16xf32>
        %swap3A_712 = arith.index_cast %select_n3A_112 : i32 to index
        %swap3A_713 = arith.index_cast %add3A_705 : i32 to index
        %swap3A_714 = arith.constant 0 : index
        %swap3A_715 = tpu.vector_load %arg11[%swap3A_712, %swap3A_713, %swap3A_714] {strides = array<i32>} : memref<8x80x64xf32, #tpu.memory_space<vmem>>, vector<1x1x16xf32>,
        %swap3A_716 = vector.shape_cast %swap3A_715 : vector<1x1x16xf32> to vector<16xf32>
        %swap3A_717 = vector.shape_cast %mul3A_711 : vector<16xf32> to vector<1x1x16xf32>
        tpu.vector_store %arg11[%swap3A_712, %swap3A_713, %swap3A_714], %swap3A_717 {strides = array<i32>} : memref<8x80x64xf32, #tpu.memory_space<vmem>>, vector<1x1x16xf32>,
        %get3A_718 = arith.index_cast %select_n3A_112 : i32 to index
        %get3A_719 = arith.index_cast %add3A_705 : i32 to index
        %get3A_720 = arith.constant 16 : index
        %get3A_721 = tpu.vector_load %arg11[%get3A_718, %get3A_719, %get3A_720] {strides = array<i32>} : memref<8x80x64xf32, #tpu.memory_space<vmem>>, vector<1x1x16xf32>,
        %get3A_722 = vector.shape_cast %get3A_721 : vector<1x1x16xf32> to vector<16xf32>
        %mul3A_723 = arith.mulf %get3A_722, %broadcast_in_dim3A_701 : vector<16xf32>
        %swap3A_724 = arith.index_cast %select_n3A_112 : i32 to index
        %swap3A_725 = arith.index_cast %add3A_705 : i32 to index
        %swap3A_726 = arith.constant 16 : index
        %swap3A_727 = tpu.vector_load %arg11[%swap3A_724, %swap3A_725, %swap3A_726] {strides = array<i32>} : memref<8x80x64xf32, #tpu.memory_space<vmem>>, vector<1x1x16xf32>,
        %swap3A_728 = vector.shape_cast %swap3A_727 : vector<1x1x16xf32> to vector<16xf32>
        %swap3A_729 = vector.shape_cast %mul3A_723 : vector<16xf32> to vector<1x1x16xf32>
        tpu.vector_store %arg11[%swap3A_724, %swap3A_725, %swap3A_726], %swap3A_729 {strides = array<i32>} : memref<8x80x64xf32, #tpu.memory_space<vmem>>, vector<1x1x16xf32>,
        %get3A_730 = arith.index_cast %select_n3A_112 : i32 to index
        %get3A_731 = arith.index_cast %add3A_705 : i32 to index
        %get3A_732 = arith.constant 32 : index
        %get3A_733 = tpu.vector_load %arg11[%get3A_730, %get3A_731, %get3A_732] {strides = array<i32>} : memref<8x80x64xf32, #tpu.memory_space<vmem>>, vector<1x1x16xf32>,
        %get3A_734 = vector.shape_cast %get3A_733 : vector<1x1x16xf32> to vector<16xf32>
        %mul3A_735 = arith.mulf %get3A_734, %broadcast_in_dim3A_701 : vector<16xf32>
        %swap3A_736 = arith.index_cast %select_n3A_112 : i32 to index
        %swap3A_737 = arith.index_cast %add3A_705 : i32 to index
        %swap3A_738 = arith.constant 32 : index
        %swap3A_739 = tpu.vector_load %arg11[%swap3A_736, %swap3A_737, %swap3A_738] {strides = array<i32>} : memref<8x80x64xf32, #tpu.memory_space<vmem>>, vector<1x1x16xf32>,
        %swap3A_740 = vector.shape_cast %swap3A_739 : vector<1x1x16xf32> to vector<16xf32>
        %swap3A_741 = vector.shape_cast %mul3A_735 : vector<16xf32> to vector<1x1x16xf32>
        tpu.vector_store %arg11[%swap3A_736, %swap3A_737, %swap3A_738], %swap3A_741 {strides = array<i32>} : memref<8x80x64xf32, #tpu.memory_space<vmem>>, vector<1x1x16xf32>,
        %get3A_742 = arith.index_cast %select_n3A_112 : i32 to index
        %get3A_743 = arith.index_cast %add3A_705 : i32 to index
        %get3A_744 = arith.constant 48 : index
        %get3A_745 = tpu.vector_load %arg11[%get3A_742, %get3A_743, %get3A_744] {strides = array<i32>} : memref<8x80x64xf32, #tpu.memory_space<vmem>>, vector<1x1x16xf32>,
        %get3A_746 = vector.shape_cast %get3A_745 : vector<1x1x16xf32> to vector<16xf32>
        %mul3A_747 = arith.mulf %get3A_746, %broadcast_in_dim3A_701 : vector<16xf32>
        %swap3A_748 = arith.index_cast %select_n3A_112 : i32 to index
        %swap3A_749 = arith.index_cast %add3A_705 : i32 to index
        %swap3A_750 = arith.constant 48 : index
        %swap3A_751 = tpu.vector_load %arg11[%swap3A_748, %swap3A_749, %swap3A_750] {strides = array<i32>} : memref<8x80x64xf32, #tpu.memory_space<vmem>>, vector<1x1x16xf32>,
        %swap3A_752 = vector.shape_cast %swap3A_751 : vector<1x1x16xf32> to vector<16xf32>
        %swap3A_753 = vector.shape_cast %mul3A_747 : vector<16xf32> to vector<1x1x16xf32>
        tpu.vector_store %arg11[%swap3A_748, %swap3A_749, %swap3A_750], %swap3A_753 {strides = array<i32>} : memref<8x80x64xf32, #tpu.memory_space<vmem>>, vector<1x1x16xf32>,
        %slice3A_754 = vector.extract_strided_slice %get3A_152 {offsets = [11], sizes = [1], strides = [1]} : vector<16xf32> to vector<1xf32>
        %squeeze3A_755 = vector.extract %slice3A_754[0] : f32 from vector<1xf32>
        %broadcast_in_dim3A_756 = vector.broadcast %squeeze3A_755 : f32 to vector<16xf32>
        %mul3A_757 = arith.constant 16 : i32
        %mul3A_758 = arith.muli %scan3A_147, %mul3A_757 : i32
        %add3A_759 = arith.constant 11 : i32
        %add3A_760 = arith.addi %mul3A_758, %add3A_759 : i32
        %get3A_761 = arith.index_cast %select_n3A_112 : i32 to index
        %get3A_762 = arith.index_cast %add3A_760 : i32 to index
        %get3A_763 = arith.constant 0 : index
        %get3A_764 = tpu.vector_load %arg11[%get3A_761, %get3A_762, %get3A_763] {strides = array<i32>} : memref<8x80x64xf32, #tpu.memory_space<vmem>>, vector<1x1x16xf32>,
        %get3A_765 = vector.shape_cast %get3A_764 : vector<1x1x16xf32> to vector<16xf32>
        %mul3A_766 = arith.mulf %get3A_765, %broadcast_in_dim3A_756 : vector<16xf32>
        %swap3A_767 = arith.index_cast %select_n3A_112 : i32 to index
        %swap3A_768 = arith.index_cast %add3A_760 : i32 to index
        %swap3A_769 = arith.constant 0 : index
        %swap3A_770 = tpu.vector_load %arg11[%swap3A_767, %swap3A_768, %swap3A_769] {strides = array<i32>} : memref<8x80x64xf32, #tpu.memory_space<vmem>>, vector<1x1x16xf32>,
        %swap3A_771 = vector.shape_cast %swap3A_770 : vector<1x1x16xf32> to vector<16xf32>
        %swap3A_772 = vector.shape_cast %mul3A_766 : vector<16xf32> to vector<1x1x16xf32>
        tpu.vector_store %arg11[%swap3A_767, %swap3A_768, %swap3A_769], %swap3A_772 {strides = array<i32>} : memref<8x80x64xf32, #tpu.memory_space<vmem>>, vector<1x1x16xf32>,
        %get3A_773 = arith.index_cast %select_n3A_112 : i32 to index
        %get3A_774 = arith.index_cast %add3A_760 : i32 to index
        %get3A_775 = arith.constant 16 : index
        %get3A_776 = tpu.vector_load %arg11[%get3A_773, %get3A_774, %get3A_775] {strides = array<i32>} : memref<8x80x64xf32, #tpu.memory_space<vmem>>, vector<1x1x16xf32>,
        %get3A_777 = vector.shape_cast %get3A_776 : vector<1x1x16xf32> to vector<16xf32>
        %mul3A_778 = arith.mulf %get3A_777, %broadcast_in_dim3A_756 : vector<16xf32>
        %swap3A_779 = arith.index_cast %select_n3A_112 : i32 to index
        %swap3A_780 = arith.index_cast %add3A_760 : i32 to index
        %swap3A_781 = arith.constant 16 : index
        %swap3A_782 = tpu.vector_load %arg11[%swap3A_779, %swap3A_780, %swap3A_781] {strides = array<i32>} : memref<8x80x64xf32, #tpu.memory_space<vmem>>, vector<1x1x16xf32>,
        %swap3A_783 = vector.shape_cast %swap3A_782 : vector<1x1x16xf32> to vector<16xf32>
        %swap3A_784 = vector.shape_cast %mul3A_778 : vector<16xf32> to vector<1x1x16xf32>
        tpu.vector_store %arg11[%swap3A_779, %swap3A_780, %swap3A_781], %swap3A_784 {strides = array<i32>} : memref<8x80x64xf32, #tpu.memory_space<vmem>>, vector<1x1x16xf32>,
        %get3A_785 = arith.index_cast %select_n3A_112 : i32 to index
        %get3A_786 = arith.index_cast %add3A_760 : i32 to index
        %get3A_787 = arith.constant 32 : index
        %get3A_788 = tpu.vector_load %arg11[%get3A_785, %get3A_786, %get3A_787] {strides = array<i32>} : memref<8x80x64xf32, #tpu.memory_space<vmem>>, vector<1x1x16xf32>,
        %get3A_789 = vector.shape_cast %get3A_788 : vector<1x1x16xf32> to vector<16xf32>
        %mul3A_790 = arith.mulf %get3A_789, %broadcast_in_dim3A_756 : vector<16xf32>
        %swap3A_791 = arith.index_cast %select_n3A_112 : i32 to index
        %swap3A_792 = arith.index_cast %add3A_760 : i32 to index
        %swap3A_793 = arith.constant 32 : index
        %swap3A_794 = tpu.vector_load %arg11[%swap3A_791, %swap3A_792, %swap3A_793] {strides = array<i32>} : memref<8x80x64xf32, #tpu.memory_space<vmem>>, vector<1x1x16xf32>,
        %swap3A_795 = vector.shape_cast %swap3A_794 : vector<1x1x16xf32> to vector<16xf32>
        %swap3A_796 = vector.shape_cast %mul3A_790 : vector<16xf32> to vector<1x1x16xf32>
        tpu.vector_store %arg11[%swap3A_791, %swap3A_792, %swap3A_793], %swap3A_796 {strides = array<i32>} : memref<8x80x64xf32, #tpu.memory_space<vmem>>, vector<1x1x16xf32>,
        %get3A_797 = arith.index_cast %select_n3A_112 : i32 to index
        %get3A_798 = arith.index_cast %add3A_760 : i32 to index
        %get3A_799 = arith.constant 48 : index
        %get3A_800 = tpu.vector_load %arg11[%get3A_797, %get3A_798, %get3A_799] {strides = array<i32>} : memref<8x80x64xf32, #tpu.memory_space<vmem>>, vector<1x1x16xf32>,
        %get3A_801 = vector.shape_cast %get3A_800 : vector<1x1x16xf32> to vector<16xf32>
        %mul3A_802 = arith.mulf %get3A_801, %broadcast_in_dim3A_756 : vector<16xf32>
        %swap3A_803 = arith.index_cast %select_n3A_112 : i32 to index
        %swap3A_804 = arith.index_cast %add3A_760 : i32 to index
        %swap3A_805 = arith.constant 48 : index
        %swap3A_806 = tpu.vector_load %arg11[%swap3A_803, %swap3A_804, %swap3A_805] {strides = array<i32>} : memref<8x80x64xf32, #tpu.memory_space<vmem>>, vector<1x1x16xf32>,
        %swap3A_807 = vector.shape_cast %swap3A_806 : vector<1x1x16xf32> to vector<16xf32>
        %swap3A_808 = vector.shape_cast %mul3A_802 : vector<16xf32> to vector<1x1x16xf32>
        tpu.vector_store %arg11[%swap3A_803, %swap3A_804, %swap3A_805], %swap3A_808 {strides = array<i32>} : memref<8x80x64xf32, #tpu.memory_space<vmem>>, vector<1x1x16xf32>,
        %slice3A_809 = vector.extract_strided_slice %get3A_152 {offsets = [12], sizes = [1], strides = [1]} : vector<16xf32> to vector<1xf32>
        %squeeze3A_810 = vector.extract %slice3A_809[0] : f32 from vector<1xf32>
        %broadcast_in_dim3A_811 = vector.broadcast %squeeze3A_810 : f32 to vector<16xf32>
        %mul3A_812 = arith.constant 16 : i32
        %mul3A_813 = arith.muli %scan3A_147, %mul3A_812 : i32
        %add3A_814 = arith.constant 12 : i32
        %add3A_815 = arith.addi %mul3A_813, %add3A_814 : i32
        %get3A_816 = arith.index_cast %select_n3A_112 : i32 to index
        %get3A_817 = arith.index_cast %add3A_815 : i32 to index
        %get3A_818 = arith.constant 0 : index
        %get3A_819 = tpu.vector_load %arg11[%get3A_816, %get3A_817, %get3A_818] {strides = array<i32>} : memref<8x80x64xf32, #tpu.memory_space<vmem>>, vector<1x1x16xf32>,
        %get3A_820 = vector.shape_cast %get3A_819 : vector<1x1x16xf32> to vector<16xf32>
        %mul3A_821 = arith.mulf %get3A_820, %broadcast_in_dim3A_811 : vector<16xf32>
        %swap3A_822 = arith.index_cast %select_n3A_112 : i32 to index
        %swap3A_823 = arith.index_cast %add3A_815 : i32 to index
        %swap3A_824 = arith.constant 0 : index
        %swap3A_825 = tpu.vector_load %arg11[%swap3A_822, %swap3A_823, %swap3A_824] {strides = array<i32>} : memref<8x80x64xf32, #tpu.memory_space<vmem>>, vector<1x1x16xf32>,
        %swap3A_826 = vector.shape_cast %swap3A_825 : vector<1x1x16xf32> to vector<16xf32>
        %swap3A_827 = vector.shape_cast %mul3A_821 : vector<16xf32> to vector<1x1x16xf32>
        tpu.vector_store %arg11[%swap3A_822, %swap3A_823, %swap3A_824], %swap3A_827 {strides = array<i32>} : memref<8x80x64xf32, #tpu.memory_space<vmem>>, vector<1x1x16xf32>,
        %get3A_828 = arith.index_cast %select_n3A_112 : i32 to index
        %get3A_829 = arith.index_cast %add3A_815 : i32 to index
        %get3A_830 = arith.constant 16 : index
        %get3A_831 = tpu.vector_load %arg11[%get3A_828, %get3A_829, %get3A_830] {strides = array<i32>} : memref<8x80x64xf32, #tpu.memory_space<vmem>>, vector<1x1x16xf32>,
        %get3A_832 = vector.shape_cast %get3A_831 : vector<1x1x16xf32> to vector<16xf32>
        %mul3A_833 = arith.mulf %get3A_832, %broadcast_in_dim3A_811 : vector<16xf32>
        %swap3A_834 = arith.index_cast %select_n3A_112 : i32 to index
        %swap3A_835 = arith.index_cast %add3A_815 : i32 to index
        %swap3A_836 = arith.constant 16 : index
        %swap3A_837 = tpu.vector_load %arg11[%swap3A_834, %swap3A_835, %swap3A_836] {strides = array<i32>} : memref<8x80x64xf32, #tpu.memory_space<vmem>>, vector<1x1x16xf32>,
        %swap3A_838 = vector.shape_cast %swap3A_837 : vector<1x1x16xf32> to vector<16xf32>
        %swap3A_839 = vector.shape_cast %mul3A_833 : vector<16xf32> to vector<1x1x16xf32>
        tpu.vector_store %arg11[%swap3A_834, %swap3A_835, %swap3A_836], %swap3A_839 {strides = array<i32>} : memref<8x80x64xf32, #tpu.memory_space<vmem>>, vector<1x1x16xf32>,
        %get3A_840 = arith.index_cast %select_n3A_112 : i32 to index
        %get3A_841 = arith.index_cast %add3A_815 : i32 to index
        %get3A_842 = arith.constant 32 : index
        %get3A_843 = tpu.vector_load %arg11[%get3A_840, %get3A_841, %get3A_842] {strides = array<i32>} : memref<8x80x64xf32, #tpu.memory_space<vmem>>, vector<1x1x16xf32>,
        %get3A_844 = vector.shape_cast %get3A_843 : vector<1x1x16xf32> to vector<16xf32>
        %mul3A_845 = arith.mulf %get3A_844, %broadcast_in_dim3A_811 : vector<16xf32>
        %swap3A_846 = arith.index_cast %select_n3A_112 : i32 to index
        %swap3A_847 = arith.index_cast %add3A_815 : i32 to index
        %swap3A_848 = arith.constant 32 : index
        %swap3A_849 = tpu.vector_load %arg11[%swap3A_846, %swap3A_847, %swap3A_848] {strides = array<i32>} : memref<8x80x64xf32, #tpu.memory_space<vmem>>, vector<1x1x16xf32>,
        %swap3A_850 = vector.shape_cast %swap3A_849 : vector<1x1x16xf32> to vector<16xf32>
        %swap3A_851 = vector.shape_cast %mul3A_845 : vector<16xf32> to vector<1x1x16xf32>
        tpu.vector_store %arg11[%swap3A_846, %swap3A_847, %swap3A_848], %swap3A_851 {strides = array<i32>} : memref<8x80x64xf32, #tpu.memory_space<vmem>>, vector<1x1x16xf32>,
        %get3A_852 = arith.index_cast %select_n3A_112 : i32 to index
        %get3A_853 = arith.index_cast %add3A_815 : i32 to index
        %get3A_854 = arith.constant 48 : index
        %get3A_855 = tpu.vector_load %arg11[%get3A_852, %get3A_853, %get3A_854] {strides = array<i32>} : memref<8x80x64xf32, #tpu.memory_space<vmem>>, vector<1x1x16xf32>,
        %get3A_856 = vector.shape_cast %get3A_855 : vector<1x1x16xf32> to vector<16xf32>
        %mul3A_857 = arith.mulf %get3A_856, %broadcast_in_dim3A_811 : vector<16xf32>
        %swap3A_858 = arith.index_cast %select_n3A_112 : i32 to index
        %swap3A_859 = arith.index_cast %add3A_815 : i32 to index
        %swap3A_860 = arith.constant 48 : index
        %swap3A_861 = tpu.vector_load %arg11[%swap3A_858, %swap3A_859, %swap3A_860] {strides = array<i32>} : memref<8x80x64xf32, #tpu.memory_space<vmem>>, vector<1x1x16xf32>,
        %swap3A_862 = vector.shape_cast %swap3A_861 : vector<1x1x16xf32> to vector<16xf32>
        %swap3A_863 = vector.shape_cast %mul3A_857 : vector<16xf32> to vector<1x1x16xf32>
        tpu.vector_store %arg11[%swap3A_858, %swap3A_859, %swap3A_860], %swap3A_863 {strides = array<i32>} : memref<8x80x64xf32, #tpu.memory_space<vmem>>, vector<1x1x16xf32>,
        %slice3A_864 = vector.extract_strided_slice %get3A_152 {offsets = [13], sizes = [1], strides = [1]} : vector<16xf32> to vector<1xf32>
        %squeeze3A_865 = vector.extract %slice3A_864[0] : f32 from vector<1xf32>
        %broadcast_in_dim3A_866 = vector.broadcast %squeeze3A_865 : f32 to vector<16xf32>
        %mul3A_867 = arith.constant 16 : i32
        %mul3A_868 = arith.muli %scan3A_147, %mul3A_867 : i32
        %add3A_869 = arith.constant 13 : i32
        %add3A_870 = arith.addi %mul3A_868, %add3A_869 : i32
        %get3A_871 = arith.index_cast %select_n3A_112 : i32 to index
        %get3A_872 = arith.index_cast %add3A_870 : i32 to index
        %get3A_873 = arith.constant 0 : index
        %get3A_874 = tpu.vector_load %arg11[%get3A_871, %get3A_872, %get3A_873] {strides = array<i32>} : memref<8x80x64xf32, #tpu.memory_space<vmem>>, vector<1x1x16xf32>,
        %get3A_875 = vector.shape_cast %get3A_874 : vector<1x1x16xf32> to vector<16xf32>
        %mul3A_876 = arith.mulf %get3A_875, %broadcast_in_dim3A_866 : vector<16xf32>
        %swap3A_877 = arith.index_cast %select_n3A_112 : i32 to index
        %swap3A_878 = arith.index_cast %add3A_870 : i32 to index
        %swap3A_879 = arith.constant 0 : index
        %swap3A_880 = tpu.vector_load %arg11[%swap3A_877, %swap3A_878, %swap3A_879] {strides = array<i32>} : memref<8x80x64xf32, #tpu.memory_space<vmem>>, vector<1x1x16xf32>,
        %swap3A_881 = vector.shape_cast %swap3A_880 : vector<1x1x16xf32> to vector<16xf32>
        %swap3A_882 = vector.shape_cast %mul3A_876 : vector<16xf32> to vector<1x1x16xf32>
        tpu.vector_store %arg11[%swap3A_877, %swap3A_878, %swap3A_879], %swap3A_882 {strides = array<i32>} : memref<8x80x64xf32, #tpu.memory_space<vmem>>, vector<1x1x16xf32>,
        %get3A_883 = arith.index_cast %select_n3A_112 : i32 to index
        %get3A_884 = arith.index_cast %add3A_870 : i32 to index
        %get3A_885 = arith.constant 16 : index
        %get3A_886 = tpu.vector_load %arg11[%get3A_883, %get3A_884, %get3A_885] {strides = array<i32>} : memref<8x80x64xf32, #tpu.memory_space<vmem>>, vector<1x1x16xf32>,
        %get3A_887 = vector.shape_cast %get3A_886 : vector<1x1x16xf32> to vector<16xf32>
        %mul3A_888 = arith.mulf %get3A_887, %broadcast_in_dim3A_866 : vector<16xf32>
        %swap3A_889 = arith.index_cast %select_n3A_112 : i32 to index
        %swap3A_890 = arith.index_cast %add3A_870 : i32 to index
        %swap3A_891 = arith.constant 16 : index
        %swap3A_892 = tpu.vector_load %arg11[%swap3A_889, %swap3A_890, %swap3A_891] {strides = array<i32>} : memref<8x80x64xf32, #tpu.memory_space<vmem>>, vector<1x1x16xf32>,
        %swap3A_893 = vector.shape_cast %swap3A_892 : vector<1x1x16xf32> to vector<16xf32>
        %swap3A_894 = vector.shape_cast %mul3A_888 : vector<16xf32> to vector<1x1x16xf32>
        tpu.vector_store %arg11[%swap3A_889, %swap3A_890, %swap3A_891], %swap3A_894 {strides = array<i32>} : memref<8x80x64xf32, #tpu.memory_space<vmem>>, vector<1x1x16xf32>,
        %get3A_895 = arith.index_cast %select_n3A_112 : i32 to index
        %get3A_896 = arith.index_cast %add3A_870 : i32 to index
        %get3A_897 = arith.constant 32 : index
        %get3A_898 = tpu.vector_load %arg11[%get3A_895, %get3A_896, %get3A_897] {strides = array<i32>} : memref<8x80x64xf32, #tpu.memory_space<vmem>>, vector<1x1x16xf32>,
        %get3A_899 = vector.shape_cast %get3A_898 : vector<1x1x16xf32> to vector<16xf32>
        %mul3A_900 = arith.mulf %get3A_899, %broadcast_in_dim3A_866 : vector<16xf32>
        %swap3A_901 = arith.index_cast %select_n3A_112 : i32 to index
        %swap3A_902 = arith.index_cast %add3A_870 : i32 to index
        %swap3A_903 = arith.constant 32 : index
        %swap3A_904 = tpu.vector_load %arg11[%swap3A_901, %swap3A_902, %swap3A_903] {strides = array<i32>} : memref<8x80x64xf32, #tpu.memory_space<vmem>>, vector<1x1x16xf32>,
        %swap3A_905 = vector.shape_cast %swap3A_904 : vector<1x1x16xf32> to vector<16xf32>
        %swap3A_906 = vector.shape_cast %mul3A_900 : vector<16xf32> to vector<1x1x16xf32>
        tpu.vector_store %arg11[%swap3A_901, %swap3A_902, %swap3A_903], %swap3A_906 {strides = array<i32>} : memref<8x80x64xf32, #tpu.memory_space<vmem>>, vector<1x1x16xf32>,
        %get3A_907 = arith.index_cast %select_n3A_112 : i32 to index
        %get3A_908 = arith.index_cast %add3A_870 : i32 to index
        %get3A_909 = arith.constant 48 : index
        %get3A_910 = tpu.vector_load %arg11[%get3A_907, %get3A_908, %get3A_909] {strides = array<i32>} : memref<8x80x64xf32, #tpu.memory_space<vmem>>, vector<1x1x16xf32>,
        %get3A_911 = vector.shape_cast %get3A_910 : vector<1x1x16xf32> to vector<16xf32>
        %mul3A_912 = arith.mulf %get3A_911, %broadcast_in_dim3A_866 : vector<16xf32>
        %swap3A_913 = arith.index_cast %select_n3A_112 : i32 to index
        %swap3A_914 = arith.index_cast %add3A_870 : i32 to index
        %swap3A_915 = arith.constant 48 : index
        %swap3A_916 = tpu.vector_load %arg11[%swap3A_913, %swap3A_914, %swap3A_915] {strides = array<i32>} : memref<8x80x64xf32, #tpu.memory_space<vmem>>, vector<1x1x16xf32>,
        %swap3A_917 = vector.shape_cast %swap3A_916 : vector<1x1x16xf32> to vector<16xf32>
        %swap3A_918 = vector.shape_cast %mul3A_912 : vector<16xf32> to vector<1x1x16xf32>
        tpu.vector_store %arg11[%swap3A_913, %swap3A_914, %swap3A_915], %swap3A_918 {strides = array<i32>} : memref<8x80x64xf32, #tpu.memory_space<vmem>>, vector<1x1x16xf32>,
        %slice3A_919 = vector.extract_strided_slice %get3A_152 {offsets = [14], sizes = [1], strides = [1]} : vector<16xf32> to vector<1xf32>
        %squeeze3A_920 = vector.extract %slice3A_919[0] : f32 from vector<1xf32>
        %broadcast_in_dim3A_921 = vector.broadcast %squeeze3A_920 : f32 to vector<16xf32>
        %mul3A_922 = arith.constant 16 : i32
        %mul3A_923 = arith.muli %scan3A_147, %mul3A_922 : i32
        %add3A_924 = arith.constant 14 : i32
        %add3A_925 = arith.addi %mul3A_923, %add3A_924 : i32
        %get3A_926 = arith.index_cast %select_n3A_112 : i32 to index
        %get3A_927 = arith.index_cast %add3A_925 : i32 to index
        %get3A_928 = arith.constant 0 : index
        %get3A_929 = tpu.vector_load %arg11[%get3A_926, %get3A_927, %get3A_928] {strides = array<i32>} : memref<8x80x64xf32, #tpu.memory_space<vmem>>, vector<1x1x16xf32>,
        %get3A_930 = vector.shape_cast %get3A_929 : vector<1x1x16xf32> to vector<16xf32>
        %mul3A_931 = arith.mulf %get3A_930, %broadcast_in_dim3A_921 : vector<16xf32>
        %swap3A_932 = arith.index_cast %select_n3A_112 : i32 to index
        %swap3A_933 = arith.index_cast %add3A_925 : i32 to index
        %swap3A_934 = arith.constant 0 : index
        %swap3A_935 = tpu.vector_load %arg11[%swap3A_932, %swap3A_933, %swap3A_934] {strides = array<i32>} : memref<8x80x64xf32, #tpu.memory_space<vmem>>, vector<1x1x16xf32>,
        %swap3A_936 = vector.shape_cast %swap3A_935 : vector<1x1x16xf32> to vector<16xf32>
        %swap3A_937 = vector.shape_cast %mul3A_931 : vector<16xf32> to vector<1x1x16xf32>
        tpu.vector_store %arg11[%swap3A_932, %swap3A_933, %swap3A_934], %swap3A_937 {strides = array<i32>} : memref<8x80x64xf32, #tpu.memory_space<vmem>>, vector<1x1x16xf32>,
        %get3A_938 = arith.index_cast %select_n3A_112 : i32 to index
        %get3A_939 = arith.index_cast %add3A_925 : i32 to index
        %get3A_940 = arith.constant 16 : index
        %get3A_941 = tpu.vector_load %arg11[%get3A_938, %get3A_939, %get3A_940] {strides = array<i32>} : memref<8x80x64xf32, #tpu.memory_space<vmem>>, vector<1x1x16xf32>,
        %get3A_942 = vector.shape_cast %get3A_941 : vector<1x1x16xf32> to vector<16xf32>
        %mul3A_943 = arith.mulf %get3A_942, %broadcast_in_dim3A_921 : vector<16xf32>
        %swap3A_944 = arith.index_cast %select_n3A_112 : i32 to index
        %swap3A_945 = arith.index_cast %add3A_925 : i32 to index
        %swap3A_946 = arith.constant 16 : index
        %swap3A_947 = tpu.vector_load %arg11[%swap3A_944, %swap3A_945, %swap3A_946] {strides = array<i32>} : memref<8x80x64xf32, #tpu.memory_space<vmem>>, vector<1x1x16xf32>,
        %swap3A_948 = vector.shape_cast %swap3A_947 : vector<1x1x16xf32> to vector<16xf32>
        %swap3A_949 = vector.shape_cast %mul3A_943 : vector<16xf32> to vector<1x1x16xf32>
        tpu.vector_store %arg11[%swap3A_944, %swap3A_945, %swap3A_946], %swap3A_949 {strides = array<i32>} : memref<8x80x64xf32, #tpu.memory_space<vmem>>, vector<1x1x16xf32>,
        %get3A_950 = arith.index_cast %select_n3A_112 : i32 to index
        %get3A_951 = arith.index_cast %add3A_925 : i32 to index
        %get3A_952 = arith.constant 32 : index
        %get3A_953 = tpu.vector_load %arg11[%get3A_950, %get3A_951, %get3A_952] {strides = array<i32>} : memref<8x80x64xf32, #tpu.memory_space<vmem>>, vector<1x1x16xf32>,
        %get3A_954 = vector.shape_cast %get3A_953 : vector<1x1x16xf32> to vector<16xf32>
        %mul3A_955 = arith.mulf %get3A_954, %broadcast_in_dim3A_921 : vector<16xf32>
        %swap3A_956 = arith.index_cast %select_n3A_112 : i32 to index
        %swap3A_957 = arith.index_cast %add3A_925 : i32 to index
        %swap3A_958 = arith.constant 32 : index
        %swap3A_959 = tpu.vector_load %arg11[%swap3A_956, %swap3A_957, %swap3A_958] {strides = array<i32>} : memref<8x80x64xf32, #tpu.memory_space<vmem>>, vector<1x1x16xf32>,
        %swap3A_960 = vector.shape_cast %swap3A_959 : vector<1x1x16xf32> to vector<16xf32>
        %swap3A_961 = vector.shape_cast %mul3A_955 : vector<16xf32> to vector<1x1x16xf32>
        tpu.vector_store %arg11[%swap3A_956, %swap3A_957, %swap3A_958], %swap3A_961 {strides = array<i32>} : memref<8x80x64xf32, #tpu.memory_space<vmem>>, vector<1x1x16xf32>,
        %get3A_962 = arith.index_cast %select_n3A_112 : i32 to index
        %get3A_963 = arith.index_cast %add3A_925 : i32 to index
        %get3A_964 = arith.constant 48 : index
        %get3A_965 = tpu.vector_load %arg11[%get3A_962, %get3A_963, %get3A_964] {strides = array<i32>} : memref<8x80x64xf32, #tpu.memory_space<vmem>>, vector<1x1x16xf32>,
        %get3A_966 = vector.shape_cast %get3A_965 : vector<1x1x16xf32> to vector<16xf32>
        %mul3A_967 = arith.mulf %get3A_966, %broadcast_in_dim3A_921 : vector<16xf32>
        %swap3A_968 = arith.index_cast %select_n3A_112 : i32 to index
        %swap3A_969 = arith.index_cast %add3A_925 : i32 to index
        %swap3A_970 = arith.constant 48 : index
        %swap3A_971 = tpu.vector_load %arg11[%swap3A_968, %swap3A_969, %swap3A_970] {strides = array<i32>} : memref<8x80x64xf32, #tpu.memory_space<vmem>>, vector<1x1x16xf32>,
        %swap3A_972 = vector.shape_cast %swap3A_971 : vector<1x1x16xf32> to vector<16xf32>
        %swap3A_973 = vector.shape_cast %mul3A_967 : vector<16xf32> to vector<1x1x16xf32>
        tpu.vector_store %arg11[%swap3A_968, %swap3A_969, %swap3A_970], %swap3A_973 {strides = array<i32>} : memref<8x80x64xf32, #tpu.memory_space<vmem>>, vector<1x1x16xf32>,
        %slice3A_974 = vector.extract_strided_slice %get3A_152 {offsets = [15], sizes = [1], strides = [1]} : vector<16xf32> to vector<1xf32>
        %squeeze3A_975 = vector.extract %slice3A_974[0] : f32 from vector<1xf32>
        %broadcast_in_dim3A_976 = vector.broadcast %squeeze3A_975 : f32 to vector<16xf32>
        %mul3A_977 = arith.constant 16 : i32
        %mul3A_978 = arith.muli %scan3A_147, %mul3A_977 : i32
        %add3A_979 = arith.constant 15 : i32
        %add3A_980 = arith.addi %mul3A_978, %add3A_979 : i32
        %get3A_981 = arith.index_cast %select_n3A_112 : i32 to index
        %get3A_982 = arith.index_cast %add3A_980 : i32 to index
        %get3A_983 = arith.constant 0 : index
        %get3A_984 = tpu.vector_load %arg11[%get3A_981, %get3A_982, %get3A_983] {strides = array<i32>} : memref<8x80x64xf32, #tpu.memory_space<vmem>>, vector<1x1x16xf32>,
        %get3A_985 = vector.shape_cast %get3A_984 : vector<1x1x16xf32> to vector<16xf32>
        %mul3A_986 = arith.mulf %get3A_985, %broadcast_in_dim3A_976 : vector<16xf32>
        %swap3A_987 = arith.index_cast %select_n3A_112 : i32 to index
        %swap3A_988 = arith.index_cast %add3A_980 : i32 to index
        %swap3A_989 = arith.constant 0 : index
        %swap3A_990 = tpu.vector_load %arg11[%swap3A_987, %swap3A_988, %swap3A_989] {strides = array<i32>} : memref<8x80x64xf32, #tpu.memory_space<vmem>>, vector<1x1x16xf32>,
        %swap3A_991 = vector.shape_cast %swap3A_990 : vector<1x1x16xf32> to vector<16xf32>
        %swap3A_992 = vector.shape_cast %mul3A_986 : vector<16xf32> to vector<1x1x16xf32>
        tpu.vector_store %arg11[%swap3A_987, %swap3A_988, %swap3A_989], %swap3A_992 {strides = array<i32>} : memref<8x80x64xf32, #tpu.memory_space<vmem>>, vector<1x1x16xf32>,
        %get3A_993 = arith.index_cast %select_n3A_112 : i32 to index
        %get3A_994 = arith.index_cast %add3A_980 : i32 to index
        %get3A_995 = arith.constant 16 : index
        %get3A_996 = tpu.vector_load %arg11[%get3A_993, %get3A_994, %get3A_995] {strides = array<i32>} : memref<8x80x64xf32, #tpu.memory_space<vmem>>, vector<1x1x16xf32>,
        %get3A_997 = vector.shape_cast %get3A_996 : vector<1x1x16xf32> to vector<16xf32>
        %mul3A_998 = arith.mulf %get3A_997, %broadcast_in_dim3A_976 : vector<16xf32>
        %swap3A_999 = arith.index_cast %select_n3A_112 : i32 to index
        %swap3A_1000 = arith.index_cast %add3A_980 : i32 to index
        %swap3A_1001 = arith.constant 16 : index
        %swap3A_1002 = tpu.vector_load %arg11[%swap3A_999, %swap3A_1000, %swap3A_1001] {strides = array<i32>} : memref<8x80x64xf32, #tpu.memory_space<vmem>>, vector<1x1x16xf32>,
        %swap3A_1003 = vector.shape_cast %swap3A_1002 : vector<1x1x16xf32> to vector<16xf32>
        %swap3A_1004 = vector.shape_cast %mul3A_998 : vector<16xf32> to vector<1x1x16xf32>
        tpu.vector_store %arg11[%swap3A_999, %swap3A_1000, %swap3A_1001], %swap3A_1004 {strides = array<i32>} : memref<8x80x64xf32, #tpu.memory_space<vmem>>, vector<1x1x16xf32>,
        %get3A_1005 = arith.index_cast %select_n3A_112 : i32 to index
        %get3A_1006 = arith.index_cast %add3A_980 : i32 to index
        %get3A_1007 = arith.constant 32 : index
        %get3A_1008 = tpu.vector_load %arg11[%get3A_1005, %get3A_1006, %get3A_1007] {strides = array<i32>} : memref<8x80x64xf32, #tpu.memory_space<vmem>>, vector<1x1x16xf32>,
        %get3A_1009 = vector.shape_cast %get3A_1008 : vector<1x1x16xf32> to vector<16xf32>
        %mul3A_1010 = arith.mulf %get3A_1009, %broadcast_in_dim3A_976 : vector<16xf32>
        %swap3A_1011 = arith.index_cast %select_n3A_112 : i32 to index
        %swap3A_1012 = arith.index_cast %add3A_980 : i32 to index
        %swap3A_1013 = arith.constant 32 : index
        %swap3A_1014 = tpu.vector_load %arg11[%swap3A_1011, %swap3A_1012, %swap3A_1013] {strides = array<i32>} : memref<8x80x64xf32, #tpu.memory_space<vmem>>, vector<1x1x16xf32>,
        %swap3A_1015 = vector.shape_cast %swap3A_1014 : vector<1x1x16xf32> to vector<16xf32>
        %swap3A_1016 = vector.shape_cast %mul3A_1010 : vector<16xf32> to vector<1x1x16xf32>
        tpu.vector_store %arg11[%swap3A_1011, %swap3A_1012, %swap3A_1013], %swap3A_1016 {strides = array<i32>} : memref<8x80x64xf32, #tpu.memory_space<vmem>>, vector<1x1x16xf32>,
        %get3A_1017 = arith.index_cast %select_n3A_112 : i32 to index
        %get3A_1018 = arith.index_cast %add3A_980 : i32 to index
        %get3A_1019 = arith.constant 48 : index
        %get3A_1020 = tpu.vector_load %arg11[%get3A_1017, %get3A_1018, %get3A_1019] {strides = array<i32>} : memref<8x80x64xf32, #tpu.memory_space<vmem>>, vector<1x1x16xf32>,
        %get3A_1021 = vector.shape_cast %get3A_1020 : vector<1x1x16xf32> to vector<16xf32>
        %mul3A_1022 = arith.mulf %get3A_1021, %broadcast_in_dim3A_976 : vector<16xf32>
        %swap3A_1023 = arith.index_cast %select_n3A_112 : i32 to index
        %swap3A_1024 = arith.index_cast %add3A_980 : i32 to index
        %swap3A_1025 = arith.constant 48 : index
        %swap3A_1026 = tpu.vector_load %arg11[%swap3A_1023, %swap3A_1024, %swap3A_1025] {strides = array<i32>} : memref<8x80x64xf32, #tpu.memory_space<vmem>>, vector<1x1x16xf32>,
        %swap3A_1027 = vector.shape_cast %swap3A_1026 : vector<1x1x16xf32> to vector<16xf32>
        %swap3A_1028 = vector.shape_cast %mul3A_1022 : vector<16xf32> to vector<1x1x16xf32>
        tpu.vector_store %arg11[%swap3A_1023, %swap3A_1024, %swap3A_1025], %swap3A_1028 {strides = array<i32>} : memref<8x80x64xf32, #tpu.memory_space<vmem>>, vector<1x1x16xf32>,
      }
      %scan3A_118 = arith.constant 5 : i32
      %jit3A_119 = arith.constant 8 : i32
      %eq3A_120 = arith.constant 0 : i32
      %eq3A_121 = arith.cmpi eq, %jit3A_119, %eq3A_120 : i32
      %jit3A_122 = arith.constant 1 : i32
      %select_n3A_123 = arith.select %eq3A_121, %jit3A_122, %jit3A_119 : i32
      %rem3A_124 = arith.remsi %scan3A_67, %select_n3A_123 : i32
      %ne3A_125 = arith.constant 0 : i32
      %ne3A_126 = arith.cmpi ne, %rem3A_124, %ne3A_125 : i32
      %lt3A_127 = arith.constant 0 : i32
      %lt3A_128 = arith.cmpi slt, %rem3A_124, %lt3A_127 : i32
      %lt3A_129 = arith.constant 0 : i32
      %lt3A_130 = arith.cmpi slt, %select_n3A_123, %lt3A_129 : i32
      %ne3A_131 = arith.xori %lt3A_128, %lt3A_130 : i1
      %and3A_132 = arith.andi %ne3A_131, %ne3A_126 : i1
      %add3A_133 = arith.addi %rem3A_124, %select_n3A_123 : i32
      %select_n3A_134 = arith.select %and3A_132, %add3A_133, %rem3A_124 : i32
      %dma_start3A_135 = arith.constant 0 : i32
      %dma_start3A_136 = arith.constant 0 : i32
      %dma_start3A_137 = tpu.memref_slice %arg11[%select_n3A_134, %dma_start3A_135, %dma_start3A_136] : memref<8x80x64xf32, #tpu.memory_space<vmem>> -> memref<1x80x64xf32, #tpu.memory_space<vmem>>
      %dma_start3A_138 = tpu.memref_squeeze %dma_start3A_137 : memref<1x80x64xf32, #tpu.memory_space<vmem>> -> memref<80x64xf32, #tpu.memory_space<vmem>>
      %dma_start3A_139 = arith.constant 0 : i32
      %dma_start3A_140 = tpu.memref_slice %arg9[%scan3A_67, %dma_start3A_139] : memref<125x80xi32, #tpu.memory_space<vmem>> -> memref<1x80xi32, #tpu.memory_space<vmem>>
      %dma_start3A_141 = tpu.memref_squeeze %dma_start3A_140 : memref<1x80xi32, #tpu.memory_space<vmem>> -> memref<80xi32, #tpu.memory_space<vmem>>
      %dma_start3A_142 = arith.constant 0 : i32
      %dma_start3A_143 = arith.constant 0 : i32
      %dma_start3A_144 = tpu.memref_slice %arg12[%dma_start3A_142, %dma_start3A_143] : memref<10000x64xf32, #tpu.memory_space<vmem_shared>> -> memref<10000x64xf32, #tpu.memory_space<vmem_shared>>
      %dma_start3A_145 = tpu.memref_slice %arg14[%select_n3A_134] : memref<8x!tpu.dma_semaphore, #tpu.memory_space<semaphore_mem>> -> memref<1x!tpu.dma_semaphore, #tpu.memory_space<semaphore_mem>>
      %dma_start3A_146 = tpu.memref_squeeze %dma_start3A_145 : memref<1x!tpu.dma_semaphore, #tpu.memory_space<semaphore_mem>> -> memref<!tpu.dma_semaphore, #tpu.memory_space<semaphore_mem>>
      tpu.enqueue_indirect_dma source(%dma_start3A_138 : memref<80x64xf32, #tpu.memory_space<vmem>>) target(%dma_start3A_144 : memref<10000x64xf32, #tpu.memory_space<vmem_shared>>) offsets(%dma_start3A_141 : memref<80xi32, #tpu.memory_space<vmem>>) semaphore(%dma_start3A_146 : memref<!tpu.dma_semaphore, #tpu.memory_space<semaphore_mem>>) {add = true}
    }
    %scan3A_55 = arith.constant 125 : i32
    %scan3A_56 = arith.constant 0 : i32
    %scan3A_57 = arith.constant 120 : i32
    %scan3A_58 = arith.constant 5 : i32
    %scan3A_59 = arith.addi %scan3A_57, %scan3A_58 : i32
    %scan3A_60 = arith.constant 1 : i32
    scf.for %scan3A_67 = %scan3A_57 to %scan3A_59 step %scan3A_60  : i32 {
      %jit3A = arith.constant 8 : i32
      %eq3A = arith.constant 0 : i32
      %eq3A_68 = arith.cmpi eq, %jit3A, %eq3A : i32
      %jit3A_69 = arith.constant 1 : i32
      %select_n3A = arith.select %eq3A_68, %jit3A_69, %jit3A : i32
      %rem3A = arith.remsi %scan3A_67, %select_n3A : i32
      %ne3A = arith.constant 0 : i32
      %ne3A_70 = arith.cmpi ne, %rem3A, %ne3A : i32
      %lt3A = arith.constant 0 : i32
      %lt3A_71 = arith.cmpi slt, %rem3A, %lt3A : i32
      %lt3A_72 = arith.constant 0 : i32
      %lt3A_73 = arith.cmpi slt, %select_n3A, %lt3A_72 : i32
      %ne3A_74 = arith.xori %lt3A_71, %lt3A_73 : i1
      %and3A = arith.andi %ne3A_74, %ne3A_70 : i1
      %add3A_75 = arith.addi %rem3A, %select_n3A : i32
      %select_n3A_76 = arith.select %and3A, %add3A_75, %rem3A : i32
      %dma_wait3A = arith.constant 0 : i32
      %dma_wait3A_77 = arith.constant 0 : i32
      %dma_wait3A_78 = tpu.memref_slice %arg11[%select_n3A_76, %dma_wait3A, %dma_wait3A_77] : memref<8x80x64xf32, #tpu.memory_space<vmem>> -> memref<1x80x64xf32, #tpu.memory_space<vmem>>
      %dma_wait3A_79 = tpu.memref_squeeze %dma_wait3A_78 : memref<1x80x64xf32, #tpu.memory_space<vmem>> -> memref<80x64xf32, #tpu.memory_space<vmem>>
      %dma_wait3A_80 = arith.constant 0 : i32
      %dma_wait3A_81 = tpu.memref_slice %arg9[%scan3A_67, %dma_wait3A_80] : memref<125x80xi32, #tpu.memory_space<vmem>> -> memref<1x80xi32, #tpu.memory_space<vmem>>
      %dma_wait3A_82 = tpu.memref_squeeze %dma_wait3A_81 : memref<1x80xi32, #tpu.memory_space<vmem>> -> memref<80xi32, #tpu.memory_space<vmem>>
      %dma_wait3A_83 = arith.constant 0 : i32
      %dma_wait3A_84 = arith.constant 0 : i32
      %dma_wait3A_85 = tpu.memref_slice %arg12[%dma_wait3A_83, %dma_wait3A_84] : memref<10000x64xf32, #tpu.memory_space<vmem_shared>> -> memref<10000x64xf32, #tpu.memory_space<vmem_shared>>
      %dma_wait3A_86 = tpu.memref_slice %arg14[%select_n3A_76] : memref<8x!tpu.dma_semaphore, #tpu.memory_space<semaphore_mem>> -> memref<1x!tpu.dma_semaphore, #tpu.memory_space<semaphore_mem>>
      %dma_wait3A_87 = tpu.memref_squeeze %dma_wait3A_86 : memref<1x!tpu.dma_semaphore, #tpu.memory_space<semaphore_mem>> -> memref<!tpu.dma_semaphore, #tpu.memory_space<semaphore_mem>>
      tpu.wait_indirect_dma semaphore(%dma_wait3A_87 : memref<!tpu.dma_semaphore, #tpu.memory_space<semaphore_mem>>) src(%dma_wait3A_79 : memref<80x64xf32, #tpu.memory_space<vmem>>) dst(%dma_wait3A_85 : memref<10000x64xf32, #tpu.memory_space<vmem_shared>>)
    }
    %scan3A_61 = arith.constant 5 : i32
    %barrier3A_62 = arith.constant 0 : index
    tpu.barrier barrier_id(%barrier3A_62)
    %mul3A_63 = arith.constant 625 : i32
    %mul3A_64 = arith.muli %arg1, %mul3A_63 : i32
    %mul3A_65 = arith.constant 625 : i32
    %mul3A_66 = arith.muli %arg1, %mul3A_65 : i32
    "tpu.region"() ({
      %run_scoped3A = tpu.sem_alloc : memref<!tpu.dma_semaphore, #tpu.memory_space<semaphore_mem>>
      %dma_start3A_67 = arith.constant 0 : i32
      %dma_start3A_68 = tpu.memref_slice %arg7[%arg0, %mul3A_66, %dma_start3A_67] : memref<2x10000x64xf32, #tpu.memory_space<hbm>> -> memref<1x625x64xf32, #tpu.memory_space<hbm>>
      %dma_start3A_69 = tpu.memref_squeeze %dma_start3A_68 : memref<1x625x64xf32, #tpu.memory_space<hbm>> -> memref<625x64xf32, #tpu.memory_space<hbm>>
      %dma_start3A_70 = arith.constant 0 : i32
      %dma_start3A_71 = tpu.memref_slice %arg12[%mul3A_64, %dma_start3A_70] : memref<10000x64xf32, #tpu.memory_space<vmem_shared>> -> memref<625x64xf32, #tpu.memory_space<vmem_shared>>
      tpu.enqueue_dma source(%dma_start3A_71 : memref<625x64xf32, #tpu.memory_space<vmem_shared>>) target(%dma_start3A_69 : memref<625x64xf32, #tpu.memory_space<hbm>>) target_semaphore(%run_scoped3A : memref<!tpu.dma_semaphore, #tpu.memory_space<semaphore_mem>>)
      %dma_wait3A = arith.constant 0 : i32
      %dma_wait3A_72 = tpu.memref_slice %arg7[%arg0, %mul3A_66, %dma_wait3A] : memref<2x10000x64xf32, #tpu.memory_space<hbm>> -> memref<1x625x64xf32, #tpu.memory_space<hbm>>
      %dma_wait3A_73 = tpu.memref_squeeze %dma_wait3A_72 : memref<1x625x64xf32, #tpu.memory_space<hbm>> -> memref<625x64xf32, #tpu.memory_space<hbm>>
      %dma_wait3A_74 = arith.constant 0 : i32
      %dma_wait3A_75 = tpu.memref_slice %arg12[%mul3A_64, %dma_wait3A_74] : memref<10000x64xf32, #tpu.memory_space<vmem_shared>> -> memref<625x64xf32, #tpu.memory_space<vmem_shared>>
      tpu.wait_dma2 semaphore(%run_scoped3A : memref<!tpu.dma_semaphore, #tpu.memory_space<semaphore_mem>>) src(%dma_wait3A_75 : memref<625x64xf32, #tpu.memory_space<vmem_shared>>) dst(%dma_wait3A_73 : memref<625x64xf32, #tpu.memory_space<hbm>>)
      tpu.yield
    }) : () -> ()
    return
  }
}

#map = affine_map<(d0, d1) -> (0, 0, 0)>
#map1 = affine_map<(d0, d1) -> (0, 0)>
module attributes {stable_mosaic.version = 14 : i64} {
  func.func @_deg_body(%arg0: i32, %arg1: i32, %arg2: memref<32x125x80xi32, #tpu.memory_space<hbm>>, %arg3: memref<32x125x80xf32, #tpu.memory_space<hbm>>, %arg4: memref<10000x16xf32, #tpu.memory_space<hbm>>, %arg5: memref<2x10000x16xf32, #tpu.memory_space<hbm>>, %arg6: memref<125x80xi32, #tpu.memory_space<vmem>>, %arg7: memref<125x80xf32, #tpu.memory_space<vmem>>, %arg8: memref<8x80x16xf32, #tpu.memory_space<vmem>>, %arg9: memref<10000x16xf32, #tpu.memory_space<vmem_shared>>, %arg10: memref<8x!tpu.dma_semaphore, #tpu.memory_space<semaphore_mem>>) attributes {dimension_semantics = [#tpu.dimension_semantics<core_parallel>, #tpu.dimension_semantics<subcore_parallel>], iteration_bounds = array<i64: 2, 16>, scalar_prefetch = 0 : i64, scratch_operands = 5 : i64, tpu.core_type = #tpu.core_type<sc_vector_subcore>, window_params = [{transform_indices = #map}, {transform_indices = #map}, {transform_indices = #map1}, {transform_indices = #map}]} {
    %mul3A = arith.constant 2 : i32
    %mul3A_0 = arith.muli %arg1, %mul3A : i32
    %add3A = arith.addi %mul3A_0, %arg0 : i32
    %mul3A_1 = arith.constant 625 : i32
    %mul3A_2 = arith.muli %arg1, %mul3A_1 : i32
    %mul3A_3 = arith.constant 625 : i32
    %mul3A_4 = arith.muli %arg1, %mul3A_3 : i32
    "tpu.region"() ({
      %run_scoped3A = tpu.sem_alloc : memref<!tpu.dma_semaphore, #tpu.memory_space<semaphore_mem>>
      %dma_start3A = arith.constant 0 : i32
      %dma_start3A_21 = tpu.memref_slice %arg9[%mul3A_4, %dma_start3A] : memref<10000x16xf32, #tpu.memory_space<vmem_shared>> -> memref<625x16xf32, #tpu.memory_space<vmem_shared>>
      %dma_start3A_22 = arith.constant 0 : i32
      %dma_start3A_23 = tpu.memref_slice %arg4[%mul3A_2, %dma_start3A_22] : memref<10000x16xf32, #tpu.memory_space<hbm>> -> memref<625x16xf32, #tpu.memory_space<hbm>>
      tpu.enqueue_dma source(%dma_start3A_23 : memref<625x16xf32, #tpu.memory_space<hbm>>) target(%dma_start3A_21 : memref<625x16xf32, #tpu.memory_space<vmem_shared>>) target_semaphore(%run_scoped3A : memref<!tpu.dma_semaphore, #tpu.memory_space<semaphore_mem>>)
      %dma_wait3A = arith.constant 0 : i32
      %dma_wait3A_24 = tpu.memref_slice %arg9[%mul3A_4, %dma_wait3A] : memref<10000x16xf32, #tpu.memory_space<vmem_shared>> -> memref<625x16xf32, #tpu.memory_space<vmem_shared>>
      %dma_wait3A_25 = arith.constant 0 : i32
      %dma_wait3A_26 = tpu.memref_slice %arg4[%mul3A_2, %dma_wait3A_25] : memref<10000x16xf32, #tpu.memory_space<hbm>> -> memref<625x16xf32, #tpu.memory_space<hbm>>
      tpu.wait_dma2 semaphore(%run_scoped3A : memref<!tpu.dma_semaphore, #tpu.memory_space<semaphore_mem>>) src(%dma_wait3A_26 : memref<625x16xf32, #tpu.memory_space<hbm>>) dst(%dma_wait3A_24 : memref<625x16xf32, #tpu.memory_space<vmem_shared>>)
      tpu.yield
    }) : () -> ()
    "tpu.region"() ({
      %run_scoped3A = tpu.sem_alloc : memref<!tpu.dma_semaphore, #tpu.memory_space<semaphore_mem>>
      %dma_start3A = arith.constant 0 : i32
      %dma_start3A_21 = arith.constant 0 : i32
      %dma_start3A_22 = tpu.memref_slice %arg2[%add3A, %dma_start3A, %dma_start3A_21] : memref<32x125x80xi32, #tpu.memory_space<hbm>> -> memref<1x125x80xi32, #tpu.memory_space<hbm>>
      %dma_start3A_23 = tpu.memref_squeeze %dma_start3A_22 : memref<1x125x80xi32, #tpu.memory_space<hbm>> -> memref<125x80xi32, #tpu.memory_space<hbm>>
      %dma_start3A_24 = arith.constant 0 : i32
      %dma_start3A_25 = arith.constant 0 : i32
      %dma_start3A_26 = tpu.memref_slice %arg2[%add3A, %dma_start3A_24, %dma_start3A_25] : memref<32x125x80xi32, #tpu.memory_space<hbm>> -> memref<1x125x80xi32, #tpu.memory_space<hbm>>
      %dma_start3A_27 = tpu.memref_squeeze %dma_start3A_26 : memref<1x125x80xi32, #tpu.memory_space<hbm>> -> memref<125x80xi32, #tpu.memory_space<hbm>>
      tpu.enqueue_dma source(%dma_start3A_27 : memref<125x80xi32, #tpu.memory_space<hbm>>) target(%arg6 : memref<125x80xi32, #tpu.memory_space<vmem>>) target_semaphore(%run_scoped3A : memref<!tpu.dma_semaphore, #tpu.memory_space<semaphore_mem>>)
      %dma_wait3A = arith.constant 0 : i32
      %dma_wait3A_28 = arith.constant 0 : i32
      %dma_wait3A_29 = tpu.memref_slice %arg2[%add3A, %dma_wait3A, %dma_wait3A_28] : memref<32x125x80xi32, #tpu.memory_space<hbm>> -> memref<1x125x80xi32, #tpu.memory_space<hbm>>
      %dma_wait3A_30 = tpu.memref_squeeze %dma_wait3A_29 : memref<1x125x80xi32, #tpu.memory_space<hbm>> -> memref<125x80xi32, #tpu.memory_space<hbm>>
      %dma_wait3A_31 = arith.constant 0 : i32
      %dma_wait3A_32 = arith.constant 0 : i32
      %dma_wait3A_33 = tpu.memref_slice %arg2[%add3A, %dma_wait3A_31, %dma_wait3A_32] : memref<32x125x80xi32, #tpu.memory_space<hbm>> -> memref<1x125x80xi32, #tpu.memory_space<hbm>>
      %dma_wait3A_34 = tpu.memref_squeeze %dma_wait3A_33 : memref<1x125x80xi32, #tpu.memory_space<hbm>> -> memref<125x80xi32, #tpu.memory_space<hbm>>
      tpu.wait_dma2 semaphore(%run_scoped3A : memref<!tpu.dma_semaphore, #tpu.memory_space<semaphore_mem>>) src(%dma_wait3A_34 : memref<125x80xi32, #tpu.memory_space<hbm>>) dst(%arg6 : memref<125x80xi32, #tpu.memory_space<vmem>>)
      tpu.yield
    }) : () -> ()
    "tpu.region"() ({
      %run_scoped3A = tpu.sem_alloc : memref<!tpu.dma_semaphore, #tpu.memory_space<semaphore_mem>>
      %dma_start3A = arith.constant 0 : i32
      %dma_start3A_21 = arith.constant 0 : i32
      %dma_start3A_22 = tpu.memref_slice %arg3[%add3A, %dma_start3A, %dma_start3A_21] : memref<32x125x80xf32, #tpu.memory_space<hbm>> -> memref<1x125x80xf32, #tpu.memory_space<hbm>>
      %dma_start3A_23 = tpu.memref_squeeze %dma_start3A_22 : memref<1x125x80xf32, #tpu.memory_space<hbm>> -> memref<125x80xf32, #tpu.memory_space<hbm>>
      %dma_start3A_24 = arith.constant 0 : i32
      %dma_start3A_25 = arith.constant 0 : i32
      %dma_start3A_26 = tpu.memref_slice %arg3[%add3A, %dma_start3A_24, %dma_start3A_25] : memref<32x125x80xf32, #tpu.memory_space<hbm>> -> memref<1x125x80xf32, #tpu.memory_space<hbm>>
      %dma_start3A_27 = tpu.memref_squeeze %dma_start3A_26 : memref<1x125x80xf32, #tpu.memory_space<hbm>> -> memref<125x80xf32, #tpu.memory_space<hbm>>
      tpu.enqueue_dma source(%dma_start3A_27 : memref<125x80xf32, #tpu.memory_space<hbm>>) target(%arg7 : memref<125x80xf32, #tpu.memory_space<vmem>>) target_semaphore(%run_scoped3A : memref<!tpu.dma_semaphore, #tpu.memory_space<semaphore_mem>>)
      %dma_wait3A = arith.constant 0 : i32
      %dma_wait3A_28 = arith.constant 0 : i32
      %dma_wait3A_29 = tpu.memref_slice %arg3[%add3A, %dma_wait3A, %dma_wait3A_28] : memref<32x125x80xf32, #tpu.memory_space<hbm>> -> memref<1x125x80xf32, #tpu.memory_space<hbm>>
      %dma_wait3A_30 = tpu.memref_squeeze %dma_wait3A_29 : memref<1x125x80xf32, #tpu.memory_space<hbm>> -> memref<125x80xf32, #tpu.memory_space<hbm>>
      %dma_wait3A_31 = arith.constant 0 : i32
      %dma_wait3A_32 = arith.constant 0 : i32
      %dma_wait3A_33 = tpu.memref_slice %arg3[%add3A, %dma_wait3A_31, %dma_wait3A_32] : memref<32x125x80xf32, #tpu.memory_space<hbm>> -> memref<1x125x80xf32, #tpu.memory_space<hbm>>
      %dma_wait3A_34 = tpu.memref_squeeze %dma_wait3A_33 : memref<1x125x80xf32, #tpu.memory_space<hbm>> -> memref<125x80xf32, #tpu.memory_space<hbm>>
      tpu.wait_dma2 semaphore(%run_scoped3A : memref<!tpu.dma_semaphore, #tpu.memory_space<semaphore_mem>>) src(%dma_wait3A_34 : memref<125x80xf32, #tpu.memory_space<hbm>>) dst(%arg7 : memref<125x80xf32, #tpu.memory_space<vmem>>)
      tpu.yield
    }) : () -> ()
    %barrier3A = arith.constant 0 : index
    tpu.barrier barrier_id(%barrier3A)
    %scan3A = arith.constant 0 : i32
    %scan3A_5 = arith.constant 0 : i32
    %scan3A_6 = arith.constant 125 : i32
    %scan3A_7 = arith.addi %scan3A_5, %scan3A_6 : i32
    %scan3A_8 = arith.constant 1 : i32
    scf.for %scan3A_21 = %scan3A_5 to %scan3A_7 step %scan3A_8  : i32 {
      %ge3A = arith.constant 8 : i32
      %ge3A_22 = arith.cmpi sge, %scan3A_21, %ge3A : i32
      %convert_element_type3A = arith.extui %ge3A_22 : i1 to i32
      %cond3A = arith.constant 0 : i32
      %cond3A_23 = arith.cmpi ne, %convert_element_type3A, %cond3A : i32
      scf.if %cond3A_23 {
        %sub3A = arith.constant 8 : i32
        %sub3A_66 = arith.subi %scan3A_21, %sub3A : i32
        %jit3A_67 = arith.constant 8 : i32
        %eq3A_68 = arith.constant 0 : i32
        %eq3A_69 = arith.cmpi eq, %jit3A_67, %eq3A_68 : i32
        %jit3A_70 = arith.constant 1 : i32
        %select_n3A_71 = arith.select %eq3A_69, %jit3A_70, %jit3A_67 : i32
        %rem3A_72 = arith.remsi %sub3A_66, %select_n3A_71 : i32
        %ne3A_73 = arith.constant 0 : i32
        %ne3A_74 = arith.cmpi ne, %rem3A_72, %ne3A_73 : i32
        %lt3A_75 = arith.constant 0 : i32
        %lt3A_76 = arith.cmpi slt, %rem3A_72, %lt3A_75 : i32
        %lt3A_77 = arith.constant 0 : i32
        %lt3A_78 = arith.cmpi slt, %select_n3A_71, %lt3A_77 : i32
        %ne3A_79 = arith.xori %lt3A_76, %lt3A_78 : i1
        %and3A_80 = arith.andi %ne3A_79, %ne3A_74 : i1
        %add3A_81 = arith.addi %rem3A_72, %select_n3A_71 : i32
        %select_n3A_82 = arith.select %and3A_80, %add3A_81, %rem3A_72 : i32
        %dma_wait3A = arith.constant 0 : i32
        %dma_wait3A_83 = arith.constant 0 : i32
        %dma_wait3A_84 = tpu.memref_slice %arg8[%select_n3A_82, %dma_wait3A, %dma_wait3A_83] : memref<8x80x16xf32, #tpu.memory_space<vmem>> -> memref<1x80x16xf32, #tpu.memory_space<vmem>>
        %dma_wait3A_85 = tpu.memref_squeeze %dma_wait3A_84 : memref<1x80x16xf32, #tpu.memory_space<vmem>> -> memref<80x16xf32, #tpu.memory_space<vmem>>
        %dma_wait3A_86 = arith.constant 0 : i32
        %dma_wait3A_87 = tpu.memref_slice %arg6[%sub3A_66, %dma_wait3A_86] : memref<125x80xi32, #tpu.memory_space<vmem>> -> memref<1x80xi32, #tpu.memory_space<vmem>>
        %dma_wait3A_88 = tpu.memref_squeeze %dma_wait3A_87 : memref<1x80xi32, #tpu.memory_space<vmem>> -> memref<80xi32, #tpu.memory_space<vmem>>
        %dma_wait3A_89 = arith.constant 0 : i32
        %dma_wait3A_90 = arith.constant 0 : i32
        %dma_wait3A_91 = tpu.memref_slice %arg9[%dma_wait3A_89, %dma_wait3A_90] : memref<10000x16xf32, #tpu.memory_space<vmem_shared>> -> memref<10000x16xf32, #tpu.memory_space<vmem_shared>>
        %dma_wait3A_92 = tpu.memref_slice %arg10[%select_n3A_82] : memref<8x!tpu.dma_semaphore, #tpu.memory_space<semaphore_mem>> -> memref<1x!tpu.dma_semaphore, #tpu.memory_space<semaphore_mem>>
        %dma_wait3A_93 = tpu.memref_squeeze %dma_wait3A_92 : memref<1x!tpu.dma_semaphore, #tpu.memory_space<semaphore_mem>> -> memref<!tpu.dma_semaphore, #tpu.memory_space<semaphore_mem>>
        tpu.wait_indirect_dma semaphore(%dma_wait3A_93 : memref<!tpu.dma_semaphore, #tpu.memory_space<semaphore_mem>>) src(%dma_wait3A_85 : memref<80x16xf32, #tpu.memory_space<vmem>>) dst(%dma_wait3A_91 : memref<10000x16xf32, #tpu.memory_space<vmem_shared>>)
      } else {
      }
      %jit3A = arith.constant 8 : i32
      %eq3A = arith.constant 0 : i32
      %eq3A_24 = arith.cmpi eq, %jit3A, %eq3A : i32
      %jit3A_25 = arith.constant 1 : i32
      %select_n3A = arith.select %eq3A_24, %jit3A_25, %jit3A : i32
      %rem3A = arith.remsi %scan3A_21, %select_n3A : i32
      %ne3A = arith.constant 0 : i32
      %ne3A_26 = arith.cmpi ne, %rem3A, %ne3A : i32
      %lt3A = arith.constant 0 : i32
      %lt3A_27 = arith.cmpi slt, %rem3A, %lt3A : i32
      %lt3A_28 = arith.constant 0 : i32
      %lt3A_29 = arith.cmpi slt, %select_n3A, %lt3A_28 : i32
      %ne3A_30 = arith.xori %lt3A_27, %lt3A_29 : i1
      %and3A = arith.andi %ne3A_30, %ne3A_26 : i1
      %add3A_31 = arith.addi %rem3A, %select_n3A : i32
      %select_n3A_32 = arith.select %and3A, %add3A_31, %rem3A : i32
      %scan3A_33 = arith.constant 0 : i32
      %scan3A_34 = arith.constant 0 : i32
      %scan3A_35 = arith.constant 5 : i32
      %scan3A_36 = arith.addi %scan3A_34, %scan3A_35 : i32
      %scan3A_37 = arith.constant 1 : i32
      scf.for %scan3A_66 = %scan3A_34 to %scan3A_36 step %scan3A_37  : i32 {
        %mul3A_67 = arith.constant 16 : i32
        %mul3A_68 = arith.muli %scan3A_66, %mul3A_67 : i32
        %get3A = arith.index_cast %scan3A_21 : i32 to index
        %get3A_69 = arith.index_cast %mul3A_68 : i32 to index
        %get3A_70 = tpu.vector_load %arg7[%get3A, %get3A_69] {strides = array<i32>} : memref<125x80xf32, #tpu.memory_space<vmem>>, vector<1x16xf32>,
        %get3A_71 = vector.shape_cast %get3A_70 : vector<1x16xf32> to vector<16xf32>
        %slice3A = vector.extract_strided_slice %get3A_71 {offsets = [0], sizes = [1], strides = [1]} : vector<16xf32> to vector<1xf32>
        %squeeze3A = vector.extract %slice3A[0] : f32 from vector<1xf32>
        %broadcast_in_dim3A = vector.broadcast %squeeze3A : f32 to vector<16xf32>
        %mul3A_72 = arith.constant 16 : i32
        %mul3A_73 = arith.muli %scan3A_66, %mul3A_72 : i32
        %add3A_74 = arith.constant 0 : i32
        %add3A_75 = arith.addi %mul3A_73, %add3A_74 : i32
        %swap3A = arith.index_cast %select_n3A_32 : i32 to index
        %swap3A_76 = arith.index_cast %add3A_75 : i32 to index
        %swap3A_77 = arith.constant 0 : index
        %swap3A_78 = tpu.vector_load %arg8[%swap3A, %swap3A_76, %swap3A_77] {strides = array<i32>} : memref<8x80x16xf32, #tpu.memory_space<vmem>>, vector<1x1x16xf32>,
        %swap3A_79 = vector.shape_cast %swap3A_78 : vector<1x1x16xf32> to vector<16xf32>
        %swap3A_80 = vector.shape_cast %broadcast_in_dim3A : vector<16xf32> to vector<1x1x16xf32>
        tpu.vector_store %arg8[%swap3A, %swap3A_76, %swap3A_77], %swap3A_80 {strides = array<i32>} : memref<8x80x16xf32, #tpu.memory_space<vmem>>, vector<1x1x16xf32>,
        %slice3A_81 = vector.extract_strided_slice %get3A_71 {offsets = [1], sizes = [1], strides = [1]} : vector<16xf32> to vector<1xf32>
        %squeeze3A_82 = vector.extract %slice3A_81[0] : f32 from vector<1xf32>
        %broadcast_in_dim3A_83 = vector.broadcast %squeeze3A_82 : f32 to vector<16xf32>
        %mul3A_84 = arith.constant 16 : i32
        %mul3A_85 = arith.muli %scan3A_66, %mul3A_84 : i32
        %add3A_86 = arith.constant 1 : i32
        %add3A_87 = arith.addi %mul3A_85, %add3A_86 : i32
        %swap3A_88 = arith.index_cast %select_n3A_32 : i32 to index
        %swap3A_89 = arith.index_cast %add3A_87 : i32 to index
        %swap3A_90 = arith.constant 0 : index
        %swap3A_91 = tpu.vector_load %arg8[%swap3A_88, %swap3A_89, %swap3A_90] {strides = array<i32>} : memref<8x80x16xf32, #tpu.memory_space<vmem>>, vector<1x1x16xf32>,
        %swap3A_92 = vector.shape_cast %swap3A_91 : vector<1x1x16xf32> to vector<16xf32>
        %swap3A_93 = vector.shape_cast %broadcast_in_dim3A_83 : vector<16xf32> to vector<1x1x16xf32>
        tpu.vector_store %arg8[%swap3A_88, %swap3A_89, %swap3A_90], %swap3A_93 {strides = array<i32>} : memref<8x80x16xf32, #tpu.memory_space<vmem>>, vector<1x1x16xf32>,
        %slice3A_94 = vector.extract_strided_slice %get3A_71 {offsets = [2], sizes = [1], strides = [1]} : vector<16xf32> to vector<1xf32>
        %squeeze3A_95 = vector.extract %slice3A_94[0] : f32 from vector<1xf32>
        %broadcast_in_dim3A_96 = vector.broadcast %squeeze3A_95 : f32 to vector<16xf32>
        %mul3A_97 = arith.constant 16 : i32
        %mul3A_98 = arith.muli %scan3A_66, %mul3A_97 : i32
        %add3A_99 = arith.constant 2 : i32
        %add3A_100 = arith.addi %mul3A_98, %add3A_99 : i32
        %swap3A_101 = arith.index_cast %select_n3A_32 : i32 to index
        %swap3A_102 = arith.index_cast %add3A_100 : i32 to index
        %swap3A_103 = arith.constant 0 : index
        %swap3A_104 = tpu.vector_load %arg8[%swap3A_101, %swap3A_102, %swap3A_103] {strides = array<i32>} : memref<8x80x16xf32, #tpu.memory_space<vmem>>, vector<1x1x16xf32>,
        %swap3A_105 = vector.shape_cast %swap3A_104 : vector<1x1x16xf32> to vector<16xf32>
        %swap3A_106 = vector.shape_cast %broadcast_in_dim3A_96 : vector<16xf32> to vector<1x1x16xf32>
        tpu.vector_store %arg8[%swap3A_101, %swap3A_102, %swap3A_103], %swap3A_106 {strides = array<i32>} : memref<8x80x16xf32, #tpu.memory_space<vmem>>, vector<1x1x16xf32>,
        %slice3A_107 = vector.extract_strided_slice %get3A_71 {offsets = [3], sizes = [1], strides = [1]} : vector<16xf32> to vector<1xf32>
        %squeeze3A_108 = vector.extract %slice3A_107[0] : f32 from vector<1xf32>
        %broadcast_in_dim3A_109 = vector.broadcast %squeeze3A_108 : f32 to vector<16xf32>
        %mul3A_110 = arith.constant 16 : i32
        %mul3A_111 = arith.muli %scan3A_66, %mul3A_110 : i32
        %add3A_112 = arith.constant 3 : i32
        %add3A_113 = arith.addi %mul3A_111, %add3A_112 : i32
        %swap3A_114 = arith.index_cast %select_n3A_32 : i32 to index
        %swap3A_115 = arith.index_cast %add3A_113 : i32 to index
        %swap3A_116 = arith.constant 0 : index
        %swap3A_117 = tpu.vector_load %arg8[%swap3A_114, %swap3A_115, %swap3A_116] {strides = array<i32>} : memref<8x80x16xf32, #tpu.memory_space<vmem>>, vector<1x1x16xf32>,
        %swap3A_118 = vector.shape_cast %swap3A_117 : vector<1x1x16xf32> to vector<16xf32>
        %swap3A_119 = vector.shape_cast %broadcast_in_dim3A_109 : vector<16xf32> to vector<1x1x16xf32>
        tpu.vector_store %arg8[%swap3A_114, %swap3A_115, %swap3A_116], %swap3A_119 {strides = array<i32>} : memref<8x80x16xf32, #tpu.memory_space<vmem>>, vector<1x1x16xf32>,
        %slice3A_120 = vector.extract_strided_slice %get3A_71 {offsets = [4], sizes = [1], strides = [1]} : vector<16xf32> to vector<1xf32>
        %squeeze3A_121 = vector.extract %slice3A_120[0] : f32 from vector<1xf32>
        %broadcast_in_dim3A_122 = vector.broadcast %squeeze3A_121 : f32 to vector<16xf32>
        %mul3A_123 = arith.constant 16 : i32
        %mul3A_124 = arith.muli %scan3A_66, %mul3A_123 : i32
        %add3A_125 = arith.constant 4 : i32
        %add3A_126 = arith.addi %mul3A_124, %add3A_125 : i32
        %swap3A_127 = arith.index_cast %select_n3A_32 : i32 to index
        %swap3A_128 = arith.index_cast %add3A_126 : i32 to index
        %swap3A_129 = arith.constant 0 : index
        %swap3A_130 = tpu.vector_load %arg8[%swap3A_127, %swap3A_128, %swap3A_129] {strides = array<i32>} : memref<8x80x16xf32, #tpu.memory_space<vmem>>, vector<1x1x16xf32>,
        %swap3A_131 = vector.shape_cast %swap3A_130 : vector<1x1x16xf32> to vector<16xf32>
        %swap3A_132 = vector.shape_cast %broadcast_in_dim3A_122 : vector<16xf32> to vector<1x1x16xf32>
        tpu.vector_store %arg8[%swap3A_127, %swap3A_128, %swap3A_129], %swap3A_132 {strides = array<i32>} : memref<8x80x16xf32, #tpu.memory_space<vmem>>, vector<1x1x16xf32>,
        %slice3A_133 = vector.extract_strided_slice %get3A_71 {offsets = [5], sizes = [1], strides = [1]} : vector<16xf32> to vector<1xf32>
        %squeeze3A_134 = vector.extract %slice3A_133[0] : f32 from vector<1xf32>
        %broadcast_in_dim3A_135 = vector.broadcast %squeeze3A_134 : f32 to vector<16xf32>
        %mul3A_136 = arith.constant 16 : i32
        %mul3A_137 = arith.muli %scan3A_66, %mul3A_136 : i32
        %add3A_138 = arith.constant 5 : i32
        %add3A_139 = arith.addi %mul3A_137, %add3A_138 : i32
        %swap3A_140 = arith.index_cast %select_n3A_32 : i32 to index
        %swap3A_141 = arith.index_cast %add3A_139 : i32 to index
        %swap3A_142 = arith.constant 0 : index
        %swap3A_143 = tpu.vector_load %arg8[%swap3A_140, %swap3A_141, %swap3A_142] {strides = array<i32>} : memref<8x80x16xf32, #tpu.memory_space<vmem>>, vector<1x1x16xf32>,
        %swap3A_144 = vector.shape_cast %swap3A_143 : vector<1x1x16xf32> to vector<16xf32>
        %swap3A_145 = vector.shape_cast %broadcast_in_dim3A_135 : vector<16xf32> to vector<1x1x16xf32>
        tpu.vector_store %arg8[%swap3A_140, %swap3A_141, %swap3A_142], %swap3A_145 {strides = array<i32>} : memref<8x80x16xf32, #tpu.memory_space<vmem>>, vector<1x1x16xf32>,
        %slice3A_146 = vector.extract_strided_slice %get3A_71 {offsets = [6], sizes = [1], strides = [1]} : vector<16xf32> to vector<1xf32>
        %squeeze3A_147 = vector.extract %slice3A_146[0] : f32 from vector<1xf32>
        %broadcast_in_dim3A_148 = vector.broadcast %squeeze3A_147 : f32 to vector<16xf32>
        %mul3A_149 = arith.constant 16 : i32
        %mul3A_150 = arith.muli %scan3A_66, %mul3A_149 : i32
        %add3A_151 = arith.constant 6 : i32
        %add3A_152 = arith.addi %mul3A_150, %add3A_151 : i32
        %swap3A_153 = arith.index_cast %select_n3A_32 : i32 to index
        %swap3A_154 = arith.index_cast %add3A_152 : i32 to index
        %swap3A_155 = arith.constant 0 : index
        %swap3A_156 = tpu.vector_load %arg8[%swap3A_153, %swap3A_154, %swap3A_155] {strides = array<i32>} : memref<8x80x16xf32, #tpu.memory_space<vmem>>, vector<1x1x16xf32>,
        %swap3A_157 = vector.shape_cast %swap3A_156 : vector<1x1x16xf32> to vector<16xf32>
        %swap3A_158 = vector.shape_cast %broadcast_in_dim3A_148 : vector<16xf32> to vector<1x1x16xf32>
        tpu.vector_store %arg8[%swap3A_153, %swap3A_154, %swap3A_155], %swap3A_158 {strides = array<i32>} : memref<8x80x16xf32, #tpu.memory_space<vmem>>, vector<1x1x16xf32>,
        %slice3A_159 = vector.extract_strided_slice %get3A_71 {offsets = [7], sizes = [1], strides = [1]} : vector<16xf32> to vector<1xf32>
        %squeeze3A_160 = vector.extract %slice3A_159[0] : f32 from vector<1xf32>
        %broadcast_in_dim3A_161 = vector.broadcast %squeeze3A_160 : f32 to vector<16xf32>
        %mul3A_162 = arith.constant 16 : i32
        %mul3A_163 = arith.muli %scan3A_66, %mul3A_162 : i32
        %add3A_164 = arith.constant 7 : i32
        %add3A_165 = arith.addi %mul3A_163, %add3A_164 : i32
        %swap3A_166 = arith.index_cast %select_n3A_32 : i32 to index
        %swap3A_167 = arith.index_cast %add3A_165 : i32 to index
        %swap3A_168 = arith.constant 0 : index
        %swap3A_169 = tpu.vector_load %arg8[%swap3A_166, %swap3A_167, %swap3A_168] {strides = array<i32>} : memref<8x80x16xf32, #tpu.memory_space<vmem>>, vector<1x1x16xf32>,
        %swap3A_170 = vector.shape_cast %swap3A_169 : vector<1x1x16xf32> to vector<16xf32>
        %swap3A_171 = vector.shape_cast %broadcast_in_dim3A_161 : vector<16xf32> to vector<1x1x16xf32>
        tpu.vector_store %arg8[%swap3A_166, %swap3A_167, %swap3A_168], %swap3A_171 {strides = array<i32>} : memref<8x80x16xf32, #tpu.memory_space<vmem>>, vector<1x1x16xf32>,
        %slice3A_172 = vector.extract_strided_slice %get3A_71 {offsets = [8], sizes = [1], strides = [1]} : vector<16xf32> to vector<1xf32>
        %squeeze3A_173 = vector.extract %slice3A_172[0] : f32 from vector<1xf32>
        %broadcast_in_dim3A_174 = vector.broadcast %squeeze3A_173 : f32 to vector<16xf32>
        %mul3A_175 = arith.constant 16 : i32
        %mul3A_176 = arith.muli %scan3A_66, %mul3A_175 : i32
        %add3A_177 = arith.constant 8 : i32
        %add3A_178 = arith.addi %mul3A_176, %add3A_177 : i32
        %swap3A_179 = arith.index_cast %select_n3A_32 : i32 to index
        %swap3A_180 = arith.index_cast %add3A_178 : i32 to index
        %swap3A_181 = arith.constant 0 : index
        %swap3A_182 = tpu.vector_load %arg8[%swap3A_179, %swap3A_180, %swap3A_181] {strides = array<i32>} : memref<8x80x16xf32, #tpu.memory_space<vmem>>, vector<1x1x16xf32>,
        %swap3A_183 = vector.shape_cast %swap3A_182 : vector<1x1x16xf32> to vector<16xf32>
        %swap3A_184 = vector.shape_cast %broadcast_in_dim3A_174 : vector<16xf32> to vector<1x1x16xf32>
        tpu.vector_store %arg8[%swap3A_179, %swap3A_180, %swap3A_181], %swap3A_184 {strides = array<i32>} : memref<8x80x16xf32, #tpu.memory_space<vmem>>, vector<1x1x16xf32>,
        %slice3A_185 = vector.extract_strided_slice %get3A_71 {offsets = [9], sizes = [1], strides = [1]} : vector<16xf32> to vector<1xf32>
        %squeeze3A_186 = vector.extract %slice3A_185[0] : f32 from vector<1xf32>
        %broadcast_in_dim3A_187 = vector.broadcast %squeeze3A_186 : f32 to vector<16xf32>
        %mul3A_188 = arith.constant 16 : i32
        %mul3A_189 = arith.muli %scan3A_66, %mul3A_188 : i32
        %add3A_190 = arith.constant 9 : i32
        %add3A_191 = arith.addi %mul3A_189, %add3A_190 : i32
        %swap3A_192 = arith.index_cast %select_n3A_32 : i32 to index
        %swap3A_193 = arith.index_cast %add3A_191 : i32 to index
        %swap3A_194 = arith.constant 0 : index
        %swap3A_195 = tpu.vector_load %arg8[%swap3A_192, %swap3A_193, %swap3A_194] {strides = array<i32>} : memref<8x80x16xf32, #tpu.memory_space<vmem>>, vector<1x1x16xf32>,
        %swap3A_196 = vector.shape_cast %swap3A_195 : vector<1x1x16xf32> to vector<16xf32>
        %swap3A_197 = vector.shape_cast %broadcast_in_dim3A_187 : vector<16xf32> to vector<1x1x16xf32>
        tpu.vector_store %arg8[%swap3A_192, %swap3A_193, %swap3A_194], %swap3A_197 {strides = array<i32>} : memref<8x80x16xf32, #tpu.memory_space<vmem>>, vector<1x1x16xf32>,
        %slice3A_198 = vector.extract_strided_slice %get3A_71 {offsets = [10], sizes = [1], strides = [1]} : vector<16xf32> to vector<1xf32>
        %squeeze3A_199 = vector.extract %slice3A_198[0] : f32 from vector<1xf32>
        %broadcast_in_dim3A_200 = vector.broadcast %squeeze3A_199 : f32 to vector<16xf32>
        %mul3A_201 = arith.constant 16 : i32
        %mul3A_202 = arith.muli %scan3A_66, %mul3A_201 : i32
        %add3A_203 = arith.constant 10 : i32
        %add3A_204 = arith.addi %mul3A_202, %add3A_203 : i32
        %swap3A_205 = arith.index_cast %select_n3A_32 : i32 to index
        %swap3A_206 = arith.index_cast %add3A_204 : i32 to index
        %swap3A_207 = arith.constant 0 : index
        %swap3A_208 = tpu.vector_load %arg8[%swap3A_205, %swap3A_206, %swap3A_207] {strides = array<i32>} : memref<8x80x16xf32, #tpu.memory_space<vmem>>, vector<1x1x16xf32>,
        %swap3A_209 = vector.shape_cast %swap3A_208 : vector<1x1x16xf32> to vector<16xf32>
        %swap3A_210 = vector.shape_cast %broadcast_in_dim3A_200 : vector<16xf32> to vector<1x1x16xf32>
        tpu.vector_store %arg8[%swap3A_205, %swap3A_206, %swap3A_207], %swap3A_210 {strides = array<i32>} : memref<8x80x16xf32, #tpu.memory_space<vmem>>, vector<1x1x16xf32>,
        %slice3A_211 = vector.extract_strided_slice %get3A_71 {offsets = [11], sizes = [1], strides = [1]} : vector<16xf32> to vector<1xf32>
        %squeeze3A_212 = vector.extract %slice3A_211[0] : f32 from vector<1xf32>
        %broadcast_in_dim3A_213 = vector.broadcast %squeeze3A_212 : f32 to vector<16xf32>
        %mul3A_214 = arith.constant 16 : i32
        %mul3A_215 = arith.muli %scan3A_66, %mul3A_214 : i32
        %add3A_216 = arith.constant 11 : i32
        %add3A_217 = arith.addi %mul3A_215, %add3A_216 : i32
        %swap3A_218 = arith.index_cast %select_n3A_32 : i32 to index
        %swap3A_219 = arith.index_cast %add3A_217 : i32 to index
        %swap3A_220 = arith.constant 0 : index
        %swap3A_221 = tpu.vector_load %arg8[%swap3A_218, %swap3A_219, %swap3A_220] {strides = array<i32>} : memref<8x80x16xf32, #tpu.memory_space<vmem>>, vector<1x1x16xf32>,
        %swap3A_222 = vector.shape_cast %swap3A_221 : vector<1x1x16xf32> to vector<16xf32>
        %swap3A_223 = vector.shape_cast %broadcast_in_dim3A_213 : vector<16xf32> to vector<1x1x16xf32>
        tpu.vector_store %arg8[%swap3A_218, %swap3A_219, %swap3A_220], %swap3A_223 {strides = array<i32>} : memref<8x80x16xf32, #tpu.memory_space<vmem>>, vector<1x1x16xf32>,
        %slice3A_224 = vector.extract_strided_slice %get3A_71 {offsets = [12], sizes = [1], strides = [1]} : vector<16xf32> to vector<1xf32>
        %squeeze3A_225 = vector.extract %slice3A_224[0] : f32 from vector<1xf32>
        %broadcast_in_dim3A_226 = vector.broadcast %squeeze3A_225 : f32 to vector<16xf32>
        %mul3A_227 = arith.constant 16 : i32
        %mul3A_228 = arith.muli %scan3A_66, %mul3A_227 : i32
        %add3A_229 = arith.constant 12 : i32
        %add3A_230 = arith.addi %mul3A_228, %add3A_229 : i32
        %swap3A_231 = arith.index_cast %select_n3A_32 : i32 to index
        %swap3A_232 = arith.index_cast %add3A_230 : i32 to index
        %swap3A_233 = arith.constant 0 : index
        %swap3A_234 = tpu.vector_load %arg8[%swap3A_231, %swap3A_232, %swap3A_233] {strides = array<i32>} : memref<8x80x16xf32, #tpu.memory_space<vmem>>, vector<1x1x16xf32>,
        %swap3A_235 = vector.shape_cast %swap3A_234 : vector<1x1x16xf32> to vector<16xf32>
        %swap3A_236 = vector.shape_cast %broadcast_in_dim3A_226 : vector<16xf32> to vector<1x1x16xf32>
        tpu.vector_store %arg8[%swap3A_231, %swap3A_232, %swap3A_233], %swap3A_236 {strides = array<i32>} : memref<8x80x16xf32, #tpu.memory_space<vmem>>, vector<1x1x16xf32>,
        %slice3A_237 = vector.extract_strided_slice %get3A_71 {offsets = [13], sizes = [1], strides = [1]} : vector<16xf32> to vector<1xf32>
        %squeeze3A_238 = vector.extract %slice3A_237[0] : f32 from vector<1xf32>
        %broadcast_in_dim3A_239 = vector.broadcast %squeeze3A_238 : f32 to vector<16xf32>
        %mul3A_240 = arith.constant 16 : i32
        %mul3A_241 = arith.muli %scan3A_66, %mul3A_240 : i32
        %add3A_242 = arith.constant 13 : i32
        %add3A_243 = arith.addi %mul3A_241, %add3A_242 : i32
        %swap3A_244 = arith.index_cast %select_n3A_32 : i32 to index
        %swap3A_245 = arith.index_cast %add3A_243 : i32 to index
        %swap3A_246 = arith.constant 0 : index
        %swap3A_247 = tpu.vector_load %arg8[%swap3A_244, %swap3A_245, %swap3A_246] {strides = array<i32>} : memref<8x80x16xf32, #tpu.memory_space<vmem>>, vector<1x1x16xf32>,
        %swap3A_248 = vector.shape_cast %swap3A_247 : vector<1x1x16xf32> to vector<16xf32>
        %swap3A_249 = vector.shape_cast %broadcast_in_dim3A_239 : vector<16xf32> to vector<1x1x16xf32>
        tpu.vector_store %arg8[%swap3A_244, %swap3A_245, %swap3A_246], %swap3A_249 {strides = array<i32>} : memref<8x80x16xf32, #tpu.memory_space<vmem>>, vector<1x1x16xf32>,
        %slice3A_250 = vector.extract_strided_slice %get3A_71 {offsets = [14], sizes = [1], strides = [1]} : vector<16xf32> to vector<1xf32>
        %squeeze3A_251 = vector.extract %slice3A_250[0] : f32 from vector<1xf32>
        %broadcast_in_dim3A_252 = vector.broadcast %squeeze3A_251 : f32 to vector<16xf32>
        %mul3A_253 = arith.constant 16 : i32
        %mul3A_254 = arith.muli %scan3A_66, %mul3A_253 : i32
        %add3A_255 = arith.constant 14 : i32
        %add3A_256 = arith.addi %mul3A_254, %add3A_255 : i32
        %swap3A_257 = arith.index_cast %select_n3A_32 : i32 to index
        %swap3A_258 = arith.index_cast %add3A_256 : i32 to index
        %swap3A_259 = arith.constant 0 : index
        %swap3A_260 = tpu.vector_load %arg8[%swap3A_257, %swap3A_258, %swap3A_259] {strides = array<i32>} : memref<8x80x16xf32, #tpu.memory_space<vmem>>, vector<1x1x16xf32>,
        %swap3A_261 = vector.shape_cast %swap3A_260 : vector<1x1x16xf32> to vector<16xf32>
        %swap3A_262 = vector.shape_cast %broadcast_in_dim3A_252 : vector<16xf32> to vector<1x1x16xf32>
        tpu.vector_store %arg8[%swap3A_257, %swap3A_258, %swap3A_259], %swap3A_262 {strides = array<i32>} : memref<8x80x16xf32, #tpu.memory_space<vmem>>, vector<1x1x16xf32>,
        %slice3A_263 = vector.extract_strided_slice %get3A_71 {offsets = [15], sizes = [1], strides = [1]} : vector<16xf32> to vector<1xf32>
        %squeeze3A_264 = vector.extract %slice3A_263[0] : f32 from vector<1xf32>
        %broadcast_in_dim3A_265 = vector.broadcast %squeeze3A_264 : f32 to vector<16xf32>
        %mul3A_266 = arith.constant 16 : i32
        %mul3A_267 = arith.muli %scan3A_66, %mul3A_266 : i32
        %add3A_268 = arith.constant 15 : i32
        %add3A_269 = arith.addi %mul3A_267, %add3A_268 : i32
        %swap3A_270 = arith.index_cast %select_n3A_32 : i32 to index
        %swap3A_271 = arith.index_cast %add3A_269 : i32 to index
        %swap3A_272 = arith.constant 0 : index
        %swap3A_273 = tpu.vector_load %arg8[%swap3A_270, %swap3A_271, %swap3A_272] {strides = array<i32>} : memref<8x80x16xf32, #tpu.memory_space<vmem>>, vector<1x1x16xf32>,
        %swap3A_274 = vector.shape_cast %swap3A_273 : vector<1x1x16xf32> to vector<16xf32>
        %swap3A_275 = vector.shape_cast %broadcast_in_dim3A_265 : vector<16xf32> to vector<1x1x16xf32>
        tpu.vector_store %arg8[%swap3A_270, %swap3A_271, %swap3A_272], %swap3A_275 {strides = array<i32>} : memref<8x80x16xf32, #tpu.memory_space<vmem>>, vector<1x1x16xf32>,
      }
      %scan3A_38 = arith.constant 5 : i32
      %jit3A_39 = arith.constant 8 : i32
      %eq3A_40 = arith.constant 0 : i32
      %eq3A_41 = arith.cmpi eq, %jit3A_39, %eq3A_40 : i32
      %jit3A_42 = arith.constant 1 : i32
      %select_n3A_43 = arith.select %eq3A_41, %jit3A_42, %jit3A_39 : i32
      %rem3A_44 = arith.remsi %scan3A_21, %select_n3A_43 : i32
      %ne3A_45 = arith.constant 0 : i32
      %ne3A_46 = arith.cmpi ne, %rem3A_44, %ne3A_45 : i32
      %lt3A_47 = arith.constant 0 : i32
      %lt3A_48 = arith.cmpi slt, %rem3A_44, %lt3A_47 : i32
      %lt3A_49 = arith.constant 0 : i32
      %lt3A_50 = arith.cmpi slt, %select_n3A_43, %lt3A_49 : i32
      %ne3A_51 = arith.xori %lt3A_48, %lt3A_50 : i1
      %and3A_52 = arith.andi %ne3A_51, %ne3A_46 : i1
      %add3A_53 = arith.addi %rem3A_44, %select_n3A_43 : i32
      %select_n3A_54 = arith.select %and3A_52, %add3A_53, %rem3A_44 : i32
      %dma_start3A = arith.constant 0 : i32
      %dma_start3A_55 = arith.constant 0 : i32
      %dma_start3A_56 = tpu.memref_slice %arg8[%select_n3A_54, %dma_start3A, %dma_start3A_55] : memref<8x80x16xf32, #tpu.memory_space<vmem>> -> memref<1x80x16xf32, #tpu.memory_space<vmem>>
      %dma_start3A_57 = tpu.memref_squeeze %dma_start3A_56 : memref<1x80x16xf32, #tpu.memory_space<vmem>> -> memref<80x16xf32, #tpu.memory_space<vmem>>
      %dma_start3A_58 = arith.constant 0 : i32
      %dma_start3A_59 = tpu.memref_slice %arg6[%scan3A_21, %dma_start3A_58] : memref<125x80xi32, #tpu.memory_space<vmem>> -> memref<1x80xi32, #tpu.memory_space<vmem>>
      %dma_start3A_60 = tpu.memref_squeeze %dma_start3A_59 : memref<1x80xi32, #tpu.memory_space<vmem>> -> memref<80xi32, #tpu.memory_space<vmem>>
      %dma_start3A_61 = arith.constant 0 : i32
      %dma_start3A_62 = arith.constant 0 : i32
      %dma_start3A_63 = tpu.memref_slice %arg9[%dma_start3A_61, %dma_start3A_62] : memref<10000x16xf32, #tpu.memory_space<vmem_shared>> -> memref<10000x16xf32, #tpu.memory_space<vmem_shared>>
      %dma_start3A_64 = tpu.memref_slice %arg10[%select_n3A_54] : memref<8x!tpu.dma_semaphore, #tpu.memory_space<semaphore_mem>> -> memref<1x!tpu.dma_semaphore, #tpu.memory_space<semaphore_mem>>
      %dma_start3A_65 = tpu.memref_squeeze %dma_start3A_64 : memref<1x!tpu.dma_semaphore, #tpu.memory_space<semaphore_mem>> -> memref<!tpu.dma_semaphore, #tpu.memory_space<semaphore_mem>>
      tpu.enqueue_indirect_dma source(%dma_start3A_57 : memref<80x16xf32, #tpu.memory_space<vmem>>) target(%dma_start3A_63 : memref<10000x16xf32, #tpu.memory_space<vmem_shared>>) offsets(%dma_start3A_60 : memref<80xi32, #tpu.memory_space<vmem>>) semaphore(%dma_start3A_65 : memref<!tpu.dma_semaphore, #tpu.memory_space<semaphore_mem>>) {add = true}
    }
    %scan3A_9 = arith.constant 125 : i32
    %scan3A_10 = arith.constant 0 : i32
    %scan3A_11 = arith.constant 117 : i32
    %scan3A_12 = arith.constant 8 : i32
    %scan3A_13 = arith.addi %scan3A_11, %scan3A_12 : i32
    %scan3A_14 = arith.constant 1 : i32
    scf.for %scan3A_21 = %scan3A_11 to %scan3A_13 step %scan3A_14  : i32 {
      %jit3A = arith.constant 8 : i32
      %eq3A = arith.constant 0 : i32
      %eq3A_22 = arith.cmpi eq, %jit3A, %eq3A : i32
      %jit3A_23 = arith.constant 1 : i32
      %select_n3A = arith.select %eq3A_22, %jit3A_23, %jit3A : i32
      %rem3A = arith.remsi %scan3A_21, %select_n3A : i32
      %ne3A = arith.constant 0 : i32
      %ne3A_24 = arith.cmpi ne, %rem3A, %ne3A : i32
      %lt3A = arith.constant 0 : i32
      %lt3A_25 = arith.cmpi slt, %rem3A, %lt3A : i32
      %lt3A_26 = arith.constant 0 : i32
      %lt3A_27 = arith.cmpi slt, %select_n3A, %lt3A_26 : i32
      %ne3A_28 = arith.xori %lt3A_25, %lt3A_27 : i1
      %and3A = arith.andi %ne3A_28, %ne3A_24 : i1
      %add3A_29 = arith.addi %rem3A, %select_n3A : i32
      %select_n3A_30 = arith.select %and3A, %add3A_29, %rem3A : i32
      %dma_wait3A = arith.constant 0 : i32
      %dma_wait3A_31 = arith.constant 0 : i32
      %dma_wait3A_32 = tpu.memref_slice %arg8[%select_n3A_30, %dma_wait3A, %dma_wait3A_31] : memref<8x80x16xf32, #tpu.memory_space<vmem>> -> memref<1x80x16xf32, #tpu.memory_space<vmem>>
      %dma_wait3A_33 = tpu.memref_squeeze %dma_wait3A_32 : memref<1x80x16xf32, #tpu.memory_space<vmem>> -> memref<80x16xf32, #tpu.memory_space<vmem>>
      %dma_wait3A_34 = arith.constant 0 : i32
      %dma_wait3A_35 = tpu.memref_slice %arg6[%scan3A_21, %dma_wait3A_34] : memref<125x80xi32, #tpu.memory_space<vmem>> -> memref<1x80xi32, #tpu.memory_space<vmem>>
      %dma_wait3A_36 = tpu.memref_squeeze %dma_wait3A_35 : memref<1x80xi32, #tpu.memory_space<vmem>> -> memref<80xi32, #tpu.memory_space<vmem>>
      %dma_wait3A_37 = arith.constant 0 : i32
      %dma_wait3A_38 = arith.constant 0 : i32
      %dma_wait3A_39 = tpu.memref_slice %arg9[%dma_wait3A_37, %dma_wait3A_38] : memref<10000x16xf32, #tpu.memory_space<vmem_shared>> -> memref<10000x16xf32, #tpu.memory_space<vmem_shared>>
      %dma_wait3A_40 = tpu.memref_slice %arg10[%select_n3A_30] : memref<8x!tpu.dma_semaphore, #tpu.memory_space<semaphore_mem>> -> memref<1x!tpu.dma_semaphore, #tpu.memory_space<semaphore_mem>>
      %dma_wait3A_41 = tpu.memref_squeeze %dma_wait3A_40 : memref<1x!tpu.dma_semaphore, #tpu.memory_space<semaphore_mem>> -> memref<!tpu.dma_semaphore, #tpu.memory_space<semaphore_mem>>
      tpu.wait_indirect_dma semaphore(%dma_wait3A_41 : memref<!tpu.dma_semaphore, #tpu.memory_space<semaphore_mem>>) src(%dma_wait3A_33 : memref<80x16xf32, #tpu.memory_space<vmem>>) dst(%dma_wait3A_39 : memref<10000x16xf32, #tpu.memory_space<vmem_shared>>)
    }
    %scan3A_15 = arith.constant 8 : i32
    %barrier3A_16 = arith.constant 0 : index
    tpu.barrier barrier_id(%barrier3A_16)
    %mul3A_17 = arith.constant 625 : i32
    %mul3A_18 = arith.muli %arg1, %mul3A_17 : i32
    %mul3A_19 = arith.constant 625 : i32
    %mul3A_20 = arith.muli %arg1, %mul3A_19 : i32
    "tpu.region"() ({
      %run_scoped3A = tpu.sem_alloc : memref<!tpu.dma_semaphore, #tpu.memory_space<semaphore_mem>>
      %dma_start3A = arith.constant 0 : i32
      %dma_start3A_21 = tpu.memref_slice %arg5[%arg0, %mul3A_20, %dma_start3A] : memref<2x10000x16xf32, #tpu.memory_space<hbm>> -> memref<1x625x16xf32, #tpu.memory_space<hbm>>
      %dma_start3A_22 = tpu.memref_squeeze %dma_start3A_21 : memref<1x625x16xf32, #tpu.memory_space<hbm>> -> memref<625x16xf32, #tpu.memory_space<hbm>>
      %dma_start3A_23 = arith.constant 0 : i32
      %dma_start3A_24 = tpu.memref_slice %arg9[%mul3A_18, %dma_start3A_23] : memref<10000x16xf32, #tpu.memory_space<vmem_shared>> -> memref<625x16xf32, #tpu.memory_space<vmem_shared>>
      tpu.enqueue_dma source(%dma_start3A_24 : memref<625x16xf32, #tpu.memory_space<vmem_shared>>) target(%dma_start3A_22 : memref<625x16xf32, #tpu.memory_space<hbm>>) target_semaphore(%run_scoped3A : memref<!tpu.dma_semaphore, #tpu.memory_space<semaphore_mem>>)
      %dma_wait3A = arith.constant 0 : i32
      %dma_wait3A_25 = tpu.memref_slice %arg5[%arg0, %mul3A_20, %dma_wait3A] : memref<2x10000x16xf32, #tpu.memory_space<hbm>> -> memref<1x625x16xf32, #tpu.memory_space<hbm>>
      %dma_wait3A_26 = tpu.memref_squeeze %dma_wait3A_25 : memref<1x625x16xf32, #tpu.memory_space<hbm>> -> memref<625x16xf32, #tpu.memory_space<hbm>>
      %dma_wait3A_27 = arith.constant 0 : i32
      %dma_wait3A_28 = tpu.memref_slice %arg9[%mul3A_18, %dma_wait3A_27] : memref<10000x16xf32, #tpu.memory_space<vmem_shared>> -> memref<625x16xf32, #tpu.memory_space<vmem_shared>>
      tpu.wait_dma2 semaphore(%run_scoped3A : memref<!tpu.dma_semaphore, #tpu.memory_space<semaphore_mem>>) src(%dma_wait3A_28 : memref<625x16xf32, #tpu.memory_space<vmem_shared>>) dst(%dma_wait3A_26 : memref<625x16xf32, #tpu.memory_space<hbm>>)
      tpu.yield
    }) : () -> ()
    return
  }
}

#map = affine_map<(d0, d1) -> (0, 0)>
#map1 = affine_map<(d0, d1) -> (0, 0, 0)>
module attributes {stable_mosaic.version = 14 : i64} {
  func.func @_prop_body(%arg0: i32, %arg1: i32, %arg2: memref<4000x80xi32, #tpu.memory_space<hbm>>, %arg3: memref<32x125x80xi32, #tpu.memory_space<hbm>>, %arg4: memref<32x125x80xf32, #tpu.memory_space<hbm>>, %arg5: memref<10000x16xf32, #tpu.memory_space<hbm>>, %arg6: memref<10000x16xf32, #tpu.memory_space<hbm>>, %arg7: memref<2x10000x16xf32, #tpu.memory_space<hbm>>, %arg8: memref<125x80xi32, #tpu.memory_space<vmem>>, %arg9: memref<125x80xi32, #tpu.memory_space<vmem>>, %arg10: memref<125x80xf32, #tpu.memory_space<vmem>>, %arg11: memref<8x80x16xf32, #tpu.memory_space<vmem>>, %arg12: memref<10000x16xf32, #tpu.memory_space<vmem_shared>>, %arg13: memref<10000x16xf32, #tpu.memory_space<vmem_shared>>, %arg14: memref<8x!tpu.dma_semaphore, #tpu.memory_space<semaphore_mem>>, %arg15: memref<8x!tpu.dma_semaphore, #tpu.memory_space<semaphore_mem>>) attributes {dimension_semantics = [#tpu.dimension_semantics<core_parallel>, #tpu.dimension_semantics<subcore_parallel>], iteration_bounds = array<i64: 2, 16>, scalar_prefetch = 0 : i64, scratch_operands = 8 : i64, tpu.core_type = #tpu.core_type<sc_vector_subcore>, window_params = [{transform_indices = #map}, {transform_indices = #map1}, {transform_indices = #map1}, {transform_indices = #map}, {transform_indices = #map}, {transform_indices = #map1}]} {
    %mul3A = arith.constant 2 : i32
    %mul3A_0 = arith.muli %arg1, %mul3A : i32
    %add3A = arith.addi %mul3A_0, %arg0 : i32
    %mul3A_1 = arith.constant 625 : i32
    %mul3A_2 = arith.muli %arg1, %mul3A_1 : i32
    %mul3A_3 = arith.constant 625 : i32
    %mul3A_4 = arith.muli %arg1, %mul3A_3 : i32
    "tpu.region"() ({
      %run_scoped3A = tpu.sem_alloc : memref<!tpu.dma_semaphore, #tpu.memory_space<semaphore_mem>>
      %dma_start3A_71 = arith.constant 0 : i32
      %dma_start3A_72 = tpu.memref_slice %arg12[%mul3A_4, %dma_start3A_71] : memref<10000x16xf32, #tpu.memory_space<vmem_shared>> -> memref<625x16xf32, #tpu.memory_space<vmem_shared>>
      %dma_start3A_73 = arith.constant 0 : i32
      %dma_start3A_74 = tpu.memref_slice %arg6[%mul3A_2, %dma_start3A_73] : memref<10000x16xf32, #tpu.memory_space<hbm>> -> memref<625x16xf32, #tpu.memory_space<hbm>>
      tpu.enqueue_dma source(%dma_start3A_74 : memref<625x16xf32, #tpu.memory_space<hbm>>) target(%dma_start3A_72 : memref<625x16xf32, #tpu.memory_space<vmem_shared>>) target_semaphore(%run_scoped3A : memref<!tpu.dma_semaphore, #tpu.memory_space<semaphore_mem>>)
      %dma_wait3A = arith.constant 0 : i32
      %dma_wait3A_75 = tpu.memref_slice %arg12[%mul3A_4, %dma_wait3A] : memref<10000x16xf32, #tpu.memory_space<vmem_shared>> -> memref<625x16xf32, #tpu.memory_space<vmem_shared>>
      %dma_wait3A_76 = arith.constant 0 : i32
      %dma_wait3A_77 = tpu.memref_slice %arg6[%mul3A_2, %dma_wait3A_76] : memref<10000x16xf32, #tpu.memory_space<hbm>> -> memref<625x16xf32, #tpu.memory_space<hbm>>
      tpu.wait_dma2 semaphore(%run_scoped3A : memref<!tpu.dma_semaphore, #tpu.memory_space<semaphore_mem>>) src(%dma_wait3A_77 : memref<625x16xf32, #tpu.memory_space<hbm>>) dst(%dma_wait3A_75 : memref<625x16xf32, #tpu.memory_space<vmem_shared>>)
      tpu.yield
    }) : () -> ()
    %mul3A_5 = arith.constant 625 : i32
    %mul3A_6 = arith.muli %arg1, %mul3A_5 : i32
    %mul3A_7 = arith.constant 625 : i32
    %mul3A_8 = arith.muli %arg1, %mul3A_7 : i32
    "tpu.region"() ({
      %run_scoped3A = tpu.sem_alloc : memref<!tpu.dma_semaphore, #tpu.memory_space<semaphore_mem>>
      %dma_start3A_71 = arith.constant 0 : i32
      %dma_start3A_72 = tpu.memref_slice %arg13[%mul3A_8, %dma_start3A_71] : memref<10000x16xf32, #tpu.memory_space<vmem_shared>> -> memref<625x16xf32, #tpu.memory_space<vmem_shared>>
      %dma_start3A_73 = arith.constant 0 : i32
      %dma_start3A_74 = tpu.memref_slice %arg5[%mul3A_6, %dma_start3A_73] : memref<10000x16xf32, #tpu.memory_space<hbm>> -> memref<625x16xf32, #tpu.memory_space<hbm>>
      tpu.enqueue_dma source(%dma_start3A_74 : memref<625x16xf32, #tpu.memory_space<hbm>>) target(%dma_start3A_72 : memref<625x16xf32, #tpu.memory_space<vmem_shared>>) target_semaphore(%run_scoped3A : memref<!tpu.dma_semaphore, #tpu.memory_space<semaphore_mem>>)
      %dma_wait3A = arith.constant 0 : i32
      %dma_wait3A_75 = tpu.memref_slice %arg13[%mul3A_8, %dma_wait3A] : memref<10000x16xf32, #tpu.memory_space<vmem_shared>> -> memref<625x16xf32, #tpu.memory_space<vmem_shared>>
      %dma_wait3A_76 = arith.constant 0 : i32
      %dma_wait3A_77 = tpu.memref_slice %arg5[%mul3A_6, %dma_wait3A_76] : memref<10000x16xf32, #tpu.memory_space<hbm>> -> memref<625x16xf32, #tpu.memory_space<hbm>>
      tpu.wait_dma2 semaphore(%run_scoped3A : memref<!tpu.dma_semaphore, #tpu.memory_space<semaphore_mem>>) src(%dma_wait3A_77 : memref<625x16xf32, #tpu.memory_space<hbm>>) dst(%dma_wait3A_75 : memref<625x16xf32, #tpu.memory_space<vmem_shared>>)
      tpu.yield
    }) : () -> ()
    %mul3A_9 = arith.constant 125 : i32
    %mul3A_10 = arith.muli %add3A, %mul3A_9 : i32
    "tpu.region"() ({
      %run_scoped3A = tpu.sem_alloc : memref<!tpu.dma_semaphore, #tpu.memory_space<semaphore_mem>>
      %dma_start3A_71 = arith.constant 0 : i32
      %dma_start3A_72 = tpu.memref_slice %arg2[%mul3A_10, %dma_start3A_71] : memref<4000x80xi32, #tpu.memory_space<hbm>> -> memref<125x80xi32, #tpu.memory_space<hbm>>
      %dma_start3A_73 = arith.constant 0 : i32
      %dma_start3A_74 = tpu.memref_slice %arg2[%mul3A_10, %dma_start3A_73] : memref<4000x80xi32, #tpu.memory_space<hbm>> -> memref<125x80xi32, #tpu.memory_space<hbm>>
      tpu.enqueue_dma source(%dma_start3A_74 : memref<125x80xi32, #tpu.memory_space<hbm>>) target(%arg8 : memref<125x80xi32, #tpu.memory_space<vmem>>) target_semaphore(%run_scoped3A : memref<!tpu.dma_semaphore, #tpu.memory_space<semaphore_mem>>)
      %dma_wait3A = arith.constant 0 : i32
      %dma_wait3A_75 = tpu.memref_slice %arg2[%mul3A_10, %dma_wait3A] : memref<4000x80xi32, #tpu.memory_space<hbm>> -> memref<125x80xi32, #tpu.memory_space<hbm>>
      %dma_wait3A_76 = arith.constant 0 : i32
      %dma_wait3A_77 = tpu.memref_slice %arg2[%mul3A_10, %dma_wait3A_76] : memref<4000x80xi32, #tpu.memory_space<hbm>> -> memref<125x80xi32, #tpu.memory_space<hbm>>
      tpu.wait_dma2 semaphore(%run_scoped3A : memref<!tpu.dma_semaphore, #tpu.memory_space<semaphore_mem>>) src(%dma_wait3A_77 : memref<125x80xi32, #tpu.memory_space<hbm>>) dst(%arg8 : memref<125x80xi32, #tpu.memory_space<vmem>>)
      tpu.yield
    }) : () -> ()
    "tpu.region"() ({
      %run_scoped3A = tpu.sem_alloc : memref<!tpu.dma_semaphore, #tpu.memory_space<semaphore_mem>>
      %dma_start3A_71 = arith.constant 0 : i32
      %dma_start3A_72 = arith.constant 0 : i32
      %dma_start3A_73 = tpu.memref_slice %arg3[%add3A, %dma_start3A_71, %dma_start3A_72] : memref<32x125x80xi32, #tpu.memory_space<hbm>> -> memref<1x125x80xi32, #tpu.memory_space<hbm>>
      %dma_start3A_74 = tpu.memref_squeeze %dma_start3A_73 : memref<1x125x80xi32, #tpu.memory_space<hbm>> -> memref<125x80xi32, #tpu.memory_space<hbm>>
      %dma_start3A_75 = arith.constant 0 : i32
      %dma_start3A_76 = arith.constant 0 : i32
      %dma_start3A_77 = tpu.memref_slice %arg3[%add3A, %dma_start3A_75, %dma_start3A_76] : memref<32x125x80xi32, #tpu.memory_space<hbm>> -> memref<1x125x80xi32, #tpu.memory_space<hbm>>
      %dma_start3A_78 = tpu.memref_squeeze %dma_start3A_77 : memref<1x125x80xi32, #tpu.memory_space<hbm>> -> memref<125x80xi32, #tpu.memory_space<hbm>>
      tpu.enqueue_dma source(%dma_start3A_78 : memref<125x80xi32, #tpu.memory_space<hbm>>) target(%arg9 : memref<125x80xi32, #tpu.memory_space<vmem>>) target_semaphore(%run_scoped3A : memref<!tpu.dma_semaphore, #tpu.memory_space<semaphore_mem>>)
      %dma_wait3A = arith.constant 0 : i32
      %dma_wait3A_79 = arith.constant 0 : i32
      %dma_wait3A_80 = tpu.memref_slice %arg3[%add3A, %dma_wait3A, %dma_wait3A_79] : memref<32x125x80xi32, #tpu.memory_space<hbm>> -> memref<1x125x80xi32, #tpu.memory_space<hbm>>
      %dma_wait3A_81 = tpu.memref_squeeze %dma_wait3A_80 : memref<1x125x80xi32, #tpu.memory_space<hbm>> -> memref<125x80xi32, #tpu.memory_space<hbm>>
      %dma_wait3A_82 = arith.constant 0 : i32
      %dma_wait3A_83 = arith.constant 0 : i32
      %dma_wait3A_84 = tpu.memref_slice %arg3[%add3A, %dma_wait3A_82, %dma_wait3A_83] : memref<32x125x80xi32, #tpu.memory_space<hbm>> -> memref<1x125x80xi32, #tpu.memory_space<hbm>>
      %dma_wait3A_85 = tpu.memref_squeeze %dma_wait3A_84 : memref<1x125x80xi32, #tpu.memory_space<hbm>> -> memref<125x80xi32, #tpu.memory_space<hbm>>
      tpu.wait_dma2 semaphore(%run_scoped3A : memref<!tpu.dma_semaphore, #tpu.memory_space<semaphore_mem>>) src(%dma_wait3A_85 : memref<125x80xi32, #tpu.memory_space<hbm>>) dst(%arg9 : memref<125x80xi32, #tpu.memory_space<vmem>>)
      tpu.yield
    }) : () -> ()
    "tpu.region"() ({
      %run_scoped3A = tpu.sem_alloc : memref<!tpu.dma_semaphore, #tpu.memory_space<semaphore_mem>>
      %dma_start3A_71 = arith.constant 0 : i32
      %dma_start3A_72 = arith.constant 0 : i32
      %dma_start3A_73 = tpu.memref_slice %arg4[%add3A, %dma_start3A_71, %dma_start3A_72] : memref<32x125x80xf32, #tpu.memory_space<hbm>> -> memref<1x125x80xf32, #tpu.memory_space<hbm>>
      %dma_start3A_74 = tpu.memref_squeeze %dma_start3A_73 : memref<1x125x80xf32, #tpu.memory_space<hbm>> -> memref<125x80xf32, #tpu.memory_space<hbm>>
      %dma_start3A_75 = arith.constant 0 : i32
      %dma_start3A_76 = arith.constant 0 : i32
      %dma_start3A_77 = tpu.memref_slice %arg4[%add3A, %dma_start3A_75, %dma_start3A_76] : memref<32x125x80xf32, #tpu.memory_space<hbm>> -> memref<1x125x80xf32, #tpu.memory_space<hbm>>
      %dma_start3A_78 = tpu.memref_squeeze %dma_start3A_77 : memref<1x125x80xf32, #tpu.memory_space<hbm>> -> memref<125x80xf32, #tpu.memory_space<hbm>>
      tpu.enqueue_dma source(%dma_start3A_78 : memref<125x80xf32, #tpu.memory_space<hbm>>) target(%arg10 : memref<125x80xf32, #tpu.memory_space<vmem>>) target_semaphore(%run_scoped3A : memref<!tpu.dma_semaphore, #tpu.memory_space<semaphore_mem>>)
      %dma_wait3A = arith.constant 0 : i32
      %dma_wait3A_79 = arith.constant 0 : i32
      %dma_wait3A_80 = tpu.memref_slice %arg4[%add3A, %dma_wait3A, %dma_wait3A_79] : memref<32x125x80xf32, #tpu.memory_space<hbm>> -> memref<1x125x80xf32, #tpu.memory_space<hbm>>
      %dma_wait3A_81 = tpu.memref_squeeze %dma_wait3A_80 : memref<1x125x80xf32, #tpu.memory_space<hbm>> -> memref<125x80xf32, #tpu.memory_space<hbm>>
      %dma_wait3A_82 = arith.constant 0 : i32
      %dma_wait3A_83 = arith.constant 0 : i32
      %dma_wait3A_84 = tpu.memref_slice %arg4[%add3A, %dma_wait3A_82, %dma_wait3A_83] : memref<32x125x80xf32, #tpu.memory_space<hbm>> -> memref<1x125x80xf32, #tpu.memory_space<hbm>>
      %dma_wait3A_85 = tpu.memref_squeeze %dma_wait3A_84 : memref<1x125x80xf32, #tpu.memory_space<hbm>> -> memref<125x80xf32, #tpu.memory_space<hbm>>
      tpu.wait_dma2 semaphore(%run_scoped3A : memref<!tpu.dma_semaphore, #tpu.memory_space<semaphore_mem>>) src(%dma_wait3A_85 : memref<125x80xf32, #tpu.memory_space<hbm>>) dst(%arg10 : memref<125x80xf32, #tpu.memory_space<vmem>>)
      tpu.yield
    }) : () -> ()
    %barrier3A = arith.constant 0 : index
    tpu.barrier barrier_id(%barrier3A)
    %dma_start3A = arith.constant 0 : i32
    %dma_start3A_11 = arith.constant 0 : i32
    %dma_start3A_12 = arith.constant 0 : i32
    %dma_start3A_13 = arith.constant 0 : i32
    %dma_start3A_14 = arith.constant 0 : i32
    %dma_start3A_15 = tpu.memref_slice %arg11[%dma_start3A_11, %dma_start3A_13, %dma_start3A_14] : memref<8x80x16xf32, #tpu.memory_space<vmem>> -> memref<1x80x16xf32, #tpu.memory_space<vmem>>
    %dma_start3A_16 = tpu.memref_squeeze %dma_start3A_15 : memref<1x80x16xf32, #tpu.memory_space<vmem>> -> memref<80x16xf32, #tpu.memory_space<vmem>>
    %dma_start3A_17 = arith.constant 0 : i32
    %dma_start3A_18 = tpu.memref_slice %arg8[%dma_start3A, %dma_start3A_17] : memref<125x80xi32, #tpu.memory_space<vmem>> -> memref<1x80xi32, #tpu.memory_space<vmem>>
    %dma_start3A_19 = tpu.memref_squeeze %dma_start3A_18 : memref<1x80xi32, #tpu.memory_space<vmem>> -> memref<80xi32, #tpu.memory_space<vmem>>
    %dma_start3A_20 = arith.constant 0 : i32
    %dma_start3A_21 = arith.constant 0 : i32
    %dma_start3A_22 = tpu.memref_slice %arg13[%dma_start3A_20, %dma_start3A_21] : memref<10000x16xf32, #tpu.memory_space<vmem_shared>> -> memref<10000x16xf32, #tpu.memory_space<vmem_shared>>
    %dma_start3A_23 = tpu.memref_slice %arg14[%dma_start3A_12] : memref<8x!tpu.dma_semaphore, #tpu.memory_space<semaphore_mem>> -> memref<1x!tpu.dma_semaphore, #tpu.memory_space<semaphore_mem>>
    %dma_start3A_24 = tpu.memref_squeeze %dma_start3A_23 : memref<1x!tpu.dma_semaphore, #tpu.memory_space<semaphore_mem>> -> memref<!tpu.dma_semaphore, #tpu.memory_space<semaphore_mem>>
    tpu.enqueue_indirect_dma source(%dma_start3A_22 : memref<10000x16xf32, #tpu.memory_space<vmem_shared>>) target(%dma_start3A_16 : memref<80x16xf32, #tpu.memory_space<vmem>>) offsets(%dma_start3A_19 : memref<80xi32, #tpu.memory_space<vmem>>) semaphore(%dma_start3A_24 : memref<!tpu.dma_semaphore, #tpu.memory_space<semaphore_mem>>)
    %dma_start3A_25 = arith.constant 1 : i32
    %dma_start3A_26 = arith.constant 1 : i32
    %dma_start3A_27 = arith.constant 1 : i32
    %dma_start3A_28 = arith.constant 0 : i32
    %dma_start3A_29 = arith.constant 0 : i32
    %dma_start3A_30 = tpu.memref_slice %arg11[%dma_start3A_26, %dma_start3A_28, %dma_start3A_29] : memref<8x80x16xf32, #tpu.memory_space<vmem>> -> memref<1x80x16xf32, #tpu.memory_space<vmem>>
    %dma_start3A_31 = tpu.memref_squeeze %dma_start3A_30 : memref<1x80x16xf32, #tpu.memory_space<vmem>> -> memref<80x16xf32, #tpu.memory_space<vmem>>
    %dma_start3A_32 = arith.constant 0 : i32
    %dma_start3A_33 = tpu.memref_slice %arg8[%dma_start3A_25, %dma_start3A_32] : memref<125x80xi32, #tpu.memory_space<vmem>> -> memref<1x80xi32, #tpu.memory_space<vmem>>
    %dma_start3A_34 = tpu.memref_squeeze %dma_start3A_33 : memref<1x80xi32, #tpu.memory_space<vmem>> -> memref<80xi32, #tpu.memory_space<vmem>>
    %dma_start3A_35 = arith.constant 0 : i32
    %dma_start3A_36 = arith.constant 0 : i32
    %dma_start3A_37 = tpu.memref_slice %arg13[%dma_start3A_35, %dma_start3A_36] : memref<10000x16xf32, #tpu.memory_space<vmem_shared>> -> memref<10000x16xf32, #tpu.memory_space<vmem_shared>>
    %dma_start3A_38 = tpu.memref_slice %arg14[%dma_start3A_27] : memref<8x!tpu.dma_semaphore, #tpu.memory_space<semaphore_mem>> -> memref<1x!tpu.dma_semaphore, #tpu.memory_space<semaphore_mem>>
    %dma_start3A_39 = tpu.memref_squeeze %dma_start3A_38 : memref<1x!tpu.dma_semaphore, #tpu.memory_space<semaphore_mem>> -> memref<!tpu.dma_semaphore, #tpu.memory_space<semaphore_mem>>
    tpu.enqueue_indirect_dma source(%dma_start3A_37 : memref<10000x16xf32, #tpu.memory_space<vmem_shared>>) target(%dma_start3A_31 : memref<80x16xf32, #tpu.memory_space<vmem>>) offsets(%dma_start3A_34 : memref<80xi32, #tpu.memory_space<vmem>>) semaphore(%dma_start3A_39 : memref<!tpu.dma_semaphore, #tpu.memory_space<semaphore_mem>>)
    %dma_start3A_40 = arith.constant 2 : i32
    %dma_start3A_41 = arith.constant 2 : i32
    %dma_start3A_42 = arith.constant 2 : i32
    %dma_start3A_43 = arith.constant 0 : i32
    %dma_start3A_44 = arith.constant 0 : i32
    %dma_start3A_45 = tpu.memref_slice %arg11[%dma_start3A_41, %dma_start3A_43, %dma_start3A_44] : memref<8x80x16xf32, #tpu.memory_space<vmem>> -> memref<1x80x16xf32, #tpu.memory_space<vmem>>
    %dma_start3A_46 = tpu.memref_squeeze %dma_start3A_45 : memref<1x80x16xf32, #tpu.memory_space<vmem>> -> memref<80x16xf32, #tpu.memory_space<vmem>>
    %dma_start3A_47 = arith.constant 0 : i32
    %dma_start3A_48 = tpu.memref_slice %arg8[%dma_start3A_40, %dma_start3A_47] : memref<125x80xi32, #tpu.memory_space<vmem>> -> memref<1x80xi32, #tpu.memory_space<vmem>>
    %dma_start3A_49 = tpu.memref_squeeze %dma_start3A_48 : memref<1x80xi32, #tpu.memory_space<vmem>> -> memref<80xi32, #tpu.memory_space<vmem>>
    %dma_start3A_50 = arith.constant 0 : i32
    %dma_start3A_51 = arith.constant 0 : i32
    %dma_start3A_52 = tpu.memref_slice %arg13[%dma_start3A_50, %dma_start3A_51] : memref<10000x16xf32, #tpu.memory_space<vmem_shared>> -> memref<10000x16xf32, #tpu.memory_space<vmem_shared>>
    %dma_start3A_53 = tpu.memref_slice %arg14[%dma_start3A_42] : memref<8x!tpu.dma_semaphore, #tpu.memory_space<semaphore_mem>> -> memref<1x!tpu.dma_semaphore, #tpu.memory_space<semaphore_mem>>
    %dma_start3A_54 = tpu.memref_squeeze %dma_start3A_53 : memref<1x!tpu.dma_semaphore, #tpu.memory_space<semaphore_mem>> -> memref<!tpu.dma_semaphore, #tpu.memory_space<semaphore_mem>>
    tpu.enqueue_indirect_dma source(%dma_start3A_52 : memref<10000x16xf32, #tpu.memory_space<vmem_shared>>) target(%dma_start3A_46 : memref<80x16xf32, #tpu.memory_space<vmem>>) offsets(%dma_start3A_49 : memref<80xi32, #tpu.memory_space<vmem>>) semaphore(%dma_start3A_54 : memref<!tpu.dma_semaphore, #tpu.memory_space<semaphore_mem>>)
    %scan3A = arith.constant 0 : i32
    %scan3A_55 = arith.constant 0 : i32
    %scan3A_56 = arith.constant 125 : i32
    %scan3A_57 = arith.addi %scan3A_55, %scan3A_56 : i32
    %scan3A_58 = arith.constant 1 : i32
    scf.for %scan3A_71 = %scan3A_55 to %scan3A_57 step %scan3A_58  : i32 {
      %ge3A = arith.constant 5 : i32
      %ge3A_72 = arith.cmpi sge, %scan3A_71, %ge3A : i32
      %convert_element_type3A = arith.extui %ge3A_72 : i1 to i32
      %cond3A = arith.constant 0 : i32
      %cond3A_73 = arith.cmpi ne, %convert_element_type3A, %cond3A : i32
      scf.if %cond3A_73 {
        %sub3A = arith.constant 5 : i32
        %sub3A_151 = arith.subi %scan3A_71, %sub3A : i32
        %jit3A_152 = arith.constant 8 : i32
        %eq3A_153 = arith.constant 0 : i32
        %eq3A_154 = arith.cmpi eq, %jit3A_152, %eq3A_153 : i32
        %jit3A_155 = arith.constant 1 : i32
        %select_n3A_156 = arith.select %eq3A_154, %jit3A_155, %jit3A_152 : i32
        %rem3A_157 = arith.remsi %sub3A_151, %select_n3A_156 : i32
        %ne3A_158 = arith.constant 0 : i32
        %ne3A_159 = arith.cmpi ne, %rem3A_157, %ne3A_158 : i32
        %lt3A_160 = arith.constant 0 : i32
        %lt3A_161 = arith.cmpi slt, %rem3A_157, %lt3A_160 : i32
        %lt3A_162 = arith.constant 0 : i32
        %lt3A_163 = arith.cmpi slt, %select_n3A_156, %lt3A_162 : i32
        %ne3A_164 = arith.xori %lt3A_161, %lt3A_163 : i1
        %and3A_165 = arith.andi %ne3A_164, %ne3A_159 : i1
        %add3A_166 = arith.addi %rem3A_157, %select_n3A_156 : i32
        %select_n3A_167 = arith.select %and3A_165, %add3A_166, %rem3A_157 : i32
        %dma_wait3A_168 = arith.constant 0 : i32
        %dma_wait3A_169 = arith.constant 0 : i32
        %dma_wait3A_170 = tpu.memref_slice %arg11[%select_n3A_167, %dma_wait3A_168, %dma_wait3A_169] : memref<8x80x16xf32, #tpu.memory_space<vmem>> -> memref<1x80x16xf32, #tpu.memory_space<vmem>>
        %dma_wait3A_171 = tpu.memref_squeeze %dma_wait3A_170 : memref<1x80x16xf32, #tpu.memory_space<vmem>> -> memref<80x16xf32, #tpu.memory_space<vmem>>
        %dma_wait3A_172 = arith.constant 0 : i32
        %dma_wait3A_173 = tpu.memref_slice %arg9[%sub3A_151, %dma_wait3A_172] : memref<125x80xi32, #tpu.memory_space<vmem>> -> memref<1x80xi32, #tpu.memory_space<vmem>>
        %dma_wait3A_174 = tpu.memref_squeeze %dma_wait3A_173 : memref<1x80xi32, #tpu.memory_space<vmem>> -> memref<80xi32, #tpu.memory_space<vmem>>
        %dma_wait3A_175 = arith.constant 0 : i32
        %dma_wait3A_176 = arith.constant 0 : i32
        %dma_wait3A_177 = tpu.memref_slice %arg12[%dma_wait3A_175, %dma_wait3A_176] : memref<10000x16xf32, #tpu.memory_space<vmem_shared>> -> memref<10000x16xf32, #tpu.memory_space<vmem_shared>>
        %dma_wait3A_178 = tpu.memref_slice %arg15[%select_n3A_167] : memref<8x!tpu.dma_semaphore, #tpu.memory_space<semaphore_mem>> -> memref<1x!tpu.dma_semaphore, #tpu.memory_space<semaphore_mem>>
        %dma_wait3A_179 = tpu.memref_squeeze %dma_wait3A_178 : memref<1x!tpu.dma_semaphore, #tpu.memory_space<semaphore_mem>> -> memref<!tpu.dma_semaphore, #tpu.memory_space<semaphore_mem>>
        tpu.wait_indirect_dma semaphore(%dma_wait3A_179 : memref<!tpu.dma_semaphore, #tpu.memory_space<semaphore_mem>>) src(%dma_wait3A_171 : memref<80x16xf32, #tpu.memory_space<vmem>>) dst(%dma_wait3A_177 : memref<10000x16xf32, #tpu.memory_space<vmem_shared>>)
      } else {
      }
      %add3A_74 = arith.constant 3 : i32
      %add3A_75 = arith.addi %scan3A_71, %add3A_74 : i32
      %lt3A = arith.constant 125 : i32
      %lt3A_76 = arith.cmpi slt, %add3A_75, %lt3A : i32
      %convert_element_type3A_77 = arith.extui %lt3A_76 : i1 to i32
      %cond3A_78 = arith.constant 0 : i32
      %cond3A_79 = arith.cmpi ne, %convert_element_type3A_77, %cond3A_78 : i32
      scf.if %cond3A_79 {
        %add3A_151 = arith.constant 3 : i32
        %add3A_152 = arith.addi %scan3A_71, %add3A_151 : i32
        %jit3A_153 = arith.constant 8 : i32
        %eq3A_154 = arith.constant 0 : i32
        %eq3A_155 = arith.cmpi eq, %jit3A_153, %eq3A_154 : i32
        %jit3A_156 = arith.constant 1 : i32
        %select_n3A_157 = arith.select %eq3A_155, %jit3A_156, %jit3A_153 : i32
        %rem3A_158 = arith.remsi %add3A_152, %select_n3A_157 : i32
        %ne3A_159 = arith.constant 0 : i32
        %ne3A_160 = arith.cmpi ne, %rem3A_158, %ne3A_159 : i32
        %lt3A_161 = arith.constant 0 : i32
        %lt3A_162 = arith.cmpi slt, %rem3A_158, %lt3A_161 : i32
        %lt3A_163 = arith.constant 0 : i32
        %lt3A_164 = arith.cmpi slt, %select_n3A_157, %lt3A_163 : i32
        %ne3A_165 = arith.xori %lt3A_162, %lt3A_164 : i1
        %and3A_166 = arith.andi %ne3A_165, %ne3A_160 : i1
        %add3A_167 = arith.addi %rem3A_158, %select_n3A_157 : i32
        %select_n3A_168 = arith.select %and3A_166, %add3A_167, %rem3A_158 : i32
        %dma_start3A_169 = arith.constant 0 : i32
        %dma_start3A_170 = arith.constant 0 : i32
        %dma_start3A_171 = tpu.memref_slice %arg11[%select_n3A_168, %dma_start3A_169, %dma_start3A_170] : memref<8x80x16xf32, #tpu.memory_space<vmem>> -> memref<1x80x16xf32, #tpu.memory_space<vmem>>
        %dma_start3A_172 = tpu.memref_squeeze %dma_start3A_171 : memref<1x80x16xf32, #tpu.memory_space<vmem>> -> memref<80x16xf32, #tpu.memory_space<vmem>>
        %dma_start3A_173 = arith.constant 0 : i32
        %dma_start3A_174 = tpu.memref_slice %arg8[%add3A_152, %dma_start3A_173] : memref<125x80xi32, #tpu.memory_space<vmem>> -> memref<1x80xi32, #tpu.memory_space<vmem>>
        %dma_start3A_175 = tpu.memref_squeeze %dma_start3A_174 : memref<1x80xi32, #tpu.memory_space<vmem>> -> memref<80xi32, #tpu.memory_space<vmem>>
        %dma_start3A_176 = arith.constant 0 : i32
        %dma_start3A_177 = arith.constant 0 : i32
        %dma_start3A_178 = tpu.memref_slice %arg13[%dma_start3A_176, %dma_start3A_177] : memref<10000x16xf32, #tpu.memory_space<vmem_shared>> -> memref<10000x16xf32, #tpu.memory_space<vmem_shared>>
        %dma_start3A_179 = tpu.memref_slice %arg14[%select_n3A_168] : memref<8x!tpu.dma_semaphore, #tpu.memory_space<semaphore_mem>> -> memref<1x!tpu.dma_semaphore, #tpu.memory_space<semaphore_mem>>
        %dma_start3A_180 = tpu.memref_squeeze %dma_start3A_179 : memref<1x!tpu.dma_semaphore, #tpu.memory_space<semaphore_mem>> -> memref<!tpu.dma_semaphore, #tpu.memory_space<semaphore_mem>>
        tpu.enqueue_indirect_dma source(%dma_start3A_178 : memref<10000x16xf32, #tpu.memory_space<vmem_shared>>) target(%dma_start3A_172 : memref<80x16xf32, #tpu.memory_space<vmem>>) offsets(%dma_start3A_175 : memref<80xi32, #tpu.memory_space<vmem>>) semaphore(%dma_start3A_180 : memref<!tpu.dma_semaphore, #tpu.memory_space<semaphore_mem>>)
      } else {
      }
      %jit3A = arith.constant 8 : i32
      %eq3A = arith.constant 0 : i32
      %eq3A_80 = arith.cmpi eq, %jit3A, %eq3A : i32
      %jit3A_81 = arith.constant 1 : i32
      %select_n3A = arith.select %eq3A_80, %jit3A_81, %jit3A : i32
      %rem3A = arith.remsi %scan3A_71, %select_n3A : i32
      %ne3A = arith.constant 0 : i32
      %ne3A_82 = arith.cmpi ne, %rem3A, %ne3A : i32
      %lt3A_83 = arith.constant 0 : i32
      %lt3A_84 = arith.cmpi slt, %rem3A, %lt3A_83 : i32
      %lt3A_85 = arith.constant 0 : i32
      %lt3A_86 = arith.cmpi slt, %select_n3A, %lt3A_85 : i32
      %ne3A_87 = arith.xori %lt3A_84, %lt3A_86 : i1
      %and3A = arith.andi %ne3A_87, %ne3A_82 : i1
      %add3A_88 = arith.addi %rem3A, %select_n3A : i32
      %select_n3A_89 = arith.select %and3A, %add3A_88, %rem3A : i32
      %dma_wait3A = arith.constant 0 : i32
      %dma_wait3A_90 = arith.constant 0 : i32
      %dma_wait3A_91 = tpu.memref_slice %arg11[%select_n3A_89, %dma_wait3A, %dma_wait3A_90] : memref<8x80x16xf32, #tpu.memory_space<vmem>> -> memref<1x80x16xf32, #tpu.memory_space<vmem>>
      %dma_wait3A_92 = tpu.memref_squeeze %dma_wait3A_91 : memref<1x80x16xf32, #tpu.memory_space<vmem>> -> memref<80x16xf32, #tpu.memory_space<vmem>>
      %dma_wait3A_93 = arith.constant 0 : i32
      %dma_wait3A_94 = tpu.memref_slice %arg8[%scan3A_71, %dma_wait3A_93] : memref<125x80xi32, #tpu.memory_space<vmem>> -> memref<1x80xi32, #tpu.memory_space<vmem>>
      %dma_wait3A_95 = tpu.memref_squeeze %dma_wait3A_94 : memref<1x80xi32, #tpu.memory_space<vmem>> -> memref<80xi32, #tpu.memory_space<vmem>>
      %dma_wait3A_96 = arith.constant 0 : i32
      %dma_wait3A_97 = arith.constant 0 : i32
      %dma_wait3A_98 = tpu.memref_slice %arg13[%dma_wait3A_96, %dma_wait3A_97] : memref<10000x16xf32, #tpu.memory_space<vmem_shared>> -> memref<10000x16xf32, #tpu.memory_space<vmem_shared>>
      %dma_wait3A_99 = tpu.memref_slice %arg14[%select_n3A_89] : memref<8x!tpu.dma_semaphore, #tpu.memory_space<semaphore_mem>> -> memref<1x!tpu.dma_semaphore, #tpu.memory_space<semaphore_mem>>
      %dma_wait3A_100 = tpu.memref_squeeze %dma_wait3A_99 : memref<1x!tpu.dma_semaphore, #tpu.memory_space<semaphore_mem>> -> memref<!tpu.dma_semaphore, #tpu.memory_space<semaphore_mem>>
      tpu.wait_indirect_dma semaphore(%dma_wait3A_100 : memref<!tpu.dma_semaphore, #tpu.memory_space<semaphore_mem>>) src(%dma_wait3A_98 : memref<10000x16xf32, #tpu.memory_space<vmem_shared>>) dst(%dma_wait3A_92 : memref<80x16xf32, #tpu.memory_space<vmem>>)
      %jit3A_101 = arith.constant 8 : i32
      %eq3A_102 = arith.constant 0 : i32
      %eq3A_103 = arith.cmpi eq, %jit3A_101, %eq3A_102 : i32
      %jit3A_104 = arith.constant 1 : i32
      %select_n3A_105 = arith.select %eq3A_103, %jit3A_104, %jit3A_101 : i32
      %rem3A_106 = arith.remsi %scan3A_71, %select_n3A_105 : i32
      %ne3A_107 = arith.constant 0 : i32
      %ne3A_108 = arith.cmpi ne, %rem3A_106, %ne3A_107 : i32
      %lt3A_109 = arith.constant 0 : i32
      %lt3A_110 = arith.cmpi slt, %rem3A_106, %lt3A_109 : i32
      %lt3A_111 = arith.constant 0 : i32
      %lt3A_112 = arith.cmpi slt, %select_n3A_105, %lt3A_111 : i32
      %ne3A_113 = arith.xori %lt3A_110, %lt3A_112 : i1
      %and3A_114 = arith.andi %ne3A_113, %ne3A_108 : i1
      %add3A_115 = arith.addi %rem3A_106, %select_n3A_105 : i32
      %select_n3A_116 = arith.select %and3A_114, %add3A_115, %rem3A_106 : i32
      %scan3A_117 = arith.constant 0 : i32
      %scan3A_118 = arith.constant 0 : i32
      %scan3A_119 = arith.constant 5 : i32
      %scan3A_120 = arith.addi %scan3A_118, %scan3A_119 : i32
      %scan3A_121 = arith.constant 1 : i32
      scf.for %scan3A_151 = %scan3A_118 to %scan3A_120 step %scan3A_121  : i32 {
        %mul3A_152 = arith.constant 16 : i32
        %mul3A_153 = arith.muli %scan3A_151, %mul3A_152 : i32
        %get3A = arith.index_cast %scan3A_71 : i32 to index
        %get3A_154 = arith.index_cast %mul3A_153 : i32 to index
        %get3A_155 = tpu.vector_load %arg10[%get3A, %get3A_154] {strides = array<i32>} : memref<125x80xf32, #tpu.memory_space<vmem>>, vector<1x16xf32>,
        %get3A_156 = vector.shape_cast %get3A_155 : vector<1x16xf32> to vector<16xf32>
        %slice3A = vector.extract_strided_slice %get3A_156 {offsets = [0], sizes = [1], strides = [1]} : vector<16xf32> to vector<1xf32>
        %squeeze3A = vector.extract %slice3A[0] : f32 from vector<1xf32>
        %broadcast_in_dim3A = vector.broadcast %squeeze3A : f32 to vector<16xf32>
        %mul3A_157 = arith.constant 16 : i32
        %mul3A_158 = arith.muli %scan3A_151, %mul3A_157 : i32
        %add3A_159 = arith.constant 0 : i32
        %add3A_160 = arith.addi %mul3A_158, %add3A_159 : i32
        %get3A_161 = arith.index_cast %select_n3A_116 : i32 to index
        %get3A_162 = arith.index_cast %add3A_160 : i32 to index
        %get3A_163 = arith.constant 0 : index
        %get3A_164 = tpu.vector_load %arg11[%get3A_161, %get3A_162, %get3A_163] {strides = array<i32>} : memref<8x80x16xf32, #tpu.memory_space<vmem>>, vector<1x1x16xf32>,
        %get3A_165 = vector.shape_cast %get3A_164 : vector<1x1x16xf32> to vector<16xf32>
        %mul3A_166 = arith.mulf %get3A_165, %broadcast_in_dim3A : vector<16xf32>
        %swap3A = arith.index_cast %select_n3A_116 : i32 to index
        %swap3A_167 = arith.index_cast %add3A_160 : i32 to index
        %swap3A_168 = arith.constant 0 : index
        %swap3A_169 = tpu.vector_load %arg11[%swap3A, %swap3A_167, %swap3A_168] {strides = array<i32>} : memref<8x80x16xf32, #tpu.memory_space<vmem>>, vector<1x1x16xf32>,
        %swap3A_170 = vector.shape_cast %swap3A_169 : vector<1x1x16xf32> to vector<16xf32>
        %swap3A_171 = vector.shape_cast %mul3A_166 : vector<16xf32> to vector<1x1x16xf32>
        tpu.vector_store %arg11[%swap3A, %swap3A_167, %swap3A_168], %swap3A_171 {strides = array<i32>} : memref<8x80x16xf32, #tpu.memory_space<vmem>>, vector<1x1x16xf32>,
        %slice3A_172 = vector.extract_strided_slice %get3A_156 {offsets = [1], sizes = [1], strides = [1]} : vector<16xf32> to vector<1xf32>
        %squeeze3A_173 = vector.extract %slice3A_172[0] : f32 from vector<1xf32>
        %broadcast_in_dim3A_174 = vector.broadcast %squeeze3A_173 : f32 to vector<16xf32>
        %mul3A_175 = arith.constant 16 : i32
        %mul3A_176 = arith.muli %scan3A_151, %mul3A_175 : i32
        %add3A_177 = arith.constant 1 : i32
        %add3A_178 = arith.addi %mul3A_176, %add3A_177 : i32
        %get3A_179 = arith.index_cast %select_n3A_116 : i32 to index
        %get3A_180 = arith.index_cast %add3A_178 : i32 to index
        %get3A_181 = arith.constant 0 : index
        %get3A_182 = tpu.vector_load %arg11[%get3A_179, %get3A_180, %get3A_181] {strides = array<i32>} : memref<8x80x16xf32, #tpu.memory_space<vmem>>, vector<1x1x16xf32>,
        %get3A_183 = vector.shape_cast %get3A_182 : vector<1x1x16xf32> to vector<16xf32>
        %mul3A_184 = arith.mulf %get3A_183, %broadcast_in_dim3A_174 : vector<16xf32>
        %swap3A_185 = arith.index_cast %select_n3A_116 : i32 to index
        %swap3A_186 = arith.index_cast %add3A_178 : i32 to index
        %swap3A_187 = arith.constant 0 : index
        %swap3A_188 = tpu.vector_load %arg11[%swap3A_185, %swap3A_186, %swap3A_187] {strides = array<i32>} : memref<8x80x16xf32, #tpu.memory_space<vmem>>, vector<1x1x16xf32>,
        %swap3A_189 = vector.shape_cast %swap3A_188 : vector<1x1x16xf32> to vector<16xf32>
        %swap3A_190 = vector.shape_cast %mul3A_184 : vector<16xf32> to vector<1x1x16xf32>
        tpu.vector_store %arg11[%swap3A_185, %swap3A_186, %swap3A_187], %swap3A_190 {strides = array<i32>} : memref<8x80x16xf32, #tpu.memory_space<vmem>>, vector<1x1x16xf32>,
        %slice3A_191 = vector.extract_strided_slice %get3A_156 {offsets = [2], sizes = [1], strides = [1]} : vector<16xf32> to vector<1xf32>
        %squeeze3A_192 = vector.extract %slice3A_191[0] : f32 from vector<1xf32>
        %broadcast_in_dim3A_193 = vector.broadcast %squeeze3A_192 : f32 to vector<16xf32>
        %mul3A_194 = arith.constant 16 : i32
        %mul3A_195 = arith.muli %scan3A_151, %mul3A_194 : i32
        %add3A_196 = arith.constant 2 : i32
        %add3A_197 = arith.addi %mul3A_195, %add3A_196 : i32
        %get3A_198 = arith.index_cast %select_n3A_116 : i32 to index
        %get3A_199 = arith.index_cast %add3A_197 : i32 to index
        %get3A_200 = arith.constant 0 : index
        %get3A_201 = tpu.vector_load %arg11[%get3A_198, %get3A_199, %get3A_200] {strides = array<i32>} : memref<8x80x16xf32, #tpu.memory_space<vmem>>, vector<1x1x16xf32>,
        %get3A_202 = vector.shape_cast %get3A_201 : vector<1x1x16xf32> to vector<16xf32>
        %mul3A_203 = arith.mulf %get3A_202, %broadcast_in_dim3A_193 : vector<16xf32>
        %swap3A_204 = arith.index_cast %select_n3A_116 : i32 to index
        %swap3A_205 = arith.index_cast %add3A_197 : i32 to index
        %swap3A_206 = arith.constant 0 : index
        %swap3A_207 = tpu.vector_load %arg11[%swap3A_204, %swap3A_205, %swap3A_206] {strides = array<i32>} : memref<8x80x16xf32, #tpu.memory_space<vmem>>, vector<1x1x16xf32>,
        %swap3A_208 = vector.shape_cast %swap3A_207 : vector<1x1x16xf32> to vector<16xf32>
        %swap3A_209 = vector.shape_cast %mul3A_203 : vector<16xf32> to vector<1x1x16xf32>
        tpu.vector_store %arg11[%swap3A_204, %swap3A_205, %swap3A_206], %swap3A_209 {strides = array<i32>} : memref<8x80x16xf32, #tpu.memory_space<vmem>>, vector<1x1x16xf32>,
        %slice3A_210 = vector.extract_strided_slice %get3A_156 {offsets = [3], sizes = [1], strides = [1]} : vector<16xf32> to vector<1xf32>
        %squeeze3A_211 = vector.extract %slice3A_210[0] : f32 from vector<1xf32>
        %broadcast_in_dim3A_212 = vector.broadcast %squeeze3A_211 : f32 to vector<16xf32>
        %mul3A_213 = arith.constant 16 : i32
        %mul3A_214 = arith.muli %scan3A_151, %mul3A_213 : i32
        %add3A_215 = arith.constant 3 : i32
        %add3A_216 = arith.addi %mul3A_214, %add3A_215 : i32
        %get3A_217 = arith.index_cast %select_n3A_116 : i32 to index
        %get3A_218 = arith.index_cast %add3A_216 : i32 to index
        %get3A_219 = arith.constant 0 : index
        %get3A_220 = tpu.vector_load %arg11[%get3A_217, %get3A_218, %get3A_219] {strides = array<i32>} : memref<8x80x16xf32, #tpu.memory_space<vmem>>, vector<1x1x16xf32>,
        %get3A_221 = vector.shape_cast %get3A_220 : vector<1x1x16xf32> to vector<16xf32>
        %mul3A_222 = arith.mulf %get3A_221, %broadcast_in_dim3A_212 : vector<16xf32>
        %swap3A_223 = arith.index_cast %select_n3A_116 : i32 to index
        %swap3A_224 = arith.index_cast %add3A_216 : i32 to index
        %swap3A_225 = arith.constant 0 : index
        %swap3A_226 = tpu.vector_load %arg11[%swap3A_223, %swap3A_224, %swap3A_225] {strides = array<i32>} : memref<8x80x16xf32, #tpu.memory_space<vmem>>, vector<1x1x16xf32>,
        %swap3A_227 = vector.shape_cast %swap3A_226 : vector<1x1x16xf32> to vector<16xf32>
        %swap3A_228 = vector.shape_cast %mul3A_222 : vector<16xf32> to vector<1x1x16xf32>
        tpu.vector_store %arg11[%swap3A_223, %swap3A_224, %swap3A_225], %swap3A_228 {strides = array<i32>} : memref<8x80x16xf32, #tpu.memory_space<vmem>>, vector<1x1x16xf32>,
        %slice3A_229 = vector.extract_strided_slice %get3A_156 {offsets = [4], sizes = [1], strides = [1]} : vector<16xf32> to vector<1xf32>
        %squeeze3A_230 = vector.extract %slice3A_229[0] : f32 from vector<1xf32>
        %broadcast_in_dim3A_231 = vector.broadcast %squeeze3A_230 : f32 to vector<16xf32>
        %mul3A_232 = arith.constant 16 : i32
        %mul3A_233 = arith.muli %scan3A_151, %mul3A_232 : i32
        %add3A_234 = arith.constant 4 : i32
        %add3A_235 = arith.addi %mul3A_233, %add3A_234 : i32
        %get3A_236 = arith.index_cast %select_n3A_116 : i32 to index
        %get3A_237 = arith.index_cast %add3A_235 : i32 to index
        %get3A_238 = arith.constant 0 : index
        %get3A_239 = tpu.vector_load %arg11[%get3A_236, %get3A_237, %get3A_238] {strides = array<i32>} : memref<8x80x16xf32, #tpu.memory_space<vmem>>, vector<1x1x16xf32>,
        %get3A_240 = vector.shape_cast %get3A_239 : vector<1x1x16xf32> to vector<16xf32>
        %mul3A_241 = arith.mulf %get3A_240, %broadcast_in_dim3A_231 : vector<16xf32>
        %swap3A_242 = arith.index_cast %select_n3A_116 : i32 to index
        %swap3A_243 = arith.index_cast %add3A_235 : i32 to index
        %swap3A_244 = arith.constant 0 : index
        %swap3A_245 = tpu.vector_load %arg11[%swap3A_242, %swap3A_243, %swap3A_244] {strides = array<i32>} : memref<8x80x16xf32, #tpu.memory_space<vmem>>, vector<1x1x16xf32>,
        %swap3A_246 = vector.shape_cast %swap3A_245 : vector<1x1x16xf32> to vector<16xf32>
        %swap3A_247 = vector.shape_cast %mul3A_241 : vector<16xf32> to vector<1x1x16xf32>
        tpu.vector_store %arg11[%swap3A_242, %swap3A_243, %swap3A_244], %swap3A_247 {strides = array<i32>} : memref<8x80x16xf32, #tpu.memory_space<vmem>>, vector<1x1x16xf32>,
        %slice3A_248 = vector.extract_strided_slice %get3A_156 {offsets = [5], sizes = [1], strides = [1]} : vector<16xf32> to vector<1xf32>
        %squeeze3A_249 = vector.extract %slice3A_248[0] : f32 from vector<1xf32>
        %broadcast_in_dim3A_250 = vector.broadcast %squeeze3A_249 : f32 to vector<16xf32>
        %mul3A_251 = arith.constant 16 : i32
        %mul3A_252 = arith.muli %scan3A_151, %mul3A_251 : i32
        %add3A_253 = arith.constant 5 : i32
        %add3A_254 = arith.addi %mul3A_252, %add3A_253 : i32
        %get3A_255 = arith.index_cast %select_n3A_116 : i32 to index
        %get3A_256 = arith.index_cast %add3A_254 : i32 to index
        %get3A_257 = arith.constant 0 : index
        %get3A_258 = tpu.vector_load %arg11[%get3A_255, %get3A_256, %get3A_257] {strides = array<i32>} : memref<8x80x16xf32, #tpu.memory_space<vmem>>, vector<1x1x16xf32>,
        %get3A_259 = vector.shape_cast %get3A_258 : vector<1x1x16xf32> to vector<16xf32>
        %mul3A_260 = arith.mulf %get3A_259, %broadcast_in_dim3A_250 : vector<16xf32>
        %swap3A_261 = arith.index_cast %select_n3A_116 : i32 to index
        %swap3A_262 = arith.index_cast %add3A_254 : i32 to index
        %swap3A_263 = arith.constant 0 : index
        %swap3A_264 = tpu.vector_load %arg11[%swap3A_261, %swap3A_262, %swap3A_263] {strides = array<i32>} : memref<8x80x16xf32, #tpu.memory_space<vmem>>, vector<1x1x16xf32>,
        %swap3A_265 = vector.shape_cast %swap3A_264 : vector<1x1x16xf32> to vector<16xf32>
        %swap3A_266 = vector.shape_cast %mul3A_260 : vector<16xf32> to vector<1x1x16xf32>
        tpu.vector_store %arg11[%swap3A_261, %swap3A_262, %swap3A_263], %swap3A_266 {strides = array<i32>} : memref<8x80x16xf32, #tpu.memory_space<vmem>>, vector<1x1x16xf32>,
        %slice3A_267 = vector.extract_strided_slice %get3A_156 {offsets = [6], sizes = [1], strides = [1]} : vector<16xf32> to vector<1xf32>
        %squeeze3A_268 = vector.extract %slice3A_267[0] : f32 from vector<1xf32>
        %broadcast_in_dim3A_269 = vector.broadcast %squeeze3A_268 : f32 to vector<16xf32>
        %mul3A_270 = arith.constant 16 : i32
        %mul3A_271 = arith.muli %scan3A_151, %mul3A_270 : i32
        %add3A_272 = arith.constant 6 : i32
        %add3A_273 = arith.addi %mul3A_271, %add3A_272 : i32
        %get3A_274 = arith.index_cast %select_n3A_116 : i32 to index
        %get3A_275 = arith.index_cast %add3A_273 : i32 to index
        %get3A_276 = arith.constant 0 : index
        %get3A_277 = tpu.vector_load %arg11[%get3A_274, %get3A_275, %get3A_276] {strides = array<i32>} : memref<8x80x16xf32, #tpu.memory_space<vmem>>, vector<1x1x16xf32>,
        %get3A_278 = vector.shape_cast %get3A_277 : vector<1x1x16xf32> to vector<16xf32>
        %mul3A_279 = arith.mulf %get3A_278, %broadcast_in_dim3A_269 : vector<16xf32>
        %swap3A_280 = arith.index_cast %select_n3A_116 : i32 to index
        %swap3A_281 = arith.index_cast %add3A_273 : i32 to index
        %swap3A_282 = arith.constant 0 : index
        %swap3A_283 = tpu.vector_load %arg11[%swap3A_280, %swap3A_281, %swap3A_282] {strides = array<i32>} : memref<8x80x16xf32, #tpu.memory_space<vmem>>, vector<1x1x16xf32>,
        %swap3A_284 = vector.shape_cast %swap3A_283 : vector<1x1x16xf32> to vector<16xf32>
        %swap3A_285 = vector.shape_cast %mul3A_279 : vector<16xf32> to vector<1x1x16xf32>
        tpu.vector_store %arg11[%swap3A_280, %swap3A_281, %swap3A_282], %swap3A_285 {strides = array<i32>} : memref<8x80x16xf32, #tpu.memory_space<vmem>>, vector<1x1x16xf32>,
        %slice3A_286 = vector.extract_strided_slice %get3A_156 {offsets = [7], sizes = [1], strides = [1]} : vector<16xf32> to vector<1xf32>
        %squeeze3A_287 = vector.extract %slice3A_286[0] : f32 from vector<1xf32>
        %broadcast_in_dim3A_288 = vector.broadcast %squeeze3A_287 : f32 to vector<16xf32>
        %mul3A_289 = arith.constant 16 : i32
        %mul3A_290 = arith.muli %scan3A_151, %mul3A_289 : i32
        %add3A_291 = arith.constant 7 : i32
        %add3A_292 = arith.addi %mul3A_290, %add3A_291 : i32
        %get3A_293 = arith.index_cast %select_n3A_116 : i32 to index
        %get3A_294 = arith.index_cast %add3A_292 : i32 to index
        %get3A_295 = arith.constant 0 : index
        %get3A_296 = tpu.vector_load %arg11[%get3A_293, %get3A_294, %get3A_295] {strides = array<i32>} : memref<8x80x16xf32, #tpu.memory_space<vmem>>, vector<1x1x16xf32>,
        %get3A_297 = vector.shape_cast %get3A_296 : vector<1x1x16xf32> to vector<16xf32>
        %mul3A_298 = arith.mulf %get3A_297, %broadcast_in_dim3A_288 : vector<16xf32>
        %swap3A_299 = arith.index_cast %select_n3A_116 : i32 to index
        %swap3A_300 = arith.index_cast %add3A_292 : i32 to index
        %swap3A_301 = arith.constant 0 : index
        %swap3A_302 = tpu.vector_load %arg11[%swap3A_299, %swap3A_300, %swap3A_301] {strides = array<i32>} : memref<8x80x16xf32, #tpu.memory_space<vmem>>, vector<1x1x16xf32>,
        %swap3A_303 = vector.shape_cast %swap3A_302 : vector<1x1x16xf32> to vector<16xf32>
        %swap3A_304 = vector.shape_cast %mul3A_298 : vector<16xf32> to vector<1x1x16xf32>
        tpu.vector_store %arg11[%swap3A_299, %swap3A_300, %swap3A_301], %swap3A_304 {strides = array<i32>} : memref<8x80x16xf32, #tpu.memory_space<vmem>>, vector<1x1x16xf32>,
        %slice3A_305 = vector.extract_strided_slice %get3A_156 {offsets = [8], sizes = [1], strides = [1]} : vector<16xf32> to vector<1xf32>
        %squeeze3A_306 = vector.extract %slice3A_305[0] : f32 from vector<1xf32>
        %broadcast_in_dim3A_307 = vector.broadcast %squeeze3A_306 : f32 to vector<16xf32>
        %mul3A_308 = arith.constant 16 : i32
        %mul3A_309 = arith.muli %scan3A_151, %mul3A_308 : i32
        %add3A_310 = arith.constant 8 : i32
        %add3A_311 = arith.addi %mul3A_309, %add3A_310 : i32
        %get3A_312 = arith.index_cast %select_n3A_116 : i32 to index
        %get3A_313 = arith.index_cast %add3A_311 : i32 to index
        %get3A_314 = arith.constant 0 : index
        %get3A_315 = tpu.vector_load %arg11[%get3A_312, %get3A_313, %get3A_314] {strides = array<i32>} : memref<8x80x16xf32, #tpu.memory_space<vmem>>, vector<1x1x16xf32>,
        %get3A_316 = vector.shape_cast %get3A_315 : vector<1x1x16xf32> to vector<16xf32>
        %mul3A_317 = arith.mulf %get3A_316, %broadcast_in_dim3A_307 : vector<16xf32>
        %swap3A_318 = arith.index_cast %select_n3A_116 : i32 to index
        %swap3A_319 = arith.index_cast %add3A_311 : i32 to index
        %swap3A_320 = arith.constant 0 : index
        %swap3A_321 = tpu.vector_load %arg11[%swap3A_318, %swap3A_319, %swap3A_320] {strides = array<i32>} : memref<8x80x16xf32, #tpu.memory_space<vmem>>, vector<1x1x16xf32>,
        %swap3A_322 = vector.shape_cast %swap3A_321 : vector<1x1x16xf32> to vector<16xf32>
        %swap3A_323 = vector.shape_cast %mul3A_317 : vector<16xf32> to vector<1x1x16xf32>
        tpu.vector_store %arg11[%swap3A_318, %swap3A_319, %swap3A_320], %swap3A_323 {strides = array<i32>} : memref<8x80x16xf32, #tpu.memory_space<vmem>>, vector<1x1x16xf32>,
        %slice3A_324 = vector.extract_strided_slice %get3A_156 {offsets = [9], sizes = [1], strides = [1]} : vector<16xf32> to vector<1xf32>
        %squeeze3A_325 = vector.extract %slice3A_324[0] : f32 from vector<1xf32>
        %broadcast_in_dim3A_326 = vector.broadcast %squeeze3A_325 : f32 to vector<16xf32>
        %mul3A_327 = arith.constant 16 : i32
        %mul3A_328 = arith.muli %scan3A_151, %mul3A_327 : i32
        %add3A_329 = arith.constant 9 : i32
        %add3A_330 = arith.addi %mul3A_328, %add3A_329 : i32
        %get3A_331 = arith.index_cast %select_n3A_116 : i32 to index
        %get3A_332 = arith.index_cast %add3A_330 : i32 to index
        %get3A_333 = arith.constant 0 : index
        %get3A_334 = tpu.vector_load %arg11[%get3A_331, %get3A_332, %get3A_333] {strides = array<i32>} : memref<8x80x16xf32, #tpu.memory_space<vmem>>, vector<1x1x16xf32>,
        %get3A_335 = vector.shape_cast %get3A_334 : vector<1x1x16xf32> to vector<16xf32>
        %mul3A_336 = arith.mulf %get3A_335, %broadcast_in_dim3A_326 : vector<16xf32>
        %swap3A_337 = arith.index_cast %select_n3A_116 : i32 to index
        %swap3A_338 = arith.index_cast %add3A_330 : i32 to index
        %swap3A_339 = arith.constant 0 : index
        %swap3A_340 = tpu.vector_load %arg11[%swap3A_337, %swap3A_338, %swap3A_339] {strides = array<i32>} : memref<8x80x16xf32, #tpu.memory_space<vmem>>, vector<1x1x16xf32>,
        %swap3A_341 = vector.shape_cast %swap3A_340 : vector<1x1x16xf32> to vector<16xf32>
        %swap3A_342 = vector.shape_cast %mul3A_336 : vector<16xf32> to vector<1x1x16xf32>
        tpu.vector_store %arg11[%swap3A_337, %swap3A_338, %swap3A_339], %swap3A_342 {strides = array<i32>} : memref<8x80x16xf32, #tpu.memory_space<vmem>>, vector<1x1x16xf32>,
        %slice3A_343 = vector.extract_strided_slice %get3A_156 {offsets = [10], sizes = [1], strides = [1]} : vector<16xf32> to vector<1xf32>
        %squeeze3A_344 = vector.extract %slice3A_343[0] : f32 from vector<1xf32>
        %broadcast_in_dim3A_345 = vector.broadcast %squeeze3A_344 : f32 to vector<16xf32>
        %mul3A_346 = arith.constant 16 : i32
        %mul3A_347 = arith.muli %scan3A_151, %mul3A_346 : i32
        %add3A_348 = arith.constant 10 : i32
        %add3A_349 = arith.addi %mul3A_347, %add3A_348 : i32
        %get3A_350 = arith.index_cast %select_n3A_116 : i32 to index
        %get3A_351 = arith.index_cast %add3A_349 : i32 to index
        %get3A_352 = arith.constant 0 : index
        %get3A_353 = tpu.vector_load %arg11[%get3A_350, %get3A_351, %get3A_352] {strides = array<i32>} : memref<8x80x16xf32, #tpu.memory_space<vmem>>, vector<1x1x16xf32>,
        %get3A_354 = vector.shape_cast %get3A_353 : vector<1x1x16xf32> to vector<16xf32>
        %mul3A_355 = arith.mulf %get3A_354, %broadcast_in_dim3A_345 : vector<16xf32>
        %swap3A_356 = arith.index_cast %select_n3A_116 : i32 to index
        %swap3A_357 = arith.index_cast %add3A_349 : i32 to index
        %swap3A_358 = arith.constant 0 : index
        %swap3A_359 = tpu.vector_load %arg11[%swap3A_356, %swap3A_357, %swap3A_358] {strides = array<i32>} : memref<8x80x16xf32, #tpu.memory_space<vmem>>, vector<1x1x16xf32>,
        %swap3A_360 = vector.shape_cast %swap3A_359 : vector<1x1x16xf32> to vector<16xf32>
        %swap3A_361 = vector.shape_cast %mul3A_355 : vector<16xf32> to vector<1x1x16xf32>
        tpu.vector_store %arg11[%swap3A_356, %swap3A_357, %swap3A_358], %swap3A_361 {strides = array<i32>} : memref<8x80x16xf32, #tpu.memory_space<vmem>>, vector<1x1x16xf32>,
        %slice3A_362 = vector.extract_strided_slice %get3A_156 {offsets = [11], sizes = [1], strides = [1]} : vector<16xf32> to vector<1xf32>
        %squeeze3A_363 = vector.extract %slice3A_362[0] : f32 from vector<1xf32>
        %broadcast_in_dim3A_364 = vector.broadcast %squeeze3A_363 : f32 to vector<16xf32>
        %mul3A_365 = arith.constant 16 : i32
        %mul3A_366 = arith.muli %scan3A_151, %mul3A_365 : i32
        %add3A_367 = arith.constant 11 : i32
        %add3A_368 = arith.addi %mul3A_366, %add3A_367 : i32
        %get3A_369 = arith.index_cast %select_n3A_116 : i32 to index
        %get3A_370 = arith.index_cast %add3A_368 : i32 to index
        %get3A_371 = arith.constant 0 : index
        %get3A_372 = tpu.vector_load %arg11[%get3A_369, %get3A_370, %get3A_371] {strides = array<i32>} : memref<8x80x16xf32, #tpu.memory_space<vmem>>, vector<1x1x16xf32>,
        %get3A_373 = vector.shape_cast %get3A_372 : vector<1x1x16xf32> to vector<16xf32>
        %mul3A_374 = arith.mulf %get3A_373, %broadcast_in_dim3A_364 : vector<16xf32>
        %swap3A_375 = arith.index_cast %select_n3A_116 : i32 to index
        %swap3A_376 = arith.index_cast %add3A_368 : i32 to index
        %swap3A_377 = arith.constant 0 : index
        %swap3A_378 = tpu.vector_load %arg11[%swap3A_375, %swap3A_376, %swap3A_377] {strides = array<i32>} : memref<8x80x16xf32, #tpu.memory_space<vmem>>, vector<1x1x16xf32>,
        %swap3A_379 = vector.shape_cast %swap3A_378 : vector<1x1x16xf32> to vector<16xf32>
        %swap3A_380 = vector.shape_cast %mul3A_374 : vector<16xf32> to vector<1x1x16xf32>
        tpu.vector_store %arg11[%swap3A_375, %swap3A_376, %swap3A_377], %swap3A_380 {strides = array<i32>} : memref<8x80x16xf32, #tpu.memory_space<vmem>>, vector<1x1x16xf32>,
        %slice3A_381 = vector.extract_strided_slice %get3A_156 {offsets = [12], sizes = [1], strides = [1]} : vector<16xf32> to vector<1xf32>
        %squeeze3A_382 = vector.extract %slice3A_381[0] : f32 from vector<1xf32>
        %broadcast_in_dim3A_383 = vector.broadcast %squeeze3A_382 : f32 to vector<16xf32>
        %mul3A_384 = arith.constant 16 : i32
        %mul3A_385 = arith.muli %scan3A_151, %mul3A_384 : i32
        %add3A_386 = arith.constant 12 : i32
        %add3A_387 = arith.addi %mul3A_385, %add3A_386 : i32
        %get3A_388 = arith.index_cast %select_n3A_116 : i32 to index
        %get3A_389 = arith.index_cast %add3A_387 : i32 to index
        %get3A_390 = arith.constant 0 : index
        %get3A_391 = tpu.vector_load %arg11[%get3A_388, %get3A_389, %get3A_390] {strides = array<i32>} : memref<8x80x16xf32, #tpu.memory_space<vmem>>, vector<1x1x16xf32>,
        %get3A_392 = vector.shape_cast %get3A_391 : vector<1x1x16xf32> to vector<16xf32>
        %mul3A_393 = arith.mulf %get3A_392, %broadcast_in_dim3A_383 : vector<16xf32>
        %swap3A_394 = arith.index_cast %select_n3A_116 : i32 to index
        %swap3A_395 = arith.index_cast %add3A_387 : i32 to index
        %swap3A_396 = arith.constant 0 : index
        %swap3A_397 = tpu.vector_load %arg11[%swap3A_394, %swap3A_395, %swap3A_396] {strides = array<i32>} : memref<8x80x16xf32, #tpu.memory_space<vmem>>, vector<1x1x16xf32>,
        %swap3A_398 = vector.shape_cast %swap3A_397 : vector<1x1x16xf32> to vector<16xf32>
        %swap3A_399 = vector.shape_cast %mul3A_393 : vector<16xf32> to vector<1x1x16xf32>
        tpu.vector_store %arg11[%swap3A_394, %swap3A_395, %swap3A_396], %swap3A_399 {strides = array<i32>} : memref<8x80x16xf32, #tpu.memory_space<vmem>>, vector<1x1x16xf32>,
        %slice3A_400 = vector.extract_strided_slice %get3A_156 {offsets = [13], sizes = [1], strides = [1]} : vector<16xf32> to vector<1xf32>
        %squeeze3A_401 = vector.extract %slice3A_400[0] : f32 from vector<1xf32>
        %broadcast_in_dim3A_402 = vector.broadcast %squeeze3A_401 : f32 to vector<16xf32>
        %mul3A_403 = arith.constant 16 : i32
        %mul3A_404 = arith.muli %scan3A_151, %mul3A_403 : i32
        %add3A_405 = arith.constant 13 : i32
        %add3A_406 = arith.addi %mul3A_404, %add3A_405 : i32
        %get3A_407 = arith.index_cast %select_n3A_116 : i32 to index
        %get3A_408 = arith.index_cast %add3A_406 : i32 to index
        %get3A_409 = arith.constant 0 : index
        %get3A_410 = tpu.vector_load %arg11[%get3A_407, %get3A_408, %get3A_409] {strides = array<i32>} : memref<8x80x16xf32, #tpu.memory_space<vmem>>, vector<1x1x16xf32>,
        %get3A_411 = vector.shape_cast %get3A_410 : vector<1x1x16xf32> to vector<16xf32>
        %mul3A_412 = arith.mulf %get3A_411, %broadcast_in_dim3A_402 : vector<16xf32>
        %swap3A_413 = arith.index_cast %select_n3A_116 : i32 to index
        %swap3A_414 = arith.index_cast %add3A_406 : i32 to index
        %swap3A_415 = arith.constant 0 : index
        %swap3A_416 = tpu.vector_load %arg11[%swap3A_413, %swap3A_414, %swap3A_415] {strides = array<i32>} : memref<8x80x16xf32, #tpu.memory_space<vmem>>, vector<1x1x16xf32>,
        %swap3A_417 = vector.shape_cast %swap3A_416 : vector<1x1x16xf32> to vector<16xf32>
        %swap3A_418 = vector.shape_cast %mul3A_412 : vector<16xf32> to vector<1x1x16xf32>
        tpu.vector_store %arg11[%swap3A_413, %swap3A_414, %swap3A_415], %swap3A_418 {strides = array<i32>} : memref<8x80x16xf32, #tpu.memory_space<vmem>>, vector<1x1x16xf32>,
        %slice3A_419 = vector.extract_strided_slice %get3A_156 {offsets = [14], sizes = [1], strides = [1]} : vector<16xf32> to vector<1xf32>
        %squeeze3A_420 = vector.extract %slice3A_419[0] : f32 from vector<1xf32>
        %broadcast_in_dim3A_421 = vector.broadcast %squeeze3A_420 : f32 to vector<16xf32>
        %mul3A_422 = arith.constant 16 : i32
        %mul3A_423 = arith.muli %scan3A_151, %mul3A_422 : i32
        %add3A_424 = arith.constant 14 : i32
        %add3A_425 = arith.addi %mul3A_423, %add3A_424 : i32
        %get3A_426 = arith.index_cast %select_n3A_116 : i32 to index
        %get3A_427 = arith.index_cast %add3A_425 : i32 to index
        %get3A_428 = arith.constant 0 : index
        %get3A_429 = tpu.vector_load %arg11[%get3A_426, %get3A_427, %get3A_428] {strides = array<i32>} : memref<8x80x16xf32, #tpu.memory_space<vmem>>, vector<1x1x16xf32>,
        %get3A_430 = vector.shape_cast %get3A_429 : vector<1x1x16xf32> to vector<16xf32>
        %mul3A_431 = arith.mulf %get3A_430, %broadcast_in_dim3A_421 : vector<16xf32>
        %swap3A_432 = arith.index_cast %select_n3A_116 : i32 to index
        %swap3A_433 = arith.index_cast %add3A_425 : i32 to index
        %swap3A_434 = arith.constant 0 : index
        %swap3A_435 = tpu.vector_load %arg11[%swap3A_432, %swap3A_433, %swap3A_434] {strides = array<i32>} : memref<8x80x16xf32, #tpu.memory_space<vmem>>, vector<1x1x16xf32>,
        %swap3A_436 = vector.shape_cast %swap3A_435 : vector<1x1x16xf32> to vector<16xf32>
        %swap3A_437 = vector.shape_cast %mul3A_431 : vector<16xf32> to vector<1x1x16xf32>
        tpu.vector_store %arg11[%swap3A_432, %swap3A_433, %swap3A_434], %swap3A_437 {strides = array<i32>} : memref<8x80x16xf32, #tpu.memory_space<vmem>>, vector<1x1x16xf32>,
        %slice3A_438 = vector.extract_strided_slice %get3A_156 {offsets = [15], sizes = [1], strides = [1]} : vector<16xf32> to vector<1xf32>
        %squeeze3A_439 = vector.extract %slice3A_438[0] : f32 from vector<1xf32>
        %broadcast_in_dim3A_440 = vector.broadcast %squeeze3A_439 : f32 to vector<16xf32>
        %mul3A_441 = arith.constant 16 : i32
        %mul3A_442 = arith.muli %scan3A_151, %mul3A_441 : i32
        %add3A_443 = arith.constant 15 : i32
        %add3A_444 = arith.addi %mul3A_442, %add3A_443 : i32
        %get3A_445 = arith.index_cast %select_n3A_116 : i32 to index
        %get3A_446 = arith.index_cast %add3A_444 : i32 to index
        %get3A_447 = arith.constant 0 : index
        %get3A_448 = tpu.vector_load %arg11[%get3A_445, %get3A_446, %get3A_447] {strides = array<i32>} : memref<8x80x16xf32, #tpu.memory_space<vmem>>, vector<1x1x16xf32>,
        %get3A_449 = vector.shape_cast %get3A_448 : vector<1x1x16xf32> to vector<16xf32>
        %mul3A_450 = arith.mulf %get3A_449, %broadcast_in_dim3A_440 : vector<16xf32>
        %swap3A_451 = arith.index_cast %select_n3A_116 : i32 to index
        %swap3A_452 = arith.index_cast %add3A_444 : i32 to index
        %swap3A_453 = arith.constant 0 : index
        %swap3A_454 = tpu.vector_load %arg11[%swap3A_451, %swap3A_452, %swap3A_453] {strides = array<i32>} : memref<8x80x16xf32, #tpu.memory_space<vmem>>, vector<1x1x16xf32>,
        %swap3A_455 = vector.shape_cast %swap3A_454 : vector<1x1x16xf32> to vector<16xf32>
        %swap3A_456 = vector.shape_cast %mul3A_450 : vector<16xf32> to vector<1x1x16xf32>
        tpu.vector_store %arg11[%swap3A_451, %swap3A_452, %swap3A_453], %swap3A_456 {strides = array<i32>} : memref<8x80x16xf32, #tpu.memory_space<vmem>>, vector<1x1x16xf32>,
      }
      %scan3A_122 = arith.constant 5 : i32
      %jit3A_123 = arith.constant 8 : i32
      %eq3A_124 = arith.constant 0 : i32
      %eq3A_125 = arith.cmpi eq, %jit3A_123, %eq3A_124 : i32
      %jit3A_126 = arith.constant 1 : i32
      %select_n3A_127 = arith.select %eq3A_125, %jit3A_126, %jit3A_123 : i32
      %rem3A_128 = arith.remsi %scan3A_71, %select_n3A_127 : i32
      %ne3A_129 = arith.constant 0 : i32
      %ne3A_130 = arith.cmpi ne, %rem3A_128, %ne3A_129 : i32
      %lt3A_131 = arith.constant 0 : i32
      %lt3A_132 = arith.cmpi slt, %rem3A_128, %lt3A_131 : i32
      %lt3A_133 = arith.constant 0 : i32
      %lt3A_134 = arith.cmpi slt, %select_n3A_127, %lt3A_133 : i32
      %ne3A_135 = arith.xori %lt3A_132, %lt3A_134 : i1
      %and3A_136 = arith.andi %ne3A_135, %ne3A_130 : i1
      %add3A_137 = arith.addi %rem3A_128, %select_n3A_127 : i32
      %select_n3A_138 = arith.select %and3A_136, %add3A_137, %rem3A_128 : i32
      %dma_start3A_139 = arith.constant 0 : i32
      %dma_start3A_140 = arith.constant 0 : i32
      %dma_start3A_141 = tpu.memref_slice %arg11[%select_n3A_138, %dma_start3A_139, %dma_start3A_140] : memref<8x80x16xf32, #tpu.memory_space<vmem>> -> memref<1x80x16xf32, #tpu.memory_space<vmem>>
      %dma_start3A_142 = tpu.memref_squeeze %dma_start3A_141 : memref<1x80x16xf32, #tpu.memory_space<vmem>> -> memref<80x16xf32, #tpu.memory_space<vmem>>
      %dma_start3A_143 = arith.constant 0 : i32
      %dma_start3A_144 = tpu.memref_slice %arg9[%scan3A_71, %dma_start3A_143] : memref<125x80xi32, #tpu.memory_space<vmem>> -> memref<1x80xi32, #tpu.memory_space<vmem>>
      %dma_start3A_145 = tpu.memref_squeeze %dma_start3A_144 : memref<1x80xi32, #tpu.memory_space<vmem>> -> memref<80xi32, #tpu.memory_space<vmem>>
      %dma_start3A_146 = arith.constant 0 : i32
      %dma_start3A_147 = arith.constant 0 : i32
      %dma_start3A_148 = tpu.memref_slice %arg12[%dma_start3A_146, %dma_start3A_147] : memref<10000x16xf32, #tpu.memory_space<vmem_shared>> -> memref<10000x16xf32, #tpu.memory_space<vmem_shared>>
      %dma_start3A_149 = tpu.memref_slice %arg15[%select_n3A_138] : memref<8x!tpu.dma_semaphore, #tpu.memory_space<semaphore_mem>> -> memref<1x!tpu.dma_semaphore, #tpu.memory_space<semaphore_mem>>
      %dma_start3A_150 = tpu.memref_squeeze %dma_start3A_149 : memref<1x!tpu.dma_semaphore, #tpu.memory_space<semaphore_mem>> -> memref<!tpu.dma_semaphore, #tpu.memory_space<semaphore_mem>>
      tpu.enqueue_indirect_dma source(%dma_start3A_142 : memref<80x16xf32, #tpu.memory_space<vmem>>) target(%dma_start3A_148 : memref<10000x16xf32, #tpu.memory_space<vmem_shared>>) offsets(%dma_start3A_145 : memref<80xi32, #tpu.memory_space<vmem>>) semaphore(%dma_start3A_150 : memref<!tpu.dma_semaphore, #tpu.memory_space<semaphore_mem>>) {add = true}
    }
    %scan3A_59 = arith.constant 125 : i32
    %scan3A_60 = arith.constant 0 : i32
    %scan3A_61 = arith.constant 120 : i32
    %scan3A_62 = arith.constant 5 : i32
    %scan3A_63 = arith.addi %scan3A_61, %scan3A_62 : i32
    %scan3A_64 = arith.constant 1 : i32
    scf.for %scan3A_71 = %scan3A_61 to %scan3A_63 step %scan3A_64  : i32 {
      %jit3A = arith.constant 8 : i32
      %eq3A = arith.constant 0 : i32
      %eq3A_72 = arith.cmpi eq, %jit3A, %eq3A : i32
      %jit3A_73 = arith.constant 1 : i32
      %select_n3A = arith.select %eq3A_72, %jit3A_73, %jit3A : i32
      %rem3A = arith.remsi %scan3A_71, %select_n3A : i32
      %ne3A = arith.constant 0 : i32
      %ne3A_74 = arith.cmpi ne, %rem3A, %ne3A : i32
      %lt3A = arith.constant 0 : i32
      %lt3A_75 = arith.cmpi slt, %rem3A, %lt3A : i32
      %lt3A_76 = arith.constant 0 : i32
      %lt3A_77 = arith.cmpi slt, %select_n3A, %lt3A_76 : i32
      %ne3A_78 = arith.xori %lt3A_75, %lt3A_77 : i1
      %and3A = arith.andi %ne3A_78, %ne3A_74 : i1
      %add3A_79 = arith.addi %rem3A, %select_n3A : i32
      %select_n3A_80 = arith.select %and3A, %add3A_79, %rem3A : i32
      %dma_wait3A = arith.constant 0 : i32
      %dma_wait3A_81 = arith.constant 0 : i32
      %dma_wait3A_82 = tpu.memref_slice %arg11[%select_n3A_80, %dma_wait3A, %dma_wait3A_81] : memref<8x80x16xf32, #tpu.memory_space<vmem>> -> memref<1x80x16xf32, #tpu.memory_space<vmem>>
      %dma_wait3A_83 = tpu.memref_squeeze %dma_wait3A_82 : memref<1x80x16xf32, #tpu.memory_space<vmem>> -> memref<80x16xf32, #tpu.memory_space<vmem>>
      %dma_wait3A_84 = arith.constant 0 : i32
      %dma_wait3A_85 = tpu.memref_slice %arg9[%scan3A_71, %dma_wait3A_84] : memref<125x80xi32, #tpu.memory_space<vmem>> -> memref<1x80xi32, #tpu.memory_space<vmem>>
      %dma_wait3A_86 = tpu.memref_squeeze %dma_wait3A_85 : memref<1x80xi32, #tpu.memory_space<vmem>> -> memref<80xi32, #tpu.memory_space<vmem>>
      %dma_wait3A_87 = arith.constant 0 : i32
      %dma_wait3A_88 = arith.constant 0 : i32
      %dma_wait3A_89 = tpu.memref_slice %arg12[%dma_wait3A_87, %dma_wait3A_88] : memref<10000x16xf32, #tpu.memory_space<vmem_shared>> -> memref<10000x16xf32, #tpu.memory_space<vmem_shared>>
      %dma_wait3A_90 = tpu.memref_slice %arg15[%select_n3A_80] : memref<8x!tpu.dma_semaphore, #tpu.memory_space<semaphore_mem>> -> memref<1x!tpu.dma_semaphore, #tpu.memory_space<semaphore_mem>>
      %dma_wait3A_91 = tpu.memref_squeeze %dma_wait3A_90 : memref<1x!tpu.dma_semaphore, #tpu.memory_space<semaphore_mem>> -> memref<!tpu.dma_semaphore, #tpu.memory_space<semaphore_mem>>
      tpu.wait_indirect_dma semaphore(%dma_wait3A_91 : memref<!tpu.dma_semaphore, #tpu.memory_space<semaphore_mem>>) src(%dma_wait3A_83 : memref<80x16xf32, #tpu.memory_space<vmem>>) dst(%dma_wait3A_89 : memref<10000x16xf32, #tpu.memory_space<vmem_shared>>)
    }
    %scan3A_65 = arith.constant 5 : i32
    %barrier3A_66 = arith.constant 0 : index
    tpu.barrier barrier_id(%barrier3A_66)
    %mul3A_67 = arith.constant 625 : i32
    %mul3A_68 = arith.muli %arg1, %mul3A_67 : i32
    %mul3A_69 = arith.constant 625 : i32
    %mul3A_70 = arith.muli %arg1, %mul3A_69 : i32
    "tpu.region"() ({
      %run_scoped3A = tpu.sem_alloc : memref<!tpu.dma_semaphore, #tpu.memory_space<semaphore_mem>>
      %dma_start3A_71 = arith.constant 0 : i32
      %dma_start3A_72 = tpu.memref_slice %arg7[%arg0, %mul3A_70, %dma_start3A_71] : memref<2x10000x16xf32, #tpu.memory_space<hbm>> -> memref<1x625x16xf32, #tpu.memory_space<hbm>>
      %dma_start3A_73 = tpu.memref_squeeze %dma_start3A_72 : memref<1x625x16xf32, #tpu.memory_space<hbm>> -> memref<625x16xf32, #tpu.memory_space<hbm>>
      %dma_start3A_74 = arith.constant 0 : i32
      %dma_start3A_75 = tpu.memref_slice %arg12[%mul3A_68, %dma_start3A_74] : memref<10000x16xf32, #tpu.memory_space<vmem_shared>> -> memref<625x16xf32, #tpu.memory_space<vmem_shared>>
      tpu.enqueue_dma source(%dma_start3A_75 : memref<625x16xf32, #tpu.memory_space<vmem_shared>>) target(%dma_start3A_73 : memref<625x16xf32, #tpu.memory_space<hbm>>) target_semaphore(%run_scoped3A : memref<!tpu.dma_semaphore, #tpu.memory_space<semaphore_mem>>)
      %dma_wait3A = arith.constant 0 : i32
      %dma_wait3A_76 = tpu.memref_slice %arg7[%arg0, %mul3A_70, %dma_wait3A] : memref<2x10000x16xf32, #tpu.memory_space<hbm>> -> memref<1x625x16xf32, #tpu.memory_space<hbm>>
      %dma_wait3A_77 = tpu.memref_squeeze %dma_wait3A_76 : memref<1x625x16xf32, #tpu.memory_space<hbm>> -> memref<625x16xf32, #tpu.memory_space<hbm>>
      %dma_wait3A_78 = arith.constant 0 : i32
      %dma_wait3A_79 = tpu.memref_slice %arg12[%mul3A_68, %dma_wait3A_78] : memref<10000x16xf32, #tpu.memory_space<vmem_shared>> -> memref<625x16xf32, #tpu.memory_space<vmem_shared>>
      tpu.wait_dma2 semaphore(%run_scoped3A : memref<!tpu.dma_semaphore, #tpu.memory_space<semaphore_mem>>) src(%dma_wait3A_79 : memref<625x16xf32, #tpu.memory_space<vmem_shared>>) dst(%dma_wait3A_77 : memref<625x16xf32, #tpu.memory_space<hbm>>)
      tpu.yield
    }) : () -> ()
    return
  }
}

module attributes {stable_mosaic.version = 14 : i64} {
  func.func @_tc0_body(%arg0: memref<10000x128xf32, #tpu.memory_space<vmem>>, %arg1: memref<128x64xf32, #tpu.memory_space<vmem>>, %arg2: memref<128x64xf32, #tpu.memory_space<vmem>>, %arg3: memref<10000x64xf32, #tpu.memory_space<vmem>>, %arg4: memref<10000x64xf32, #tpu.memory_space<vmem>>) attributes {dimension_semantics = [], scalar_prefetch = 0 : i64, scratch_operands = 0 : i64, tpu.core_type = #tpu.core_type<tc>} {
    %get3A = arith.constant 0 : index
    %get3A_0 = arith.constant 0 : index
    %get3A_1 = vector.load %arg0[%get3A, %get3A_0] : memref<10000x128xf32, #tpu.memory_space<vmem>>, vector<10000x128xf32>
    %get3A_2 = arith.constant 0 : index
    %get3A_3 = arith.constant 0 : index
    %get3A_4 = vector.load %arg1[%get3A_2, %get3A_3] : memref<128x64xf32, #tpu.memory_space<vmem>>, vector<128x64xf32>
    %dot_general3A = arith.constant dense<0.000000e+00> : vector<10000x64xf32>
    %dot_general3A_5 = tpu.matmul %get3A_1, %get3A_4, %dot_general3A {dimension_numbers = #tpu.dot_dimension_numbers<[1], [0], [0], [1], [0, 0, 1, 1], [], []>, transpose_lhs_hint = false} : vector<10000x128xf32>, vector<128x64xf32>, vector<10000x64xf32> -> vector<10000x64xf32>
    %swap3A = arith.constant 0 : index
    %swap3A_6 = arith.constant 0 : index
    %swap3A_7 = vector.load %arg3[%swap3A, %swap3A_6] : memref<10000x64xf32, #tpu.memory_space<vmem>>, vector<10000x64xf32>
    tpu.vector_store %arg3[%swap3A, %swap3A_6], %dot_general3A_5 {strides = array<i32>} : memref<10000x64xf32, #tpu.memory_space<vmem>>, vector<10000x64xf32>,
    %get3A_8 = arith.constant 0 : index
    %get3A_9 = arith.constant 0 : index
    %get3A_10 = vector.load %arg0[%get3A_8, %get3A_9] : memref<10000x128xf32, #tpu.memory_space<vmem>>, vector<10000x128xf32>
    %get3A_11 = arith.constant 0 : index
    %get3A_12 = arith.constant 0 : index
    %get3A_13 = vector.load %arg2[%get3A_11, %get3A_12] : memref<128x64xf32, #tpu.memory_space<vmem>>, vector<128x64xf32>
    %dot_general3A_14 = arith.constant dense<0.000000e+00> : vector<10000x64xf32>
    %dot_general3A_15 = tpu.matmul %get3A_10, %get3A_13, %dot_general3A_14 {dimension_numbers = #tpu.dot_dimension_numbers<[1], [0], [0], [1], [0, 0, 1, 1], [], []>, transpose_lhs_hint = false} : vector<10000x128xf32>, vector<128x64xf32>, vector<10000x64xf32> -> vector<10000x64xf32>
    %swap3A_16 = arith.constant 0 : index
    %swap3A_17 = arith.constant 0 : index
    %swap3A_18 = vector.load %arg4[%swap3A_16, %swap3A_17] : memref<10000x64xf32, #tpu.memory_space<vmem>>, vector<10000x64xf32>
    tpu.vector_store %arg4[%swap3A_16, %swap3A_17], %dot_general3A_15 {strides = array<i32>} : memref<10000x64xf32, #tpu.memory_space<vmem>>, vector<10000x64xf32>,
    return
  }
}

module attributes {stable_mosaic.version = 14 : i64} {
  func.func @_tc1_body(%arg0: memref<2x10000x16xf32, #tpu.memory_space<vmem>>, %arg1: memref<10000x64xf32, #tpu.memory_space<vmem>>, %arg2: memref<10000x1xf32, #tpu.memory_space<vmem>>, %arg3: memref<10000x64xf32, #tpu.memory_space<vmem>>) attributes {dimension_semantics = [], scalar_prefetch = 0 : i64, scratch_operands = 0 : i64, tpu.core_type = #tpu.core_type<tc>} {
    %get3A = arith.constant 0 : index
    %get3A_0 = arith.constant 0 : index
    %get3A_1 = arith.constant 0 : index
    %get3A_2 = vector.load %arg0[%get3A, %get3A_0, %get3A_1] : memref<2x10000x16xf32, #tpu.memory_space<vmem>>, vector<1x10000x16xf32>
    %get3A_3 = vector.shape_cast %get3A_2 : vector<1x10000x16xf32> to vector<10000x16xf32>
    %get3A_4 = arith.constant 1 : index
    %get3A_5 = arith.constant 0 : index
    %get3A_6 = arith.constant 0 : index
    %get3A_7 = vector.load %arg0[%get3A_4, %get3A_5, %get3A_6] : memref<2x10000x16xf32, #tpu.memory_space<vmem>>, vector<1x10000x16xf32>
    %get3A_8 = vector.shape_cast %get3A_7 : vector<1x10000x16xf32> to vector<10000x16xf32>
    %add3A = arith.addf %get3A_3, %get3A_8 : vector<10000x16xf32>
    %slice3A = vector.extract_strided_slice %add3A {offsets = [0, 0], sizes = [10000, 1], strides = [1, 1]} : vector<10000x16xf32> to vector<10000x1xf32>
    %gt3A = arith.constant 0.000000e+00 : f32
    %gt3A_9 = vector.broadcast %gt3A : f32 to vector<10000x1xf32>
    %gt3A_10 = arith.cmpf ogt, %slice3A, %gt3A_9 : vector<10000x1xf32>
    %max3A = arith.constant 9.99999996E-13 : f32
    %max3A_11 = vector.broadcast %max3A : f32 to vector<10000x1xf32>
    %max3A_12 = arith.maximumf %slice3A, %max3A_11 : vector<10000x1xf32>
    %rsqrt3A = math.rsqrt %max3A_12 : vector<10000x1xf32>
    %jit3A = arith.constant 0.000000e+00 : f32
    %broadcast_in_dim3A = vector.broadcast %jit3A : f32 to vector<10000x1xf32>
    %select_n3A = arith.select %gt3A_10, %rsqrt3A, %broadcast_in_dim3A : vector<10000x1xi1>, vector<10000x1xf32>
    %swap3A = arith.constant 0 : index
    %swap3A_13 = arith.constant 0 : index
    %swap3A_14 = vector.load %arg2[%swap3A, %swap3A_13] : memref<10000x1xf32, #tpu.memory_space<vmem>>, vector<10000x1xf32>
    tpu.vector_store %arg2[%swap3A, %swap3A_13], %select_n3A {strides = array<i32>} : memref<10000x1xf32, #tpu.memory_space<vmem>>, vector<10000x1xf32>,
    %get3A_15 = arith.constant 0 : index
    %get3A_16 = arith.constant 0 : index
    %get3A_17 = vector.load %arg1[%get3A_15, %get3A_16] : memref<10000x64xf32, #tpu.memory_space<vmem>>, vector<10000x64xf32>
    %mul3A = vector.broadcast %select_n3A : vector<10000x1xf32> to vector<10000x64xf32>
    %mul3A_18 = arith.mulf %get3A_17, %mul3A : vector<10000x64xf32>
    %swap3A_19 = arith.constant 0 : index
    %swap3A_20 = arith.constant 0 : index
    %swap3A_21 = vector.load %arg3[%swap3A_19, %swap3A_20] : memref<10000x64xf32, #tpu.memory_space<vmem>>, vector<10000x64xf32>
    tpu.vector_store %arg3[%swap3A_19, %swap3A_20], %mul3A_18 {strides = array<i32>} : memref<10000x64xf32, #tpu.memory_space<vmem>>, vector<10000x64xf32>,
    return
  }
}

module attributes {stable_mosaic.version = 14 : i64} {
  func.func @_tc2_body(%arg0: memref<2x10000x64xf32, #tpu.memory_space<vmem>>, %arg1: memref<10000x1xf32, #tpu.memory_space<vmem>>, %arg2: memref<10000x64xf32, #tpu.memory_space<vmem>>, %arg3: memref<1x64xf32, #tpu.memory_space<vmem>>, %arg4: memref<64x16xf32, #tpu.memory_space<vmem>>, %arg5: memref<64x16xf32, #tpu.memory_space<vmem>>, %arg6: memref<10000x16xf32, #tpu.memory_space<vmem>>, %arg7: memref<10000x16xf32, #tpu.memory_space<vmem>>) attributes {dimension_semantics = [], scalar_prefetch = 0 : i64, scratch_operands = 0 : i64, tpu.core_type = #tpu.core_type<tc>} {
    %get3A = arith.constant 0 : index
    %get3A_0 = arith.constant 0 : index
    %get3A_1 = vector.load %arg1[%get3A, %get3A_0] : memref<10000x1xf32, #tpu.memory_space<vmem>>, vector<10000x1xf32>
    %get3A_2 = arith.constant 0 : index
    %get3A_3 = arith.constant 0 : index
    %get3A_4 = arith.constant 0 : index
    %get3A_5 = vector.load %arg0[%get3A_2, %get3A_3, %get3A_4] : memref<2x10000x64xf32, #tpu.memory_space<vmem>>, vector<1x10000x64xf32>
    %get3A_6 = vector.shape_cast %get3A_5 : vector<1x10000x64xf32> to vector<10000x64xf32>
    %get3A_7 = arith.constant 1 : index
    %get3A_8 = arith.constant 0 : index
    %get3A_9 = arith.constant 0 : index
    %get3A_10 = vector.load %arg0[%get3A_7, %get3A_8, %get3A_9] : memref<2x10000x64xf32, #tpu.memory_space<vmem>>, vector<1x10000x64xf32>
    %get3A_11 = vector.shape_cast %get3A_10 : vector<1x10000x64xf32> to vector<10000x64xf32>
    %add3A = arith.addf %get3A_6, %get3A_11 : vector<10000x64xf32>
    %mul3A = vector.broadcast %get3A_1 : vector<10000x1xf32> to vector<10000x64xf32>
    %mul3A_12 = arith.mulf %add3A, %mul3A : vector<10000x64xf32>
    %get3A_13 = arith.constant 0 : index
    %get3A_14 = arith.constant 0 : index
    %get3A_15 = vector.load %arg2[%get3A_13, %get3A_14] : memref<10000x64xf32, #tpu.memory_space<vmem>>, vector<10000x64xf32>
    %add3A_16 = arith.addf %mul3A_12, %get3A_15 : vector<10000x64xf32>
    %get3A_17 = arith.constant 0 : index
    %get3A_18 = arith.constant 0 : index
    %get3A_19 = vector.load %arg3[%get3A_17, %get3A_18] : memref<1x64xf32, #tpu.memory_space<vmem>>, vector<1x64xf32>
    %add3A_20 = vector.broadcast %get3A_19 : vector<1x64xf32> to vector<10000x64xf32>
    %add3A_21 = arith.addf %add3A_16, %add3A_20 : vector<10000x64xf32>
    %max3A = arith.constant 0.000000e+00 : f32
    %max3A_22 = vector.broadcast %max3A : f32 to vector<10000x64xf32>
    %max3A_23 = arith.maximumf %add3A_21, %max3A_22 : vector<10000x64xf32>
    %get3A_24 = arith.constant 0 : index
    %get3A_25 = arith.constant 0 : index
    %get3A_26 = vector.load %arg4[%get3A_24, %get3A_25] : memref<64x16xf32, #tpu.memory_space<vmem>>, vector<64x16xf32>
    %dot_general3A = arith.constant dense<0.000000e+00> : vector<10000x16xf32>
    %dot_general3A_27 = tpu.matmul %max3A_23, %get3A_26, %dot_general3A {dimension_numbers = #tpu.dot_dimension_numbers<[1], [0], [0], [1], [0, 0, 1, 1], [], []>, transpose_lhs_hint = false} : vector<10000x64xf32>, vector<64x16xf32>, vector<10000x16xf32> -> vector<10000x16xf32>
    %mul3A_28 = vector.broadcast %get3A_1 : vector<10000x1xf32> to vector<10000x16xf32>
    %mul3A_29 = arith.mulf %dot_general3A_27, %mul3A_28 : vector<10000x16xf32>
    %swap3A = arith.constant 0 : index
    %swap3A_30 = arith.constant 0 : index
    %swap3A_31 = vector.load %arg6[%swap3A, %swap3A_30] : memref<10000x16xf32, #tpu.memory_space<vmem>>, vector<10000x16xf32>
    tpu.vector_store %arg6[%swap3A, %swap3A_30], %mul3A_29 {strides = array<i32>} : memref<10000x16xf32, #tpu.memory_space<vmem>>, vector<10000x16xf32>,
    %get3A_32 = arith.constant 0 : index
    %get3A_33 = arith.constant 0 : index
    %get3A_34 = vector.load %arg5[%get3A_32, %get3A_33] : memref<64x16xf32, #tpu.memory_space<vmem>>, vector<64x16xf32>
    %dot_general3A_35 = arith.constant dense<0.000000e+00> : vector<10000x16xf32>
    %dot_general3A_36 = tpu.matmul %max3A_23, %get3A_34, %dot_general3A_35 {dimension_numbers = #tpu.dot_dimension_numbers<[1], [0], [0], [1], [0, 0, 1, 1], [], []>, transpose_lhs_hint = false} : vector<10000x64xf32>, vector<64x16xf32>, vector<10000x16xf32> -> vector<10000x16xf32>
    %swap3A_37 = arith.constant 0 : index
    %swap3A_38 = arith.constant 0 : index
    %swap3A_39 = vector.load %arg7[%swap3A_37, %swap3A_38] : memref<10000x16xf32, #tpu.memory_space<vmem>>, vector<10000x16xf32>
    tpu.vector_store %arg7[%swap3A_37, %swap3A_38], %dot_general3A_36 {strides = array<i32>} : memref<10000x16xf32, #tpu.memory_space<vmem>>, vector<10000x16xf32>,
    return
  }
}

module attributes {stable_mosaic.version = 14 : i64} {
  func.func @_tc3_body(%arg0: memref<2x10000x16xf32, #tpu.memory_space<vmem>>, %arg1: memref<10000x1xf32, #tpu.memory_space<vmem>>, %arg2: memref<10000x16xf32, #tpu.memory_space<vmem>>, %arg3: memref<1x16xf32, #tpu.memory_space<vmem>>, %arg4: memref<10000x16xf32, #tpu.memory_space<vmem>>) attributes {dimension_semantics = [], scalar_prefetch = 0 : i64, scratch_operands = 0 : i64, tpu.core_type = #tpu.core_type<tc>} {
    %get3A = arith.constant 0 : index
    %get3A_0 = arith.constant 0 : index
    %get3A_1 = arith.constant 0 : index
    %get3A_2 = vector.load %arg0[%get3A, %get3A_0, %get3A_1] : memref<2x10000x16xf32, #tpu.memory_space<vmem>>, vector<1x10000x16xf32>
    %get3A_3 = vector.shape_cast %get3A_2 : vector<1x10000x16xf32> to vector<10000x16xf32>
    %get3A_4 = arith.constant 1 : index
    %get3A_5 = arith.constant 0 : index
    %get3A_6 = arith.constant 0 : index
    %get3A_7 = vector.load %arg0[%get3A_4, %get3A_5, %get3A_6] : memref<2x10000x16xf32, #tpu.memory_space<vmem>>, vector<1x10000x16xf32>
    %get3A_8 = vector.shape_cast %get3A_7 : vector<1x10000x16xf32> to vector<10000x16xf32>
    %add3A = arith.addf %get3A_3, %get3A_8 : vector<10000x16xf32>
    %get3A_9 = arith.constant 0 : index
    %get3A_10 = arith.constant 0 : index
    %get3A_11 = vector.load %arg1[%get3A_9, %get3A_10] : memref<10000x1xf32, #tpu.memory_space<vmem>>, vector<10000x1xf32>
    %mul3A = vector.broadcast %get3A_11 : vector<10000x1xf32> to vector<10000x16xf32>
    %mul3A_12 = arith.mulf %add3A, %mul3A : vector<10000x16xf32>
    %get3A_13 = arith.constant 0 : index
    %get3A_14 = arith.constant 0 : index
    %get3A_15 = vector.load %arg2[%get3A_13, %get3A_14] : memref<10000x16xf32, #tpu.memory_space<vmem>>, vector<10000x16xf32>
    %add3A_16 = arith.addf %mul3A_12, %get3A_15 : vector<10000x16xf32>
    %get3A_17 = arith.constant 0 : index
    %get3A_18 = arith.constant 0 : index
    %get3A_19 = vector.load %arg3[%get3A_17, %get3A_18] : memref<1x16xf32, #tpu.memory_space<vmem>>, vector<1x16xf32>
    %add3A_20 = vector.broadcast %get3A_19 : vector<1x16xf32> to vector<10000x16xf32>
    %add3A_21 = arith.addf %add3A_16, %add3A_20 : vector<10000x16xf32>
    %max3A = arith.constant 0.000000e+00 : f32
    %max3A_22 = vector.broadcast %max3A : f32 to vector<10000x16xf32>
    %max3A_23 = arith.maximumf %add3A_21, %max3A_22 : vector<10000x16xf32>
    %reduce_max3A = arith.constant dense<0xFF800000> : vector<10000xf32>
    %reduce_max3A_24 = vector.multi_reduction <maximumf>, %max3A_23, %reduce_max3A [1] : vector<10000x16xf32> to vector<10000xf32>
    %broadcast_in_dim3A = vector.shape_cast %reduce_max3A_24 : vector<10000xf32> to vector<10000x1xf32>
    %sub3A = vector.broadcast %broadcast_in_dim3A : vector<10000x1xf32> to vector<10000x16xf32>
    %sub3A_25 = arith.subf %max3A_23, %sub3A : vector<10000x16xf32>
    %exp3A = math.exp %sub3A_25 : vector<10000x16xf32>
    %reduce_sum3A = arith.constant dense<0.000000e+00> : vector<10000xf32>
    %reduce_sum3A_26 = vector.multi_reduction <add>, %exp3A, %reduce_sum3A [1] : vector<10000x16xf32> to vector<10000xf32>
    %broadcast_in_dim3A_27 = vector.shape_cast %reduce_sum3A_26 : vector<10000xf32> to vector<10000x1xf32>
    %log3A = math.log %broadcast_in_dim3A_27 : vector<10000x1xf32>
    %sub3A_28 = vector.broadcast %log3A : vector<10000x1xf32> to vector<10000x16xf32>
    %sub3A_29 = arith.subf %sub3A_25, %sub3A_28 : vector<10000x16xf32>
    %swap3A = arith.constant 0 : index
    %swap3A_30 = arith.constant 0 : index
    %swap3A_31 = vector.load %arg4[%swap3A, %swap3A_30] : memref<10000x16xf32, #tpu.memory_space<vmem>>, vector<10000x16xf32>
    tpu.vector_store %arg4[%swap3A, %swap3A_30], %sub3A_29 {strides = array<i32>} : memref<10000x16xf32, #tpu.memory_space<vmem>>, vector<10000x16xf32>,
    return
  }
}

</mosaic_0001>

<sc_bundles>
// kernel: kernel.12.cloned.1.call-start
scs
__scs_entry_jumppad:
0x0: {  	(pc) =	sbr.rel $0x88, $3  }
0x1: {  	(tag) =	ssettag $0x0;
	lr =	simm.s32 $0x1  }
0x2: {  	[smem:$0x3F98] =	sst lr;
	_ =	strace $0xD0000000  }
0x3: {  	_ = 	snop  }
0x4: {  	_ = 	snop  }
0x5: {  	_ = 	snop  }
0x6: {  	_ = 	snop  }
0x7: {  	_ = 	snop  }
__scs_overlays_trampoline_lowered:
0x8: {  	[smem:$0x3FA7] =	sst s0  }
0x9: {  	[smem:$0x3FA8] =	sst s1  }
0xa: {  	[smem:$0x3FA9] =	sst s2  }
0xb: {  	[smem:$0x3FAA] =	sst s3  }
0xc: {  	[smem:$0x3FAB] =	sst s4  }
0xd: {  	[smem:$0x3FAC] =	sst s5  }
0xe: {  	[smem:$0x3FAD] =	sst s6  }
0xf: {  	[smem:$0x3FAE] =	sst s7  }
0x10: {  	[smem:$0x3FAF] =	sst s8  }
0x11: {  	[smem:$0x3FB0] =	sst s9;
	s0 =	simm.s32 @!p0 $0x0  }
0x12: {  	s1 =	sld [smem:$0x3F96];
	s0 =	simm.s32 @p0 $0x1  }
0x13: {  	[smem:$0x3FB1] =	sst s0;
	s0 =	simm.s32 @!p1 $0x0  }
0x14: {  	s2 =	sld [smem:$0x3F95];
	s0 =	simm.s32 @p1 $0x1  }
0x15: {  	[smem:$0x3FB2] =	sst s0;
	s0 =	simm.s32 @!p2 $0x0  }
0x16: {  	s3 =	sld [smem:$0x3FDB];
	s0 =	simm.s32 @p2 $0x1  }
0x17: {  	s4 =	simm.s32 $0x1BF5;
	[smem:$0x3FB4] =	sst s0  }
0x18: {  	s0 =	sld [smem:$0x3F97];
	_ =	swait.ge [sflag:s4], $0x0  }
0x19: {  	s7 =	sld [smem:$0x3F98]  }
0x1a: {  	s8 =	sadd.s32 $0xFFFFE003, lr  }
0x1b: {  	s9 =	sadd.s32 $0xFFFFFEF7, lr;
	s5 =	simm.s32 $0xFFFFFFFF;
	p2 =	slt.u32 s8, $0xFFFFF086  }
0x1c: {  	p1 =	slt.u32 s9, $0xF7A;
	s5 =	simm.s32 @!p2 $0x0  }
0x1d: {  	s5 =	simm.s32 @p1 $0x1;
	p0 =	seq.s32 s7, s2  }
0x1e: {  	s7 =	smul.u32 @!p0 $0xF7A, s2;
	p2 =	seq.s32 @!p0 s5, $0x0  }
0x1f: {  	s9 =	smul.u32 $0xF7A, s1;
	s8 =	simm.s32 @!p0 $0x1BF5;
	p2 =	por !p2, p0  }
0x20: {  	[sflag:s8] =	ssyncset.s32 @!p0 $0xFFFFF086;
	s6 =	sadd.s32 @!p0 s3, s7;
	s7 =	simm.s32 @!p0 $0x108  }
0x21: {  	s3 =	sadd.s32 s3, s9;
	s6 =	sadd.s32 @!p0 $0x88, s6;
	s7 =	simm.s32 @p2 $0x1082  }
0x22: {  	[simem:s7], [sflag:s8] =	dma.local @!p0 [hbm:s6], $0xF7A  }
0x23: {  	s9 =	sor.u32 $0xD0000000, s2;
	s6 =	simm.s32 $0x108;
	_ =	swait.ge @!p0 [sflag:s8], $0x0  }
0x24: {  	s3 =	sadd.s32 $0x88, s3;
	s6 =	simm.s32 @!p1 $0x1082;
	[sflag:s4] =	ssyncset.s32 $0xFFFFF086  }
0x25: {  	[simem:s6], [sflag:s4] =	dma.local [hbm:s3], $0xF7A  }
0x26: {  	[smem:$0x3F98] =	sst s1;
	(tag) =	ssettag s2;
	_ =	strace s9  }
0x27: {  	s1 =	sld [smem:$0x3FA8]  }
0x28: {  	s2 =	sld [smem:$0x3FA9]  }
0x29: {  	s4 =	sld [smem:$0x3FAB]  }
0x2a: {  	p0 =	seq.s32 s5, $0x0;
	s5 =	sld [smem:$0x3FAC]  }
0x2b: {  	s6 =	sld [smem:$0x3FAD]  }
0x2c: {  	s7 =	sld [smem:$0x3FAE]  }
0x2d: {  	s3 =	simm.s32 $0x108;
	s8 =	sld [smem:$0x3FAF]  }
0x2e: {  	s3 =	simm.s32 @!p0 $0x1082;
	s9 =	sld [smem:$0x3FB0]  }
0x2f: {  	lr =	sadd.s32 s0, s3;
	s0 =	sld [smem:$0x3FA7]  }
0x30: {  	s3 =	sld [smem:$0x3FAA]  }
0x31: {  	[smem:$0x3FB3] =	sst s10  }
0x32: {  	s10 =	sld [smem:$0x3FB1];
	_ =	sdelay $0x3  }
0x33: {  	p0 =	seq.s32 s10, $0x1;
	s10 =	sld [smem:$0x3FB3];
	_ =	sdelay $0x3  }
0x34: {  	[smem:$0x3FB3] =	sst s10  }
0x35: {  	s10 =	sld [smem:$0x3FB2];
	_ =	sdelay $0x3  }
0x36: {  	p1 =	seq.s32 s10, $0x1;
	s10 =	sld [smem:$0x3FB3];
	_ =	sdelay $0x3  }
0x37: {  	[smem:$0x3FB3] =	sst s10  }
0x38: {  	s10 =	sld [smem:$0x3FB4]  }
0x39: {  	_ = 	snop;
	(pc) =	sbr.ind lr, $3  }
0x3a: {  	_ = 	snop  }
0x3b: {  	_ = 	snop  }
0x3c: {  	p2 =	seq.s32 s10, $0x1;
	s10 =	sld [smem:$0x3FB3]  }
0x3d: {  	_ =	shalt  }
0x3e: {  	_ =	shalt  }
0x3f: {  	_ =	shalt  }
0x40: {  	_ =	shalt  }
0x41: {  	_ =	shalt  }
0x42: {  	_ =	shalt  }
0x43: {  	_ =	shalt  }
0x44: {  	_ =	shalt  }
0x45: {  	_ =	shalt  }
0x46: {  	_ =	shalt  }
0x47: {  	_ =	shalt  }
0x48: {  	_ =	shalt  }
0x49: {  	_ =	shalt  }
0x4a: {  	_ =	shalt  }
0x4b: {  	_ =	shalt  }
0x4c: {  	_ =	shalt  }
0x4d: {  	_ =	shalt  }
0x4e: {  	_ =	shalt  }
0x4f: {  	_ =	shalt  }
0x50: {  	_ =	shalt  }
0x51: {  	_ =	shalt  }
0x52: {  	_ =	shalt  }
0x53: {  	_ =	shalt  }
0x54: {  	_ =	shalt  }
0x55: {  	_ =	shalt  }
0x56: {  	_ =	shalt  }
0x57: {  	_ =	shalt  }
0x58: {  	_ =	shalt  }
0x59: {  	_ =	shalt  }
0x5a: {  	_ =	shalt  }
0x5b: {  	_ =	shalt  }
0x5c: {  	_ =	shalt  }
0x5d: {  	_ =	shalt  }
0x5e: {  	_ =	shalt  }
0x5f: {  	_ =	shalt  }
0x60: {  	_ =	shalt  }
0x61: {  	_ =	shalt  }
0x62: {  	_ =	shalt  }
0x63: {  	_ =	shalt  }
0x64: {  	_ =	shalt  }
0x65: {  	_ =	shalt  }
0x66: {  	_ =	shalt  }
0x67: {  	_ =	shalt  }
0x68: {  	_ =	shalt  }
0x69: {  	_ =	shalt  }
0x6a: {  	_ =	shalt  }
0x6b: {  	_ =	shalt  }
0x6c: {  	_ =	shalt  }
0x6d: {  	_ =	shalt  }
0x6e: {  	_ =	shalt  }
0x6f: {  	_ =	shalt  }
0x70: {  	_ =	shalt  }
0x71: {  	_ =	shalt  }
0x72: {  	_ =	shalt  }
0x73: {  	_ =	shalt  }
0x74: {  	_ =	shalt  }
0x75: {  	_ =	shalt  }
0x76: {  	_ =	shalt  }
0x77: {  	_ =	shalt  }
0x78: {  	_ =	shalt  }
0x79: {  	_ =	shalt  }
0x7a: {  	_ =	shalt  }
0x7b: {  	_ =	shalt  }
0x7c: {  	_ =	shalt  }
0x7d: {  	_ =	shalt  }
0x7e: {  	_ =	shalt  }
0x7f: {  	_ =	shalt  }
0x80: {  	_ =	shalt  }
0x81: {  	_ =	shalt  }
0x82: {  	_ =	shalt  }
0x83: {  	_ =	shalt  }
0x84: {  	_ =	shalt  }
0x85: {  	_ =	shalt  }
0x86: {  	_ =	shalt  }
0x87: {  	_ =	shalt  }
.Lfunc_end0:
.L_simem_size_0:
called_computation.1_lowered:
.L_overlay_start_0:
0x88: {  	s2 =	sld [smem:$0x3FD9]  }
0x89: {  	s3 =	sld [smem:$0x3FFE];
	_ =	sdelay $0x1  }
0x8a: {  	s1 =	srdreg.scid  }
0x8b: {  	s0 =	sand.u32 $0x1, s1  }
0x8c: {  	s17 =	sshll.u32 s0, $0xA;
	s2 =	sadd.s32 s3, s2  }
0x8d: {  	s2 =	sadd.s32 s2, s17  }
0x8e: {  	[smem:$0x3FBF] =	sst s2  }
0x8f: {  	_ = 	snop  }
0x90: {  	s2 =	sld [smem:$0x3FC7];
	(tm) =	ssettm $0x1  }
0x91: {  	s18 =	sld [smem:$0x3FFB];
	_ =	sdelay $0x3  }
0x92: {  	_ =	strace s18  }
0x93: {  	s3 =	sld [smem:$0x3FFC];
	_ =	sdelay $0x3  }
0x94: {  	_ =	strace s3  }
0x95: {  	s3 =	sld [smem:$0x3FFD];
	_ =	sdelay $0x3  }
0x96: {  	_ =	strace s3  }
0x97: {  	_ =	strace $0x8FFFFFFF  }
0x98: {  	s19 =	sld [smem:$0x3FDB];
	_ =	sdelay $0x1  }
0x99: {  	s4 =	simm.s32 $_scs_section_size  }
0x9a: {  	s5 =	simm.s32 $_size__tile_overlayer_lowered;
	s6 =	simm.s32 $_tile_overlayer_lowered  }
0x9b: {  	s22 =	simm.s32 $0x1BFF;
	s21 =	sshll.u32 s6, $0x1;
	s3 =	sadd.s32 s4, s19  }
0x9c: {  	s7 =	simm.s32 $0x0;
	s20 =	sshll.u32 s5, $0x1;
	s5 =	sadd.s32 s21, s3  }
0x9d: {  	[timem:s7], [sflag:s22] =	dma.local [hbm:s5], s20  }
0x9e: {  	_ =	swait.ge [sflag:s22], s20  }
0x9f: {  	s4 =	ssub.s32 $0x0, s20;
	[sflag:s22] =	ssyncset.done $0x0  }
0xa0: {  	[sflag:s22] =	ssyncadd.s32 s4;
	_ =	sdelay $0x1  }
0xa1: {  	s23 =	simm.s32 $0x1B8B  }
0xa2: {  	_ =	swait.ge [sflag:s23], $0x1  }
0xa3: {  	[sflag:s23] =	ssyncset.done $0x0  }
0xa4: {  	s25 =	simm.s32 $0x1B8E;
	s24 =	sld [smem:$0x3FFE];
	[sflag:s23] =	ssyncadd.s32 $0xFFFFFFFF  }
0xa5: {  	s26 =	simm.s32 $execute0_lowered;
	[smem:$0x3FD2] =	sst s25  }
0xa6: {  	s5 =	sshll.u32 s26, $0x1;
	_ =	strace $0x80000049;
	[dreg:$0x1] =	wrdreg $0xFFFFFFFF  }
0xa7: {  	s28 =	simm.s32 $_size_execute0_lowered;
	s3 =	sadd.s32 s3, s5;
	[dreg:$0x0] =	wrdreg $0x0  }
0xa8: {  	s5 =	sshll.u32 s28, $0x1;
	[dreg:$0x2] =	wrdreg s3  }
0xa9: {  	[dreg:$0x3] =	wrdreg s5  }
0xaa: {  	[dreg:$0x4] =	wrdreg $0xC0  }
0xab: {  	_ =	task [dreg:s7], $0x5FFFF  }
0xac: {  	[dreg:$0x1] =	wrdreg $0xFFFFFFFF  }
0xad: {  	[dreg:$0x0] =	wrdreg $0x60  }
0xae: {  	[dreg:$0x2] =	wrdreg s24  }
0xaf: {  	[dreg:$0x3] =	wrdreg s2  }
0xb0: {  	[dreg:$0x4] =	wrdreg $0x115300  }
0xb1: {  	[dreg:$0x5] =	wrdreg $0x9  }
0xb2: {  	_ =	task.clear_ibuf [dreg:s7], $0x6FFFF;
	_ =	strace $0x90000049  }
0xb3: {  	s29 =	simm.s32 $0x9;
	_ =	strace $0x8000004B  }
0xb4: {  	_ =	swait.ge [sflag:s29], $0x1  }
0xb5: {  	[sflag:s29] =	ssyncadd.s32 $0xFFFFFFFF  }
0xb6: {  	_ =	strace $0x9000004B  }
0xb7: {  	_ =	sfence  }
0xb8: {  	s30 =	sld [smem:$0x0];
	_ =	sdelay $0x2  }
0xb9: {  	s31 =	sshll.u32 s1, $0xD;
	s1 =	sshrl.u32 s1, $0x2  }
0xba: {  	s3 =	sand.u32 $0x4000, s31;
	s1 =	sadd.s32 s1, s30  }
0xbb: {  	s0 =	sor.u32 s3, s0;
	s1 =	sshll.u32 s1, $0x11  }
0xbc: {  	s0 =	sor.u32 s1, s0  }
0xbd: {  	s0 =	sadd.s32 $0x8F2B, s0  }
0xbe: {  	[sflag:s0] =	ssyncadd.remote.s32 $0x1  }
0xbf: {  	_ =	sfence.sel $0xFFFF  }
0xc0: {  	[dreg:$0x0] =	wrdreg $0xFFFFFFFF;
	(pc) =	sbr.abs _section_cstart, $3  }
0xc1: {  	[dreg:$0x1] =	wrdreg $0xFFFFFFFF  }
0xc2: {  	_ =	task.clear_ibuf [dreg:s7], $0x2FFFF;
	_ =	strace $0x9FFFFFFF  }
0xc3: {  	(tm) =	ssettm $0x7FFFFFFF  }
tec
execute0_lowered:
.L_overlay_start_1:
0x0: {  	(tag) =	ssettag $0x1  }
0x1: {  	s0 =	srdreg.scid  }
0x2: {  	s11 =	stileid.u32;
	s1 =	rddreg [dreg:$0x0]  }
0x3: {  	s9 =	rddreg [dreg:$0x1];
	s13 =	simm.s32 $0x11;
	s15 =	simm.s32 $0x50  }
0x4: {  	s17 =	simm.s32 $0x8930;
	s18 =	simm.s32 $0xA0;
	s19 =	simm.s32 $0x9D30  }
0x5: {  	s20 =	simm.s32 $0x9;
	s21 =	simm.s32 $0xA;
	s22 =	simm.s32 $0xB  }
0x6: {  	s23 =	simm.s32 $0xC;
	s24 =	simm.s32 $0xD;
	s25 =	simm.s32 $0x0  }
0x7: {  	s0 =	sand.u32 $0x1, s0;
	s2 =	sshll.u32 s11, $0x1;
	s5 =	smul.u32 $0x9C40, s11  }
0x8: {  	s4 =	sadd.s32 $0x15A00, s1;
	s31 =	sshll.u32 s11, $0x6;
	s3 =	sor.u32 s0, s2  }
0x9: {  	s2 =	rddreg [dreg:$0x2];
	s6 =	smul.u32 $0x9C400, s0;
	s0 =	ssub.s32 $0x2, s0  }
0xa: {  	s10 =	smul.u32 $0x4E2, s3;
	s3 =	simm.s32 $0x0;
	s7 =	sshrl.u32 s5, $0x3  }
0xb: {  	s30 =	sshrl.u32 s0, $0x1;
	s12 =	sadd.s32 s5, s2;
	[smem:$0x7FF] =	sst s3  }
0xc: {  	s6 =	sadd.s32 s5, s6;
	s7 =	sadd.s32 s7, s1;
	s0 =	ssub.s32 s0, s30  }
0xd: {  	s12 =	sshrl.u32 s12, $0x3;
	_ =	strace $0x8000004A;
	s8 =	sadd.s32 s10, s1  }
0xe: {  	s6 =	sshrl.u32 s6, $0x3;
	s5 =	sadd.s32 $0x29400, s7;
	s9 =	sadd.s32 s9, s10  }
0xf: {  	s11 =	smax.u32 s0, $0x1;
	s1 =	sadd.s32 s6, s1;
	s6 =	sor.u32 $0x1C11, s31  }
0x10: {  	s7 =	sadd.s32 $0xBC00, s8;
	s8 =	sadd.s32 $0x1E00, s8;
	s10 =	sadd.s32 $0x3CE00, s1  }
.LBB2_1:
0x11: {  	[spmem:s12], [sflag:s6] =	dma.local [hbm:s5], $0x1388  }
0x12: {  	_ =	swait.ge [sflag:s13], $0x1388  }
0x13: {  	[sflag:s13] =	ssyncset.done $0x0  }
0x14: {  	[sflag:s13] =	ssyncadd.s32 $0xFFFFEC78  }
0x15: {  	[tilespmem:s3], [sflag:$0x11] =	stream.linear.gather [hbm4b:s7+s3], $0x2710, $0x38;
	[tilespmem:$0x1B170] =	vst v63  }
0x16: {  	_ =	swait.ge [sflag:s13], $0x2710  }
0x17: {  	[sflag:s13] =	ssyncset.done $0x0  }
0x18: {  	s0 =	simm.s32 $0x2710;
	[sflag:s13] =	ssyncadd.s32 $0xFFFFD8F0  }
0x19: {  	[tilespmem:s0], [sflag:$0x11] =	stream.linear.gather [hbm4b:s8+s3], $0x2710, $0x38;
	[tilespmem:$0x1B170] =	vst v63  }
0x1a: {  	_ =	swait.ge [sflag:s13], $0x2710  }
0x1b: {  	[sflag:s13] =	ssyncset.done $0x0  }
0x1c: {  	s26 =	simm.s32 $0x4E20;
	[sflag:s13] =	ssyncadd.s32 $0xFFFFD8F0  }
0x1d: {  	[tilespmem:s26], [sflag:$0x11] =	stream.linear.gather [hbm4b:s9+s3], $0x2710, $0x38;
	[tilespmem:$0x1B170] =	vst v63  }
0x1e: {  	_ =	swait.ge [sflag:s13], $0x2710  }
0x1f: {  	[sflag:s13] =	ssyncset.done $0x0  }
0x20: {  	[sflag:s13] =	ssyncadd.s32 $0xFFFFD8F0  }
0x21: {  	s31 =	simm.s32 $0x7530;
	[bflag:$0x0] =	sbarrier.arrive $0xFFFF  }
0x22: {  	[tilespmem:s31], [sflag:$0x1] =	stream.indirect.gather [hbm4b:s4+s15], $0x40, s3, s15, $0xb8;
	[tilespmem:$0x1B170] =	vst v63  }
0x23: {  	_ = 	snop  }
0x24: {  	[tilespmem:s17], [sflag:$0x2] =	stream.indirect.gather [hbm4b:s4+s15], $0x40, s15, s15, $0xb8;
	[tilespmem:$0x1B170] =	vst v63  }
0x25: {  	s28 =	simm.s32 $0x0;
	s29 =	simm.s32 $0x0  }
0x26: {  	[tilespmem:s19], [sflag:$0x3] =	stream.indirect.gather [hbm4b:s4+s15], $0x40, s18, s15, $0xb8;
	[tilespmem:$0x1B170] =	vst v63  }
.LBB2_2:
0x27: {  	p0 =	slt.u32 s29, $0x5  }
0x28: {  	p1 =	sgt.u32 @!p0 s29, $0x79  }
0x29: {  	s1 =	sadd.s32 $0x3, s29;
	p1 =	por p0, !p1  }
.Ltmp0:
0x2a: {  	s0 =	sand.u32 @!p0 $0x7, s1;
	(pc) =	sbr.rel @!p1 .LBB2_4-.Ltmp0, $4  }
0x2b: {  	s14 =	sadd.s32 @!p0 $0x9, s0  }
0x2c: {  	_ =	swait.ge @!p0 [sflag:s14], $0x1400  }
0x2d: {  	[sflag:s14] =	ssyncset.done @!p0 $0x0  }
0x2e: {  	[sflag:s14] =	ssyncadd.s32 @!p0 $0xFFFFEC00  }
0x2f: {  	s0 =	smov.u32 @p0 s1  }
0x30: {  	s14 =	smul.u32 $0x5000, s0  }
0x31: {  	s31 =	smul.u32 $0x140, s1  }
0x32: {  	s14 =	sshra.s32 s14, $0x2  }
0x33: {  	s0 =	sadd.s32 $0x1, s0;
	s1 =	sshra.s32 s31, $0x2;
	s14 =	sadd.s32 $0x7530, s14  }
0x34: {  	[tilespmem:s14], [sflag:s0] =	stream.indirect.gather [hbm4b:s4+s15], $0x40, s1, s15, $0xb8;
	[tilespmem:$0x1B170] =	vst v63  }
.LBB2_4:
0x35: {  	s0 =	sand.u32 $0x7, s28;
	s30 =	sand.u32 $0x7, s29  }
0x36: {  	s0 =	smul.u32 $0x5000, s0;
	s14 =	sadd.s32 $0x1, s30  }
0x37: {  	v0 =	vmov s26;
	s31 =	smul.u32 $0x5000, s30;
	_ =	swait.ge [sflag:s14], $0x1400  }
0x38: {  	s0 =	sshrl.u32 s0, $0x2;
	[sflag:s14] =	ssyncset.done $0x0  }
0x39: {  	s16 =	sshrl.u32 s31, $0x2;
	s1 =	sadd.s32 $0x7730, s0;
	[sflag:s14] =	ssyncadd.s32 $0xFFFFEC00  }
0x3a: {  	s0 =	smul.u32 $0x140, s29;
	s31 =	sadd.s32 $0x7530, s16;
	s14 =	simm.s32 $0x0  }
.LBB2_5:
0x3b: {  	s16 =	sshra.s32 s14, $0x2  }
0x3c: {  	v1 =	vld.idx.msk [tilespmem:v0+s16+$0x0 ss:$0x1], $0xffff;
	_ =	sdelay $0x1  }
0x3d: {  	v2 =	vld [tilespmem:s1+$0xFFFFFE00];
	_ =	sdelay $0x2  }
0x3e: {  	v3 =	vbroadcast v1, $0x0;
	_ =	sdelay $0x1  }
0x3f: {  	v2 =	vmul.f32 v3, v2;
	_ =	sdelay $0x1  }
0x40: {  	[tilespmem:s1+$0xFFFFFE00] =	vst v2;
	v2 =	vld [tilespmem:s1+$0xFFFFFE10];
	_ =	sdelay $0x4  }
0x41: {  	v2 =	vmul.f32 v2, v3;
	_ =	sdelay $0x1  }
0x42: {  	[tilespmem:s1+$0xFFFFFE10] =	vst v2;
	v2 =	vld [tilespmem:s1+$0xFFFFFE20];
	_ =	sdelay $0x4  }
0x43: {  	v2 =	vmul.f32 v2, v3;
	_ =	sdelay $0x1  }
0x44: {  	[tilespmem:s1+$0xFFFFFE20] =	vst v2;
	v2 =	vld [tilespmem:s1+$0xFFFFFE30];
	_ =	sdelay $0x4  }
0x45: {  	v2 =	vmul.f32 v2, v3;
	_ =	sdelay $0x1  }
0x46: {  	[tilespmem:s1+$0xFFFFFE30] =	vst v2;
	v2 =	vld [tilespmem:s1+$0xFFFFFE40];
	_ =	sdelay $0x2  }
0x47: {  	v3 =	vbroadcast v1, $0x1;
	_ =	sdelay $0x1  }
0x48: {  	v2 =	vmul.f32 v2, v3;
	_ =	sdelay $0x1  }
0x49: {  	[tilespmem:s1+$0xFFFFFE40] =	vst v2;
	v2 =	vld [tilespmem:s1+$0xFFFFFE50];
	_ =	sdelay $0x4  }
0x4a: {  	v2 =	vmul.f32 v2, v3;
	_ =	sdelay $0x1  }
0x4b: {  	[tilespmem:s1+$0xFFFFFE50] =	vst v2;
	v2 =	vld [tilespmem:s1+$0xFFFFFE60];
	_ =	sdelay $0x4  }
0x4c: {  	v2 =	vmul.f32 v2, v3;
	_ =	sdelay $0x1  }
0x4d: {  	[tilespmem:s1+$0xFFFFFE60] =	vst v2;
	v2 =	vld [tilespmem:s1+$0xFFFFFE70];
	_ =	sdelay $0x4  }
0x4e: {  	v2 =	vmul.f32 v2, v3;
	_ =	sdelay $0x1  }
0x4f: {  	[tilespmem:s1+$0xFFFFFE70] =	vst v2;
	v2 =	vld [tilespmem:s1+$0xFFFFFE80];
	_ =	sdelay $0x2  }
0x50: {  	v3 =	vbroadcast v1, $0x2;
	_ =	sdelay $0x1  }
0x51: {  	v2 =	vmul.f32 v2, v3;
	_ =	sdelay $0x1  }
0x52: {  	[tilespmem:s1+$0xFFFFFE80] =	vst v2;
	v2 =	vld [tilespmem:s1+$0xFFFFFE90];
	_ =	sdelay $0x4  }
0x53: {  	v2 =	vmul.f32 v2, v3;
	_ =	sdelay $0x1  }
0x54: {  	[tilespmem:s1+$0xFFFFFE90] =	vst v2;
	v2 =	vld [tilespmem:s1+$0xFFFFFEA0];
	_ =	sdelay $0x4  }
0x55: {  	v2 =	vmul.f32 v2, v3;
	_ =	sdelay $0x1  }
0x56: {  	[tilespmem:s1+$0xFFFFFEA0] =	vst v2;
	v2 =	vld [tilespmem:s1+$0xFFFFFEB0];
	_ =	sdelay $0x4  }
0x57: {  	v2 =	vmul.f32 v2, v3;
	_ =	sdelay $0x1  }
0x58: {  	[tilespmem:s1+$0xFFFFFEB0] =	vst v2;
	v2 =	vld [tilespmem:s1+$0xFFFFFEC0];
	_ =	sdelay $0x2  }
0x59: {  	v3 =	vbroadcast v1, $0x3;
	_ =	sdelay $0x1  }
0x5a: {  	v2 =	vmul.f32 v2, v3;
	_ =	sdelay $0x1  }
0x5b: {  	[tilespmem:s1+$0xFFFFFEC0] =	vst v2;
	v2 =	vld [tilespmem:s1+$0xFFFFFED0];
	_ =	sdelay $0x4  }
0x5c: {  	v2 =	vmul.f32 v2, v3;
	_ =	sdelay $0x1  }
0x5d: {  	[tilespmem:s1+$0xFFFFFED0] =	vst v2;
	v2 =	vld [tilespmem:s1+$0xFFFFFEE0];
	_ =	sdelay $0x4  }
0x5e: {  	v2 =	vmul.f32 v2, v3;
	_ =	sdelay $0x1  }
0x5f: {  	[tilespmem:s1+$0xFFFFFEE0] =	vst v2;
	v2 =	vld [tilespmem:s1+$0xFFFFFEF0];
	_ =	sdelay $0x4  }
0x60: {  	v2 =	vmul.f32 v2, v3;
	_ =	sdelay $0x1  }
0x61: {  	[tilespmem:s1+$0xFFFFFEF0] =	vst v2;
	v2 =	vld [tilespmem:s1+$0xFFFFFF00];
	_ =	sdelay $0x2  }
0x62: {  	v3 =	vbroadcast v1, $0x4;
	_ =	sdelay $0x1  }
0x63: {  	v2 =	vmul.f32 v2, v3;
	_ =	sdelay $0x1  }
0x64: {  	[tilespmem:s1+$0xFFFFFF00] =	vst v2;
	v2 =	vld [tilespmem:s1+$0xFFFFFF10];
	_ =	sdelay $0x4  }
0x65: {  	v2 =	vmul.f32 v2, v3;
	_ =	sdelay $0x1  }
0x66: {  	[tilespmem:s1+$0xFFFFFF10] =	vst v2;
	v2 =	vld [tilespmem:s1+$0xFFFFFF20];
	_ =	sdelay $0x4  }
0x67: {  	v2 =	vmul.f32 v2, v3;
	_ =	sdelay $0x1  }
0x68: {  	[tilespmem:s1+$0xFFFFFF20] =	vst v2;
	v2 =	vld [tilespmem:s1+$0xFFFFFF30];
	_ =	sdelay $0x4  }
0x69: {  	v2 =	vmul.f32 v2, v3;
	_ =	sdelay $0x1  }
0x6a: {  	[tilespmem:s1+$0xFFFFFF30] =	vst v2;
	v2 =	vld [tilespmem:s1+$0xFFFFFF40];
	_ =	sdelay $0x2  }
0x6b: {  	v3 =	vbroadcast v1, $0x5;
	_ =	sdelay $0x1  }
0x6c: {  	v2 =	vmul.f32 v2, v3;
	_ =	sdelay $0x1  }
0x6d: {  	[tilespmem:s1+$0xFFFFFF40] =	vst v2;
	v2 =	vld [tilespmem:s1+$0xFFFFFF50];
	_ =	sdelay $0x4  }
0x6e: {  	v2 =	vmul.f32 v2, v3;
	_ =	sdelay $0x1  }
0x6f: {  	[tilespmem:s1+$0xFFFFFF50] =	vst v2;
	v2 =	vld [tilespmem:s1+$0xFFFFFF60];
	_ =	sdelay $0x4  }
0x70: {  	v2 =	vmul.f32 v2, v3;
	_ =	sdelay $0x1  }
0x71: {  	[tilespmem:s1+$0xFFFFFF60] =	vst v2;
	v2 =	vld [tilespmem:s1+$0xFFFFFF70];
	_ =	sdelay $0x4  }
0x72: {  	v2 =	vmul.f32 v2, v3;
	_ =	sdelay $0x1  }
0x73: {  	[tilespmem:s1+$0xFFFFFF70] =	vst v2;
	v2 =	vld [tilespmem:s1+$0xFFFFFF80];
	_ =	sdelay $0x2  }
0x74: {  	v3 =	vbroadcast v1, $0x6;
	_ =	sdelay $0x1  }
0x75: {  	v2 =	vmul.f32 v2, v3;
	_ =	sdelay $0x1  }
0x76: {  	[tilespmem:s1+$0xFFFFFF80] =	vst v2;
	v2 =	vld [tilespmem:s1+$0xFFFFFF90];
	_ =	sdelay $0x4  }
0x77: {  	v2 =	vmul.f32 v2, v3;
	_ =	sdelay $0x1  }
0x78: {  	[tilespmem:s1+$0xFFFFFF90] =	vst v2;
	v2 =	vld [tilespmem:s1+$0xFFFFFFA0];
	_ =	sdelay $0x4  }
0x79: {  	v2 =	vmul.f32 v2, v3;
	_ =	sdelay $0x1  }
0x7a: {  	[tilespmem:s1+$0xFFFFFFA0] =	vst v2;
	v2 =	vld [tilespmem:s1+$0xFFFFFFB0];
	_ =	sdelay $0x4  }
0x7b: {  	v2 =	vmul.f32 v2, v3;
	_ =	sdelay $0x1  }
0x7c: {  	[tilespmem:s1+$0xFFFFFFB0] =	vst v2;
	v2 =	vld [tilespmem:s1+$0xFFFFFFC0];
	_ =	sdelay $0x2  }
0x7d: {  	v3 =	vbroadcast v1, $0x7;
	_ =	sdelay $0x1  }
0x7e: {  	v2 =	vmul.f32 v2, v3;
	_ =	sdelay $0x1  }
0x7f: {  	[tilespmem:s1+$0xFFFFFFC0] =	vst v2;
	v2 =	vld [tilespmem:s1+$0xFFFFFFD0];
	_ =	sdelay $0x4  }
0x80: {  	v2 =	vmul.f32 v2, v3;
	_ =	sdelay $0x1  }
0x81: {  	[tilespmem:s1+$0xFFFFFFD0] =	vst v2;
	v2 =	vld [tilespmem:s1+$0xFFFFFFE0];
	_ =	sdelay $0x4  }
0x82: {  	v2 =	vmul.f32 v2, v3;
	_ =	sdelay $0x1  }
0x83: {  	[tilespmem:s1+$0xFFFFFFE0] =	vst v2;
	v2 =	vld [tilespmem:s1+$0xFFFFFFF0];
	_ =	sdelay $0x4  }
0x84: {  	v2 =	vmul.f32 v2, v3;
	_ =	sdelay $0x1  }
0x85: {  	[tilespmem:s1+$0xFFFFFFF0] =	vst v2;
	v2 =	vld [tilespmem:s1+$0x0];
	_ =	sdelay $0x2  }
0x86: {  	v3 =	vbroadcast v1, $0x8;
	_ =	sdelay $0x1  }
0x87: {  	v2 =	vmul.f32 v2, v3;
	_ =	sdelay $0x1  }
0x88: {  	[tilespmem:s1+$0x0] =	vst v2;
	v2 =	vld [tilespmem:s1+$0x10];
	_ =	sdelay $0x4  }
0x89: {  	v2 =	vmul.f32 v2, v3;
	_ =	sdelay $0x1  }
0x8a: {  	[tilespmem:s1+$0x10] =	vst v2;
	v2 =	vld [tilespmem:s1+$0x20];
	_ =	sdelay $0x4  }
0x8b: {  	v2 =	vmul.f32 v2, v3;
	_ =	sdelay $0x1  }
0x8c: {  	[tilespmem:s1+$0x20] =	vst v2;
	v2 =	vld [tilespmem:s1+$0x30];
	_ =	sdelay $0x4  }
0x8d: {  	v2 =	vmul.f32 v2, v3;
	_ =	sdelay $0x1  }
0x8e: {  	[tilespmem:s1+$0x30] =	vst v2;
	v2 =	vld [tilespmem:s1+$0x40];
	_ =	sdelay $0x2  }
0x8f: {  	v3 =	vbroadcast v1, $0x9;
	_ =	sdelay $0x1  }
0x90: {  	v2 =	vmul.f32 v2, v3;
	_ =	sdelay $0x1  }
0x91: {  	[tilespmem:s1+$0x40] =	vst v2;
	v2 =	vld [tilespmem:s1+$0x50];
	_ =	sdelay $0x4  }
0x92: {  	v2 =	vmul.f32 v2, v3;
	_ =	sdelay $0x1  }
0x93: {  	[tilespmem:s1+$0x50] =	vst v2;
	v2 =	vld [tilespmem:s1+$0x60];
	_ =	sdelay $0x4  }
0x94: {  	v2 =	vmul.f32 v2, v3;
	_ =	sdelay $0x1  }
0x95: {  	[tilespmem:s1+$0x60] =	vst v2;
	v2 =	vld [tilespmem:s1+$0x70];
	_ =	sdelay $0x4  }
0x96: {  	v2 =	vmul.f32 v2, v3;
	_ =	sdelay $0x1  }
0x97: {  	[tilespmem:s1+$0x70] =	vst v2;
	v2 =	vld [tilespmem:s1+$0x80];
	_ =	sdelay $0x2  }
0x98: {  	v3 =	vbroadcast v1, $0xA;
	_ =	sdelay $0x1  }
0x99: {  	v2 =	vmul.f32 v2, v3;
	_ =	sdelay $0x1  }
0x9a: {  	[tilespmem:s1+$0x80] =	vst v2;
	v2 =	vld [tilespmem:s1+$0x90];
	_ =	sdelay $0x4  }
0x9b: {  	v2 =	vmul.f32 v2, v3;
	_ =	sdelay $0x1  }
0x9c: {  	[tilespmem:s1+$0x90] =	vst v2;
	v2 =	vld [tilespmem:s1+$0xA0];
	_ =	sdelay $0x4  }
0x9d: {  	v2 =	vmul.f32 v2, v3;
	_ =	sdelay $0x1  }
0x9e: {  	[tilespmem:s1+$0xA0] =	vst v2;
	v2 =	vld [tilespmem:s1+$0xB0];
	_ =	sdelay $0x4  }
0x9f: {  	v2 =	vmul.f32 v2, v3;
	_ =	sdelay $0x1  }
0xa0: {  	[tilespmem:s1+$0xB0] =	vst v2;
	v2 =	vld [tilespmem:s1+$0xC0];
	_ =	sdelay $0x2  }
0xa1: {  	v3 =	vbroadcast v1, $0xB;
	_ =	sdelay $0x1  }
0xa2: {  	v2 =	vmul.f32 v2, v3;
	_ =	sdelay $0x1  }
0xa3: {  	[tilespmem:s1+$0xC0] =	vst v2;
	v2 =	vld [tilespmem:s1+$0xD0];
	_ =	sdelay $0x4  }
0xa4: {  	v2 =	vmul.f32 v2, v3;
	_ =	sdelay $0x1  }
0xa5: {  	[tilespmem:s1+$0xD0] =	vst v2;
	v2 =	vld [tilespmem:s1+$0xE0];
	_ =	sdelay $0x4  }
0xa6: {  	v2 =	vmul.f32 v2, v3;
	_ =	sdelay $0x1  }
0xa7: {  	[tilespmem:s1+$0xE0] =	vst v2;
	v2 =	vld [tilespmem:s1+$0xF0];
	_ =	sdelay $0x4  }
0xa8: {  	v2 =	vmul.f32 v2, v3;
	_ =	sdelay $0x1  }
0xa9: {  	[tilespmem:s1+$0xF0] =	vst v2;
	v2 =	vld [tilespmem:s1+$0x100];
	_ =	sdelay $0x2  }
0xaa: {  	v3 =	vbroadcast v1, $0xC;
	_ =	sdelay $0x1  }
0xab: {  	v2 =	vmul.f32 v2, v3;
	_ =	sdelay $0x1  }
0xac: {  	[tilespmem:s1+$0x100] =	vst v2;
	v2 =	vld [tilespmem:s1+$0x110];
	_ =	sdelay $0x4  }
0xad: {  	v2 =	vmul.f32 v2, v3;
	_ =	sdelay $0x1  }
0xae: {  	[tilespmem:s1+$0x110] =	vst v2;
	v2 =	vld [tilespmem:s1+$0x120];
	_ =	sdelay $0x4  }
0xaf: {  	v2 =	vmul.f32 v2, v3;
	_ =	sdelay $0x1  }
0xb0: {  	[tilespmem:s1+$0x120] =	vst v2;
	v2 =	vld [tilespmem:s1+$0x130];
	_ =	sdelay $0x4  }
0xb1: {  	v2 =	vmul.f32 v2, v3;
	_ =	sdelay $0x1  }
0xb2: {  	[tilespmem:s1+$0x130] =	vst v2;
	v2 =	vld [tilespmem:s1+$0x140];
	_ =	sdelay $0x2  }
0xb3: {  	v3 =	vbroadcast v1, $0xD;
	_ =	sdelay $0x1  }
0xb4: {  	v2 =	vmul.f32 v2, v3;
	_ =	sdelay $0x1  }
0xb5: {  	[tilespmem:s1+$0x140] =	vst v2;
	v2 =	vld [tilespmem:s1+$0x150];
	_ =	sdelay $0x4  }
0xb6: {  	v2 =	vmul.f32 v2, v3;
	_ =	sdelay $0x1  }
0xb7: {  	[tilespmem:s1+$0x150] =	vst v2;
	v2 =	vld [tilespmem:s1+$0x160];
	_ =	sdelay $0x4  }
0xb8: {  	v2 =	vmul.f32 v2, v3;
	_ =	sdelay $0x1  }
0xb9: {  	[tilespmem:s1+$0x160] =	vst v2;
	v2 =	vld [tilespmem:s1+$0x170];
	_ =	sdelay $0x4  }
0xba: {  	v2 =	vmul.f32 v2, v3;
	_ =	sdelay $0x1  }
0xbb: {  	[tilespmem:s1+$0x170] =	vst v2;
	v2 =	vld [tilespmem:s1+$0x180];
	_ =	sdelay $0x2  }
0xbc: {  	v3 =	vbroadcast v1, $0xE;
	_ =	sdelay $0x1  }
0xbd: {  	v2 =	vmul.f32 v2, v3;
	_ =	sdelay $0x1  }
0xbe: {  	[tilespmem:s1+$0x180] =	vst v2;
	v2 =	vld [tilespmem:s1+$0x190];
	_ =	sdelay $0x4  }
0xbf: {  	v2 =	vmul.f32 v2, v3;
	_ =	sdelay $0x1  }
0xc0: {  	[tilespmem:s1+$0x190] =	vst v2;
	v2 =	vld [tilespmem:s1+$0x1A0];
	_ =	sdelay $0x4  }
0xc1: {  	v2 =	vmul.f32 v2, v3;
	_ =	sdelay $0x1  }
0xc2: {  	[tilespmem:s1+$0x1A0] =	vst v2;
	v2 =	vld [tilespmem:s1+$0x1B0];
	_ =	sdelay $0x4  }
0xc3: {  	v2 =	vmul.f32 v2, v3;
	_ =	sdelay $0x1  }
0xc4: {  	[tilespmem:s1+$0x1B0] =	vst v2;
	v2 =	vld [tilespmem:s1+$0x1C0];
	_ =	sdelay $0x2  }
0xc5: {  	v1 =	vbroadcast v1, $0xF;
	_ =	sdelay $0x1  }
0xc6: {  	v2 =	vmul.f32 v2, v1;
	_ =	sdelay $0x1  }
0xc7: {  	[tilespmem:s1+$0x1C0] =	vst v2;
	v2 =	vld [tilespmem:s1+$0x1D0];
	_ =	sdelay $0x4  }
0xc8: {  	v2 =	vmul.f32 v2, v1;
	_ =	sdelay $0x1  }
0xc9: {  	[tilespmem:s1+$0x1D0] =	vst v2;
	v2 =	vld [tilespmem:s1+$0x1E0];
	_ =	sdelay $0x4  }
0xca: {  	v2 =	vmul.f32 v2, v1;
	_ =	sdelay $0x1  }
0xcb: {  	[tilespmem:s1+$0x1E0] =	vst v2;
	v2 =	vld [tilespmem:s1+$0x1F0];
	_ =	sdelay $0x1  }
0xcc: {  	p0 =	sne.s32 s14, $0x100  }
.Ltmp1:
0xcd: {  	_ = 	snop;
	(pc) =	sbr.rel @p0 .LBB2_5-.Ltmp1, $3  }
0xce: {  	_ = 	snop  }
0xcf: {  	v1 =	vmul.f32 v2, v1;
	_ =	sdelay $0x1  }
0xd0: {  	s14 =	sadd.s32 $0x40, s14;
	[tilespmem:s1+$0x1F0] =	vst v1;
	s1 =	sadd.s32 $0x400, s1  }
0xd1: {  	s29 =	sadd.s32 $0x1, s29  }
0xd2: {  	p0 =	sne.s32 s29, $0x7D  }
.Ltmp2:
0xd3: {  	_ = 	snop;
	(pc) =	sbr.rel @p0 .LBB2_2-.Ltmp2, $4  }
0xd4: {  	_ = 	snop  }
0xd5: {  	s0 =	sshra.s32 s0, $0x2;
	s1 =	sadd.s32 $0x9, s30  }
0xd6: {  	s26 =	sadd.s32 $0x50, s26;
	s28 =	sadd.s32 $0x1, s28;
	s0 =	sadd.s32 $0x2710, s0  }
0xd7: {  	[spmem:s2] =	stream.indirect.scatter.add.f32 [tilespmem:s31], [sflag:s1], $0x40, s0, s15, $0xb8;
	[tilespmem:$0x1B170] =	vst v63  }
0xd8: {  	_ =	swait.ge [sflag:s20], $0x1400  }
0xd9: {  	[sflag:s20] =	ssyncset.done $0x0  }
0xda: {  	[sflag:s20] =	ssyncadd.s32 $0xFFFFEC00  }
0xdb: {  	_ =	swait.ge [sflag:s21], $0x1400  }
0xdc: {  	[sflag:s21] =	ssyncset.done $0x0  }
0xdd: {  	[sflag:s21] =	ssyncadd.s32 $0xFFFFEC00  }
0xde: {  	_ =	swait.ge [sflag:s22], $0x1400  }
0xdf: {  	[sflag:s22] =	ssyncset.done $0x0  }
0xe0: {  	[sflag:s22] =	ssyncadd.s32 $0xFFFFEC00  }
0xe1: {  	_ =	swait.ge [sflag:s23], $0x1400  }
0xe2: {  	[sflag:s23] =	ssyncset.done $0x0  }
0xe3: {  	[sflag:s23] =	ssyncadd.s32 $0xFFFFEC00  }
0xe4: {  	_ =	swait.ge [sflag:s24], $0x1400  }
0xe5: {  	s25 =	sadd.s32 $0x1, s25;
	[sflag:s24] =	ssyncset.done $0x0  }
0xe6: {  	p0 =	sne.s32 s25, s11;
	[sflag:s24] =	ssyncadd.s32 $0xFFFFEC00  }
.Ltmp3:
0xe7: {  	[bflag:$0x0] =	sbarrier.arrive $0xFFFF;
	(pc) =	sbr.rel @p0 .LBB2_1-.Ltmp3, $4  }
0xe8: {  	[hbm:s10], [sflag:s6] =	dma.local [spmem:s12], $0x1388  }
0xe9: {  	_ =	swait.ge [sflag:s13], $0x1388  }
0xea: {  	[sflag:s13] =	ssyncset.done $0x0  }
0xeb: {  	[sflag:s13] =	ssyncadd.s32 $0xFFFFEC78  }
0xec: {  	_ =	sfence.sel $0x180000  }
0xed: {  	[bflag:$0x0] =	sbarrier.arrive $0xFFFF  }
0xee: {  	_ =	strace $0x9000004A  }
0xef: {  	s0 =	stileid.u32;
	[bflag:$0x2] =	sbarrier.arrive $0xFFFF  }
0xf0: {  	p0 =	sne.s32 s0, $0x0;
	s0 =	rddreg [dreg:$0x3]  }
0xf1: {  	s0 =	sadd.s32 @!p0 $0x100000, s0  }
0xf2: {  	[sflag:s0] =	ssyncadd.tile.s32 @!p0 $0x1;
	_ =	shalt  }
.Lfunc_end2:
_tile_overlayer_lowered:
.L_overlay_start_2:
0xf3: {  	(tag) =	ssettag $0x2  }
0xf4: {  	s0 =	rddreg [dreg:$0x0];
	s2 =	stileid.u32  }
0xf5: {  	s1 =	rddreg [dreg:$0x1];
	p0 =	sne.s32 s2, $0x0  }
0xf6: {  	s3 =	rddreg [dreg:$0x2];
	[bflag:$0x3] =	sbarrier.arrive $0xFFFF;
	s2 =	simm.s32 @!p0 $0x1C11  }
0xf7: {  	[timem:s3], [sflag:s2] =	dma.local @!p0 [hbm:s0], s1  }
0xf8: {  	s0 =	simm.s32 @!p0 $0x11  }
0xf9: {  	_ =	swait.ge @!p0 [sflag:s0], s1  }
0xfa: {  	s1 =	ssub.s32 @!p0 $0x0, s1;
	[sflag:s0] =	ssyncset.done @!p0 $0x0  }
0xfb: {  	[sflag:s0] =	ssyncadd.s32 @!p0 s1  }
0xfc: {  	[bflag:$0x3] =	sbarrier.arrive $0xFFFF  }
0xfd: {  	_ =	shalt  }

// kernel: kernel.15.cloned.1.call-start
scs
__scs_entry_jumppad:
0x0: {  	(pc) =	sbr.rel $0x88, $3  }
0x1: {  	(tag) =	ssettag $0x0;
	lr =	simm.s32 $0x1  }
0x2: {  	[smem:$0x3F98] =	sst lr;
	_ =	strace $0xD0000000  }
0x3: {  	_ = 	snop  }
0x4: {  	_ = 	snop  }
0x5: {  	_ = 	snop  }
0x6: {  	_ = 	snop  }
0x7: {  	_ = 	snop  }
__scs_overlays_trampoline_lowered:
0x8: {  	[smem:$0x3FA7] =	sst s0  }
0x9: {  	[smem:$0x3FA8] =	sst s1  }
0xa: {  	[smem:$0x3FA9] =	sst s2  }
0xb: {  	[smem:$0x3FAA] =	sst s3  }
0xc: {  	[smem:$0x3FAB] =	sst s4  }
0xd: {  	[smem:$0x3FAC] =	sst s5  }
0xe: {  	[smem:$0x3FAD] =	sst s6  }
0xf: {  	[smem:$0x3FAE] =	sst s7  }
0x10: {  	[smem:$0x3FAF] =	sst s8  }
0x11: {  	[smem:$0x3FB0] =	sst s9;
	s0 =	simm.s32 @!p0 $0x0  }
0x12: {  	s1 =	sld [smem:$0x3F96];
	s0 =	simm.s32 @p0 $0x1  }
0x13: {  	[smem:$0x3FB1] =	sst s0;
	s0 =	simm.s32 @!p1 $0x0  }
0x14: {  	s2 =	sld [smem:$0x3F95];
	s0 =	simm.s32 @p1 $0x1  }
0x15: {  	[smem:$0x3FB2] =	sst s0;
	s0 =	simm.s32 @!p2 $0x0  }
0x16: {  	s3 =	sld [smem:$0x3FDB];
	s0 =	simm.s32 @p2 $0x1  }
0x17: {  	s4 =	simm.s32 $0x1BF5;
	[smem:$0x3FB4] =	sst s0  }
0x18: {  	s0 =	sld [smem:$0x3F97];
	_ =	swait.ge [sflag:s4], $0x0  }
0x19: {  	s7 =	sld [smem:$0x3F98]  }
0x1a: {  	s8 =	sadd.s32 $0xFFFFE003, lr  }
0x1b: {  	s9 =	sadd.s32 $0xFFFFFEF7, lr;
	s5 =	simm.s32 $0xFFFFFFFF;
	p2 =	slt.u32 s8, $0xFFFFF086  }
0x1c: {  	p1 =	slt.u32 s9, $0xF7A;
	s5 =	simm.s32 @!p2 $0x0  }
0x1d: {  	s5 =	simm.s32 @p1 $0x1;
	p0 =	seq.s32 s7, s2  }
0x1e: {  	s7 =	smul.u32 @!p0 $0xF7A, s2;
	p2 =	seq.s32 @!p0 s5, $0x0  }
0x1f: {  	s9 =	smul.u32 $0xF7A, s1;
	s8 =	simm.s32 @!p0 $0x1BF5;
	p2 =	por !p2, p0  }
0x20: {  	[sflag:s8] =	ssyncset.s32 @!p0 $0xFFFFF086;
	s6 =	sadd.s32 @!p0 s3, s7;
	s7 =	simm.s32 @!p0 $0x108  }
0x21: {  	s3 =	sadd.s32 s3, s9;
	s6 =	sadd.s32 @!p0 $0x88, s6;
	s7 =	simm.s32 @p2 $0x1082  }
0x22: {  	[simem:s7], [sflag:s8] =	dma.local @!p0 [hbm:s6], $0xF7A  }
0x23: {  	s9 =	sor.u32 $0xD0000000, s2;
	s6 =	simm.s32 $0x108;
	_ =	swait.ge @!p0 [sflag:s8], $0x0  }
0x24: {  	s3 =	sadd.s32 $0x88, s3;
	s6 =	simm.s32 @!p1 $0x1082;
	[sflag:s4] =	ssyncset.s32 $0xFFFFF086  }
0x25: {  	[simem:s6], [sflag:s4] =	dma.local [hbm:s3], $0xF7A  }
0x26: {  	[smem:$0x3F98] =	sst s1;
	(tag) =	ssettag s2;
	_ =	strace s9  }
0x27: {  	s1 =	sld [smem:$0x3FA8]  }
0x28: {  	s2 =	sld [smem:$0x3FA9]  }
0x29: {  	s4 =	sld [smem:$0x3FAB]  }
0x2a: {  	p0 =	seq.s32 s5, $0x0;
	s5 =	sld [smem:$0x3FAC]  }
0x2b: {  	s6 =	sld [smem:$0x3FAD]  }
0x2c: {  	s7 =	sld [smem:$0x3FAE]  }
0x2d: {  	s3 =	simm.s32 $0x108;
	s8 =	sld [smem:$0x3FAF]  }
0x2e: {  	s3 =	simm.s32 @!p0 $0x1082;
	s9 =	sld [smem:$0x3FB0]  }
0x2f: {  	lr =	sadd.s32 s0, s3;
	s0 =	sld [smem:$0x3FA7]  }
0x30: {  	s3 =	sld [smem:$0x3FAA]  }
0x31: {  	[smem:$0x3FB3] =	sst s10  }
0x32: {  	s10 =	sld [smem:$0x3FB1];
	_ =	sdelay $0x3  }
0x33: {  	p0 =	seq.s32 s10, $0x1;
	s10 =	sld [smem:$0x3FB3];
	_ =	sdelay $0x3  }
0x34: {  	[smem:$0x3FB3] =	sst s10  }
0x35: {  	s10 =	sld [smem:$0x3FB2];
	_ =	sdelay $0x3  }
0x36: {  	p1 =	seq.s32 s10, $0x1;
	s10 =	sld [smem:$0x3FB3];
	_ =	sdelay $0x3  }
0x37: {  	[smem:$0x3FB3] =	sst s10  }
0x38: {  	s10 =	sld [smem:$0x3FB4]  }
0x39: {  	_ = 	snop;
	(pc) =	sbr.ind lr, $3  }
0x3a: {  	_ = 	snop  }
0x3b: {  	_ = 	snop  }
0x3c: {  	p2 =	seq.s32 s10, $0x1;
	s10 =	sld [smem:$0x3FB3]  }
0x3d: {  	_ =	shalt  }
0x3e: {  	_ =	shalt  }
0x3f: {  	_ =	shalt  }
0x40: {  	_ =	shalt  }
0x41: {  	_ =	shalt  }
0x42: {  	_ =	shalt  }
0x43: {  	_ =	shalt  }
0x44: {  	_ =	shalt  }
0x45: {  	_ =	shalt  }
0x46: {  	_ =	shalt  }
0x47: {  	_ =	shalt  }
0x48: {  	_ =	shalt  }
0x49: {  	_ =	shalt  }
0x4a: {  	_ =	shalt  }
0x4b: {  	_ =	shalt  }
0x4c: {  	_ =	shalt  }
0x4d: {  	_ =	shalt  }
0x4e: {  	_ =	shalt  }
0x4f: {  	_ =	shalt  }
0x50: {  	_ =	shalt  }
0x51: {  	_ =	shalt  }
0x52: {  	_ =	shalt  }
0x53: {  	_ =	shalt  }
0x54: {  	_ =	shalt  }
0x55: {  	_ =	shalt  }
0x56: {  	_ =	shalt  }
0x57: {  	_ =	shalt  }
0x58: {  	_ =	shalt  }
0x59: {  	_ =	shalt  }
0x5a: {  	_ =	shalt  }
0x5b: {  	_ =	shalt  }
0x5c: {  	_ =	shalt  }
0x5d: {  	_ =	shalt  }
0x5e: {  	_ =	shalt  }
0x5f: {  	_ =	shalt  }
0x60: {  	_ =	shalt  }
0x61: {  	_ =	shalt  }
0x62: {  	_ =	shalt  }
0x63: {  	_ =	shalt  }
0x64: {  	_ =	shalt  }
0x65: {  	_ =	shalt  }
0x66: {  	_ =	shalt  }
0x67: {  	_ =	shalt  }
0x68: {  	_ =	shalt  }
0x69: {  	_ =	shalt  }
0x6a: {  	_ =	shalt  }
0x6b: {  	_ =	shalt  }
0x6c: {  	_ =	shalt  }
0x6d: {  	_ =	shalt  }
0x6e: {  	_ =	shalt  }
0x6f: {  	_ =	shalt  }
0x70: {  	_ =	shalt  }
0x71: {  	_ =	shalt  }
0x72: {  	_ =	shalt  }
0x73: {  	_ =	shalt  }
0x74: {  	_ =	shalt  }
0x75: {  	_ =	shalt  }
0x76: {  	_ =	shalt  }
0x77: {  	_ =	shalt  }
0x78: {  	_ =	shalt  }
0x79: {  	_ =	shalt  }
0x7a: {  	_ =	shalt  }
0x7b: {  	_ =	shalt  }
0x7c: {  	_ =	shalt  }
0x7d: {  	_ =	shalt  }
0x7e: {  	_ =	shalt  }
0x7f: {  	_ =	shalt  }
0x80: {  	_ =	shalt  }
0x81: {  	_ =	shalt  }
0x82: {  	_ =	shalt  }
0x83: {  	_ =	shalt  }
0x84: {  	_ =	shalt  }
0x85: {  	_ =	shalt  }
0x86: {  	_ =	shalt  }
0x87: {  	_ =	shalt  }
.Lfunc_end0:
.L_simem_size_0:
called_computation.2_lowered:
.L_overlay_start_0:
0x88: {  	s2 =	sld [smem:$0x3FD9]  }
0x89: {  	s3 =	sld [smem:$0x3FFE];
	_ =	sdelay $0x1  }
0x8a: {  	s1 =	srdreg.scid  }
0x8b: {  	s0 =	sand.u32 $0x1, s1  }
0x8c: {  	s17 =	sshll.u32 s0, $0xA;
	s2 =	sadd.s32 s3, s2  }
0x8d: {  	s2 =	sadd.s32 s2, s17  }
0x8e: {  	[smem:$0x3FBF] =	sst s2  }
0x8f: {  	_ = 	snop  }
0x90: {  	s2 =	sld [smem:$0x3FC7]  }
0x91: {  	s18 =	sld [smem:$0x3FD0];
	(tm) =	ssettm $0x1  }
0x92: {  	s4 =	sld [smem:$0x3FFB];
	_ =	sdelay $0x3  }
0x93: {  	_ =	strace s4  }
0x94: {  	s4 =	sld [smem:$0x3FFC];
	_ =	sdelay $0x3  }
0x95: {  	_ =	strace s4  }
0x96: {  	s4 =	sld [smem:$0x3FFD];
	_ =	sdelay $0x3  }
0x97: {  	_ =	strace s4  }
0x98: {  	_ =	strace $0x8FFFFFFF  }
0x99: {  	s19 =	sld [smem:$0x3FDB];
	_ =	sdelay $0x1  }
0x9a: {  	s5 =	simm.s32 $_scs_section_size  }
0x9b: {  	s6 =	simm.s32 $_size__tile_overlayer_lowered;
	s7 =	simm.s32 $_tile_overlayer_lowered  }
0x9c: {  	s22 =	simm.s32 $0x1BFF;
	s21 =	sshll.u32 s7, $0x1;
	s4 =	sadd.s32 s5, s19  }
0x9d: {  	s8 =	simm.s32 $0x0;
	s20 =	sshll.u32 s6, $0x1;
	s6 =	sadd.s32 s21, s4  }
0x9e: {  	[timem:s8], [sflag:s22] =	dma.local [hbm:s6], s20  }
0x9f: {  	_ =	swait.ge [sflag:s22], s20  }
0xa0: {  	s5 =	ssub.s32 $0x0, s20;
	[sflag:s22] =	ssyncset.done $0x0  }
0xa1: {  	[sflag:s22] =	ssyncadd.s32 s5;
	_ =	sdelay $0x1  }
0xa2: {  	s23 =	simm.s32 $0x1B8B  }
0xa3: {  	_ =	swait.ge [sflag:s23], $0x1  }
0xa4: {  	[sflag:s23] =	ssyncset.done $0x0  }
0xa5: {  	s25 =	simm.s32 $0x1B8E;
	s24 =	sld [smem:$0x3FFE];
	[sflag:s23] =	ssyncadd.s32 $0xFFFFFFFF  }
0xa6: {  	s26 =	simm.s32 $execute0_lowered;
	[smem:$0x3FD2] =	sst s25  }
0xa7: {  	s6 =	sshll.u32 s26, $0x1;
	_ =	strace $0x8000004C;
	[dreg:$0x1] =	wrdreg $0xFFFFFFFF  }
0xa8: {  	s28 =	simm.s32 $_size_execute0_lowered;
	s4 =	sadd.s32 s4, s6;
	[dreg:$0x0] =	wrdreg $0x0  }
0xa9: {  	s6 =	sshll.u32 s28, $0x1;
	[dreg:$0x2] =	wrdreg s4  }
0xaa: {  	[dreg:$0x3] =	wrdreg s6  }
0xab: {  	[dreg:$0x4] =	wrdreg $0xC0  }
0xac: {  	_ =	task [dreg:s8], $0x5FFFF  }
0xad: {  	[dreg:$0x1] =	wrdreg $0xFFFFFFFF  }
0xae: {  	[dreg:$0x0] =	wrdreg $0x60  }
0xaf: {  	[dreg:$0x2] =	wrdreg s24  }
0xb0: {  	[dreg:$0x3] =	wrdreg s2  }
0xb1: {  	[dreg:$0x4] =	wrdreg s18  }
0xb2: {  	[dreg:$0x5] =	wrdreg $0x9D300  }
0xb3: {  	[dreg:$0x6] =	wrdreg $0xC4400  }
0xb4: {  	[dreg:$0x7] =	wrdreg $0x9  }
0xb5: {  	_ =	task.clear_ibuf [dreg:s8], $0x8FFFF;
	_ =	strace $0x9000004C  }
0xb6: {  	s29 =	simm.s32 $0x9;
	_ =	strace $0x8000004E  }
0xb7: {  	_ =	swait.ge [sflag:s29], $0x1  }
0xb8: {  	[sflag:s29] =	ssyncadd.s32 $0xFFFFFFFF  }
0xb9: {  	_ =	strace $0x9000004E  }
0xba: {  	_ =	sfence  }
0xbb: {  	s30 =	sld [smem:$0x0];
	_ =	sdelay $0x2  }
0xbc: {  	s31 =	sshll.u32 s1, $0xD;
	s1 =	sshrl.u32 s1, $0x2  }
0xbd: {  	s3 =	sand.u32 $0x4000, s31;
	s1 =	sadd.s32 s1, s30  }
0xbe: {  	s0 =	sor.u32 s3, s0;
	s1 =	sshll.u32 s1, $0x11  }
0xbf: {  	s0 =	sor.u32 s1, s0  }
0xc0: {  	s0 =	sadd.s32 $0x8F2B, s0  }
0xc1: {  	[sflag:s0] =	ssyncadd.remote.s32 $0x1  }
0xc2: {  	_ =	sfence.sel $0xFFFF  }
0xc3: {  	[dreg:$0x0] =	wrdreg $0xFFFFFFFF;
	(pc) =	sbr.abs _section_cstart, $3  }
0xc4: {  	[dreg:$0x1] =	wrdreg $0xFFFFFFFF  }
0xc5: {  	_ =	task.clear_ibuf [dreg:s8], $0x2FFFF;
	_ =	strace $0x9FFFFFFF  }
0xc6: {  	(tm) =	ssettm $0x7FFFFFFF  }
0xc7: {  	_ =	shalt  }
tec
execute0_lowered:
.L_overlay_start_1:
0x0: {  	(tag) =	ssettag $0x1  }
0x1: {  	s0 =	rddreg [dreg:$0x0]  }
0x2: {  	s1 =	srdreg.scid;
	s10 =	rddreg [dreg:$0x1]  }
0x3: {  	s14 =	stileid.u32;
	s5 =	rddreg [dreg:$0x2]  }
0x4: {  	s4 =	simm.s32 $0x0;
	s17 =	simm.s32 $0x50;
	s21 =	simm.s32 $0x7F30  }
0x5: {  	s22 =	simm.s32 $0x9;
	s23 =	simm.s32 $0xA;
	s24 =	simm.s32 $0xB  }
0x6: {  	s25 =	simm.s32 $0xC;
	s26 =	simm.s32 $0xD;
	s28 =	simm.s32 $0x0  }
0x7: {  	s1 =	sand.u32 $0x1, s1;
	s2 =	sshll.u32 s14, $0x1;
	s7 =	smul.u32 $0x2710, s14  }
0x8: {  	[smem:$0x7FF] =	sst s4;
	s31 =	sshll.u32 s14, $0x6;
	s14 =	simm.s32 $0x11  }
0x9: {  	s3 =	sor.u32 s1, s2;
	s2 =	rddreg [dreg:$0x3];
	s6 =	smul.u32 $0x27100, s1  }
0xa: {  	s1 =	ssub.s32 $0x2, s1;
	s11 =	smul.u32 $0x4E2, s3;
	s3 =	rddreg [dreg:$0x4]  }
0xb: {  	_ =	strace $0x8000004D;
	s8 =	sshrl.u32 s7, $0x3;
	s30 =	sshrl.u32 s1, $0x1  }
0xc: {  	s13 =	sadd.s32 s7, s2;
	s6 =	sadd.s32 s7, s6;
	s12 =	sadd.s32 s8, s0  }
0xd: {  	s1 =	ssub.s32 s1, s30;
	s5 =	sadd.s32 s5, s8;
	s15 =	sadd.s32 s7, s3  }
0xe: {  	s13 =	sshrl.u32 s13, $0x3;
	s9 =	sadd.s32 s11, s0;
	s6 =	sshrl.u32 s6, $0x3  }
0xf: {  	s7 =	sadd.s32 $0x15A00, s12;
	s10 =	sadd.s32 s10, s11;
	s12 =	smax.u32 s1, $0x1  }
0x10: {  	s15 =	sshrl.u32 s15, $0x3;
	s0 =	sadd.s32 s6, s0;
	s6 =	sor.u32 $0x1C11, s31  }
0x11: {  	s8 =	sadd.s32 $0xBC00, s9;
	s9 =	sadd.s32 $0x1E00, s9;
	s11 =	sadd.s32 $0x1AA00, s0  }
.LBB2_1:
0x12: {  	[spmem:s13], [sflag:s6] =	dma.local [hbm:s5], $0x4E2  }
0x13: {  	_ =	swait.ge [sflag:s14], $0x4E2  }
0x14: {  	[sflag:s14] =	ssyncset.done $0x0  }
0x15: {  	[sflag:s14] =	ssyncadd.s32 $0xFFFFFB1E  }
0x16: {  	[spmem:s15], [sflag:s6] =	dma.local [hbm:s7], $0x4E2  }
0x17: {  	_ =	swait.ge [sflag:s14], $0x4E2  }
0x18: {  	[sflag:s14] =	ssyncset.done $0x0  }
0x19: {  	[sflag:s14] =	ssyncadd.s32 $0xFFFFFB1E  }
0x1a: {  	[tilespmem:s4], [sflag:$0x11] =	stream.linear.gather [hbm4b:s8+s4], $0x2710, $0x38;
	[tilespmem:$0xEB50] =	vst v63  }
0x1b: {  	_ =	swait.ge [sflag:s14], $0x2710  }
0x1c: {  	[sflag:s14] =	ssyncset.done $0x0  }
0x1d: {  	s0 =	simm.s32 $0x2710;
	[sflag:s14] =	ssyncadd.s32 $0xFFFFD8F0  }
0x1e: {  	[tilespmem:s0], [sflag:$0x11] =	stream.linear.gather [hbm4b:s9+s4], $0x2710, $0x38;
	[tilespmem:$0xEB50] =	vst v63  }
0x1f: {  	_ =	swait.ge [sflag:s14], $0x2710  }
0x20: {  	[sflag:s14] =	ssyncset.done $0x0  }
0x21: {  	s29 =	simm.s32 $0x4E20;
	[sflag:s14] =	ssyncadd.s32 $0xFFFFD8F0  }
0x22: {  	[tilespmem:s29], [sflag:$0x11] =	stream.linear.gather [hbm4b:s10+s4], $0x2710, $0x38;
	[tilespmem:$0xEB50] =	vst v63  }
0x23: {  	_ =	swait.ge [sflag:s14], $0x2710  }
0x24: {  	[sflag:s14] =	ssyncset.done $0x0  }
0x25: {  	[sflag:s14] =	ssyncadd.s32 $0xFFFFD8F0  }
0x26: {  	s18 =	simm.s32 $0x7530;
	[bflag:$0x0] =	sbarrier.arrive $0xFFFF  }
0x27: {  	[tilespmem:s18], [sflag:$0x1] =	stream.indirect.gather [spmem:s3], $0x10, s4, s17, $0xb8;
	[tilespmem:$0xEB50] =	vst v63  }
0x28: {  	s19 =	simm.s32 $0x7A30  }
0x29: {  	[tilespmem:s19], [sflag:$0x2] =	stream.indirect.gather [spmem:s3], $0x10, s17, s17, $0xb8;
	[tilespmem:$0xEB50] =	vst v63  }
0x2a: {  	s20 =	simm.s32 $0xA0;
	s30 =	simm.s32 $0x0;
	s31 =	simm.s32 $0x0  }
0x2b: {  	[tilespmem:s21], [sflag:$0x3] =	stream.indirect.gather [spmem:s3], $0x10, s20, s17, $0xb8;
	[tilespmem:$0xEB50] =	vst v63  }
.LBB2_2:
0x2c: {  	p0 =	slt.u32 s31, $0x5  }
0x2d: {  	p1 =	sgt.u32 @!p0 s31, $0x79  }
0x2e: {  	s1 =	sadd.s32 $0x3, s31;
	p1 =	por p0, !p1  }
.Ltmp0:
0x2f: {  	s0 =	sand.u32 @!p0 $0x7, s1;
	(pc) =	sbr.rel @!p1 .LBB2_4-.Ltmp0, $4  }
0x30: {  	s16 =	sadd.s32 @!p0 $0x9, s0  }
0x31: {  	_ =	swait.ge @!p0 [sflag:s16], $0x500  }
0x32: {  	[sflag:s16] =	ssyncset.done @!p0 $0x0  }
0x33: {  	[sflag:s16] =	ssyncadd.s32 @!p0 $0xFFFFFB00  }
0x34: {  	s0 =	smov.u32 @p0 s1  }
0x35: {  	s16 =	smul.u32 $0x1400, s0  }
0x36: {  	s20 =	smul.u32 $0x140, s1  }
0x37: {  	s16 =	sshra.s32 s16, $0x2  }
0x38: {  	s0 =	sadd.s32 $0x1, s0;
	s1 =	sshra.s32 s20, $0x2;
	s16 =	sadd.s32 $0x7530, s16  }
0x39: {  	[tilespmem:s16], [sflag:s0] =	stream.indirect.gather [spmem:s3], $0x10, s1, s17, $0xb8;
	[tilespmem:$0xEB50] =	vst v63  }
.LBB2_4:
0x3a: {  	s1 =	sand.u32 $0x7, s31;
	v0 =	vmov s29  }
0x3b: {  	s0 =	sadd.s32 $0x1, s1  }
0x3c: {  	s16 =	sand.u32 $0x7, s30;
	_ =	swait.ge [sflag:s0], $0x500  }
0x3d: {  	s16 =	smul.u32 $0x1400, s16;
	[sflag:s0] =	ssyncset.done $0x0  }
0x3e: {  	s19 =	simm.s32 $0x0;
	[sflag:s0] =	ssyncadd.s32 $0xFFFFFB00  }
0x3f: {  	s16 =	sshrl.u32 s16, $0x2;
	v1 =	vld.idx.msk [tilespmem:v0+s19+$0x0 ss:$0x1], $0xffff  }
0x40: {  	s16 =	sadd.s32 $0x75B0, s16  }
0x41: {  	v2 =	vld [tilespmem:s16+$0xFFFFFF80]  }
0x42: {  	v3 =	vld [tilespmem:s16+$0xFFFFFF90]  }
0x43: {  	v4 =	vld [tilespmem:s16+$0xFFFFFFA0]  }
0x44: {  	v5 =	vld [tilespmem:s16+$0xFFFFFFB0];
	v6 =	vbroadcast v1, $0x0  }
0x45: {  	v9 =	vld [tilespmem:s16+$0xFFFFFFD0];
	v7 =	vbroadcast v1, $0x1  }
0x46: {  	v8 =	vld [tilespmem:s16+$0xFFFFFFC0];
	v10 =	vbroadcast v1, $0x2;
	v2 =	vmul.f32 v6, v2  }
0x47: {  	v49 =	vld [tilespmem:s16+$0xFFFFFFE0];
	v48 =	vbroadcast v1, $0x3;
	v3 =	vmul.f32 v3, v7  }
0x48: {  	v51 =	vld [tilespmem:s16+$0x10];
	v50 =	vbroadcast v1, $0x5;
	v4 =	vmul.f32 v4, v10;
	[tilespmem:s16+$0xFFFFFF80] =	vst v2  }
0x49: {  	v11 =	vld [tilespmem:s16+$0xFFFFFFF0];
	v5 =	vmul.f32 v5, v48;
	v2 =	vbroadcast v1, $0x4;
	[tilespmem:s16+$0xFFFFFF90] =	vst v3  }
0x4a: {  	v12 =	vbroadcast v1, $0x6;
	v6 =	vmul.f32 v9, v50;
	v3 =	vld [tilespmem:s16+$0x0];
	[tilespmem:s16+$0xFFFFFFA0] =	vst v4  }
0x4b: {  	v57 =	vld [tilespmem:s16+$0x50];
	v55 =	vbroadcast v1, $0x9;
	[tilespmem:s16+$0xFFFFFFB0] =	vst v5;
	v2 =	vmul.f32 v8, v2  }
0x4c: {  	v53 =	vld [tilespmem:s16+$0x20];
	v52 =	vbroadcast v1, $0x7;
	v7 =	vmul.f32 v49, v12;
	[tilespmem:s16+$0xFFFFFFD0] =	vst v6  }
0x4d: {  	v54 =	vld [tilespmem:s16+$0x30];
	v59 =	vmul.f32 v51, v55;
	[tilespmem:s16+$0xFFFFFFC0] =	vst v2;
	v2 =	vbroadcast v1, $0x8  }
0x4e: {  	v56 =	vld [tilespmem:s16+$0x40];
	v62 =	vbroadcast v1, $0xD;
	v4 =	vmul.f32 v11, v52;
	[tilespmem:s16+$0xFFFFFFE0] =	vst v7  }
0x4f: {  	v60 =	vld [tilespmem:s16+$0x60];
	v58 =	vbroadcast v1, $0xA;
	[tilespmem:s16+$0x10] =	vst v59;
	v2 =	vmul.f32 v3, v2  }
0x50: {  	v61 =	vld [tilespmem:s16+$0x70];
	v5 =	vmul.f32 v57, v62;
	[tilespmem:s16+$0xFFFFFFF0] =	vst v4;
	v3 =	vbroadcast v1, $0xB  }
0x51: {  	v8 =	vmul.f32 v53, v58;
	[tilespmem:s16+$0x0] =	vst v2;
	v2 =	vbroadcast v1, $0xC  }
0x52: {  	v63 =	vbroadcast v1, $0xE;
	[tilespmem:s16+$0x50] =	vst v5;
	v3 =	vmul.f32 v54, v3  }
0x53: {  	[tilespmem:s16+$0x20] =	vst v8;
	v1 =	vbroadcast v1, $0xF;
	v2 =	vmul.f32 v56, v2  }
0x54: {  	s20 =	smul.u32 $0x1400, s1;
	[tilespmem:s16+$0x30] =	vst v3;
	v3 =	vmul.f32 v60, v63  }
0x55: {  	v1 =	vmul.f32 v61, v1;
	[tilespmem:s16+$0x40] =	vst v2  }
0x56: {  	s18 =	smul.u32 $0x140, s31;
	s0 =	sshrl.u32 s20, $0x2;
	[tilespmem:s16+$0x60] =	vst v3  }
0x57: {  	s20 =	simm.s32 $0x10;
	s0 =	sadd.s32 $0x7530, s0;
	s19 =	simm.s32 $0x80;
	[tilespmem:s16+$0x70] =	vst v1  }
.LBB2_5:
0x58: {  	p0 =	sne.s32 s19, $0x100;
	v1 =	vld.idx.msk [tilespmem:v0+s20+$0x0 ss:$0x1], $0xffff;
	s16 =	sadd.s32 $0x100, s16  }
0x59: {  	v2 =	vld [tilespmem:s16+$0xFFFFFFB0]  }
0x5a: {  	v3 =	vld [tilespmem:s16+$0xFFFFFF90]  }
0x5b: {  	v4 =	vld [tilespmem:s16+$0xFFFFFF80]  }
0x5c: {  	v5 =	vld [tilespmem:s16+$0xFFFFFFA0]  }
0x5d: {  	v6 =	vld [tilespmem:s16+$0xFFFFFFF0]  }
0x5e: {  	v7 =	vbroadcast v1, $0x0;
	v8 =	vbroadcast v1, $0x1;
	v9 =	vld [tilespmem:s16+$0xFFFFFFD0]  }
0x5f: {  	v10 =	vbroadcast v1, $0x2;
	v11 =	vbroadcast v1, $0x3;
	v12 =	vld [tilespmem:s16+$0xFFFFFFC0]  }
0x60: {  	v3 =	vmul.f32 v3, v8;
	v4 =	vmul.f32 v7, v4;
	v7 =	vld [tilespmem:s16+$0xFFFFFFE0]  }
0x61: {  	v2 =	vmul.f32 v2, v11;
	v5 =	vmul.f32 v5, v10;
	v8 =	vld [tilespmem:s16+$0x30]  }
0x62: {  	v10 =	vbroadcast v1, $0x5;
	[tilespmem:s16+$0xFFFFFF80] =	vst v4;
	v4 =	vbroadcast v1, $0x4;
	v11 =	vld [tilespmem:s16+$0x10]  }
0x63: {  	v13 =	vbroadcast v1, $0x7;
	[tilespmem:s16+$0xFFFFFF90] =	vst v3;
	v3 =	vbroadcast v1, $0x6;
	v14 =	vld [tilespmem:s16+$0x0]  }
0x64: {  	[tilespmem:s16+$0xFFFFFFA0] =	vst v5;
	v4 =	vmul.f32 v12, v4;
	v5 =	vmul.f32 v9, v10;
	v9 =	vld [tilespmem:s16+$0x20]  }
0x65: {  	[tilespmem:s16+$0xFFFFFFB0] =	vst v2;
	v2 =	vmul.f32 v7, v3;
	v3 =	vmul.f32 v6, v13;
	v6 =	vld [tilespmem:s16+$0x70]  }
0x66: {  	v7 =	vbroadcast v1, $0x9;
	[tilespmem:s16+$0xFFFFFFC0] =	vst v4;
	v4 =	vbroadcast v1, $0x8;
	v10 =	vld [tilespmem:s16+$0x50]  }
0x67: {  	v12 =	vbroadcast v1, $0xB;
	[tilespmem:s16+$0xFFFFFFD0] =	vst v5;
	v5 =	vbroadcast v1, $0xA;
	v13 =	vld [tilespmem:s16+$0x40]  }
0x68: {  	[tilespmem:s16+$0xFFFFFFE0] =	vst v2;
	v2 =	vmul.f32 v14, v4;
	v4 =	vmul.f32 v11, v7;
	v7 =	vld [tilespmem:s16+$0x60]  }
0x69: {  	[tilespmem:s16+$0xFFFFFFF0] =	vst v3;
	v3 =	vmul.f32 v9, v5;
	v5 =	vmul.f32 v8, v12  }
0x6a: {  	v8 =	vbroadcast v1, $0xD;
	[tilespmem:s16+$0x0] =	vst v2;
	v2 =	vbroadcast v1, $0xC  }
0x6b: {  	[tilespmem:s16+$0x10] =	vst v4;
	v4 =	vbroadcast v1, $0xE;
	v1 =	vbroadcast v1, $0xF  }
0x6c: {  	[tilespmem:s16+$0x20] =	vst v3;
	v2 =	vmul.f32 v13, v2;
	v3 =	vmul.f32 v10, v8  }
.Ltmp1:
0x6d: {  	[tilespmem:s16+$0x30] =	vst v5;
	v4 =	vmul.f32 v7, v4;
	v1 =	vmul.f32 v6, v1;
	(pc) =	sbr.rel @p0 .LBB2_5-.Ltmp1, $4  }
0x6e: {  	[tilespmem:s16+$0x40] =	vst v2  }
0x6f: {  	[tilespmem:s16+$0x50] =	vst v3  }
0x70: {  	[tilespmem:s16+$0x60] =	vst v4  }
0x71: {  	s20 =	sshra.s32 s19, $0x2;
	s19 =	sadd.s32 $0x40, s19;
	[tilespmem:s16+$0x70] =	vst v1  }
0x72: {  	_ =	sdelay $0x3  }
0x73: {  	v0 =	vld.idx.msk [tilespmem:v0+s20+$0x0 ss:$0x1], $0xffff;
	_ =	sdelay $0x3  }
0x74: {  	s16 =	sadd.s32 $0x100, s16  }
0x75: {  	v1 =	vld [tilespmem:s16+$0xFFFFFF80];
	v5 =	vbroadcast v0, $0x0  }
0x76: {  	v2 =	vld [tilespmem:s16+$0xFFFFFF90];
	v6 =	vbroadcast v0, $0x1;
	v9 =	vbroadcast v0, $0x2  }
0x77: {  	v3 =	vld [tilespmem:s16+$0xFFFFFFA0];
	v42 =	vbroadcast v0, $0x3;
	v44 =	vbroadcast v0, $0x4  }
0x78: {  	v4 =	vld [tilespmem:s16+$0xFFFFFFB0];
	v45 =	vbroadcast v0, $0x5;
	v11 =	vbroadcast v0, $0x6  }
0x79: {  	v8 =	vld [tilespmem:s16+$0xFFFFFFD0];
	v48 =	vbroadcast v0, $0x7;
	v51 =	vbroadcast v0, $0x8  }
0x7a: {  	v43 =	vld [tilespmem:s16+$0xFFFFFFE0];
	v52 =	vbroadcast v0, $0x9;
	v1 =	vmul.f32 v5, v1  }
0x7b: {  	v47 =	vld [tilespmem:s16+$0x10];
	v55 =	vbroadcast v0, $0xA;
	v2 =	vmul.f32 v2, v6  }
0x7c: {  	v58 =	vld [tilespmem:s16+$0x60];
	v56 =	vbroadcast v0, $0xB;
	v3 =	vmul.f32 v3, v9;
	[tilespmem:s16+$0xFFFFFF80] =	vst v1  }
0x7d: {  	v59 =	vld [tilespmem:s16+$0x70];
	v60 =	vbroadcast v0, $0xC;
	v4 =	vmul.f32 v4, v42;
	[tilespmem:s16+$0xFFFFFF90] =	vst v2  }
0x7e: {  	v7 =	vld [tilespmem:s16+$0xFFFFFFC0];
	v61 =	vbroadcast v0, $0xD;
	v5 =	vmul.f32 v8, v45;
	[tilespmem:s16+$0xFFFFFFA0] =	vst v3  }
0x7f: {  	v10 =	vld [tilespmem:s16+$0xFFFFFFF0];
	v62 =	vbroadcast v0, $0xE;
	v6 =	vmul.f32 v43, v11;
	[tilespmem:s16+$0xFFFFFFB0] =	vst v4  }
0x80: {  	v49 =	vld [tilespmem:s16+$0x20];
	v0 =	vbroadcast v0, $0xF;
	v57 =	vmul.f32 v47, v52;
	[tilespmem:s16+$0xFFFFFFD0] =	vst v5  }
0x81: {  	v50 =	vld [tilespmem:s16+$0x30];
	v63 =	vmul.f32 v58, v62;
	[tilespmem:s16+$0xFFFFFFE0] =	vst v6  }
0x82: {  	v46 =	vld [tilespmem:s16+$0x0];
	v0 =	vmul.f32 v59, v0;
	[tilespmem:s16+$0x10] =	vst v57  }
0x83: {  	v54 =	vld [tilespmem:s16+$0x50];
	v1 =	vmul.f32 v7, v44;
	[tilespmem:s16+$0x60] =	vst v63  }
0x84: {  	v53 =	vld [tilespmem:s16+$0x40];
	v3 =	vmul.f32 v10, v48;
	[tilespmem:s16+$0x70] =	vst v0  }
0x85: {  	v7 =	vmul.f32 v49, v55;
	[tilespmem:s16+$0xFFFFFFC0] =	vst v1  }
0x86: {  	s31 =	sadd.s32 $0x1, s31;
	v2 =	vmul.f32 v50, v56;
	[tilespmem:s16+$0xFFFFFFF0] =	vst v3  }
0x87: {  	p0 =	sne.s32 s31, $0x7D;
	v1 =	vmul.f32 v46, v51;
	[tilespmem:s16+$0x20] =	vst v7  }
.Ltmp2:
0x88: {  	v4 =	vmul.f32 v54, v61;
	[tilespmem:s16+$0x30] =	vst v2;
	(pc) =	sbr.rel @p0 .LBB2_2-.Ltmp2, $4  }
0x89: {  	[tilespmem:s16+$0x0] =	vst v1;
	v1 =	vmul.f32 v53, v60  }
0x8a: {  	s18 =	sshra.s32 s18, $0x2;
	s1 =	sadd.s32 $0x9, s1;
	[tilespmem:s16+$0x50] =	vst v4  }
0x8b: {  	s29 =	sadd.s32 $0x50, s29;
	s30 =	sadd.s32 $0x1, s30;
	s20 =	sadd.s32 $0x2710, s18;
	[tilespmem:s16+$0x40] =	vst v1  }
0x8c: {  	[spmem:s2] =	stream.indirect.scatter.add.f32 [tilespmem:s0], [sflag:s1], $0x10, s20, s17, $0xb8;
	[tilespmem:$0xEB50] =	vst v63  }
0x8d: {  	_ =	swait.ge [sflag:s22], $0x500  }
0x8e: {  	[sflag:s22] =	ssyncset.done $0x0  }
0x8f: {  	[sflag:s22] =	ssyncadd.s32 $0xFFFFFB00  }
0x90: {  	_ =	swait.ge [sflag:s23], $0x500  }
0x91: {  	[sflag:s23] =	ssyncset.done $0x0  }
0x92: {  	[sflag:s23] =	ssyncadd.s32 $0xFFFFFB00  }
0x93: {  	_ =	swait.ge [sflag:s24], $0x500  }
0x94: {  	[sflag:s24] =	ssyncset.done $0x0  }
0x95: {  	[sflag:s24] =	ssyncadd.s32 $0xFFFFFB00  }
0x96: {  	_ =	swait.ge [sflag:s25], $0x500  }
0x97: {  	[sflag:s25] =	ssyncset.done $0x0  }
0x98: {  	[sflag:s25] =	ssyncadd.s32 $0xFFFFFB00  }
0x99: {  	_ =	swait.ge [sflag:s26], $0x500  }
0x9a: {  	s28 =	sadd.s32 $0x1, s28;
	[sflag:s26] =	ssyncset.done $0x0  }
0x9b: {  	p0 =	sne.s32 s28, s12;
	[sflag:s26] =	ssyncadd.s32 $0xFFFFFB00  }
.Ltmp3:
0x9c: {  	[bflag:$0x0] =	sbarrier.arrive $0xFFFF;
	(pc) =	sbr.rel @p0 .LBB2_1-.Ltmp3, $4  }
0x9d: {  	[hbm:s11], [sflag:s6] =	dma.local [spmem:s13], $0x4E2  }
0x9e: {  	_ =	swait.ge [sflag:s14], $0x4E2  }
0x9f: {  	[sflag:s14] =	ssyncset.done $0x0  }
0xa0: {  	[sflag:s14] =	ssyncadd.s32 $0xFFFFFB1E  }
0xa1: {  	_ =	sfence.sel $0x180000  }
0xa2: {  	[bflag:$0x0] =	sbarrier.arrive $0xFFFF  }
0xa3: {  	_ =	strace $0x9000004D  }
0xa4: {  	s0 =	stileid.u32;
	[bflag:$0x2] =	sbarrier.arrive $0xFFFF  }
0xa5: {  	p0 =	sne.s32 s0, $0x0;
	s0 =	rddreg [dreg:$0x5]  }
0xa6: {  	s0 =	sadd.s32 @!p0 $0x100000, s0  }
0xa7: {  	[sflag:s0] =	ssyncadd.tile.s32 @!p0 $0x1;
	_ =	shalt  }
.Lfunc_end2:
_tile_overlayer_lowered:
.L_overlay_start_2:
0xa8: {  	(tag) =	ssettag $0x2  }
0xa9: {  	s0 =	rddreg [dreg:$0x0];
	s2 =	stileid.u32  }
0xaa: {  	s1 =	rddreg [dreg:$0x1];
	p0 =	sne.s32 s2, $0x0  }
0xab: {  	s3 =	rddreg [dreg:$0x2];
	[bflag:$0x3] =	sbarrier.arrive $0xFFFF;
	s2 =	simm.s32 @!p0 $0x1C11  }
0xac: {  	[timem:s3], [sflag:s2] =	dma.local @!p0 [hbm:s0], s1  }
0xad: {  	s0 =	simm.s32 @!p0 $0x11  }
0xae: {  	_ =	swait.ge @!p0 [sflag:s0], s1  }
0xaf: {  	s1 =	ssub.s32 @!p0 $0x0, s1;
	[sflag:s0] =	ssyncset.done @!p0 $0x0  }
0xb0: {  	[sflag:s0] =	ssyncadd.s32 @!p0 s1  }
0xb1: {  	[bflag:$0x3] =	sbarrier.arrive $0xFFFF  }
0xb2: {  	_ =	shalt  }

// kernel: kernel.9.cloned.1.call-start
scs
__scs_entry_jumppad:
0x0: {  	(pc) =	sbr.rel $0x88, $3  }
0x1: {  	(tag) =	ssettag $0x0;
	lr =	simm.s32 $0x1  }
0x2: {  	[smem:$0x3F98] =	sst lr;
	_ =	strace $0xD0000000  }
0x3: {  	_ = 	snop  }
0x4: {  	_ = 	snop  }
0x5: {  	_ = 	snop  }
0x6: {  	_ = 	snop  }
0x7: {  	_ = 	snop  }
__scs_overlays_trampoline_lowered:
0x8: {  	[smem:$0x3FA7] =	sst s0  }
0x9: {  	[smem:$0x3FA8] =	sst s1  }
0xa: {  	[smem:$0x3FA9] =	sst s2  }
0xb: {  	[smem:$0x3FAA] =	sst s3  }
0xc: {  	[smem:$0x3FAB] =	sst s4  }
0xd: {  	[smem:$0x3FAC] =	sst s5  }
0xe: {  	[smem:$0x3FAD] =	sst s6  }
0xf: {  	[smem:$0x3FAE] =	sst s7  }
0x10: {  	[smem:$0x3FAF] =	sst s8  }
0x11: {  	[smem:$0x3FB0] =	sst s9;
	s0 =	simm.s32 @!p0 $0x0  }
0x12: {  	s1 =	sld [smem:$0x3F96];
	s0 =	simm.s32 @p0 $0x1  }
0x13: {  	[smem:$0x3FB1] =	sst s0;
	s0 =	simm.s32 @!p1 $0x0  }
0x14: {  	s2 =	sld [smem:$0x3F95];
	s0 =	simm.s32 @p1 $0x1  }
0x15: {  	[smem:$0x3FB2] =	sst s0;
	s0 =	simm.s32 @!p2 $0x0  }
0x16: {  	s3 =	sld [smem:$0x3FDB];
	s0 =	simm.s32 @p2 $0x1  }
0x17: {  	s4 =	simm.s32 $0x1BF5;
	[smem:$0x3FB4] =	sst s0  }
0x18: {  	s0 =	sld [smem:$0x3F97];
	_ =	swait.ge [sflag:s4], $0x0  }
0x19: {  	s7 =	sld [smem:$0x3F98]  }
0x1a: {  	s8 =	sadd.s32 $0xFFFFE003, lr  }
0x1b: {  	s9 =	sadd.s32 $0xFFFFFEF7, lr;
	s5 =	simm.s32 $0xFFFFFFFF;
	p2 =	slt.u32 s8, $0xFFFFF086  }
0x1c: {  	p1 =	slt.u32 s9, $0xF7A;
	s5 =	simm.s32 @!p2 $0x0  }
0x1d: {  	s5 =	simm.s32 @p1 $0x1;
	p0 =	seq.s32 s7, s2  }
0x1e: {  	s7 =	smul.u32 @!p0 $0xF7A, s2;
	p2 =	seq.s32 @!p0 s5, $0x0  }
0x1f: {  	s9 =	smul.u32 $0xF7A, s1;
	s8 =	simm.s32 @!p0 $0x1BF5;
	p2 =	por !p2, p0  }
0x20: {  	[sflag:s8] =	ssyncset.s32 @!p0 $0xFFFFF086;
	s6 =	sadd.s32 @!p0 s3, s7;
	s7 =	simm.s32 @!p0 $0x108  }
0x21: {  	s3 =	sadd.s32 s3, s9;
	s6 =	sadd.s32 @!p0 $0x88, s6;
	s7 =	simm.s32 @p2 $0x1082  }
0x22: {  	[simem:s7], [sflag:s8] =	dma.local @!p0 [hbm:s6], $0xF7A  }
0x23: {  	s9 =	sor.u32 $0xD0000000, s2;
	s6 =	simm.s32 $0x108;
	_ =	swait.ge @!p0 [sflag:s8], $0x0  }
0x24: {  	s3 =	sadd.s32 $0x88, s3;
	s6 =	simm.s32 @!p1 $0x1082;
	[sflag:s4] =	ssyncset.s32 $0xFFFFF086  }
0x25: {  	[simem:s6], [sflag:s4] =	dma.local [hbm:s3], $0xF7A  }
0x26: {  	[smem:$0x3F98] =	sst s1;
	(tag) =	ssettag s2;
	_ =	strace s9  }
0x27: {  	s1 =	sld [smem:$0x3FA8]  }
0x28: {  	s2 =	sld [smem:$0x3FA9]  }
0x29: {  	s4 =	sld [smem:$0x3FAB]  }
0x2a: {  	p0 =	seq.s32 s5, $0x0;
	s5 =	sld [smem:$0x3FAC]  }
0x2b: {  	s6 =	sld [smem:$0x3FAD]  }
0x2c: {  	s7 =	sld [smem:$0x3FAE]  }
0x2d: {  	s3 =	simm.s32 $0x108;
	s8 =	sld [smem:$0x3FAF]  }
0x2e: {  	s3 =	simm.s32 @!p0 $0x1082;
	s9 =	sld [smem:$0x3FB0]  }
0x2f: {  	lr =	sadd.s32 s0, s3;
	s0 =	sld [smem:$0x3FA7]  }
0x30: {  	s3 =	sld [smem:$0x3FAA]  }
0x31: {  	[smem:$0x3FB3] =	sst s10  }
0x32: {  	s10 =	sld [smem:$0x3FB1];
	_ =	sdelay $0x3  }
0x33: {  	p0 =	seq.s32 s10, $0x1;
	s10 =	sld [smem:$0x3FB3];
	_ =	sdelay $0x3  }
0x34: {  	[smem:$0x3FB3] =	sst s10  }
0x35: {  	s10 =	sld [smem:$0x3FB2];
	_ =	sdelay $0x3  }
0x36: {  	p1 =	seq.s32 s10, $0x1;
	s10 =	sld [smem:$0x3FB3];
	_ =	sdelay $0x3  }
0x37: {  	[smem:$0x3FB3] =	sst s10  }
0x38: {  	s10 =	sld [smem:$0x3FB4]  }
0x39: {  	_ = 	snop;
	(pc) =	sbr.ind lr, $3  }
0x3a: {  	_ = 	snop  }
0x3b: {  	_ = 	snop  }
0x3c: {  	p2 =	seq.s32 s10, $0x1;
	s10 =	sld [smem:$0x3FB3]  }
0x3d: {  	_ =	shalt  }
0x3e: {  	_ =	shalt  }
0x3f: {  	_ =	shalt  }
0x40: {  	_ =	shalt  }
0x41: {  	_ =	shalt  }
0x42: {  	_ =	shalt  }
0x43: {  	_ =	shalt  }
0x44: {  	_ =	shalt  }
0x45: {  	_ =	shalt  }
0x46: {  	_ =	shalt  }
0x47: {  	_ =	shalt  }
0x48: {  	_ =	shalt  }
0x49: {  	_ =	shalt  }
0x4a: {  	_ =	shalt  }
0x4b: {  	_ =	shalt  }
0x4c: {  	_ =	shalt  }
0x4d: {  	_ =	shalt  }
0x4e: {  	_ =	shalt  }
0x4f: {  	_ =	shalt  }
0x50: {  	_ =	shalt  }
0x51: {  	_ =	shalt  }
0x52: {  	_ =	shalt  }
0x53: {  	_ =	shalt  }
0x54: {  	_ =	shalt  }
0x55: {  	_ =	shalt  }
0x56: {  	_ =	shalt  }
0x57: {  	_ =	shalt  }
0x58: {  	_ =	shalt  }
0x59: {  	_ =	shalt  }
0x5a: {  	_ =	shalt  }
0x5b: {  	_ =	shalt  }
0x5c: {  	_ =	shalt  }
0x5d: {  	_ =	shalt  }
0x5e: {  	_ =	shalt  }
0x5f: {  	_ =	shalt  }
0x60: {  	_ =	shalt  }
0x61: {  	_ =	shalt  }
0x62: {  	_ =	shalt  }
0x63: {  	_ =	shalt  }
0x64: {  	_ =	shalt  }
0x65: {  	_ =	shalt  }
0x66: {  	_ =	shalt  }
0x67: {  	_ =	shalt  }
0x68: {  	_ =	shalt  }
0x69: {  	_ =	shalt  }
0x6a: {  	_ =	shalt  }
0x6b: {  	_ =	shalt  }
0x6c: {  	_ =	shalt  }
0x6d: {  	_ =	shalt  }
0x6e: {  	_ =	shalt  }
0x6f: {  	_ =	shalt  }
0x70: {  	_ =	shalt  }
0x71: {  	_ =	shalt  }
0x72: {  	_ =	shalt  }
0x73: {  	_ =	shalt  }
0x74: {  	_ =	shalt  }
0x75: {  	_ =	shalt  }
0x76: {  	_ =	shalt  }
0x77: {  	_ =	shalt  }
0x78: {  	_ =	shalt  }
0x79: {  	_ =	shalt  }
0x7a: {  	_ =	shalt  }
0x7b: {  	_ =	shalt  }
0x7c: {  	_ =	shalt  }
0x7d: {  	_ =	shalt  }
0x7e: {  	_ =	shalt  }
0x7f: {  	_ =	shalt  }
0x80: {  	_ =	shalt  }
0x81: {  	_ =	shalt  }
0x82: {  	_ =	shalt  }
0x83: {  	_ =	shalt  }
0x84: {  	_ =	shalt  }
0x85: {  	_ =	shalt  }
0x86: {  	_ =	shalt  }
0x87: {  	_ =	shalt  }
.Lfunc_end0:
.L_simem_size_0:
called_computation_lowered:
.L_overlay_start_0:
0x88: {  	s2 =	sld [smem:$0x3FD9]  }
0x89: {  	s3 =	sld [smem:$0x3FFE];
	_ =	sdelay $0x1  }
0x8a: {  	s1 =	srdreg.scid  }
0x8b: {  	s0 =	sand.u32 $0x1, s1  }
0x8c: {  	s17 =	sshll.u32 s0, $0xA;
	s2 =	sadd.s32 s3, s2  }
0x8d: {  	s2 =	sadd.s32 s2, s17  }
0x8e: {  	[smem:$0x3FBF] =	sst s2  }
0x8f: {  	_ = 	snop  }
0x90: {  	s2 =	sld [smem:$0x3FC7]  }
0x91: {  	s18 =	sld [smem:$0x3FD0];
	(tm) =	ssettm $0x1  }
0x92: {  	s4 =	sld [smem:$0x3FFB];
	_ =	sdelay $0x3  }
0x93: {  	_ =	strace s4  }
0x94: {  	s4 =	sld [smem:$0x3FFC];
	_ =	sdelay $0x3  }
0x95: {  	_ =	strace s4  }
0x96: {  	s4 =	sld [smem:$0x3FFD];
	_ =	sdelay $0x3  }
0x97: {  	_ =	strace s4  }
0x98: {  	_ =	strace $0x8FFFFFFF  }
0x99: {  	s19 =	sld [smem:$0x3FDB];
	_ =	sdelay $0x1  }
0x9a: {  	s5 =	simm.s32 $_scs_section_size  }
0x9b: {  	s6 =	simm.s32 $_size__tile_overlayer_lowered;
	s7 =	simm.s32 $_tile_overlayer_lowered  }
0x9c: {  	s22 =	simm.s32 $0x1BFF;
	s21 =	sshll.u32 s7, $0x1;
	s4 =	sadd.s32 s5, s19  }
0x9d: {  	s8 =	simm.s32 $0x0;
	s20 =	sshll.u32 s6, $0x1;
	s6 =	sadd.s32 s21, s4  }
0x9e: {  	[timem:s8], [sflag:s22] =	dma.local [hbm:s6], s20  }
0x9f: {  	_ =	swait.ge [sflag:s22], s20  }
0xa0: {  	s5 =	ssub.s32 $0x0, s20;
	[sflag:s22] =	ssyncset.done $0x0  }
0xa1: {  	[sflag:s22] =	ssyncadd.s32 s5;
	_ =	sdelay $0x1  }
0xa2: {  	s23 =	simm.s32 $0x1B8B  }
0xa3: {  	_ =	swait.ge [sflag:s23], $0x1  }
0xa4: {  	[sflag:s23] =	ssyncset.done $0x0  }
0xa5: {  	s25 =	simm.s32 $0x1B8E;
	s24 =	sld [smem:$0x3FFE];
	[sflag:s23] =	ssyncadd.s32 $0xFFFFFFFF  }
0xa6: {  	s26 =	simm.s32 $execute0_lowered;
	[smem:$0x3FD2] =	sst s25  }
0xa7: {  	s6 =	sshll.u32 s26, $0x1;
	_ =	strace $0x80000046;
	[dreg:$0x1] =	wrdreg $0xFFFFFFFF  }
0xa8: {  	s28 =	simm.s32 $_size_execute0_lowered;
	s4 =	sadd.s32 s4, s6;
	[dreg:$0x0] =	wrdreg $0x0  }
0xa9: {  	s6 =	sshll.u32 s28, $0x1;
	[dreg:$0x2] =	wrdreg s4  }
0xaa: {  	[dreg:$0x3] =	wrdreg s6  }
0xab: {  	[dreg:$0x4] =	wrdreg $0xC0  }
0xac: {  	_ =	task [dreg:s8], $0x5FFFF  }
0xad: {  	[dreg:$0x1] =	wrdreg $0xFFFFFFFF  }
0xae: {  	[dreg:$0x0] =	wrdreg $0x60  }
0xaf: {  	[dreg:$0x2] =	wrdreg s24  }
0xb0: {  	[dreg:$0x3] =	wrdreg s2  }
0xb1: {  	[dreg:$0x4] =	wrdreg s18  }
0xb2: {  	[dreg:$0x5] =	wrdreg $0x76200  }
0xb3: {  	[dreg:$0x6] =	wrdreg $0x9  }
0xb4: {  	_ =	task.clear_ibuf [dreg:s8], $0x7FFFF;
	_ =	strace $0x90000046  }
0xb5: {  	s29 =	simm.s32 $0x9;
	_ =	strace $0x80000048  }
0xb6: {  	_ =	swait.ge [sflag:s29], $0x1  }
0xb7: {  	[sflag:s29] =	ssyncadd.s32 $0xFFFFFFFF  }
0xb8: {  	_ =	strace $0x90000048  }
0xb9: {  	_ =	sfence  }
0xba: {  	s30 =	sld [smem:$0x0];
	_ =	sdelay $0x2  }
0xbb: {  	s31 =	sshll.u32 s1, $0xD;
	s1 =	sshrl.u32 s1, $0x2  }
0xbc: {  	s3 =	sand.u32 $0x4000, s31;
	s1 =	sadd.s32 s1, s30  }
0xbd: {  	s0 =	sor.u32 s3, s0;
	s1 =	sshll.u32 s1, $0x11  }
0xbe: {  	s0 =	sor.u32 s1, s0  }
0xbf: {  	s0 =	sadd.s32 $0x8F2B, s0  }
0xc0: {  	[sflag:s0] =	ssyncadd.remote.s32 $0x1  }
0xc1: {  	_ =	sfence.sel $0xFFFF  }
0xc2: {  	[dreg:$0x0] =	wrdreg $0xFFFFFFFF;
	(pc) =	sbr.abs _section_cstart, $3  }
0xc3: {  	[dreg:$0x1] =	wrdreg $0xFFFFFFFF  }
0xc4: {  	_ =	task.clear_ibuf [dreg:s8], $0x2FFFF;
	_ =	strace $0x9FFFFFFF  }
0xc5: {  	(tm) =	ssettm $0x7FFFFFFF  }
tec
execute0_lowered:
.L_overlay_start_1:
0x0: {  	(tag) =	ssettag $0x1  }
0x1: {  	s4 =	rddreg [dreg:$0x0]  }
0x2: {  	s7 =	rddreg [dreg:$0x1]  }
0x3: {  	s5 =	rddreg [dreg:$0x2]  }
0x4: {  	s2 =	rddreg [dreg:$0x3];
	s3 =	srdreg.scid  }
0x5: {  	s1 =	stileid.u32;
	s0 =	rddreg [dreg:$0x4];
	s14 =	simm.s32 $0x7  }
0x6: {  	s15 =	simm.s32 $0x8;
	s16 =	simm.s32 $0x1;
	s17 =	simm.s32 $0x2  }
0x7: {  	s18 =	simm.s32 $0x3;
	s19 =	simm.s32 $0x4;
	s20 =	simm.s32 $0x5  }
0x8: {  	s21 =	simm.s32 $0x0;
	s6 =	sand.u32 $0x1, s3;
	s8 =	smul.u32 $0x2710, s1  }
0x9: {  	s3 =	simm.s32 $0x0;
	s9 =	sshll.u32 s1, $0x1;
	s31 =	sshll.u32 s1, $0x6  }
0xa: {  	s10 =	smul.u32 $0x27100, s6;
	[smem:$0x7FF] =	sst s3;
	s9 =	sor.u32 s6, s9  }
0xb: {  	s6 =	ssub.s32 $0x2, s6;
	s9 =	smul.u32 $0x4E2, s9;
	_ =	strace $0x80000047  }
0xc: {  	s11 =	sshrl.u32 s6, $0x1;
	s13 =	sadd.s32 s8, s2;
	s10 =	sadd.s32 s8, s10  }
0xd: {  	s30 =	sshrl.u32 s8, $0x3;
	s11 =	ssub.s32 s6, s11;
	s10 =	sshrl.u32 s10, $0x3  }
0xe: {  	s12 =	sadd.s32 s9, s4;
	s7 =	sadd.s32 s7, s9;
	s9 =	smax.u32 s11, $0x1  }
0xf: {  	s11 =	simm.s32 $0x9;
	s10 =	sadd.s32 s10, s4;
	s4 =	sadd.s32 s5, s30  }
0x10: {  	s5 =	sor.u32 $0x1C09, s31;
	s6 =	sadd.s32 $0x1E00, s12;
	s12 =	simm.s32 $0x50  }
0x11: {  	s8 =	sadd.s32 $0x15A00, s10;
	s10 =	sshrl.u32 s13, $0x3;
	s13 =	simm.s32 $0x6  }
.LBB2_1:
0x12: {  	[spmem:s10], [sflag:s5] =	dma.local [hbm:s4], $0x4E2  }
0x13: {  	_ =	swait.ge [sflag:s11], $0x4E2  }
0x14: {  	[sflag:s11] =	ssyncset.done $0x0  }
0x15: {  	[sflag:s11] =	ssyncadd.s32 $0xFFFFFB1E  }
0x16: {  	[tilespmem:s3], [sflag:$0x9] =	stream.linear.gather [hbm4b:s6+s3], $0x2710, $0x38;
	[tilespmem:$0x9D30] =	vst v63  }
0x17: {  	_ =	swait.ge [sflag:s11], $0x2710  }
0x18: {  	[sflag:s11] =	ssyncset.done $0x0  }
0x19: {  	s22 =	simm.s32 $0x2710;
	[sflag:s11] =	ssyncadd.s32 $0xFFFFD8F0  }
0x1a: {  	[tilespmem:s22], [sflag:$0x9] =	stream.linear.gather [hbm4b:s7+s3], $0x2710, $0x38;
	[tilespmem:$0x9D30] =	vst v63  }
0x1b: {  	_ =	swait.ge [sflag:s11], $0x2710  }
0x1c: {  	[sflag:s11] =	ssyncset.done $0x0  }
0x1d: {  	[sflag:s11] =	ssyncadd.s32 $0xFFFFD8F0  }
0x1e: {  	s23 =	simm.s32 $0x0;
	[bflag:$0x0] =	sbarrier.arrive $0xFFFF  }
.LBB2_2:
0x1f: {  	p0 =	slt.u32 s23, $0x8  }
0x20: {  	v0 =	vmov s22;
	s24 =	sand.u32 @!p0 $0x7, s23  }
0x21: {  	s25 =	sadd.s32 @!p0 $0x1, s24  }
0x22: {  	_ =	swait.ge @!p0 [sflag:s25], $0x500  }
0x23: {  	[sflag:s25] =	ssyncset.done @!p0 $0x0  }
0x24: {  	s26 =	simm.s32 $0x0;
	[sflag:s25] =	ssyncadd.s32 @!p0 $0xFFFFFB00  }
0x25: {  	v1 =	vld.idx.msk [tilespmem:v0+s26+$0x0 ss:$0x1], $0xffff;
	_ =	sdelay $0x1  }
0x26: {  	s24 =	smov.u32 @p0 s23  }
0x27: {  	s31 =	smul.u32 $0x1400, s24;
	_ =	sdelay $0x1  }
0x28: {  	s26 =	sshra.s32 s31, $0x2;
	v2 =	vbroadcast v1, $0x0  }
0x29: {  	s28 =	sadd.s32 $0x4EA0, s26;
	v3 =	vbroadcast v1, $0x1  }
0x2a: {  	v4 =	vbroadcast v1, $0x2;
	[tilespmem:s28+$0xFFFFFF80] =	vst v2  }
0x2b: {  	v60 =	vbroadcast v1, $0x5;
	[tilespmem:s28+$0xFFFFFF90] =	vst v3  }
0x2c: {  	v61 =	vbroadcast v1, $0x8;
	[tilespmem:s28+$0xFFFFFFA0] =	vst v4  }
0x2d: {  	v62 =	vbroadcast v1, $0xB;
	[tilespmem:s28+$0xFFFFFFD0] =	vst v60  }
0x2e: {  	v63 =	vbroadcast v1, $0xE;
	[tilespmem:s28+$0x0] =	vst v61  }
0x2f: {  	v2 =	vbroadcast v1, $0x3;
	[tilespmem:s28+$0x30] =	vst v62  }
0x30: {  	v3 =	vbroadcast v1, $0x4;
	[tilespmem:s28+$0x60] =	vst v63  }
0x31: {  	[tilespmem:s28+$0xFFFFFFB0] =	vst v2;
	v2 =	vbroadcast v1, $0x6  }
0x32: {  	[tilespmem:s28+$0xFFFFFFC0] =	vst v3;
	v3 =	vbroadcast v1, $0x7  }
0x33: {  	[tilespmem:s28+$0xFFFFFFE0] =	vst v2;
	v2 =	vbroadcast v1, $0x9  }
0x34: {  	[tilespmem:s28+$0xFFFFFFF0] =	vst v3;
	v3 =	vbroadcast v1, $0xA  }
0x35: {  	[tilespmem:s28+$0x10] =	vst v2;
	v2 =	vbroadcast v1, $0xC  }
0x36: {  	[tilespmem:s28+$0x20] =	vst v3;
	v3 =	vbroadcast v1, $0xD  }
0x37: {  	v1 =	vbroadcast v1, $0xF;
	[tilespmem:s28+$0x40] =	vst v2  }
0x38: {  	s30 =	simm.s32 $0x10;
	[tilespmem:s28+$0x50] =	vst v3  }
0x39: {  	s29 =	simm.s32 $0x80;
	s25 =	smul.u32 $0x140, s23;
	s26 =	sadd.s32 $0x4E20, s26;
	[tilespmem:s28+$0x70] =	vst v1  }
.LBB2_3:
0x3a: {  	p0 =	sne.s32 s29, $0x100;
	v1 =	vld.idx.msk [tilespmem:v0+s30+$0x0 ss:$0x1], $0xffff;
	_ =	sdelay $0x5  }
0x3b: {  	v2 =	vbroadcast v1, $0x0;
	v3 =	vbroadcast v1, $0x1  }
0x3c: {  	s28 =	sadd.s32 $0x100, s28;
	v4 =	vbroadcast v1, $0x2;
	v5 =	vbroadcast v1, $0x3  }
0x3d: {  	v6 =	vbroadcast v1, $0x5;
	[tilespmem:s28+$0xFFFFFF80] =	vst v2;
	v2 =	vbroadcast v1, $0x4  }
0x3e: {  	v7 =	vbroadcast v1, $0x7;
	[tilespmem:s28+$0xFFFFFF90] =	vst v3;
	v3 =	vbroadcast v1, $0x6  }
0x3f: {  	v8 =	vbroadcast v1, $0x9;
	[tilespmem:s28+$0xFFFFFFA0] =	vst v4;
	v4 =	vbroadcast v1, $0x8  }
0x40: {  	v9 =	vbroadcast v1, $0xB;
	[tilespmem:s28+$0xFFFFFFB0] =	vst v5;
	v5 =	vbroadcast v1, $0xA  }
0x41: {  	v10 =	vbroadcast v1, $0xD;
	[tilespmem:s28+$0xFFFFFFC0] =	vst v2;
	v2 =	vbroadcast v1, $0xC  }
0x42: {  	[tilespmem:s28+$0xFFFFFFD0] =	vst v6;
	v6 =	vbroadcast v1, $0xE;
	v1 =	vbroadcast v1, $0xF  }
0x43: {  	[tilespmem:s28+$0xFFFFFFE0] =	vst v3  }
0x44: {  	[tilespmem:s28+$0xFFFFFFF0] =	vst v7  }
0x45: {  	[tilespmem:s28+$0x0] =	vst v4  }
0x46: {  	[tilespmem:s28+$0x10] =	vst v8  }
0x47: {  	[tilespmem:s28+$0x20] =	vst v5  }
.Ltmp0:
0x48: {  	[tilespmem:s28+$0x30] =	vst v9;
	(pc) =	sbr.rel @p0 .LBB2_3-.Ltmp0, $4  }
0x49: {  	[tilespmem:s28+$0x40] =	vst v2  }
0x4a: {  	[tilespmem:s28+$0x50] =	vst v10  }
0x4b: {  	[tilespmem:s28+$0x60] =	vst v6  }
0x4c: {  	s30 =	sshra.s32 s29, $0x2;
	s29 =	sadd.s32 $0x40, s29;
	[tilespmem:s28+$0x70] =	vst v1  }
0x4d: {  	_ =	sdelay $0x3  }
0x4e: {  	v0 =	vld.idx.msk [tilespmem:v0+s30+$0x0 ss:$0x1], $0xffff;
	_ =	sdelay $0x4  }
0x4f: {  	v1 =	vbroadcast v0, $0x0  }
0x50: {  	s28 =	sadd.s32 $0x100, s28;
	v2 =	vbroadcast v0, $0x1  }
0x51: {  	v3 =	vbroadcast v0, $0x2;
	[tilespmem:s28+$0xFFFFFF80] =	vst v1  }
0x52: {  	v52 =	vbroadcast v0, $0x3;
	[tilespmem:s28+$0xFFFFFF90] =	vst v2  }
0x53: {  	v53 =	vbroadcast v0, $0x4;
	[tilespmem:s28+$0xFFFFFFA0] =	vst v3  }
0x54: {  	v54 =	vbroadcast v0, $0x5;
	[tilespmem:s28+$0xFFFFFFB0] =	vst v52  }
0x55: {  	v55 =	vbroadcast v0, $0x6;
	[tilespmem:s28+$0xFFFFFFC0] =	vst v53  }
0x56: {  	v56 =	vbroadcast v0, $0x7;
	[tilespmem:s28+$0xFFFFFFD0] =	vst v54  }
0x57: {  	v57 =	vbroadcast v0, $0x8;
	[tilespmem:s28+$0xFFFFFFE0] =	vst v55  }
0x58: {  	v58 =	vbroadcast v0, $0x9;
	[tilespmem:s28+$0xFFFFFFF0] =	vst v56  }
0x59: {  	v59 =	vbroadcast v0, $0xA;
	[tilespmem:s28+$0x0] =	vst v57  }
0x5a: {  	v60 =	vbroadcast v0, $0xB;
	[tilespmem:s28+$0x10] =	vst v58  }
0x5b: {  	s23 =	sadd.s32 $0x1, s23;
	v61 =	vbroadcast v0, $0xC;
	[tilespmem:s28+$0x20] =	vst v59  }
0x5c: {  	p0 =	sne.s32 s23, $0x7D;
	v62 =	vbroadcast v0, $0xD;
	[tilespmem:s28+$0x30] =	vst v60  }
.Ltmp1:
0x5d: {  	v63 =	vbroadcast v0, $0xE;
	[tilespmem:s28+$0x40] =	vst v61;
	(pc) =	sbr.rel @p0 .LBB2_2-.Ltmp1, $4  }
0x5e: {  	v0 =	vbroadcast v0, $0xF;
	[tilespmem:s28+$0x50] =	vst v62  }
0x5f: {  	[tilespmem:s28+$0x60] =	vst v63  }
0x60: {  	s25 =	sshra.s32 s25, $0x2;
	s24 =	sadd.s32 $0x1, s24;
	s22 =	sadd.s32 $0x50, s22;
	[tilespmem:s28+$0x70] =	vst v0  }
0x61: {  	[spmem:s2] =	stream.indirect.scatter.add.f32 [tilespmem:s26], [sflag:s24], $0x10, s25, s12, $0xb8;
	[tilespmem:$0x9D30] =	vst v63  }
0x62: {  	_ =	swait.ge [sflag:s13], $0x500  }
0x63: {  	[sflag:s13] =	ssyncset.done $0x0  }
0x64: {  	[sflag:s13] =	ssyncadd.s32 $0xFFFFFB00  }
0x65: {  	_ =	swait.ge [sflag:s14], $0x500  }
0x66: {  	[sflag:s14] =	ssyncset.done $0x0  }
0x67: {  	[sflag:s14] =	ssyncadd.s32 $0xFFFFFB00  }
0x68: {  	_ =	swait.ge [sflag:s15], $0x500  }
0x69: {  	[sflag:s15] =	ssyncset.done $0x0  }
0x6a: {  	[sflag:s15] =	ssyncadd.s32 $0xFFFFFB00  }
0x6b: {  	_ =	swait.ge [sflag:s16], $0x500  }
0x6c: {  	[sflag:s16] =	ssyncset.done $0x0  }
0x6d: {  	[sflag:s16] =	ssyncadd.s32 $0xFFFFFB00  }
0x6e: {  	_ =	swait.ge [sflag:s17], $0x500  }
0x6f: {  	[sflag:s17] =	ssyncset.done $0x0  }
0x70: {  	[sflag:s17] =	ssyncadd.s32 $0xFFFFFB00  }
0x71: {  	_ =	swait.ge [sflag:s18], $0x500  }
0x72: {  	[sflag:s18] =	ssyncset.done $0x0  }
0x73: {  	[sflag:s18] =	ssyncadd.s32 $0xFFFFFB00  }
0x74: {  	_ =	swait.ge [sflag:s19], $0x500  }
0x75: {  	[sflag:s19] =	ssyncset.done $0x0  }
0x76: {  	[sflag:s19] =	ssyncadd.s32 $0xFFFFFB00  }
0x77: {  	_ =	swait.ge [sflag:s20], $0x500  }
0x78: {  	s21 =	sadd.s32 $0x1, s21;
	[sflag:s20] =	ssyncset.done $0x0  }
0x79: {  	p0 =	sne.s32 s21, s9;
	[sflag:s20] =	ssyncadd.s32 $0xFFFFFB00  }
.Ltmp2:
0x7a: {  	[bflag:$0x0] =	sbarrier.arrive $0xFFFF;
	(pc) =	sbr.rel @p0 .LBB2_1-.Ltmp2, $4  }
0x7b: {  	[hbm:s8], [sflag:s5] =	dma.local [spmem:s10], $0x4E2  }
0x7c: {  	_ =	swait.ge [sflag:s11], $0x4E2  }
0x7d: {  	[sflag:s11] =	ssyncset.done $0x0  }
0x7e: {  	[sflag:s11] =	ssyncadd.s32 $0xFFFFFB1E  }
0x7f: {  	_ =	sfence.sel $0x180000  }
0x80: {  	[bflag:$0x0] =	sbarrier.arrive $0xFFFF  }
0x81: {  	p0 =	sne.s32 s1, $0x0;
	_ =	strace $0x90000047  }
0x82: {  	s0 =	sadd.s32 @!p0 $0x100000, s0;
	[bflag:$0x2] =	sbarrier.arrive $0xFFFF  }
0x83: {  	[sflag:s0] =	ssyncadd.tile.s32 @!p0 $0x1;
	_ =	shalt  }
.Lfunc_end2:
_tile_overlayer_lowered:
.L_overlay_start_2:
0x84: {  	(tag) =	ssettag $0x2  }
0x85: {  	s0 =	rddreg [dreg:$0x0];
	s2 =	stileid.u32  }
0x86: {  	s1 =	rddreg [dreg:$0x1];
	p0 =	sne.s32 s2, $0x0  }
0x87: {  	s3 =	rddreg [dreg:$0x2];
	[bflag:$0x3] =	sbarrier.arrive $0xFFFF;
	s2 =	simm.s32 @!p0 $0x1C09  }
0x88: {  	[timem:s3], [sflag:s2] =	dma.local @!p0 [hbm:s0], s1  }
0x89: {  	s0 =	simm.s32 @!p0 $0x9  }
0x8a: {  	_ =	swait.ge @!p0 [sflag:s0], s1  }
0x8b: {  	s1 =	ssub.s32 @!p0 $0x0, s1;
	[sflag:s0] =	ssyncset.done @!p0 $0x0  }
0x8c: {  	[sflag:s0] =	ssyncadd.s32 @!p0 s1  }
0x8d: {  	[bflag:$0x3] =	sbarrier.arrive $0xFFFF  }
0x8e: {  	_ =	shalt  }

</sc_bundles>
